<compile_context>
chip_gen: v7x
topology: tpu7x:2x2x1
jax: 0.10.2.dev20260603
libtpu: 0.0.44.dev20260713+nightly
codegen_flags: <defaults>
</compile_context>

<pallas_src>
import functools

import jax
import jax.numpy as jnp
from jax import lax
from jax.experimental import pallas as pl
from jax.experimental.pallas import tpu as pltpu
from jax.experimental.pallas import tpu_sc as plsc

N = 10000
E = 320000
D = 128
H = 16
C = 2

NC = 2
NS = 16
NW = NC * NS
CH = 128
NCH = 80
NBUF = 8
NB = NCH // NBUF
EPT = NCH * CH
TOT = NW * EPT
NP = 10112
RPT = NP // NS

_mesh = plsc.VectorSubcoreMesh(core_axis_name="c", subcore_axis_name="s")
_sc_params = pltpu.CompilerParams(use_tc_tiling_on_sc=False)



@functools.partial(
    pl.kernel,
    out_type=jax.ShapeDtypeStruct((NC, NP), jnp.float32),
    mesh=_mesh,
    compiler_params=_sc_params,
    scratch_types=[
        pltpu.VMEM((NCH, CH), jnp.int32),
        pltpu.VMEM((CH,), jnp.float32),
        pltpu.VMEM((RPT,), jnp.float32),
        pltpu.VMEM_SHARED((NP,), jnp.float32),
    ],
)
def _deg_sc(dst_hbm, zeros1_hbm, out_hbm,
            dst_v, ones_v, deg_v, acc_sh):
    c = lax.axis_index("c")
    s = lax.axis_index("s")
    wid = s * NC + c
    r0 = s * RPT
    pltpu.sync_copy(zeros1_hbm.at[pl.ds(r0, RPT)], deg_v)
    pltpu.sync_copy(deg_v, acc_sh.at[pl.ds(r0, RPT)])
    pltpu.sync_copy(dst_hbm.at[wid], dst_v)
    for i in range(CH // 16):
        ones_v[pl.ds(16 * i, 16)] = jnp.ones((16,), jnp.float32)
    plsc.subcore_barrier()

    def body(j, carry):
        pltpu.sync_copy(ones_v, acc_sh.at[dst_v.at[j]], add=True)
        return carry

    lax.fori_loop(0, NCH, body, 0)
    plsc.subcore_barrier()

    pltpu.sync_copy(acc_sh.at[pl.ds(r0, RPT)], deg_v)
    pltpu.sync_copy(deg_v, out_hbm.at[c].at[pl.ds(r0, RPT)])



def _make_agg(W):
    @functools.partial(
        pl.kernel,
        out_type=jax.ShapeDtypeStruct((NC, NP, W), jnp.float32),
        mesh=_mesh,
        compiler_params=_sc_params,
        scratch_types=[
            pltpu.VMEM((NCH, CH), jnp.int32),
            pltpu.VMEM((NCH, CH), jnp.int32),
            pltpu.VMEM((NBUF, CH, W), jnp.float32),
            pltpu.VMEM((RPT, W), jnp.float32),
            pltpu.VMEM_SHARED((NP, W), jnp.float32),
            pltpu.SemaphoreType.DMA((NBUF,)),
            pltpu.SemaphoreType.DMA((NBUF,)),
        ],
    )
    def agg(g_hbm, src_hbm, dst_hbm, zeros_hbm, out_hbm,
            src_v, dst_v, rows_v, stage_v, acc_sh, gsem, ssem):
        c = lax.axis_index("c")
        s = lax.axis_index("s")
        wid = s * NC + c
        r0 = s * RPT
        pltpu.sync_copy(zeros_hbm.at[pl.ds(r0, RPT)], stage_v)
        pltpu.sync_copy(stage_v, acc_sh.at[pl.ds(r0, RPT)])
        pltpu.sync_copy(src_hbm.at[wid], src_v)
        pltpu.sync_copy(dst_hbm.at[wid], dst_v)
        for b in range(NBUF):
            pltpu.async_copy(g_hbm.at[src_v.at[b]], rows_v.at[b], gsem.at[b])
        plsc.subcore_barrier()

        def block(k, carry):
            scats = []
            for b in range(NBUF):
                j = k * NBUF + b
                pltpu.make_async_copy(
                    g_hbm.at[src_v.at[j]], rows_v.at[b], gsem.at[b]).wait()
                scats.append(pltpu.async_copy(
                    rows_v.at[b], acc_sh.at[dst_v.at[j]], ssem.at[b],
                    add=True))

            @pl.when(k + 1 < NB)
            def _issue_next():
                for b in range(NBUF):
                    scats[b].wait()
                    jn = (k + 1) * NBUF + b
                    pltpu.async_copy(g_hbm.at[src_v.at[jn]], rows_v.at[b],
                                     gsem.at[b])

            @pl.when(k + 1 >= NB)
            def _drain_last():
                for b in range(NBUF):
                    scats[b].wait()
            return carry

        lax.fori_loop(0, NB, block, 0)
        plsc.subcore_barrier()
        pltpu.sync_copy(acc_sh.at[pl.ds(r0, RPT)], stage_v)
        pltpu.sync_copy(stage_v, out_hbm.at[c].at[pl.ds(r0, RPT)])

    return agg


_agg16 = _make_agg(H)
_agg2 = _make_agg(C)



def _tc1_body(x_ref, w1_ref, degw_ref, g1_ref, dinv_ref):
    deg = degw_ref[0] + degw_ref[1]
    dinv = lax.rsqrt(deg[:N] + 1.0)
    h = jnp.dot(x_ref[...], w1_ref[...],
                preferred_element_type=jnp.float32)
    g1_ref[...] = h * dinv
    dinv_ref[...] = dinv


def _tc2_body(s1_ref, g1_ref, dinv_ref, b1_ref, w2_ref, y_ref):
    dinv = dinv_ref[...]
    z = (s1_ref[0, :N] + s1_ref[1, :N] + g1_ref[...]) * dinv + b1_ref[...]
    y_ref[...] = jnp.dot(jnp.maximum(z, 0.0) * dinv, w2_ref[...],
                         preferred_element_type=jnp.float32)


def _tc3_body(s2_ref, y_ref, dinv_ref, b2_ref, out_ref):
    y = (s2_ref[0, :N] + s2_ref[1, :N] + y_ref[...]) * dinv_ref[...] \
        + b2_ref[...]
    m = jnp.max(y, axis=1, keepdims=True)
    lse = m + jnp.log(jnp.sum(jnp.exp(y - m), axis=1, keepdims=True))
    out_ref[...] = y - lse


_tc1 = pl.pallas_call(
    _tc1_body,
    out_shape=(jax.ShapeDtypeStruct((N, H), jnp.float32),
               jax.ShapeDtypeStruct((N, 1), jnp.float32)),
)
_tc2 = pl.pallas_call(
    _tc2_body,
    out_shape=jax.ShapeDtypeStruct((N, C), jnp.float32),
)
_tc3 = pl.pallas_call(
    _tc3_body,
    out_shape=jax.ShapeDtypeStruct((N, C), jnp.float32),
)



def kernel(x, edge_index, W1, b1, W2, b2):
    src = edge_index[0]
    dst = edge_index[1]
    padn = TOT - E
    srcp = jnp.concatenate(
        [src, jnp.zeros((padn,), src.dtype)]).reshape(NW, NCH, CH)
    dstp = jnp.concatenate(
        [dst, jnp.full((padn,), N, dst.dtype)]).reshape(NW, NCH, CH)
    zeros1 = jnp.zeros((NP,), jnp.float32)
    zeros2 = jnp.zeros((NP, H), jnp.float32)
    zerosc = jnp.zeros((NP, C), jnp.float32)

    degw = _deg_sc(dstp, zeros1).reshape(NC, NP, 1)
    g1, dinv = _tc1(x, W1, degw)
    s1 = _agg16(g1, srcp, dstp, zeros2)
    y = _tc2(s1, g1, dinv, b1.reshape(1, H), W2)
    s2 = _agg2(y, srcp, dstp, zerosc)
    out = _tc3(s2, y, dinv, b2.reshape(1, C))
    return out

# --- scband reference (transcript-rebuilt; emitter-appended) ---
"""Pipeline reference for scband-gnn-8796093022906 (READ-ONLY COPY).

The authoritative reference and input builder live on the scoring server;
editing this copy changes nothing except your own understanding.
"""

import jax, jax.numpy as jnp
import numpy as np

N = 10000
E = 320000
D = 128
H = 16
C = 2


def setup_inputs(seed: int = 0) -> dict:
    key = jax.random.key(seed)
    k1, k2, k3, k4, k5, k6 = jax.random.split(key, 6)
    x = jax.random.normal(k1, (N, D), dtype=jnp.float32)
    edge_index = jax.random.randint(k2, (2, E), 0, N, dtype=jnp.int32)
    W1 = jax.random.normal(k3, (D, H), dtype=jnp.float32) * (1.0 / np.sqrt(D))
    b1 = jnp.zeros((H,), dtype=jnp.float32)
    W2 = jax.random.normal(k4, (H, C), dtype=jnp.float32) * (1.0 / np.sqrt(H))
    b2 = jnp.zeros((C,), dtype=jnp.float32)
    return {"x": x, "edge_index": edge_index, "W1": W1, "b1": b1, "W2": W2, "b2": b2}


def gcn_conv(x, edge_index, W, b):
    # GCNConv: D^{-1/2} (A + I) D^{-1/2} X W + b
    n = x.shape[0]
    loop = jnp.arange(n, dtype=edge_index.dtype)
    src = jnp.concatenate([edge_index[0], loop])
    dst = jnp.concatenate([edge_index[1], loop])
    deg = jnp.zeros((n,), jnp.float32).at[dst].add(1.0)
    dinv = jnp.where(deg > 0, 1.0 / jnp.sqrt(deg), 0.0)
    norm = dinv[src] * dinv[dst]
    h = x @ W
    msgs = h[src] * norm[:, None]
    out = jnp.zeros((n, W.shape[1]), jnp.float32).at[dst].add(msgs)
    return out + b


def reference(x, edge_index, W1, b1, W2, b2):
    h = jax.nn.relu(gcn_conv(x, edge_index, W1, b1))
    # dropout is identity in eval mode
    h = gcn_conv(h, edge_index, W2, b2)
    return jax.nn.log_softmax(h, axis=1)

if __name__ == "__main__":
    import jax
    _d = setup_inputs()
    print(jax.jit(kernel)(*tuple(_d.values())))

</pallas_src>

<mosaic_0001>
#map = affine_map<(d0, d1) -> (0, 0)>
#map1 = affine_map<(d0, d1) -> (0, 0, 0)>
module attributes {stable_mosaic.version = 14 : i64} {
  func.func @agg(%arg0: i32, %arg1: i32, %arg2: memref<10000x16xf32, #tpu.memory_space<hbm>>, %arg3: memref<32x80x128xi32, #tpu.memory_space<hbm>>, %arg4: memref<32x80x128xi32, #tpu.memory_space<hbm>>, %arg5: memref<10112x16xf32, #tpu.memory_space<hbm>>, %arg6: memref<2x10112x16xf32, #tpu.memory_space<hbm>>, %arg7: memref<80x128xi32, #tpu.memory_space<vmem>>, %arg8: memref<80x128xi32, #tpu.memory_space<vmem>>, %arg9: memref<8x128x16xf32, #tpu.memory_space<vmem>>, %arg10: memref<632x16xf32, #tpu.memory_space<vmem>>, %arg11: memref<10112x16xf32, #tpu.memory_space<vmem_shared>>, %arg12: memref<8x!tpu.dma_semaphore, #tpu.memory_space<semaphore_mem>>, %arg13: memref<8x!tpu.dma_semaphore, #tpu.memory_space<semaphore_mem>>) attributes {dimension_semantics = [#tpu.dimension_semantics<core_parallel>, #tpu.dimension_semantics<subcore_parallel>], iteration_bounds = array<i64: 2, 16>, scalar_prefetch = 0 : i64, scratch_operands = 7 : i64, tpu.core_type = #tpu.core_type<sc_vector_subcore>, window_params = [{transform_indices = #map}, {transform_indices = #map1}, {transform_indices = #map1}, {transform_indices = #map}, {transform_indices = #map1}]} {
    %mul3A = arith.constant 2 : i32
    %mul3A_0 = arith.muli %arg1, %mul3A : i32
    %add3A = arith.addi %mul3A_0, %arg0 : i32
    %mul3A_1 = arith.constant 632 : i32
    %mul3A_2 = arith.muli %arg1, %mul3A_1 : i32
    "tpu.region"() ({
      %run_scoped3A = tpu.sem_alloc : memref<!tpu.dma_semaphore, #tpu.memory_space<semaphore_mem>>
      %dma_start3A_128 = arith.constant 0 : i32
      %dma_start3A_129 = tpu.memref_slice %arg5[%mul3A_2, %dma_start3A_128] : memref<10112x16xf32, #tpu.memory_space<hbm>> -> memref<632x16xf32, #tpu.memory_space<hbm>>
      %dma_start3A_130 = arith.constant 0 : i32
      %dma_start3A_131 = tpu.memref_slice %arg5[%mul3A_2, %dma_start3A_130] : memref<10112x16xf32, #tpu.memory_space<hbm>> -> memref<632x16xf32, #tpu.memory_space<hbm>>
      tpu.enqueue_dma source(%dma_start3A_131 : memref<632x16xf32, #tpu.memory_space<hbm>>) target(%arg10 : memref<632x16xf32, #tpu.memory_space<vmem>>) target_semaphore(%run_scoped3A : memref<!tpu.dma_semaphore, #tpu.memory_space<semaphore_mem>>)
      %dma_wait3A = arith.constant 0 : i32
      %dma_wait3A_132 = tpu.memref_slice %arg5[%mul3A_2, %dma_wait3A] : memref<10112x16xf32, #tpu.memory_space<hbm>> -> memref<632x16xf32, #tpu.memory_space<hbm>>
      %dma_wait3A_133 = arith.constant 0 : i32
      %dma_wait3A_134 = tpu.memref_slice %arg5[%mul3A_2, %dma_wait3A_133] : memref<10112x16xf32, #tpu.memory_space<hbm>> -> memref<632x16xf32, #tpu.memory_space<hbm>>
      tpu.wait_dma2 semaphore(%run_scoped3A : memref<!tpu.dma_semaphore, #tpu.memory_space<semaphore_mem>>) src(%dma_wait3A_134 : memref<632x16xf32, #tpu.memory_space<hbm>>) dst(%arg10 : memref<632x16xf32, #tpu.memory_space<vmem>>)
      tpu.yield
    }) : () -> ()
    "tpu.region"() ({
      %run_scoped3A = tpu.sem_alloc : memref<!tpu.dma_semaphore, #tpu.memory_space<semaphore_mem>>
      %dma_start3A_128 = arith.constant 0 : i32
      %dma_start3A_129 = tpu.memref_slice %arg11[%mul3A_2, %dma_start3A_128] : memref<10112x16xf32, #tpu.memory_space<vmem_shared>> -> memref<632x16xf32, #tpu.memory_space<vmem_shared>>
      %dma_start3A_130 = arith.constant 0 : i32
      %dma_start3A_131 = tpu.memref_slice %arg11[%mul3A_2, %dma_start3A_130] : memref<10112x16xf32, #tpu.memory_space<vmem_shared>> -> memref<632x16xf32, #tpu.memory_space<vmem_shared>>
      tpu.enqueue_dma source(%arg10 : memref<632x16xf32, #tpu.memory_space<vmem>>) target(%dma_start3A_131 : memref<632x16xf32, #tpu.memory_space<vmem_shared>>) target_semaphore(%run_scoped3A : memref<!tpu.dma_semaphore, #tpu.memory_space<semaphore_mem>>)
      %dma_wait3A = arith.constant 0 : i32
      %dma_wait3A_132 = tpu.memref_slice %arg11[%mul3A_2, %dma_wait3A] : memref<10112x16xf32, #tpu.memory_space<vmem_shared>> -> memref<632x16xf32, #tpu.memory_space<vmem_shared>>
      %dma_wait3A_133 = arith.constant 0 : i32
      %dma_wait3A_134 = tpu.memref_slice %arg11[%mul3A_2, %dma_wait3A_133] : memref<10112x16xf32, #tpu.memory_space<vmem_shared>> -> memref<632x16xf32, #tpu.memory_space<vmem_shared>>
      tpu.wait_dma2 semaphore(%run_scoped3A : memref<!tpu.dma_semaphore, #tpu.memory_space<semaphore_mem>>) src(%arg10 : memref<632x16xf32, #tpu.memory_space<vmem>>) dst(%dma_wait3A_134 : memref<632x16xf32, #tpu.memory_space<vmem_shared>>)
      tpu.yield
    }) : () -> ()
    "tpu.region"() ({
      %run_scoped3A = tpu.sem_alloc : memref<!tpu.dma_semaphore, #tpu.memory_space<semaphore_mem>>
      %dma_start3A_128 = arith.constant 0 : i32
      %dma_start3A_129 = arith.constant 0 : i32
      %dma_start3A_130 = tpu.memref_slice %arg3[%add3A, %dma_start3A_128, %dma_start3A_129] : memref<32x80x128xi32, #tpu.memory_space<hbm>> -> memref<1x80x128xi32, #tpu.memory_space<hbm>>
      %dma_start3A_131 = tpu.memref_squeeze %dma_start3A_130 : memref<1x80x128xi32, #tpu.memory_space<hbm>> -> memref<80x128xi32, #tpu.memory_space<hbm>>
      %dma_start3A_132 = arith.constant 0 : i32
      %dma_start3A_133 = arith.constant 0 : i32
      %dma_start3A_134 = tpu.memref_slice %arg3[%add3A, %dma_start3A_132, %dma_start3A_133] : memref<32x80x128xi32, #tpu.memory_space<hbm>> -> memref<1x80x128xi32, #tpu.memory_space<hbm>>
      %dma_start3A_135 = tpu.memref_squeeze %dma_start3A_134 : memref<1x80x128xi32, #tpu.memory_space<hbm>> -> memref<80x128xi32, #tpu.memory_space<hbm>>
      tpu.enqueue_dma source(%dma_start3A_135 : memref<80x128xi32, #tpu.memory_space<hbm>>) target(%arg7 : memref<80x128xi32, #tpu.memory_space<vmem>>) target_semaphore(%run_scoped3A : memref<!tpu.dma_semaphore, #tpu.memory_space<semaphore_mem>>)
      %dma_wait3A = arith.constant 0 : i32
      %dma_wait3A_136 = arith.constant 0 : i32
      %dma_wait3A_137 = tpu.memref_slice %arg3[%add3A, %dma_wait3A, %dma_wait3A_136] : memref<32x80x128xi32, #tpu.memory_space<hbm>> -> memref<1x80x128xi32, #tpu.memory_space<hbm>>
      %dma_wait3A_138 = tpu.memref_squeeze %dma_wait3A_137 : memref<1x80x128xi32, #tpu.memory_space<hbm>> -> memref<80x128xi32, #tpu.memory_space<hbm>>
      %dma_wait3A_139 = arith.constant 0 : i32
      %dma_wait3A_140 = arith.constant 0 : i32
      %dma_wait3A_141 = tpu.memref_slice %arg3[%add3A, %dma_wait3A_139, %dma_wait3A_140] : memref<32x80x128xi32, #tpu.memory_space<hbm>> -> memref<1x80x128xi32, #tpu.memory_space<hbm>>
      %dma_wait3A_142 = tpu.memref_squeeze %dma_wait3A_141 : memref<1x80x128xi32, #tpu.memory_space<hbm>> -> memref<80x128xi32, #tpu.memory_space<hbm>>
      tpu.wait_dma2 semaphore(%run_scoped3A : memref<!tpu.dma_semaphore, #tpu.memory_space<semaphore_mem>>) src(%dma_wait3A_142 : memref<80x128xi32, #tpu.memory_space<hbm>>) dst(%arg7 : memref<80x128xi32, #tpu.memory_space<vmem>>)
      tpu.yield
    }) : () -> ()
    "tpu.region"() ({
      %run_scoped3A = tpu.sem_alloc : memref<!tpu.dma_semaphore, #tpu.memory_space<semaphore_mem>>
      %dma_start3A_128 = arith.constant 0 : i32
      %dma_start3A_129 = arith.constant 0 : i32
      %dma_start3A_130 = tpu.memref_slice %arg4[%add3A, %dma_start3A_128, %dma_start3A_129] : memref<32x80x128xi32, #tpu.memory_space<hbm>> -> memref<1x80x128xi32, #tpu.memory_space<hbm>>
      %dma_start3A_131 = tpu.memref_squeeze %dma_start3A_130 : memref<1x80x128xi32, #tpu.memory_space<hbm>> -> memref<80x128xi32, #tpu.memory_space<hbm>>
      %dma_start3A_132 = arith.constant 0 : i32
      %dma_start3A_133 = arith.constant 0 : i32
      %dma_start3A_134 = tpu.memref_slice %arg4[%add3A, %dma_start3A_132, %dma_start3A_133] : memref<32x80x128xi32, #tpu.memory_space<hbm>> -> memref<1x80x128xi32, #tpu.memory_space<hbm>>
      %dma_start3A_135 = tpu.memref_squeeze %dma_start3A_134 : memref<1x80x128xi32, #tpu.memory_space<hbm>> -> memref<80x128xi32, #tpu.memory_space<hbm>>
      tpu.enqueue_dma source(%dma_start3A_135 : memref<80x128xi32, #tpu.memory_space<hbm>>) target(%arg8 : memref<80x128xi32, #tpu.memory_space<vmem>>) target_semaphore(%run_scoped3A : memref<!tpu.dma_semaphore, #tpu.memory_space<semaphore_mem>>)
      %dma_wait3A = arith.constant 0 : i32
      %dma_wait3A_136 = arith.constant 0 : i32
      %dma_wait3A_137 = tpu.memref_slice %arg4[%add3A, %dma_wait3A, %dma_wait3A_136] : memref<32x80x128xi32, #tpu.memory_space<hbm>> -> memref<1x80x128xi32, #tpu.memory_space<hbm>>
      %dma_wait3A_138 = tpu.memref_squeeze %dma_wait3A_137 : memref<1x80x128xi32, #tpu.memory_space<hbm>> -> memref<80x128xi32, #tpu.memory_space<hbm>>
      %dma_wait3A_139 = arith.constant 0 : i32
      %dma_wait3A_140 = arith.constant 0 : i32
      %dma_wait3A_141 = tpu.memref_slice %arg4[%add3A, %dma_wait3A_139, %dma_wait3A_140] : memref<32x80x128xi32, #tpu.memory_space<hbm>> -> memref<1x80x128xi32, #tpu.memory_space<hbm>>
      %dma_wait3A_142 = tpu.memref_squeeze %dma_wait3A_141 : memref<1x80x128xi32, #tpu.memory_space<hbm>> -> memref<80x128xi32, #tpu.memory_space<hbm>>
      tpu.wait_dma2 semaphore(%run_scoped3A : memref<!tpu.dma_semaphore, #tpu.memory_space<semaphore_mem>>) src(%dma_wait3A_142 : memref<80x128xi32, #tpu.memory_space<hbm>>) dst(%arg8 : memref<80x128xi32, #tpu.memory_space<vmem>>)
      tpu.yield
    }) : () -> ()
    %dma_start3A = arith.constant 0 : i32
    %dma_start3A_3 = arith.constant 0 : i32
    %dma_start3A_4 = arith.constant 0 : i32
    %dma_start3A_5 = arith.constant 0 : i32
    %dma_start3A_6 = arith.constant 0 : i32
    %dma_start3A_7 = tpu.memref_slice %arg9[%dma_start3A_3, %dma_start3A_5, %dma_start3A_6] : memref<8x128x16xf32, #tpu.memory_space<vmem>> -> memref<1x128x16xf32, #tpu.memory_space<vmem>>
    %dma_start3A_8 = tpu.memref_squeeze %dma_start3A_7 : memref<1x128x16xf32, #tpu.memory_space<vmem>> -> memref<128x16xf32, #tpu.memory_space<vmem>>
    %dma_start3A_9 = arith.constant 0 : i32
    %dma_start3A_10 = tpu.memref_slice %arg7[%dma_start3A, %dma_start3A_9] : memref<80x128xi32, #tpu.memory_space<vmem>> -> memref<1x128xi32, #tpu.memory_space<vmem>>
    %dma_start3A_11 = tpu.memref_squeeze %dma_start3A_10 : memref<1x128xi32, #tpu.memory_space<vmem>> -> memref<128xi32, #tpu.memory_space<vmem>>
    %dma_start3A_12 = arith.constant 0 : i32
    %dma_start3A_13 = arith.constant 0 : i32
    %dma_start3A_14 = tpu.memref_slice %arg2[%dma_start3A_12, %dma_start3A_13] : memref<10000x16xf32, #tpu.memory_space<hbm>> -> memref<10000x16xf32, #tpu.memory_space<hbm>>
    %dma_start3A_15 = tpu.memref_slice %arg12[%dma_start3A_4] : memref<8x!tpu.dma_semaphore, #tpu.memory_space<semaphore_mem>> -> memref<1x!tpu.dma_semaphore, #tpu.memory_space<semaphore_mem>>
    %dma_start3A_16 = tpu.memref_squeeze %dma_start3A_15 : memref<1x!tpu.dma_semaphore, #tpu.memory_space<semaphore_mem>> -> memref<!tpu.dma_semaphore, #tpu.memory_space<semaphore_mem>>
    tpu.enqueue_indirect_dma source(%dma_start3A_14 : memref<10000x16xf32, #tpu.memory_space<hbm>>) target(%dma_start3A_8 : memref<128x16xf32, #tpu.memory_space<vmem>>) offsets(%dma_start3A_11 : memref<128xi32, #tpu.memory_space<vmem>>) semaphore(%dma_start3A_16 : memref<!tpu.dma_semaphore, #tpu.memory_space<semaphore_mem>>)
    %dma_start3A_17 = arith.constant 1 : i32
    %dma_start3A_18 = arith.constant 1 : i32
    %dma_start3A_19 = arith.constant 1 : i32
    %dma_start3A_20 = arith.constant 0 : i32
    %dma_start3A_21 = arith.constant 0 : i32
    %dma_start3A_22 = tpu.memref_slice %arg9[%dma_start3A_18, %dma_start3A_20, %dma_start3A_21] : memref<8x128x16xf32, #tpu.memory_space<vmem>> -> memref<1x128x16xf32, #tpu.memory_space<vmem>>
    %dma_start3A_23 = tpu.memref_squeeze %dma_start3A_22 : memref<1x128x16xf32, #tpu.memory_space<vmem>> -> memref<128x16xf32, #tpu.memory_space<vmem>>
    %dma_start3A_24 = arith.constant 0 : i32
    %dma_start3A_25 = tpu.memref_slice %arg7[%dma_start3A_17, %dma_start3A_24] : memref<80x128xi32, #tpu.memory_space<vmem>> -> memref<1x128xi32, #tpu.memory_space<vmem>>
    %dma_start3A_26 = tpu.memref_squeeze %dma_start3A_25 : memref<1x128xi32, #tpu.memory_space<vmem>> -> memref<128xi32, #tpu.memory_space<vmem>>
    %dma_start3A_27 = arith.constant 0 : i32
    %dma_start3A_28 = arith.constant 0 : i32
    %dma_start3A_29 = tpu.memref_slice %arg2[%dma_start3A_27, %dma_start3A_28] : memref<10000x16xf32, #tpu.memory_space<hbm>> -> memref<10000x16xf32, #tpu.memory_space<hbm>>
    %dma_start3A_30 = tpu.memref_slice %arg12[%dma_start3A_19] : memref<8x!tpu.dma_semaphore, #tpu.memory_space<semaphore_mem>> -> memref<1x!tpu.dma_semaphore, #tpu.memory_space<semaphore_mem>>
    %dma_start3A_31 = tpu.memref_squeeze %dma_start3A_30 : memref<1x!tpu.dma_semaphore, #tpu.memory_space<semaphore_mem>> -> memref<!tpu.dma_semaphore, #tpu.memory_space<semaphore_mem>>
    tpu.enqueue_indirect_dma source(%dma_start3A_29 : memref<10000x16xf32, #tpu.memory_space<hbm>>) target(%dma_start3A_23 : memref<128x16xf32, #tpu.memory_space<vmem>>) offsets(%dma_start3A_26 : memref<128xi32, #tpu.memory_space<vmem>>) semaphore(%dma_start3A_31 : memref<!tpu.dma_semaphore, #tpu.memory_space<semaphore_mem>>)
    %dma_start3A_32 = arith.constant 2 : i32
    %dma_start3A_33 = arith.constant 2 : i32
    %dma_start3A_34 = arith.constant 2 : i32
    %dma_start3A_35 = arith.constant 0 : i32
    %dma_start3A_36 = arith.constant 0 : i32
    %dma_start3A_37 = tpu.memref_slice %arg9[%dma_start3A_33, %dma_start3A_35, %dma_start3A_36] : memref<8x128x16xf32, #tpu.memory_space<vmem>> -> memref<1x128x16xf32, #tpu.memory_space<vmem>>
    %dma_start3A_38 = tpu.memref_squeeze %dma_start3A_37 : memref<1x128x16xf32, #tpu.memory_space<vmem>> -> memref<128x16xf32, #tpu.memory_space<vmem>>
    %dma_start3A_39 = arith.constant 0 : i32
    %dma_start3A_40 = tpu.memref_slice %arg7[%dma_start3A_32, %dma_start3A_39] : memref<80x128xi32, #tpu.memory_space<vmem>> -> memref<1x128xi32, #tpu.memory_space<vmem>>
    %dma_start3A_41 = tpu.memref_squeeze %dma_start3A_40 : memref<1x128xi32, #tpu.memory_space<vmem>> -> memref<128xi32, #tpu.memory_space<vmem>>
    %dma_start3A_42 = arith.constant 0 : i32
    %dma_start3A_43 = arith.constant 0 : i32
    %dma_start3A_44 = tpu.memref_slice %arg2[%dma_start3A_42, %dma_start3A_43] : memref<10000x16xf32, #tpu.memory_space<hbm>> -> memref<10000x16xf32, #tpu.memory_space<hbm>>
    %dma_start3A_45 = tpu.memref_slice %arg12[%dma_start3A_34] : memref<8x!tpu.dma_semaphore, #tpu.memory_space<semaphore_mem>> -> memref<1x!tpu.dma_semaphore, #tpu.memory_space<semaphore_mem>>
    %dma_start3A_46 = tpu.memref_squeeze %dma_start3A_45 : memref<1x!tpu.dma_semaphore, #tpu.memory_space<semaphore_mem>> -> memref<!tpu.dma_semaphore, #tpu.memory_space<semaphore_mem>>
    tpu.enqueue_indirect_dma source(%dma_start3A_44 : memref<10000x16xf32, #tpu.memory_space<hbm>>) target(%dma_start3A_38 : memref<128x16xf32, #tpu.memory_space<vmem>>) offsets(%dma_start3A_41 : memref<128xi32, #tpu.memory_space<vmem>>) semaphore(%dma_start3A_46 : memref<!tpu.dma_semaphore, #tpu.memory_space<semaphore_mem>>)
    %dma_start3A_47 = arith.constant 3 : i32
    %dma_start3A_48 = arith.constant 3 : i32
    %dma_start3A_49 = arith.constant 3 : i32
    %dma_start3A_50 = arith.constant 0 : i32
    %dma_start3A_51 = arith.constant 0 : i32
    %dma_start3A_52 = tpu.memref_slice %arg9[%dma_start3A_48, %dma_start3A_50, %dma_start3A_51] : memref<8x128x16xf32, #tpu.memory_space<vmem>> -> memref<1x128x16xf32, #tpu.memory_space<vmem>>
    %dma_start3A_53 = tpu.memref_squeeze %dma_start3A_52 : memref<1x128x16xf32, #tpu.memory_space<vmem>> -> memref<128x16xf32, #tpu.memory_space<vmem>>
    %dma_start3A_54 = arith.constant 0 : i32
    %dma_start3A_55 = tpu.memref_slice %arg7[%dma_start3A_47, %dma_start3A_54] : memref<80x128xi32, #tpu.memory_space<vmem>> -> memref<1x128xi32, #tpu.memory_space<vmem>>
    %dma_start3A_56 = tpu.memref_squeeze %dma_start3A_55 : memref<1x128xi32, #tpu.memory_space<vmem>> -> memref<128xi32, #tpu.memory_space<vmem>>
    %dma_start3A_57 = arith.constant 0 : i32
    %dma_start3A_58 = arith.constant 0 : i32
    %dma_start3A_59 = tpu.memref_slice %arg2[%dma_start3A_57, %dma_start3A_58] : memref<10000x16xf32, #tpu.memory_space<hbm>> -> memref<10000x16xf32, #tpu.memory_space<hbm>>
    %dma_start3A_60 = tpu.memref_slice %arg12[%dma_start3A_49] : memref<8x!tpu.dma_semaphore, #tpu.memory_space<semaphore_mem>> -> memref<1x!tpu.dma_semaphore, #tpu.memory_space<semaphore_mem>>
    %dma_start3A_61 = tpu.memref_squeeze %dma_start3A_60 : memref<1x!tpu.dma_semaphore, #tpu.memory_space<semaphore_mem>> -> memref<!tpu.dma_semaphore, #tpu.memory_space<semaphore_mem>>
    tpu.enqueue_indirect_dma source(%dma_start3A_59 : memref<10000x16xf32, #tpu.memory_space<hbm>>) target(%dma_start3A_53 : memref<128x16xf32, #tpu.memory_space<vmem>>) offsets(%dma_start3A_56 : memref<128xi32, #tpu.memory_space<vmem>>) semaphore(%dma_start3A_61 : memref<!tpu.dma_semaphore, #tpu.memory_space<semaphore_mem>>)
    %dma_start3A_62 = arith.constant 4 : i32
    %dma_start3A_63 = arith.constant 4 : i32
    %dma_start3A_64 = arith.constant 4 : i32
    %dma_start3A_65 = arith.constant 0 : i32
    %dma_start3A_66 = arith.constant 0 : i32
    %dma_start3A_67 = tpu.memref_slice %arg9[%dma_start3A_63, %dma_start3A_65, %dma_start3A_66] : memref<8x128x16xf32, #tpu.memory_space<vmem>> -> memref<1x128x16xf32, #tpu.memory_space<vmem>>
    %dma_start3A_68 = tpu.memref_squeeze %dma_start3A_67 : memref<1x128x16xf32, #tpu.memory_space<vmem>> -> memref<128x16xf32, #tpu.memory_space<vmem>>
    %dma_start3A_69 = arith.constant 0 : i32
    %dma_start3A_70 = tpu.memref_slice %arg7[%dma_start3A_62, %dma_start3A_69] : memref<80x128xi32, #tpu.memory_space<vmem>> -> memref<1x128xi32, #tpu.memory_space<vmem>>
    %dma_start3A_71 = tpu.memref_squeeze %dma_start3A_70 : memref<1x128xi32, #tpu.memory_space<vmem>> -> memref<128xi32, #tpu.memory_space<vmem>>
    %dma_start3A_72 = arith.constant 0 : i32
    %dma_start3A_73 = arith.constant 0 : i32
    %dma_start3A_74 = tpu.memref_slice %arg2[%dma_start3A_72, %dma_start3A_73] : memref<10000x16xf32, #tpu.memory_space<hbm>> -> memref<10000x16xf32, #tpu.memory_space<hbm>>
    %dma_start3A_75 = tpu.memref_slice %arg12[%dma_start3A_64] : memref<8x!tpu.dma_semaphore, #tpu.memory_space<semaphore_mem>> -> memref<1x!tpu.dma_semaphore, #tpu.memory_space<semaphore_mem>>
    %dma_start3A_76 = tpu.memref_squeeze %dma_start3A_75 : memref<1x!tpu.dma_semaphore, #tpu.memory_space<semaphore_mem>> -> memref<!tpu.dma_semaphore, #tpu.memory_space<semaphore_mem>>
    tpu.enqueue_indirect_dma source(%dma_start3A_74 : memref<10000x16xf32, #tpu.memory_space<hbm>>) target(%dma_start3A_68 : memref<128x16xf32, #tpu.memory_space<vmem>>) offsets(%dma_start3A_71 : memref<128xi32, #tpu.memory_space<vmem>>) semaphore(%dma_start3A_76 : memref<!tpu.dma_semaphore, #tpu.memory_space<semaphore_mem>>)
    %dma_start3A_77 = arith.constant 5 : i32
    %dma_start3A_78 = arith.constant 5 : i32
    %dma_start3A_79 = arith.constant 5 : i32
    %dma_start3A_80 = arith.constant 0 : i32
    %dma_start3A_81 = arith.constant 0 : i32
    %dma_start3A_82 = tpu.memref_slice %arg9[%dma_start3A_78, %dma_start3A_80, %dma_start3A_81] : memref<8x128x16xf32, #tpu.memory_space<vmem>> -> memref<1x128x16xf32, #tpu.memory_space<vmem>>
    %dma_start3A_83 = tpu.memref_squeeze %dma_start3A_82 : memref<1x128x16xf32, #tpu.memory_space<vmem>> -> memref<128x16xf32, #tpu.memory_space<vmem>>
    %dma_start3A_84 = arith.constant 0 : i32
    %dma_start3A_85 = tpu.memref_slice %arg7[%dma_start3A_77, %dma_start3A_84] : memref<80x128xi32, #tpu.memory_space<vmem>> -> memref<1x128xi32, #tpu.memory_space<vmem>>
    %dma_start3A_86 = tpu.memref_squeeze %dma_start3A_85 : memref<1x128xi32, #tpu.memory_space<vmem>> -> memref<128xi32, #tpu.memory_space<vmem>>
    %dma_start3A_87 = arith.constant 0 : i32
    %dma_start3A_88 = arith.constant 0 : i32
    %dma_start3A_89 = tpu.memref_slice %arg2[%dma_start3A_87, %dma_start3A_88] : memref<10000x16xf32, #tpu.memory_space<hbm>> -> memref<10000x16xf32, #tpu.memory_space<hbm>>
    %dma_start3A_90 = tpu.memref_slice %arg12[%dma_start3A_79] : memref<8x!tpu.dma_semaphore, #tpu.memory_space<semaphore_mem>> -> memref<1x!tpu.dma_semaphore, #tpu.memory_space<semaphore_mem>>
    %dma_start3A_91 = tpu.memref_squeeze %dma_start3A_90 : memref<1x!tpu.dma_semaphore, #tpu.memory_space<semaphore_mem>> -> memref<!tpu.dma_semaphore, #tpu.memory_space<semaphore_mem>>
    tpu.enqueue_indirect_dma source(%dma_start3A_89 : memref<10000x16xf32, #tpu.memory_space<hbm>>) target(%dma_start3A_83 : memref<128x16xf32, #tpu.memory_space<vmem>>) offsets(%dma_start3A_86 : memref<128xi32, #tpu.memory_space<vmem>>) semaphore(%dma_start3A_91 : memref<!tpu.dma_semaphore, #tpu.memory_space<semaphore_mem>>)
    %dma_start3A_92 = arith.constant 6 : i32
    %dma_start3A_93 = arith.constant 6 : i32
    %dma_start3A_94 = arith.constant 6 : i32
    %dma_start3A_95 = arith.constant 0 : i32
    %dma_start3A_96 = arith.constant 0 : i32
    %dma_start3A_97 = tpu.memref_slice %arg9[%dma_start3A_93, %dma_start3A_95, %dma_start3A_96] : memref<8x128x16xf32, #tpu.memory_space<vmem>> -> memref<1x128x16xf32, #tpu.memory_space<vmem>>
    %dma_start3A_98 = tpu.memref_squeeze %dma_start3A_97 : memref<1x128x16xf32, #tpu.memory_space<vmem>> -> memref<128x16xf32, #tpu.memory_space<vmem>>
    %dma_start3A_99 = arith.constant 0 : i32
    %dma_start3A_100 = tpu.memref_slice %arg7[%dma_start3A_92, %dma_start3A_99] : memref<80x128xi32, #tpu.memory_space<vmem>> -> memref<1x128xi32, #tpu.memory_space<vmem>>
    %dma_start3A_101 = tpu.memref_squeeze %dma_start3A_100 : memref<1x128xi32, #tpu.memory_space<vmem>> -> memref<128xi32, #tpu.memory_space<vmem>>
    %dma_start3A_102 = arith.constant 0 : i32
    %dma_start3A_103 = arith.constant 0 : i32
    %dma_start3A_104 = tpu.memref_slice %arg2[%dma_start3A_102, %dma_start3A_103] : memref<10000x16xf32, #tpu.memory_space<hbm>> -> memref<10000x16xf32, #tpu.memory_space<hbm>>
    %dma_start3A_105 = tpu.memref_slice %arg12[%dma_start3A_94] : memref<8x!tpu.dma_semaphore, #tpu.memory_space<semaphore_mem>> -> memref<1x!tpu.dma_semaphore, #tpu.memory_space<semaphore_mem>>
    %dma_start3A_106 = tpu.memref_squeeze %dma_start3A_105 : memref<1x!tpu.dma_semaphore, #tpu.memory_space<semaphore_mem>> -> memref<!tpu.dma_semaphore, #tpu.memory_space<semaphore_mem>>
    tpu.enqueue_indirect_dma source(%dma_start3A_104 : memref<10000x16xf32, #tpu.memory_space<hbm>>) target(%dma_start3A_98 : memref<128x16xf32, #tpu.memory_space<vmem>>) offsets(%dma_start3A_101 : memref<128xi32, #tpu.memory_space<vmem>>) semaphore(%dma_start3A_106 : memref<!tpu.dma_semaphore, #tpu.memory_space<semaphore_mem>>)
    %dma_start3A_107 = arith.constant 7 : i32
    %dma_start3A_108 = arith.constant 7 : i32
    %dma_start3A_109 = arith.constant 7 : i32
    %dma_start3A_110 = arith.constant 0 : i32
    %dma_start3A_111 = arith.constant 0 : i32
    %dma_start3A_112 = tpu.memref_slice %arg9[%dma_start3A_108, %dma_start3A_110, %dma_start3A_111] : memref<8x128x16xf32, #tpu.memory_space<vmem>> -> memref<1x128x16xf32, #tpu.memory_space<vmem>>
    %dma_start3A_113 = tpu.memref_squeeze %dma_start3A_112 : memref<1x128x16xf32, #tpu.memory_space<vmem>> -> memref<128x16xf32, #tpu.memory_space<vmem>>
    %dma_start3A_114 = arith.constant 0 : i32
    %dma_start3A_115 = tpu.memref_slice %arg7[%dma_start3A_107, %dma_start3A_114] : memref<80x128xi32, #tpu.memory_space<vmem>> -> memref<1x128xi32, #tpu.memory_space<vmem>>
    %dma_start3A_116 = tpu.memref_squeeze %dma_start3A_115 : memref<1x128xi32, #tpu.memory_space<vmem>> -> memref<128xi32, #tpu.memory_space<vmem>>
    %dma_start3A_117 = arith.constant 0 : i32
    %dma_start3A_118 = arith.constant 0 : i32
    %dma_start3A_119 = tpu.memref_slice %arg2[%dma_start3A_117, %dma_start3A_118] : memref<10000x16xf32, #tpu.memory_space<hbm>> -> memref<10000x16xf32, #tpu.memory_space<hbm>>
    %dma_start3A_120 = tpu.memref_slice %arg12[%dma_start3A_109] : memref<8x!tpu.dma_semaphore, #tpu.memory_space<semaphore_mem>> -> memref<1x!tpu.dma_semaphore, #tpu.memory_space<semaphore_mem>>
    %dma_start3A_121 = tpu.memref_squeeze %dma_start3A_120 : memref<1x!tpu.dma_semaphore, #tpu.memory_space<semaphore_mem>> -> memref<!tpu.dma_semaphore, #tpu.memory_space<semaphore_mem>>
    tpu.enqueue_indirect_dma source(%dma_start3A_119 : memref<10000x16xf32, #tpu.memory_space<hbm>>) target(%dma_start3A_113 : memref<128x16xf32, #tpu.memory_space<vmem>>) offsets(%dma_start3A_116 : memref<128xi32, #tpu.memory_space<vmem>>) semaphore(%dma_start3A_121 : memref<!tpu.dma_semaphore, #tpu.memory_space<semaphore_mem>>)
    %barrier3A = arith.constant 0 : index
    tpu.barrier barrier_id(%barrier3A)
    %scan3A = arith.constant 0 : i32
    %scan3A_122 = arith.constant 0 : i32
    %scan3A_123 = arith.constant 10 : i32
    %scan3A_124 = arith.addi %scan3A_122, %scan3A_123 : i32
    %scan3A_125 = arith.constant 1 : i32
    scf.for %scan3A_128 = %scan3A_122 to %scan3A_124 step %scan3A_125  : i32 {
      %mul3A_129 = arith.constant 8 : i32
      %mul3A_130 = arith.muli %scan3A_128, %mul3A_129 : i32
      %add3A_131 = arith.constant 0 : i32
      %add3A_132 = arith.addi %mul3A_130, %add3A_131 : i32
      %dma_wait3A = arith.constant 0 : i32
      %dma_wait3A_133 = arith.constant 0 : i32
      %dma_wait3A_134 = arith.constant 0 : i32
      %dma_wait3A_135 = arith.constant 0 : i32
      %dma_wait3A_136 = tpu.memref_slice %arg9[%dma_wait3A, %dma_wait3A_134, %dma_wait3A_135] : memref<8x128x16xf32, #tpu.memory_space<vmem>> -> memref<1x128x16xf32, #tpu.memory_space<vmem>>
      %dma_wait3A_137 = tpu.memref_squeeze %dma_wait3A_136 : memref<1x128x16xf32, #tpu.memory_space<vmem>> -> memref<128x16xf32, #tpu.memory_space<vmem>>
      %dma_wait3A_138 = arith.constant 0 : i32
      %dma_wait3A_139 = tpu.memref_slice %arg7[%add3A_132, %dma_wait3A_138] : memref<80x128xi32, #tpu.memory_space<vmem>> -> memref<1x128xi32, #tpu.memory_space<vmem>>
      %dma_wait3A_140 = tpu.memref_squeeze %dma_wait3A_139 : memref<1x128xi32, #tpu.memory_space<vmem>> -> memref<128xi32, #tpu.memory_space<vmem>>
      %dma_wait3A_141 = arith.constant 0 : i32
      %dma_wait3A_142 = arith.constant 0 : i32
      %dma_wait3A_143 = tpu.memref_slice %arg2[%dma_wait3A_141, %dma_wait3A_142] : memref<10000x16xf32, #tpu.memory_space<hbm>> -> memref<10000x16xf32, #tpu.memory_space<hbm>>
      %dma_wait3A_144 = tpu.memref_slice %arg12[%dma_wait3A_133] : memref<8x!tpu.dma_semaphore, #tpu.memory_space<semaphore_mem>> -> memref<1x!tpu.dma_semaphore, #tpu.memory_space<semaphore_mem>>
      %dma_wait3A_145 = tpu.memref_squeeze %dma_wait3A_144 : memref<1x!tpu.dma_semaphore, #tpu.memory_space<semaphore_mem>> -> memref<!tpu.dma_semaphore, #tpu.memory_space<semaphore_mem>>
      tpu.wait_indirect_dma semaphore(%dma_wait3A_145 : memref<!tpu.dma_semaphore, #tpu.memory_space<semaphore_mem>>) src(%dma_wait3A_143 : memref<10000x16xf32, #tpu.memory_space<hbm>>) dst(%dma_wait3A_137 : memref<128x16xf32, #tpu.memory_space<vmem>>)
      %dma_start3A_146 = arith.constant 0 : i32
      %dma_start3A_147 = arith.constant 0 : i32
      %dma_start3A_148 = arith.constant 0 : i32
      %dma_start3A_149 = arith.constant 0 : i32
      %dma_start3A_150 = tpu.memref_slice %arg9[%dma_start3A_146, %dma_start3A_148, %dma_start3A_149] : memref<8x128x16xf32, #tpu.memory_space<vmem>> -> memref<1x128x16xf32, #tpu.memory_space<vmem>>
      %dma_start3A_151 = tpu.memref_squeeze %dma_start3A_150 : memref<1x128x16xf32, #tpu.memory_space<vmem>> -> memref<128x16xf32, #tpu.memory_space<vmem>>
      %dma_start3A_152 = arith.constant 0 : i32
      %dma_start3A_153 = tpu.memref_slice %arg8[%add3A_132, %dma_start3A_152] : memref<80x128xi32, #tpu.memory_space<vmem>> -> memref<1x128xi32, #tpu.memory_space<vmem>>
      %dma_start3A_154 = tpu.memref_squeeze %dma_start3A_153 : memref<1x128xi32, #tpu.memory_space<vmem>> -> memref<128xi32, #tpu.memory_space<vmem>>
      %dma_start3A_155 = arith.constant 0 : i32
      %dma_start3A_156 = arith.constant 0 : i32
      %dma_start3A_157 = tpu.memref_slice %arg11[%dma_start3A_155, %dma_start3A_156] : memref<10112x16xf32, #tpu.memory_space<vmem_shared>> -> memref<10112x16xf32, #tpu.memory_space<vmem_shared>>
      %dma_start3A_158 = tpu.memref_slice %arg13[%dma_start3A_147] : memref<8x!tpu.dma_semaphore, #tpu.memory_space<semaphore_mem>> -> memref<1x!tpu.dma_semaphore, #tpu.memory_space<semaphore_mem>>
      %dma_start3A_159 = tpu.memref_squeeze %dma_start3A_158 : memref<1x!tpu.dma_semaphore, #tpu.memory_space<semaphore_mem>> -> memref<!tpu.dma_semaphore, #tpu.memory_space<semaphore_mem>>
      tpu.enqueue_indirect_dma source(%dma_start3A_151 : memref<128x16xf32, #tpu.memory_space<vmem>>) target(%dma_start3A_157 : memref<10112x16xf32, #tpu.memory_space<vmem_shared>>) offsets(%dma_start3A_154 : memref<128xi32, #tpu.memory_space<vmem>>) semaphore(%dma_start3A_159 : memref<!tpu.dma_semaphore, #tpu.memory_space<semaphore_mem>>) {add = true}
      %mul3A_160 = arith.constant 8 : i32
      %mul3A_161 = arith.muli %scan3A_128, %mul3A_160 : i32
      %add3A_162 = arith.constant 1 : i32
      %add3A_163 = arith.addi %mul3A_161, %add3A_162 : i32
      %dma_wait3A_164 = arith.constant 1 : i32
      %dma_wait3A_165 = arith.constant 1 : i32
      %dma_wait3A_166 = arith.constant 0 : i32
      %dma_wait3A_167 = arith.constant 0 : i32
      %dma_wait3A_168 = tpu.memref_slice %arg9[%dma_wait3A_164, %dma_wait3A_166, %dma_wait3A_167] : memref<8x128x16xf32, #tpu.memory_space<vmem>> -> memref<1x128x16xf32, #tpu.memory_space<vmem>>
      %dma_wait3A_169 = tpu.memref_squeeze %dma_wait3A_168 : memref<1x128x16xf32, #tpu.memory_space<vmem>> -> memref<128x16xf32, #tpu.memory_space<vmem>>
      %dma_wait3A_170 = arith.constant 0 : i32
      %dma_wait3A_171 = tpu.memref_slice %arg7[%add3A_163, %dma_wait3A_170] : memref<80x128xi32, #tpu.memory_space<vmem>> -> memref<1x128xi32, #tpu.memory_space<vmem>>
      %dma_wait3A_172 = tpu.memref_squeeze %dma_wait3A_171 : memref<1x128xi32, #tpu.memory_space<vmem>> -> memref<128xi32, #tpu.memory_space<vmem>>
      %dma_wait3A_173 = arith.constant 0 : i32
      %dma_wait3A_174 = arith.constant 0 : i32
      %dma_wait3A_175 = tpu.memref_slice %arg2[%dma_wait3A_173, %dma_wait3A_174] : memref<10000x16xf32, #tpu.memory_space<hbm>> -> memref<10000x16xf32, #tpu.memory_space<hbm>>
      %dma_wait3A_176 = tpu.memref_slice %arg12[%dma_wait3A_165] : memref<8x!tpu.dma_semaphore, #tpu.memory_space<semaphore_mem>> -> memref<1x!tpu.dma_semaphore, #tpu.memory_space<semaphore_mem>>
      %dma_wait3A_177 = tpu.memref_squeeze %dma_wait3A_176 : memref<1x!tpu.dma_semaphore, #tpu.memory_space<semaphore_mem>> -> memref<!tpu.dma_semaphore, #tpu.memory_space<semaphore_mem>>
      tpu.wait_indirect_dma semaphore(%dma_wait3A_177 : memref<!tpu.dma_semaphore, #tpu.memory_space<semaphore_mem>>) src(%dma_wait3A_175 : memref<10000x16xf32, #tpu.memory_space<hbm>>) dst(%dma_wait3A_169 : memref<128x16xf32, #tpu.memory_space<vmem>>)
      %dma_start3A_178 = arith.constant 1 : i32
      %dma_start3A_179 = arith.constant 1 : i32
      %dma_start3A_180 = arith.constant 0 : i32
      %dma_start3A_181 = arith.constant 0 : i32
      %dma_start3A_182 = tpu.memref_slice %arg9[%dma_start3A_178, %dma_start3A_180, %dma_start3A_181] : memref<8x128x16xf32, #tpu.memory_space<vmem>> -> memref<1x128x16xf32, #tpu.memory_space<vmem>>
      %dma_start3A_183 = tpu.memref_squeeze %dma_start3A_182 : memref<1x128x16xf32, #tpu.memory_space<vmem>> -> memref<128x16xf32, #tpu.memory_space<vmem>>
      %dma_start3A_184 = arith.constant 0 : i32
      %dma_start3A_185 = tpu.memref_slice %arg8[%add3A_163, %dma_start3A_184] : memref<80x128xi32, #tpu.memory_space<vmem>> -> memref<1x128xi32, #tpu.memory_space<vmem>>
      %dma_start3A_186 = tpu.memref_squeeze %dma_start3A_185 : memref<1x128xi32, #tpu.memory_space<vmem>> -> memref<128xi32, #tpu.memory_space<vmem>>
      %dma_start3A_187 = arith.constant 0 : i32
      %dma_start3A_188 = arith.constant 0 : i32
      %dma_start3A_189 = tpu.memref_slice %arg11[%dma_start3A_187, %dma_start3A_188] : memref<10112x16xf32, #tpu.memory_space<vmem_shared>> -> memref<10112x16xf32, #tpu.memory_space<vmem_shared>>
      %dma_start3A_190 = tpu.memref_slice %arg13[%dma_start3A_179] : memref<8x!tpu.dma_semaphore, #tpu.memory_space<semaphore_mem>> -> memref<1x!tpu.dma_semaphore, #tpu.memory_space<semaphore_mem>>
      %dma_start3A_191 = tpu.memref_squeeze %dma_start3A_190 : memref<1x!tpu.dma_semaphore, #tpu.memory_space<semaphore_mem>> -> memref<!tpu.dma_semaphore, #tpu.memory_space<semaphore_mem>>
      tpu.enqueue_indirect_dma source(%dma_start3A_183 : memref<128x16xf32, #tpu.memory_space<vmem>>) target(%dma_start3A_189 : memref<10112x16xf32, #tpu.memory_space<vmem_shared>>) offsets(%dma_start3A_186 : memref<128xi32, #tpu.memory_space<vmem>>) semaphore(%dma_start3A_191 : memref<!tpu.dma_semaphore, #tpu.memory_space<semaphore_mem>>) {add = true}
      %mul3A_192 = arith.constant 8 : i32
      %mul3A_193 = arith.muli %scan3A_128, %mul3A_192 : i32
      %add3A_194 = arith.constant 2 : i32
      %add3A_195 = arith.addi %mul3A_193, %add3A_194 : i32
      %dma_wait3A_196 = arith.constant 2 : i32
      %dma_wait3A_197 = arith.constant 2 : i32
      %dma_wait3A_198 = arith.constant 0 : i32
      %dma_wait3A_199 = arith.constant 0 : i32
      %dma_wait3A_200 = tpu.memref_slice %arg9[%dma_wait3A_196, %dma_wait3A_198, %dma_wait3A_199] : memref<8x128x16xf32, #tpu.memory_space<vmem>> -> memref<1x128x16xf32, #tpu.memory_space<vmem>>
      %dma_wait3A_201 = tpu.memref_squeeze %dma_wait3A_200 : memref<1x128x16xf32, #tpu.memory_space<vmem>> -> memref<128x16xf32, #tpu.memory_space<vmem>>
      %dma_wait3A_202 = arith.constant 0 : i32
      %dma_wait3A_203 = tpu.memref_slice %arg7[%add3A_195, %dma_wait3A_202] : memref<80x128xi32, #tpu.memory_space<vmem>> -> memref<1x128xi32, #tpu.memory_space<vmem>>
      %dma_wait3A_204 = tpu.memref_squeeze %dma_wait3A_203 : memref<1x128xi32, #tpu.memory_space<vmem>> -> memref<128xi32, #tpu.memory_space<vmem>>
      %dma_wait3A_205 = arith.constant 0 : i32
      %dma_wait3A_206 = arith.constant 0 : i32
      %dma_wait3A_207 = tpu.memref_slice %arg2[%dma_wait3A_205, %dma_wait3A_206] : memref<10000x16xf32, #tpu.memory_space<hbm>> -> memref<10000x16xf32, #tpu.memory_space<hbm>>
      %dma_wait3A_208 = tpu.memref_slice %arg12[%dma_wait3A_197] : memref<8x!tpu.dma_semaphore, #tpu.memory_space<semaphore_mem>> -> memref<1x!tpu.dma_semaphore, #tpu.memory_space<semaphore_mem>>
      %dma_wait3A_209 = tpu.memref_squeeze %dma_wait3A_208 : memref<1x!tpu.dma_semaphore, #tpu.memory_space<semaphore_mem>> -> memref<!tpu.dma_semaphore, #tpu.memory_space<semaphore_mem>>
      tpu.wait_indirect_dma semaphore(%dma_wait3A_209 : memref<!tpu.dma_semaphore, #tpu.memory_space<semaphore_mem>>) src(%dma_wait3A_207 : memref<10000x16xf32, #tpu.memory_space<hbm>>) dst(%dma_wait3A_201 : memref<128x16xf32, #tpu.memory_space<vmem>>)
      %dma_start3A_210 = arith.constant 2 : i32
      %dma_start3A_211 = arith.constant 2 : i32
      %dma_start3A_212 = arith.constant 0 : i32
      %dma_start3A_213 = arith.constant 0 : i32
      %dma_start3A_214 = tpu.memref_slice %arg9[%dma_start3A_210, %dma_start3A_212, %dma_start3A_213] : memref<8x128x16xf32, #tpu.memory_space<vmem>> -> memref<1x128x16xf32, #tpu.memory_space<vmem>>
      %dma_start3A_215 = tpu.memref_squeeze %dma_start3A_214 : memref<1x128x16xf32, #tpu.memory_space<vmem>> -> memref<128x16xf32, #tpu.memory_space<vmem>>
      %dma_start3A_216 = arith.constant 0 : i32
      %dma_start3A_217 = tpu.memref_slice %arg8[%add3A_195, %dma_start3A_216] : memref<80x128xi32, #tpu.memory_space<vmem>> -> memref<1x128xi32, #tpu.memory_space<vmem>>
      %dma_start3A_218 = tpu.memref_squeeze %dma_start3A_217 : memref<1x128xi32, #tpu.memory_space<vmem>> -> memref<128xi32, #tpu.memory_space<vmem>>
      %dma_start3A_219 = arith.constant 0 : i32
      %dma_start3A_220 = arith.constant 0 : i32
      %dma_start3A_221 = tpu.memref_slice %arg11[%dma_start3A_219, %dma_start3A_220] : memref<10112x16xf32, #tpu.memory_space<vmem_shared>> -> memref<10112x16xf32, #tpu.memory_space<vmem_shared>>
      %dma_start3A_222 = tpu.memref_slice %arg13[%dma_start3A_211] : memref<8x!tpu.dma_semaphore, #tpu.memory_space<semaphore_mem>> -> memref<1x!tpu.dma_semaphore, #tpu.memory_space<semaphore_mem>>
      %dma_start3A_223 = tpu.memref_squeeze %dma_start3A_222 : memref<1x!tpu.dma_semaphore, #tpu.memory_space<semaphore_mem>> -> memref<!tpu.dma_semaphore, #tpu.memory_space<semaphore_mem>>
      tpu.enqueue_indirect_dma source(%dma_start3A_215 : memref<128x16xf32, #tpu.memory_space<vmem>>) target(%dma_start3A_221 : memref<10112x16xf32, #tpu.memory_space<vmem_shared>>) offsets(%dma_start3A_218 : memref<128xi32, #tpu.memory_space<vmem>>) semaphore(%dma_start3A_223 : memref<!tpu.dma_semaphore, #tpu.memory_space<semaphore_mem>>) {add = true}
      %mul3A_224 = arith.constant 8 : i32
      %mul3A_225 = arith.muli %scan3A_128, %mul3A_224 : i32
      %add3A_226 = arith.constant 3 : i32
      %add3A_227 = arith.addi %mul3A_225, %add3A_226 : i32
      %dma_wait3A_228 = arith.constant 3 : i32
      %dma_wait3A_229 = arith.constant 3 : i32
      %dma_wait3A_230 = arith.constant 0 : i32
      %dma_wait3A_231 = arith.constant 0 : i32
      %dma_wait3A_232 = tpu.memref_slice %arg9[%dma_wait3A_228, %dma_wait3A_230, %dma_wait3A_231] : memref<8x128x16xf32, #tpu.memory_space<vmem>> -> memref<1x128x16xf32, #tpu.memory_space<vmem>>
      %dma_wait3A_233 = tpu.memref_squeeze %dma_wait3A_232 : memref<1x128x16xf32, #tpu.memory_space<vmem>> -> memref<128x16xf32, #tpu.memory_space<vmem>>
      %dma_wait3A_234 = arith.constant 0 : i32
      %dma_wait3A_235 = tpu.memref_slice %arg7[%add3A_227, %dma_wait3A_234] : memref<80x128xi32, #tpu.memory_space<vmem>> -> memref<1x128xi32, #tpu.memory_space<vmem>>
      %dma_wait3A_236 = tpu.memref_squeeze %dma_wait3A_235 : memref<1x128xi32, #tpu.memory_space<vmem>> -> memref<128xi32, #tpu.memory_space<vmem>>
      %dma_wait3A_237 = arith.constant 0 : i32
      %dma_wait3A_238 = arith.constant 0 : i32
      %dma_wait3A_239 = tpu.memref_slice %arg2[%dma_wait3A_237, %dma_wait3A_238] : memref<10000x16xf32, #tpu.memory_space<hbm>> -> memref<10000x16xf32, #tpu.memory_space<hbm>>
      %dma_wait3A_240 = tpu.memref_slice %arg12[%dma_wait3A_229] : memref<8x!tpu.dma_semaphore, #tpu.memory_space<semaphore_mem>> -> memref<1x!tpu.dma_semaphore, #tpu.memory_space<semaphore_mem>>
      %dma_wait3A_241 = tpu.memref_squeeze %dma_wait3A_240 : memref<1x!tpu.dma_semaphore, #tpu.memory_space<semaphore_mem>> -> memref<!tpu.dma_semaphore, #tpu.memory_space<semaphore_mem>>
      tpu.wait_indirect_dma semaphore(%dma_wait3A_241 : memref<!tpu.dma_semaphore, #tpu.memory_space<semaphore_mem>>) src(%dma_wait3A_239 : memref<10000x16xf32, #tpu.memory_space<hbm>>) dst(%dma_wait3A_233 : memref<128x16xf32, #tpu.memory_space<vmem>>)
      %dma_start3A_242 = arith.constant 3 : i32
      %dma_start3A_243 = arith.constant 3 : i32
      %dma_start3A_244 = arith.constant 0 : i32
      %dma_start3A_245 = arith.constant 0 : i32
      %dma_start3A_246 = tpu.memref_slice %arg9[%dma_start3A_242, %dma_start3A_244, %dma_start3A_245] : memref<8x128x16xf32, #tpu.memory_space<vmem>> -> memref<1x128x16xf32, #tpu.memory_space<vmem>>
      %dma_start3A_247 = tpu.memref_squeeze %dma_start3A_246 : memref<1x128x16xf32, #tpu.memory_space<vmem>> -> memref<128x16xf32, #tpu.memory_space<vmem>>
      %dma_start3A_248 = arith.constant 0 : i32
      %dma_start3A_249 = tpu.memref_slice %arg8[%add3A_227, %dma_start3A_248] : memref<80x128xi32, #tpu.memory_space<vmem>> -> memref<1x128xi32, #tpu.memory_space<vmem>>
      %dma_start3A_250 = tpu.memref_squeeze %dma_start3A_249 : memref<1x128xi32, #tpu.memory_space<vmem>> -> memref<128xi32, #tpu.memory_space<vmem>>
      %dma_start3A_251 = arith.constant 0 : i32
      %dma_start3A_252 = arith.constant 0 : i32
      %dma_start3A_253 = tpu.memref_slice %arg11[%dma_start3A_251, %dma_start3A_252] : memref<10112x16xf32, #tpu.memory_space<vmem_shared>> -> memref<10112x16xf32, #tpu.memory_space<vmem_shared>>
      %dma_start3A_254 = tpu.memref_slice %arg13[%dma_start3A_243] : memref<8x!tpu.dma_semaphore, #tpu.memory_space<semaphore_mem>> -> memref<1x!tpu.dma_semaphore, #tpu.memory_space<semaphore_mem>>
      %dma_start3A_255 = tpu.memref_squeeze %dma_start3A_254 : memref<1x!tpu.dma_semaphore, #tpu.memory_space<semaphore_mem>> -> memref<!tpu.dma_semaphore, #tpu.memory_space<semaphore_mem>>
      tpu.enqueue_indirect_dma source(%dma_start3A_247 : memref<128x16xf32, #tpu.memory_space<vmem>>) target(%dma_start3A_253 : memref<10112x16xf32, #tpu.memory_space<vmem_shared>>) offsets(%dma_start3A_250 : memref<128xi32, #tpu.memory_space<vmem>>) semaphore(%dma_start3A_255 : memref<!tpu.dma_semaphore, #tpu.memory_space<semaphore_mem>>) {add = true}
      %mul3A_256 = arith.constant 8 : i32
      %mul3A_257 = arith.muli %scan3A_128, %mul3A_256 : i32
      %add3A_258 = arith.constant 4 : i32
      %add3A_259 = arith.addi %mul3A_257, %add3A_258 : i32
      %dma_wait3A_260 = arith.constant 4 : i32
      %dma_wait3A_261 = arith.constant 4 : i32
      %dma_wait3A_262 = arith.constant 0 : i32
      %dma_wait3A_263 = arith.constant 0 : i32
      %dma_wait3A_264 = tpu.memref_slice %arg9[%dma_wait3A_260, %dma_wait3A_262, %dma_wait3A_263] : memref<8x128x16xf32, #tpu.memory_space<vmem>> -> memref<1x128x16xf32, #tpu.memory_space<vmem>>
      %dma_wait3A_265 = tpu.memref_squeeze %dma_wait3A_264 : memref<1x128x16xf32, #tpu.memory_space<vmem>> -> memref<128x16xf32, #tpu.memory_space<vmem>>
      %dma_wait3A_266 = arith.constant 0 : i32
      %dma_wait3A_267 = tpu.memref_slice %arg7[%add3A_259, %dma_wait3A_266] : memref<80x128xi32, #tpu.memory_space<vmem>> -> memref<1x128xi32, #tpu.memory_space<vmem>>
      %dma_wait3A_268 = tpu.memref_squeeze %dma_wait3A_267 : memref<1x128xi32, #tpu.memory_space<vmem>> -> memref<128xi32, #tpu.memory_space<vmem>>
      %dma_wait3A_269 = arith.constant 0 : i32
      %dma_wait3A_270 = arith.constant 0 : i32
      %dma_wait3A_271 = tpu.memref_slice %arg2[%dma_wait3A_269, %dma_wait3A_270] : memref<10000x16xf32, #tpu.memory_space<hbm>> -> memref<10000x16xf32, #tpu.memory_space<hbm>>
      %dma_wait3A_272 = tpu.memref_slice %arg12[%dma_wait3A_261] : memref<8x!tpu.dma_semaphore, #tpu.memory_space<semaphore_mem>> -> memref<1x!tpu.dma_semaphore, #tpu.memory_space<semaphore_mem>>
      %dma_wait3A_273 = tpu.memref_squeeze %dma_wait3A_272 : memref<1x!tpu.dma_semaphore, #tpu.memory_space<semaphore_mem>> -> memref<!tpu.dma_semaphore, #tpu.memory_space<semaphore_mem>>
      tpu.wait_indirect_dma semaphore(%dma_wait3A_273 : memref<!tpu.dma_semaphore, #tpu.memory_space<semaphore_mem>>) src(%dma_wait3A_271 : memref<10000x16xf32, #tpu.memory_space<hbm>>) dst(%dma_wait3A_265 : memref<128x16xf32, #tpu.memory_space<vmem>>)
      %dma_start3A_274 = arith.constant 4 : i32
      %dma_start3A_275 = arith.constant 4 : i32
      %dma_start3A_276 = arith.constant 0 : i32
      %dma_start3A_277 = arith.constant 0 : i32
      %dma_start3A_278 = tpu.memref_slice %arg9[%dma_start3A_274, %dma_start3A_276, %dma_start3A_277] : memref<8x128x16xf32, #tpu.memory_space<vmem>> -> memref<1x128x16xf32, #tpu.memory_space<vmem>>
      %dma_start3A_279 = tpu.memref_squeeze %dma_start3A_278 : memref<1x128x16xf32, #tpu.memory_space<vmem>> -> memref<128x16xf32, #tpu.memory_space<vmem>>
      %dma_start3A_280 = arith.constant 0 : i32
      %dma_start3A_281 = tpu.memref_slice %arg8[%add3A_259, %dma_start3A_280] : memref<80x128xi32, #tpu.memory_space<vmem>> -> memref<1x128xi32, #tpu.memory_space<vmem>>
      %dma_start3A_282 = tpu.memref_squeeze %dma_start3A_281 : memref<1x128xi32, #tpu.memory_space<vmem>> -> memref<128xi32, #tpu.memory_space<vmem>>
      %dma_start3A_283 = arith.constant 0 : i32
      %dma_start3A_284 = arith.constant 0 : i32
      %dma_start3A_285 = tpu.memref_slice %arg11[%dma_start3A_283, %dma_start3A_284] : memref<10112x16xf32, #tpu.memory_space<vmem_shared>> -> memref<10112x16xf32, #tpu.memory_space<vmem_shared>>
      %dma_start3A_286 = tpu.memref_slice %arg13[%dma_start3A_275] : memref<8x!tpu.dma_semaphore, #tpu.memory_space<semaphore_mem>> -> memref<1x!tpu.dma_semaphore, #tpu.memory_space<semaphore_mem>>
      %dma_start3A_287 = tpu.memref_squeeze %dma_start3A_286 : memref<1x!tpu.dma_semaphore, #tpu.memory_space<semaphore_mem>> -> memref<!tpu.dma_semaphore, #tpu.memory_space<semaphore_mem>>
      tpu.enqueue_indirect_dma source(%dma_start3A_279 : memref<128x16xf32, #tpu.memory_space<vmem>>) target(%dma_start3A_285 : memref<10112x16xf32, #tpu.memory_space<vmem_shared>>) offsets(%dma_start3A_282 : memref<128xi32, #tpu.memory_space<vmem>>) semaphore(%dma_start3A_287 : memref<!tpu.dma_semaphore, #tpu.memory_space<semaphore_mem>>) {add = true}
      %mul3A_288 = arith.constant 8 : i32
      %mul3A_289 = arith.muli %scan3A_128, %mul3A_288 : i32
      %add3A_290 = arith.constant 5 : i32
      %add3A_291 = arith.addi %mul3A_289, %add3A_290 : i32
      %dma_wait3A_292 = arith.constant 5 : i32
      %dma_wait3A_293 = arith.constant 5 : i32
      %dma_wait3A_294 = arith.constant 0 : i32
      %dma_wait3A_295 = arith.constant 0 : i32
      %dma_wait3A_296 = tpu.memref_slice %arg9[%dma_wait3A_292, %dma_wait3A_294, %dma_wait3A_295] : memref<8x128x16xf32, #tpu.memory_space<vmem>> -> memref<1x128x16xf32, #tpu.memory_space<vmem>>
      %dma_wait3A_297 = tpu.memref_squeeze %dma_wait3A_296 : memref<1x128x16xf32, #tpu.memory_space<vmem>> -> memref<128x16xf32, #tpu.memory_space<vmem>>
      %dma_wait3A_298 = arith.constant 0 : i32
      %dma_wait3A_299 = tpu.memref_slice %arg7[%add3A_291, %dma_wait3A_298] : memref<80x128xi32, #tpu.memory_space<vmem>> -> memref<1x128xi32, #tpu.memory_space<vmem>>
      %dma_wait3A_300 = tpu.memref_squeeze %dma_wait3A_299 : memref<1x128xi32, #tpu.memory_space<vmem>> -> memref<128xi32, #tpu.memory_space<vmem>>
      %dma_wait3A_301 = arith.constant 0 : i32
      %dma_wait3A_302 = arith.constant 0 : i32
      %dma_wait3A_303 = tpu.memref_slice %arg2[%dma_wait3A_301, %dma_wait3A_302] : memref<10000x16xf32, #tpu.memory_space<hbm>> -> memref<10000x16xf32, #tpu.memory_space<hbm>>
      %dma_wait3A_304 = tpu.memref_slice %arg12[%dma_wait3A_293] : memref<8x!tpu.dma_semaphore, #tpu.memory_space<semaphore_mem>> -> memref<1x!tpu.dma_semaphore, #tpu.memory_space<semaphore_mem>>
      %dma_wait3A_305 = tpu.memref_squeeze %dma_wait3A_304 : memref<1x!tpu.dma_semaphore, #tpu.memory_space<semaphore_mem>> -> memref<!tpu.dma_semaphore, #tpu.memory_space<semaphore_mem>>
      tpu.wait_indirect_dma semaphore(%dma_wait3A_305 : memref<!tpu.dma_semaphore, #tpu.memory_space<semaphore_mem>>) src(%dma_wait3A_303 : memref<10000x16xf32, #tpu.memory_space<hbm>>) dst(%dma_wait3A_297 : memref<128x16xf32, #tpu.memory_space<vmem>>)
      %dma_start3A_306 = arith.constant 5 : i32
      %dma_start3A_307 = arith.constant 5 : i32
      %dma_start3A_308 = arith.constant 0 : i32
      %dma_start3A_309 = arith.constant 0 : i32
      %dma_start3A_310 = tpu.memref_slice %arg9[%dma_start3A_306, %dma_start3A_308, %dma_start3A_309] : memref<8x128x16xf32, #tpu.memory_space<vmem>> -> memref<1x128x16xf32, #tpu.memory_space<vmem>>
      %dma_start3A_311 = tpu.memref_squeeze %dma_start3A_310 : memref<1x128x16xf32, #tpu.memory_space<vmem>> -> memref<128x16xf32, #tpu.memory_space<vmem>>
      %dma_start3A_312 = arith.constant 0 : i32
      %dma_start3A_313 = tpu.memref_slice %arg8[%add3A_291, %dma_start3A_312] : memref<80x128xi32, #tpu.memory_space<vmem>> -> memref<1x128xi32, #tpu.memory_space<vmem>>
      %dma_start3A_314 = tpu.memref_squeeze %dma_start3A_313 : memref<1x128xi32, #tpu.memory_space<vmem>> -> memref<128xi32, #tpu.memory_space<vmem>>
      %dma_start3A_315 = arith.constant 0 : i32
      %dma_start3A_316 = arith.constant 0 : i32
      %dma_start3A_317 = tpu.memref_slice %arg11[%dma_start3A_315, %dma_start3A_316] : memref<10112x16xf32, #tpu.memory_space<vmem_shared>> -> memref<10112x16xf32, #tpu.memory_space<vmem_shared>>
      %dma_start3A_318 = tpu.memref_slice %arg13[%dma_start3A_307] : memref<8x!tpu.dma_semaphore, #tpu.memory_space<semaphore_mem>> -> memref<1x!tpu.dma_semaphore, #tpu.memory_space<semaphore_mem>>
      %dma_start3A_319 = tpu.memref_squeeze %dma_start3A_318 : memref<1x!tpu.dma_semaphore, #tpu.memory_space<semaphore_mem>> -> memref<!tpu.dma_semaphore, #tpu.memory_space<semaphore_mem>>
      tpu.enqueue_indirect_dma source(%dma_start3A_311 : memref<128x16xf32, #tpu.memory_space<vmem>>) target(%dma_start3A_317 : memref<10112x16xf32, #tpu.memory_space<vmem_shared>>) offsets(%dma_start3A_314 : memref<128xi32, #tpu.memory_space<vmem>>) semaphore(%dma_start3A_319 : memref<!tpu.dma_semaphore, #tpu.memory_space<semaphore_mem>>) {add = true}
      %mul3A_320 = arith.constant 8 : i32
      %mul3A_321 = arith.muli %scan3A_128, %mul3A_320 : i32
      %add3A_322 = arith.constant 6 : i32
      %add3A_323 = arith.addi %mul3A_321, %add3A_322 : i32
      %dma_wait3A_324 = arith.constant 6 : i32
      %dma_wait3A_325 = arith.constant 6 : i32
      %dma_wait3A_326 = arith.constant 0 : i32
      %dma_wait3A_327 = arith.constant 0 : i32
      %dma_wait3A_328 = tpu.memref_slice %arg9[%dma_wait3A_324, %dma_wait3A_326, %dma_wait3A_327] : memref<8x128x16xf32, #tpu.memory_space<vmem>> -> memref<1x128x16xf32, #tpu.memory_space<vmem>>
      %dma_wait3A_329 = tpu.memref_squeeze %dma_wait3A_328 : memref<1x128x16xf32, #tpu.memory_space<vmem>> -> memref<128x16xf32, #tpu.memory_space<vmem>>
      %dma_wait3A_330 = arith.constant 0 : i32
      %dma_wait3A_331 = tpu.memref_slice %arg7[%add3A_323, %dma_wait3A_330] : memref<80x128xi32, #tpu.memory_space<vmem>> -> memref<1x128xi32, #tpu.memory_space<vmem>>
      %dma_wait3A_332 = tpu.memref_squeeze %dma_wait3A_331 : memref<1x128xi32, #tpu.memory_space<vmem>> -> memref<128xi32, #tpu.memory_space<vmem>>
      %dma_wait3A_333 = arith.constant 0 : i32
      %dma_wait3A_334 = arith.constant 0 : i32
      %dma_wait3A_335 = tpu.memref_slice %arg2[%dma_wait3A_333, %dma_wait3A_334] : memref<10000x16xf32, #tpu.memory_space<hbm>> -> memref<10000x16xf32, #tpu.memory_space<hbm>>
      %dma_wait3A_336 = tpu.memref_slice %arg12[%dma_wait3A_325] : memref<8x!tpu.dma_semaphore, #tpu.memory_space<semaphore_mem>> -> memref<1x!tpu.dma_semaphore, #tpu.memory_space<semaphore_mem>>
      %dma_wait3A_337 = tpu.memref_squeeze %dma_wait3A_336 : memref<1x!tpu.dma_semaphore, #tpu.memory_space<semaphore_mem>> -> memref<!tpu.dma_semaphore, #tpu.memory_space<semaphore_mem>>
      tpu.wait_indirect_dma semaphore(%dma_wait3A_337 : memref<!tpu.dma_semaphore, #tpu.memory_space<semaphore_mem>>) src(%dma_wait3A_335 : memref<10000x16xf32, #tpu.memory_space<hbm>>) dst(%dma_wait3A_329 : memref<128x16xf32, #tpu.memory_space<vmem>>)
      %dma_start3A_338 = arith.constant 6 : i32
      %dma_start3A_339 = arith.constant 6 : i32
      %dma_start3A_340 = arith.constant 0 : i32
      %dma_start3A_341 = arith.constant 0 : i32
      %dma_start3A_342 = tpu.memref_slice %arg9[%dma_start3A_338, %dma_start3A_340, %dma_start3A_341] : memref<8x128x16xf32, #tpu.memory_space<vmem>> -> memref<1x128x16xf32, #tpu.memory_space<vmem>>
      %dma_start3A_343 = tpu.memref_squeeze %dma_start3A_342 : memref<1x128x16xf32, #tpu.memory_space<vmem>> -> memref<128x16xf32, #tpu.memory_space<vmem>>
      %dma_start3A_344 = arith.constant 0 : i32
      %dma_start3A_345 = tpu.memref_slice %arg8[%add3A_323, %dma_start3A_344] : memref<80x128xi32, #tpu.memory_space<vmem>> -> memref<1x128xi32, #tpu.memory_space<vmem>>
      %dma_start3A_346 = tpu.memref_squeeze %dma_start3A_345 : memref<1x128xi32, #tpu.memory_space<vmem>> -> memref<128xi32, #tpu.memory_space<vmem>>
      %dma_start3A_347 = arith.constant 0 : i32
      %dma_start3A_348 = arith.constant 0 : i32
      %dma_start3A_349 = tpu.memref_slice %arg11[%dma_start3A_347, %dma_start3A_348] : memref<10112x16xf32, #tpu.memory_space<vmem_shared>> -> memref<10112x16xf32, #tpu.memory_space<vmem_shared>>
      %dma_start3A_350 = tpu.memref_slice %arg13[%dma_start3A_339] : memref<8x!tpu.dma_semaphore, #tpu.memory_space<semaphore_mem>> -> memref<1x!tpu.dma_semaphore, #tpu.memory_space<semaphore_mem>>
      %dma_start3A_351 = tpu.memref_squeeze %dma_start3A_350 : memref<1x!tpu.dma_semaphore, #tpu.memory_space<semaphore_mem>> -> memref<!tpu.dma_semaphore, #tpu.memory_space<semaphore_mem>>
      tpu.enqueue_indirect_dma source(%dma_start3A_343 : memref<128x16xf32, #tpu.memory_space<vmem>>) target(%dma_start3A_349 : memref<10112x16xf32, #tpu.memory_space<vmem_shared>>) offsets(%dma_start3A_346 : memref<128xi32, #tpu.memory_space<vmem>>) semaphore(%dma_start3A_351 : memref<!tpu.dma_semaphore, #tpu.memory_space<semaphore_mem>>) {add = true}
      %mul3A_352 = arith.constant 8 : i32
      %mul3A_353 = arith.muli %scan3A_128, %mul3A_352 : i32
      %add3A_354 = arith.constant 7 : i32
      %add3A_355 = arith.addi %mul3A_353, %add3A_354 : i32
      %dma_wait3A_356 = arith.constant 7 : i32
      %dma_wait3A_357 = arith.constant 7 : i32
      %dma_wait3A_358 = arith.constant 0 : i32
      %dma_wait3A_359 = arith.constant 0 : i32
      %dma_wait3A_360 = tpu.memref_slice %arg9[%dma_wait3A_356, %dma_wait3A_358, %dma_wait3A_359] : memref<8x128x16xf32, #tpu.memory_space<vmem>> -> memref<1x128x16xf32, #tpu.memory_space<vmem>>
      %dma_wait3A_361 = tpu.memref_squeeze %dma_wait3A_360 : memref<1x128x16xf32, #tpu.memory_space<vmem>> -> memref<128x16xf32, #tpu.memory_space<vmem>>
      %dma_wait3A_362 = arith.constant 0 : i32
      %dma_wait3A_363 = tpu.memref_slice %arg7[%add3A_355, %dma_wait3A_362] : memref<80x128xi32, #tpu.memory_space<vmem>> -> memref<1x128xi32, #tpu.memory_space<vmem>>
      %dma_wait3A_364 = tpu.memref_squeeze %dma_wait3A_363 : memref<1x128xi32, #tpu.memory_space<vmem>> -> memref<128xi32, #tpu.memory_space<vmem>>
      %dma_wait3A_365 = arith.constant 0 : i32
      %dma_wait3A_366 = arith.constant 0 : i32
      %dma_wait3A_367 = tpu.memref_slice %arg2[%dma_wait3A_365, %dma_wait3A_366] : memref<10000x16xf32, #tpu.memory_space<hbm>> -> memref<10000x16xf32, #tpu.memory_space<hbm>>
      %dma_wait3A_368 = tpu.memref_slice %arg12[%dma_wait3A_357] : memref<8x!tpu.dma_semaphore, #tpu.memory_space<semaphore_mem>> -> memref<1x!tpu.dma_semaphore, #tpu.memory_space<semaphore_mem>>
      %dma_wait3A_369 = tpu.memref_squeeze %dma_wait3A_368 : memref<1x!tpu.dma_semaphore, #tpu.memory_space<semaphore_mem>> -> memref<!tpu.dma_semaphore, #tpu.memory_space<semaphore_mem>>
      tpu.wait_indirect_dma semaphore(%dma_wait3A_369 : memref<!tpu.dma_semaphore, #tpu.memory_space<semaphore_mem>>) src(%dma_wait3A_367 : memref<10000x16xf32, #tpu.memory_space<hbm>>) dst(%dma_wait3A_361 : memref<128x16xf32, #tpu.memory_space<vmem>>)
      %dma_start3A_370 = arith.constant 7 : i32
      %dma_start3A_371 = arith.constant 7 : i32
      %dma_start3A_372 = arith.constant 0 : i32
      %dma_start3A_373 = arith.constant 0 : i32
      %dma_start3A_374 = tpu.memref_slice %arg9[%dma_start3A_370, %dma_start3A_372, %dma_start3A_373] : memref<8x128x16xf32, #tpu.memory_space<vmem>> -> memref<1x128x16xf32, #tpu.memory_space<vmem>>
      %dma_start3A_375 = tpu.memref_squeeze %dma_start3A_374 : memref<1x128x16xf32, #tpu.memory_space<vmem>> -> memref<128x16xf32, #tpu.memory_space<vmem>>
      %dma_start3A_376 = arith.constant 0 : i32
      %dma_start3A_377 = tpu.memref_slice %arg8[%add3A_355, %dma_start3A_376] : memref<80x128xi32, #tpu.memory_space<vmem>> -> memref<1x128xi32, #tpu.memory_space<vmem>>
      %dma_start3A_378 = tpu.memref_squeeze %dma_start3A_377 : memref<1x128xi32, #tpu.memory_space<vmem>> -> memref<128xi32, #tpu.memory_space<vmem>>
      %dma_start3A_379 = arith.constant 0 : i32
      %dma_start3A_380 = arith.constant 0 : i32
      %dma_start3A_381 = tpu.memref_slice %arg11[%dma_start3A_379, %dma_start3A_380] : memref<10112x16xf32, #tpu.memory_space<vmem_shared>> -> memref<10112x16xf32, #tpu.memory_space<vmem_shared>>
      %dma_start3A_382 = tpu.memref_slice %arg13[%dma_start3A_371] : memref<8x!tpu.dma_semaphore, #tpu.memory_space<semaphore_mem>> -> memref<1x!tpu.dma_semaphore, #tpu.memory_space<semaphore_mem>>
      %dma_start3A_383 = tpu.memref_squeeze %dma_start3A_382 : memref<1x!tpu.dma_semaphore, #tpu.memory_space<semaphore_mem>> -> memref<!tpu.dma_semaphore, #tpu.memory_space<semaphore_mem>>
      tpu.enqueue_indirect_dma source(%dma_start3A_375 : memref<128x16xf32, #tpu.memory_space<vmem>>) target(%dma_start3A_381 : memref<10112x16xf32, #tpu.memory_space<vmem_shared>>) offsets(%dma_start3A_378 : memref<128xi32, #tpu.memory_space<vmem>>) semaphore(%dma_start3A_383 : memref<!tpu.dma_semaphore, #tpu.memory_space<semaphore_mem>>) {add = true}
      %add3A_384 = arith.constant 1 : i32
      %add3A_385 = arith.addi %scan3A_128, %add3A_384 : i32
      %lt3A = arith.constant 10 : i32
      %lt3A_386 = arith.cmpi slt, %add3A_385, %lt3A : i32
      %convert_element_type3A = arith.extui %lt3A_386 : i1 to i32
      %cond3A = arith.constant 0 : i32
      %cond3A_387 = arith.constant 0 : i32
      %cond3A_388 = arith.constant 1 : i32
      %cond3A_389 = arith.constant 1 : i32
      %cond3A_390 = arith.constant 2 : i32
      %cond3A_391 = arith.constant 2 : i32
      %cond3A_392 = arith.constant 3 : i32
      %cond3A_393 = arith.constant 3 : i32
      %cond3A_394 = arith.constant 4 : i32
      %cond3A_395 = arith.constant 4 : i32
      %cond3A_396 = arith.constant 5 : i32
      %cond3A_397 = arith.constant 5 : i32
      %cond3A_398 = arith.constant 6 : i32
      %cond3A_399 = arith.constant 6 : i32
      %cond3A_400 = arith.constant 7 : i32
      %cond3A_401 = arith.constant 7 : i32
      %cond3A_402 = arith.constant 0 : i32
      %cond3A_403 = arith.cmpi ne, %convert_element_type3A, %cond3A_402 : i32
      scf.if %cond3A_403 {
        %dma_wait3A_426 = arith.constant 0 : i32
        %dma_wait3A_427 = arith.constant 0 : i32
        %dma_wait3A_428 = tpu.memref_slice %arg9[%cond3A, %dma_wait3A_426, %dma_wait3A_427] : memref<8x128x16xf32, #tpu.memory_space<vmem>> -> memref<1x128x16xf32, #tpu.memory_space<vmem>>
        %dma_wait3A_429 = tpu.memref_squeeze %dma_wait3A_428 : memref<1x128x16xf32, #tpu.memory_space<vmem>> -> memref<128x16xf32, #tpu.memory_space<vmem>>
        %dma_wait3A_430 = arith.constant 0 : i32
        %dma_wait3A_431 = tpu.memref_slice %arg8[%add3A_132, %dma_wait3A_430] : memref<80x128xi32, #tpu.memory_space<vmem>> -> memref<1x128xi32, #tpu.memory_space<vmem>>
        %dma_wait3A_432 = tpu.memref_squeeze %dma_wait3A_431 : memref<1x128xi32, #tpu.memory_space<vmem>> -> memref<128xi32, #tpu.memory_space<vmem>>
        %dma_wait3A_433 = arith.constant 0 : i32
        %dma_wait3A_434 = arith.constant 0 : i32
        %dma_wait3A_435 = tpu.memref_slice %arg11[%dma_wait3A_433, %dma_wait3A_434] : memref<10112x16xf32, #tpu.memory_space<vmem_shared>> -> memref<10112x16xf32, #tpu.memory_space<vmem_shared>>
        %dma_wait3A_436 = tpu.memref_slice %arg13[%cond3A_387] : memref<8x!tpu.dma_semaphore, #tpu.memory_space<semaphore_mem>> -> memref<1x!tpu.dma_semaphore, #tpu.memory_space<semaphore_mem>>
        %dma_wait3A_437 = tpu.memref_squeeze %dma_wait3A_436 : memref<1x!tpu.dma_semaphore, #tpu.memory_space<semaphore_mem>> -> memref<!tpu.dma_semaphore, #tpu.memory_space<semaphore_mem>>
        tpu.wait_indirect_dma semaphore(%dma_wait3A_437 : memref<!tpu.dma_semaphore, #tpu.memory_space<semaphore_mem>>) src(%dma_wait3A_429 : memref<128x16xf32, #tpu.memory_space<vmem>>) dst(%dma_wait3A_435 : memref<10112x16xf32, #tpu.memory_space<vmem_shared>>)
        %add3A_438 = arith.constant 1 : i32
        %add3A_439 = arith.addi %scan3A_128, %add3A_438 : i32
        %mul3A_440 = arith.constant 8 : i32
        %mul3A_441 = arith.muli %add3A_439, %mul3A_440 : i32
        %add3A_442 = arith.constant 0 : i32
        %add3A_443 = arith.addi %mul3A_441, %add3A_442 : i32
        %dma_start3A_444 = arith.constant 0 : i32
        %dma_start3A_445 = arith.constant 0 : i32
        %dma_start3A_446 = arith.constant 0 : i32
        %dma_start3A_447 = arith.constant 0 : i32
        %dma_start3A_448 = tpu.memref_slice %arg9[%dma_start3A_444, %dma_start3A_446, %dma_start3A_447] : memref<8x128x16xf32, #tpu.memory_space<vmem>> -> memref<1x128x16xf32, #tpu.memory_space<vmem>>
        %dma_start3A_449 = tpu.memref_squeeze %dma_start3A_448 : memref<1x128x16xf32, #tpu.memory_space<vmem>> -> memref<128x16xf32, #tpu.memory_space<vmem>>
        %dma_start3A_450 = arith.constant 0 : i32
        %dma_start3A_451 = tpu.memref_slice %arg7[%add3A_443, %dma_start3A_450] : memref<80x128xi32, #tpu.memory_space<vmem>> -> memref<1x128xi32, #tpu.memory_space<vmem>>
        %dma_start3A_452 = tpu.memref_squeeze %dma_start3A_451 : memref<1x128xi32, #tpu.memory_space<vmem>> -> memref<128xi32, #tpu.memory_space<vmem>>
        %dma_start3A_453 = arith.constant 0 : i32
        %dma_start3A_454 = arith.constant 0 : i32
        %dma_start3A_455 = tpu.memref_slice %arg2[%dma_start3A_453, %dma_start3A_454] : memref<10000x16xf32, #tpu.memory_space<hbm>> -> memref<10000x16xf32, #tpu.memory_space<hbm>>
        %dma_start3A_456 = tpu.memref_slice %arg12[%dma_start3A_445] : memref<8x!tpu.dma_semaphore, #tpu.memory_space<semaphore_mem>> -> memref<1x!tpu.dma_semaphore, #tpu.memory_space<semaphore_mem>>
        %dma_start3A_457 = tpu.memref_squeeze %dma_start3A_456 : memref<1x!tpu.dma_semaphore, #tpu.memory_space<semaphore_mem>> -> memref<!tpu.dma_semaphore, #tpu.memory_space<semaphore_mem>>
        tpu.enqueue_indirect_dma source(%dma_start3A_455 : memref<10000x16xf32, #tpu.memory_space<hbm>>) target(%dma_start3A_449 : memref<128x16xf32, #tpu.memory_space<vmem>>) offsets(%dma_start3A_452 : memref<128xi32, #tpu.memory_space<vmem>>) semaphore(%dma_start3A_457 : memref<!tpu.dma_semaphore, #tpu.memory_space<semaphore_mem>>)
        %dma_wait3A_458 = arith.constant 0 : i32
        %dma_wait3A_459 = arith.constant 0 : i32
        %dma_wait3A_460 = tpu.memref_slice %arg9[%cond3A_388, %dma_wait3A_458, %dma_wait3A_459] : memref<8x128x16xf32, #tpu.memory_space<vmem>> -> memref<1x128x16xf32, #tpu.memory_space<vmem>>
        %dma_wait3A_461 = tpu.memref_squeeze %dma_wait3A_460 : memref<1x128x16xf32, #tpu.memory_space<vmem>> -> memref<128x16xf32, #tpu.memory_space<vmem>>
        %dma_wait3A_462 = arith.constant 0 : i32
        %dma_wait3A_463 = tpu.memref_slice %arg8[%add3A_163, %dma_wait3A_462] : memref<80x128xi32, #tpu.memory_space<vmem>> -> memref<1x128xi32, #tpu.memory_space<vmem>>
        %dma_wait3A_464 = tpu.memref_squeeze %dma_wait3A_463 : memref<1x128xi32, #tpu.memory_space<vmem>> -> memref<128xi32, #tpu.memory_space<vmem>>
        %dma_wait3A_465 = arith.constant 0 : i32
        %dma_wait3A_466 = arith.constant 0 : i32
        %dma_wait3A_467 = tpu.memref_slice %arg11[%dma_wait3A_465, %dma_wait3A_466] : memref<10112x16xf32, #tpu.memory_space<vmem_shared>> -> memref<10112x16xf32, #tpu.memory_space<vmem_shared>>
        %dma_wait3A_468 = tpu.memref_slice %arg13[%cond3A_389] : memref<8x!tpu.dma_semaphore, #tpu.memory_space<semaphore_mem>> -> memref<1x!tpu.dma_semaphore, #tpu.memory_space<semaphore_mem>>
        %dma_wait3A_469 = tpu.memref_squeeze %dma_wait3A_468 : memref<1x!tpu.dma_semaphore, #tpu.memory_space<semaphore_mem>> -> memref<!tpu.dma_semaphore, #tpu.memory_space<semaphore_mem>>
        tpu.wait_indirect_dma semaphore(%dma_wait3A_469 : memref<!tpu.dma_semaphore, #tpu.memory_space<semaphore_mem>>) src(%dma_wait3A_461 : memref<128x16xf32, #tpu.memory_space<vmem>>) dst(%dma_wait3A_467 : memref<10112x16xf32, #tpu.memory_space<vmem_shared>>)
        %add3A_470 = arith.constant 1 : i32
        %add3A_471 = arith.addi %scan3A_128, %add3A_470 : i32
        %mul3A_472 = arith.constant 8 : i32
        %mul3A_473 = arith.muli %add3A_471, %mul3A_472 : i32
        %add3A_474 = arith.constant 1 : i32
        %add3A_475 = arith.addi %mul3A_473, %add3A_474 : i32
        %dma_start3A_476 = arith.constant 1 : i32
        %dma_start3A_477 = arith.constant 1 : i32
        %dma_start3A_478 = arith.constant 0 : i32
        %dma_start3A_479 = arith.constant 0 : i32
        %dma_start3A_480 = tpu.memref_slice %arg9[%dma_start3A_476, %dma_start3A_478, %dma_start3A_479] : memref<8x128x16xf32, #tpu.memory_space<vmem>> -> memref<1x128x16xf32, #tpu.memory_space<vmem>>
        %dma_start3A_481 = tpu.memref_squeeze %dma_start3A_480 : memref<1x128x16xf32, #tpu.memory_space<vmem>> -> memref<128x16xf32, #tpu.memory_space<vmem>>
        %dma_start3A_482 = arith.constant 0 : i32
        %dma_start3A_483 = tpu.memref_slice %arg7[%add3A_475, %dma_start3A_482] : memref<80x128xi32, #tpu.memory_space<vmem>> -> memref<1x128xi32, #tpu.memory_space<vmem>>
        %dma_start3A_484 = tpu.memref_squeeze %dma_start3A_483 : memref<1x128xi32, #tpu.memory_space<vmem>> -> memref<128xi32, #tpu.memory_space<vmem>>
        %dma_start3A_485 = arith.constant 0 : i32
        %dma_start3A_486 = arith.constant 0 : i32
        %dma_start3A_487 = tpu.memref_slice %arg2[%dma_start3A_485, %dma_start3A_486] : memref<10000x16xf32, #tpu.memory_space<hbm>> -> memref<10000x16xf32, #tpu.memory_space<hbm>>
        %dma_start3A_488 = tpu.memref_slice %arg12[%dma_start3A_477] : memref<8x!tpu.dma_semaphore, #tpu.memory_space<semaphore_mem>> -> memref<1x!tpu.dma_semaphore, #tpu.memory_space<semaphore_mem>>
        %dma_start3A_489 = tpu.memref_squeeze %dma_start3A_488 : memref<1x!tpu.dma_semaphore, #tpu.memory_space<semaphore_mem>> -> memref<!tpu.dma_semaphore, #tpu.memory_space<semaphore_mem>>
        tpu.enqueue_indirect_dma source(%dma_start3A_487 : memref<10000x16xf32, #tpu.memory_space<hbm>>) target(%dma_start3A_481 : memref<128x16xf32, #tpu.memory_space<vmem>>) offsets(%dma_start3A_484 : memref<128xi32, #tpu.memory_space<vmem>>) semaphore(%dma_start3A_489 : memref<!tpu.dma_semaphore, #tpu.memory_space<semaphore_mem>>)
        %dma_wait3A_490 = arith.constant 0 : i32
        %dma_wait3A_491 = arith.constant 0 : i32
        %dma_wait3A_492 = tpu.memref_slice %arg9[%cond3A_390, %dma_wait3A_490, %dma_wait3A_491] : memref<8x128x16xf32, #tpu.memory_space<vmem>> -> memref<1x128x16xf32, #tpu.memory_space<vmem>>
        %dma_wait3A_493 = tpu.memref_squeeze %dma_wait3A_492 : memref<1x128x16xf32, #tpu.memory_space<vmem>> -> memref<128x16xf32, #tpu.memory_space<vmem>>
        %dma_wait3A_494 = arith.constant 0 : i32
        %dma_wait3A_495 = tpu.memref_slice %arg8[%add3A_195, %dma_wait3A_494] : memref<80x128xi32, #tpu.memory_space<vmem>> -> memref<1x128xi32, #tpu.memory_space<vmem>>
        %dma_wait3A_496 = tpu.memref_squeeze %dma_wait3A_495 : memref<1x128xi32, #tpu.memory_space<vmem>> -> memref<128xi32, #tpu.memory_space<vmem>>
        %dma_wait3A_497 = arith.constant 0 : i32
        %dma_wait3A_498 = arith.constant 0 : i32
        %dma_wait3A_499 = tpu.memref_slice %arg11[%dma_wait3A_497, %dma_wait3A_498] : memref<10112x16xf32, #tpu.memory_space<vmem_shared>> -> memref<10112x16xf32, #tpu.memory_space<vmem_shared>>
        %dma_wait3A_500 = tpu.memref_slice %arg13[%cond3A_391] : memref<8x!tpu.dma_semaphore, #tpu.memory_space<semaphore_mem>> -> memref<1x!tpu.dma_semaphore, #tpu.memory_space<semaphore_mem>>
        %dma_wait3A_501 = tpu.memref_squeeze %dma_wait3A_500 : memref<1x!tpu.dma_semaphore, #tpu.memory_space<semaphore_mem>> -> memref<!tpu.dma_semaphore, #tpu.memory_space<semaphore_mem>>
        tpu.wait_indirect_dma semaphore(%dma_wait3A_501 : memref<!tpu.dma_semaphore, #tpu.memory_space<semaphore_mem>>) src(%dma_wait3A_493 : memref<128x16xf32, #tpu.memory_space<vmem>>) dst(%dma_wait3A_499 : memref<10112x16xf32, #tpu.memory_space<vmem_shared>>)
        %add3A_502 = arith.constant 1 : i32
        %add3A_503 = arith.addi %scan3A_128, %add3A_502 : i32
        %mul3A_504 = arith.constant 8 : i32
        %mul3A_505 = arith.muli %add3A_503, %mul3A_504 : i32
        %add3A_506 = arith.constant 2 : i32
        %add3A_507 = arith.addi %mul3A_505, %add3A_506 : i32
        %dma_start3A_508 = arith.constant 2 : i32
        %dma_start3A_509 = arith.constant 2 : i32
        %dma_start3A_510 = arith.constant 0 : i32
        %dma_start3A_511 = arith.constant 0 : i32
        %dma_start3A_512 = tpu.memref_slice %arg9[%dma_start3A_508, %dma_start3A_510, %dma_start3A_511] : memref<8x128x16xf32, #tpu.memory_space<vmem>> -> memref<1x128x16xf32, #tpu.memory_space<vmem>>
        %dma_start3A_513 = tpu.memref_squeeze %dma_start3A_512 : memref<1x128x16xf32, #tpu.memory_space<vmem>> -> memref<128x16xf32, #tpu.memory_space<vmem>>
        %dma_start3A_514 = arith.constant 0 : i32
        %dma_start3A_515 = tpu.memref_slice %arg7[%add3A_507, %dma_start3A_514] : memref<80x128xi32, #tpu.memory_space<vmem>> -> memref<1x128xi32, #tpu.memory_space<vmem>>
        %dma_start3A_516 = tpu.memref_squeeze %dma_start3A_515 : memref<1x128xi32, #tpu.memory_space<vmem>> -> memref<128xi32, #tpu.memory_space<vmem>>
        %dma_start3A_517 = arith.constant 0 : i32
        %dma_start3A_518 = arith.constant 0 : i32
        %dma_start3A_519 = tpu.memref_slice %arg2[%dma_start3A_517, %dma_start3A_518] : memref<10000x16xf32, #tpu.memory_space<hbm>> -> memref<10000x16xf32, #tpu.memory_space<hbm>>
        %dma_start3A_520 = tpu.memref_slice %arg12[%dma_start3A_509] : memref<8x!tpu.dma_semaphore, #tpu.memory_space<semaphore_mem>> -> memref<1x!tpu.dma_semaphore, #tpu.memory_space<semaphore_mem>>
        %dma_start3A_521 = tpu.memref_squeeze %dma_start3A_520 : memref<1x!tpu.dma_semaphore, #tpu.memory_space<semaphore_mem>> -> memref<!tpu.dma_semaphore, #tpu.memory_space<semaphore_mem>>
        tpu.enqueue_indirect_dma source(%dma_start3A_519 : memref<10000x16xf32, #tpu.memory_space<hbm>>) target(%dma_start3A_513 : memref<128x16xf32, #tpu.memory_space<vmem>>) offsets(%dma_start3A_516 : memref<128xi32, #tpu.memory_space<vmem>>) semaphore(%dma_start3A_521 : memref<!tpu.dma_semaphore, #tpu.memory_space<semaphore_mem>>)
        %dma_wait3A_522 = arith.constant 0 : i32
        %dma_wait3A_523 = arith.constant 0 : i32
        %dma_wait3A_524 = tpu.memref_slice %arg9[%cond3A_392, %dma_wait3A_522, %dma_wait3A_523] : memref<8x128x16xf32, #tpu.memory_space<vmem>> -> memref<1x128x16xf32, #tpu.memory_space<vmem>>
        %dma_wait3A_525 = tpu.memref_squeeze %dma_wait3A_524 : memref<1x128x16xf32, #tpu.memory_space<vmem>> -> memref<128x16xf32, #tpu.memory_space<vmem>>
        %dma_wait3A_526 = arith.constant 0 : i32
        %dma_wait3A_527 = tpu.memref_slice %arg8[%add3A_227, %dma_wait3A_526] : memref<80x128xi32, #tpu.memory_space<vmem>> -> memref<1x128xi32, #tpu.memory_space<vmem>>
        %dma_wait3A_528 = tpu.memref_squeeze %dma_wait3A_527 : memref<1x128xi32, #tpu.memory_space<vmem>> -> memref<128xi32, #tpu.memory_space<vmem>>
        %dma_wait3A_529 = arith.constant 0 : i32
        %dma_wait3A_530 = arith.constant 0 : i32
        %dma_wait3A_531 = tpu.memref_slice %arg11[%dma_wait3A_529, %dma_wait3A_530] : memref<10112x16xf32, #tpu.memory_space<vmem_shared>> -> memref<10112x16xf32, #tpu.memory_space<vmem_shared>>
        %dma_wait3A_532 = tpu.memref_slice %arg13[%cond3A_393] : memref<8x!tpu.dma_semaphore, #tpu.memory_space<semaphore_mem>> -> memref<1x!tpu.dma_semaphore, #tpu.memory_space<semaphore_mem>>
        %dma_wait3A_533 = tpu.memref_squeeze %dma_wait3A_532 : memref<1x!tpu.dma_semaphore, #tpu.memory_space<semaphore_mem>> -> memref<!tpu.dma_semaphore, #tpu.memory_space<semaphore_mem>>
        tpu.wait_indirect_dma semaphore(%dma_wait3A_533 : memref<!tpu.dma_semaphore, #tpu.memory_space<semaphore_mem>>) src(%dma_wait3A_525 : memref<128x16xf32, #tpu.memory_space<vmem>>) dst(%dma_wait3A_531 : memref<10112x16xf32, #tpu.memory_space<vmem_shared>>)
        %add3A_534 = arith.constant 1 : i32
        %add3A_535 = arith.addi %scan3A_128, %add3A_534 : i32
        %mul3A_536 = arith.constant 8 : i32
        %mul3A_537 = arith.muli %add3A_535, %mul3A_536 : i32
        %add3A_538 = arith.constant 3 : i32
        %add3A_539 = arith.addi %mul3A_537, %add3A_538 : i32
        %dma_start3A_540 = arith.constant 3 : i32
        %dma_start3A_541 = arith.constant 3 : i32
        %dma_start3A_542 = arith.constant 0 : i32
        %dma_start3A_543 = arith.constant 0 : i32
        %dma_start3A_544 = tpu.memref_slice %arg9[%dma_start3A_540, %dma_start3A_542, %dma_start3A_543] : memref<8x128x16xf32, #tpu.memory_space<vmem>> -> memref<1x128x16xf32, #tpu.memory_space<vmem>>
        %dma_start3A_545 = tpu.memref_squeeze %dma_start3A_544 : memref<1x128x16xf32, #tpu.memory_space<vmem>> -> memref<128x16xf32, #tpu.memory_space<vmem>>
        %dma_start3A_546 = arith.constant 0 : i32
        %dma_start3A_547 = tpu.memref_slice %arg7[%add3A_539, %dma_start3A_546] : memref<80x128xi32, #tpu.memory_space<vmem>> -> memref<1x128xi32, #tpu.memory_space<vmem>>
        %dma_start3A_548 = tpu.memref_squeeze %dma_start3A_547 : memref<1x128xi32, #tpu.memory_space<vmem>> -> memref<128xi32, #tpu.memory_space<vmem>>
        %dma_start3A_549 = arith.constant 0 : i32
        %dma_start3A_550 = arith.constant 0 : i32
        %dma_start3A_551 = tpu.memref_slice %arg2[%dma_start3A_549, %dma_start3A_550] : memref<10000x16xf32, #tpu.memory_space<hbm>> -> memref<10000x16xf32, #tpu.memory_space<hbm>>
        %dma_start3A_552 = tpu.memref_slice %arg12[%dma_start3A_541] : memref<8x!tpu.dma_semaphore, #tpu.memory_space<semaphore_mem>> -> memref<1x!tpu.dma_semaphore, #tpu.memory_space<semaphore_mem>>
        %dma_start3A_553 = tpu.memref_squeeze %dma_start3A_552 : memref<1x!tpu.dma_semaphore, #tpu.memory_space<semaphore_mem>> -> memref<!tpu.dma_semaphore, #tpu.memory_space<semaphore_mem>>
        tpu.enqueue_indirect_dma source(%dma_start3A_551 : memref<10000x16xf32, #tpu.memory_space<hbm>>) target(%dma_start3A_545 : memref<128x16xf32, #tpu.memory_space<vmem>>) offsets(%dma_start3A_548 : memref<128xi32, #tpu.memory_space<vmem>>) semaphore(%dma_start3A_553 : memref<!tpu.dma_semaphore, #tpu.memory_space<semaphore_mem>>)
        %dma_wait3A_554 = arith.constant 0 : i32
        %dma_wait3A_555 = arith.constant 0 : i32
        %dma_wait3A_556 = tpu.memref_slice %arg9[%cond3A_394, %dma_wait3A_554, %dma_wait3A_555] : memref<8x128x16xf32, #tpu.memory_space<vmem>> -> memref<1x128x16xf32, #tpu.memory_space<vmem>>
        %dma_wait3A_557 = tpu.memref_squeeze %dma_wait3A_556 : memref<1x128x16xf32, #tpu.memory_space<vmem>> -> memref<128x16xf32, #tpu.memory_space<vmem>>
        %dma_wait3A_558 = arith.constant 0 : i32
        %dma_wait3A_559 = tpu.memref_slice %arg8[%add3A_259, %dma_wait3A_558] : memref<80x128xi32, #tpu.memory_space<vmem>> -> memref<1x128xi32, #tpu.memory_space<vmem>>
        %dma_wait3A_560 = tpu.memref_squeeze %dma_wait3A_559 : memref<1x128xi32, #tpu.memory_space<vmem>> -> memref<128xi32, #tpu.memory_space<vmem>>
        %dma_wait3A_561 = arith.constant 0 : i32
        %dma_wait3A_562 = arith.constant 0 : i32
        %dma_wait3A_563 = tpu.memref_slice %arg11[%dma_wait3A_561, %dma_wait3A_562] : memref<10112x16xf32, #tpu.memory_space<vmem_shared>> -> memref<10112x16xf32, #tpu.memory_space<vmem_shared>>
        %dma_wait3A_564 = tpu.memref_slice %arg13[%cond3A_395] : memref<8x!tpu.dma_semaphore, #tpu.memory_space<semaphore_mem>> -> memref<1x!tpu.dma_semaphore, #tpu.memory_space<semaphore_mem>>
        %dma_wait3A_565 = tpu.memref_squeeze %dma_wait3A_564 : memref<1x!tpu.dma_semaphore, #tpu.memory_space<semaphore_mem>> -> memref<!tpu.dma_semaphore, #tpu.memory_space<semaphore_mem>>
        tpu.wait_indirect_dma semaphore(%dma_wait3A_565 : memref<!tpu.dma_semaphore, #tpu.memory_space<semaphore_mem>>) src(%dma_wait3A_557 : memref<128x16xf32, #tpu.memory_space<vmem>>) dst(%dma_wait3A_563 : memref<10112x16xf32, #tpu.memory_space<vmem_shared>>)
        %add3A_566 = arith.constant 1 : i32
        %add3A_567 = arith.addi %scan3A_128, %add3A_566 : i32
        %mul3A_568 = arith.constant 8 : i32
        %mul3A_569 = arith.muli %add3A_567, %mul3A_568 : i32
        %add3A_570 = arith.constant 4 : i32
        %add3A_571 = arith.addi %mul3A_569, %add3A_570 : i32
        %dma_start3A_572 = arith.constant 4 : i32
        %dma_start3A_573 = arith.constant 4 : i32
        %dma_start3A_574 = arith.constant 0 : i32
        %dma_start3A_575 = arith.constant 0 : i32
        %dma_start3A_576 = tpu.memref_slice %arg9[%dma_start3A_572, %dma_start3A_574, %dma_start3A_575] : memref<8x128x16xf32, #tpu.memory_space<vmem>> -> memref<1x128x16xf32, #tpu.memory_space<vmem>>
        %dma_start3A_577 = tpu.memref_squeeze %dma_start3A_576 : memref<1x128x16xf32, #tpu.memory_space<vmem>> -> memref<128x16xf32, #tpu.memory_space<vmem>>
        %dma_start3A_578 = arith.constant 0 : i32
        %dma_start3A_579 = tpu.memref_slice %arg7[%add3A_571, %dma_start3A_578] : memref<80x128xi32, #tpu.memory_space<vmem>> -> memref<1x128xi32, #tpu.memory_space<vmem>>
        %dma_start3A_580 = tpu.memref_squeeze %dma_start3A_579 : memref<1x128xi32, #tpu.memory_space<vmem>> -> memref<128xi32, #tpu.memory_space<vmem>>
        %dma_start3A_581 = arith.constant 0 : i32
        %dma_start3A_582 = arith.constant 0 : i32
        %dma_start3A_583 = tpu.memref_slice %arg2[%dma_start3A_581, %dma_start3A_582] : memref<10000x16xf32, #tpu.memory_space<hbm>> -> memref<10000x16xf32, #tpu.memory_space<hbm>>
        %dma_start3A_584 = tpu.memref_slice %arg12[%dma_start3A_573] : memref<8x!tpu.dma_semaphore, #tpu.memory_space<semaphore_mem>> -> memref<1x!tpu.dma_semaphore, #tpu.memory_space<semaphore_mem>>
        %dma_start3A_585 = tpu.memref_squeeze %dma_start3A_584 : memref<1x!tpu.dma_semaphore, #tpu.memory_space<semaphore_mem>> -> memref<!tpu.dma_semaphore, #tpu.memory_space<semaphore_mem>>
        tpu.enqueue_indirect_dma source(%dma_start3A_583 : memref<10000x16xf32, #tpu.memory_space<hbm>>) target(%dma_start3A_577 : memref<128x16xf32, #tpu.memory_space<vmem>>) offsets(%dma_start3A_580 : memref<128xi32, #tpu.memory_space<vmem>>) semaphore(%dma_start3A_585 : memref<!tpu.dma_semaphore, #tpu.memory_space<semaphore_mem>>)
        %dma_wait3A_586 = arith.constant 0 : i32
        %dma_wait3A_587 = arith.constant 0 : i32
        %dma_wait3A_588 = tpu.memref_slice %arg9[%cond3A_396, %dma_wait3A_586, %dma_wait3A_587] : memref<8x128x16xf32, #tpu.memory_space<vmem>> -> memref<1x128x16xf32, #tpu.memory_space<vmem>>
        %dma_wait3A_589 = tpu.memref_squeeze %dma_wait3A_588 : memref<1x128x16xf32, #tpu.memory_space<vmem>> -> memref<128x16xf32, #tpu.memory_space<vmem>>
        %dma_wait3A_590 = arith.constant 0 : i32
        %dma_wait3A_591 = tpu.memref_slice %arg8[%add3A_291, %dma_wait3A_590] : memref<80x128xi32, #tpu.memory_space<vmem>> -> memref<1x128xi32, #tpu.memory_space<vmem>>
        %dma_wait3A_592 = tpu.memref_squeeze %dma_wait3A_591 : memref<1x128xi32, #tpu.memory_space<vmem>> -> memref<128xi32, #tpu.memory_space<vmem>>
        %dma_wait3A_593 = arith.constant 0 : i32
        %dma_wait3A_594 = arith.constant 0 : i32
        %dma_wait3A_595 = tpu.memref_slice %arg11[%dma_wait3A_593, %dma_wait3A_594] : memref<10112x16xf32, #tpu.memory_space<vmem_shared>> -> memref<10112x16xf32, #tpu.memory_space<vmem_shared>>
        %dma_wait3A_596 = tpu.memref_slice %arg13[%cond3A_397] : memref<8x!tpu.dma_semaphore, #tpu.memory_space<semaphore_mem>> -> memref<1x!tpu.dma_semaphore, #tpu.memory_space<semaphore_mem>>
        %dma_wait3A_597 = tpu.memref_squeeze %dma_wait3A_596 : memref<1x!tpu.dma_semaphore, #tpu.memory_space<semaphore_mem>> -> memref<!tpu.dma_semaphore, #tpu.memory_space<semaphore_mem>>
        tpu.wait_indirect_dma semaphore(%dma_wait3A_597 : memref<!tpu.dma_semaphore, #tpu.memory_space<semaphore_mem>>) src(%dma_wait3A_589 : memref<128x16xf32, #tpu.memory_space<vmem>>) dst(%dma_wait3A_595 : memref<10112x16xf32, #tpu.memory_space<vmem_shared>>)
        %add3A_598 = arith.constant 1 : i32
        %add3A_599 = arith.addi %scan3A_128, %add3A_598 : i32
        %mul3A_600 = arith.constant 8 : i32
        %mul3A_601 = arith.muli %add3A_599, %mul3A_600 : i32
        %add3A_602 = arith.constant 5 : i32
        %add3A_603 = arith.addi %mul3A_601, %add3A_602 : i32
        %dma_start3A_604 = arith.constant 5 : i32
        %dma_start3A_605 = arith.constant 5 : i32
        %dma_start3A_606 = arith.constant 0 : i32
        %dma_start3A_607 = arith.constant 0 : i32
        %dma_start3A_608 = tpu.memref_slice %arg9[%dma_start3A_604, %dma_start3A_606, %dma_start3A_607] : memref<8x128x16xf32, #tpu.memory_space<vmem>> -> memref<1x128x16xf32, #tpu.memory_space<vmem>>
        %dma_start3A_609 = tpu.memref_squeeze %dma_start3A_608 : memref<1x128x16xf32, #tpu.memory_space<vmem>> -> memref<128x16xf32, #tpu.memory_space<vmem>>
        %dma_start3A_610 = arith.constant 0 : i32
        %dma_start3A_611 = tpu.memref_slice %arg7[%add3A_603, %dma_start3A_610] : memref<80x128xi32, #tpu.memory_space<vmem>> -> memref<1x128xi32, #tpu.memory_space<vmem>>
        %dma_start3A_612 = tpu.memref_squeeze %dma_start3A_611 : memref<1x128xi32, #tpu.memory_space<vmem>> -> memref<128xi32, #tpu.memory_space<vmem>>
        %dma_start3A_613 = arith.constant 0 : i32
        %dma_start3A_614 = arith.constant 0 : i32
        %dma_start3A_615 = tpu.memref_slice %arg2[%dma_start3A_613, %dma_start3A_614] : memref<10000x16xf32, #tpu.memory_space<hbm>> -> memref<10000x16xf32, #tpu.memory_space<hbm>>
        %dma_start3A_616 = tpu.memref_slice %arg12[%dma_start3A_605] : memref<8x!tpu.dma_semaphore, #tpu.memory_space<semaphore_mem>> -> memref<1x!tpu.dma_semaphore, #tpu.memory_space<semaphore_mem>>
        %dma_start3A_617 = tpu.memref_squeeze %dma_start3A_616 : memref<1x!tpu.dma_semaphore, #tpu.memory_space<semaphore_mem>> -> memref<!tpu.dma_semaphore, #tpu.memory_space<semaphore_mem>>
        tpu.enqueue_indirect_dma source(%dma_start3A_615 : memref<10000x16xf32, #tpu.memory_space<hbm>>) target(%dma_start3A_609 : memref<128x16xf32, #tpu.memory_space<vmem>>) offsets(%dma_start3A_612 : memref<128xi32, #tpu.memory_space<vmem>>) semaphore(%dma_start3A_617 : memref<!tpu.dma_semaphore, #tpu.memory_space<semaphore_mem>>)
        %dma_wait3A_618 = arith.constant 0 : i32
        %dma_wait3A_619 = arith.constant 0 : i32
        %dma_wait3A_620 = tpu.memref_slice %arg9[%cond3A_398, %dma_wait3A_618, %dma_wait3A_619] : memref<8x128x16xf32, #tpu.memory_space<vmem>> -> memref<1x128x16xf32, #tpu.memory_space<vmem>>
        %dma_wait3A_621 = tpu.memref_squeeze %dma_wait3A_620 : memref<1x128x16xf32, #tpu.memory_space<vmem>> -> memref<128x16xf32, #tpu.memory_space<vmem>>
        %dma_wait3A_622 = arith.constant 0 : i32
        %dma_wait3A_623 = tpu.memref_slice %arg8[%add3A_323, %dma_wait3A_622] : memref<80x128xi32, #tpu.memory_space<vmem>> -> memref<1x128xi32, #tpu.memory_space<vmem>>
        %dma_wait3A_624 = tpu.memref_squeeze %dma_wait3A_623 : memref<1x128xi32, #tpu.memory_space<vmem>> -> memref<128xi32, #tpu.memory_space<vmem>>
        %dma_wait3A_625 = arith.constant 0 : i32
        %dma_wait3A_626 = arith.constant 0 : i32
        %dma_wait3A_627 = tpu.memref_slice %arg11[%dma_wait3A_625, %dma_wait3A_626] : memref<10112x16xf32, #tpu.memory_space<vmem_shared>> -> memref<10112x16xf32, #tpu.memory_space<vmem_shared>>
        %dma_wait3A_628 = tpu.memref_slice %arg13[%cond3A_399] : memref<8x!tpu.dma_semaphore, #tpu.memory_space<semaphore_mem>> -> memref<1x!tpu.dma_semaphore, #tpu.memory_space<semaphore_mem>>
        %dma_wait3A_629 = tpu.memref_squeeze %dma_wait3A_628 : memref<1x!tpu.dma_semaphore, #tpu.memory_space<semaphore_mem>> -> memref<!tpu.dma_semaphore, #tpu.memory_space<semaphore_mem>>
        tpu.wait_indirect_dma semaphore(%dma_wait3A_629 : memref<!tpu.dma_semaphore, #tpu.memory_space<semaphore_mem>>) src(%dma_wait3A_621 : memref<128x16xf32, #tpu.memory_space<vmem>>) dst(%dma_wait3A_627 : memref<10112x16xf32, #tpu.memory_space<vmem_shared>>)
        %add3A_630 = arith.constant 1 : i32
        %add3A_631 = arith.addi %scan3A_128, %add3A_630 : i32
        %mul3A_632 = arith.constant 8 : i32
        %mul3A_633 = arith.muli %add3A_631, %mul3A_632 : i32
        %add3A_634 = arith.constant 6 : i32
        %add3A_635 = arith.addi %mul3A_633, %add3A_634 : i32
        %dma_start3A_636 = arith.constant 6 : i32
        %dma_start3A_637 = arith.constant 6 : i32
        %dma_start3A_638 = arith.constant 0 : i32
        %dma_start3A_639 = arith.constant 0 : i32
        %dma_start3A_640 = tpu.memref_slice %arg9[%dma_start3A_636, %dma_start3A_638, %dma_start3A_639] : memref<8x128x16xf32, #tpu.memory_space<vmem>> -> memref<1x128x16xf32, #tpu.memory_space<vmem>>
        %dma_start3A_641 = tpu.memref_squeeze %dma_start3A_640 : memref<1x128x16xf32, #tpu.memory_space<vmem>> -> memref<128x16xf32, #tpu.memory_space<vmem>>
        %dma_start3A_642 = arith.constant 0 : i32
        %dma_start3A_643 = tpu.memref_slice %arg7[%add3A_635, %dma_start3A_642] : memref<80x128xi32, #tpu.memory_space<vmem>> -> memref<1x128xi32, #tpu.memory_space<vmem>>
        %dma_start3A_644 = tpu.memref_squeeze %dma_start3A_643 : memref<1x128xi32, #tpu.memory_space<vmem>> -> memref<128xi32, #tpu.memory_space<vmem>>
        %dma_start3A_645 = arith.constant 0 : i32
        %dma_start3A_646 = arith.constant 0 : i32
        %dma_start3A_647 = tpu.memref_slice %arg2[%dma_start3A_645, %dma_start3A_646] : memref<10000x16xf32, #tpu.memory_space<hbm>> -> memref<10000x16xf32, #tpu.memory_space<hbm>>
        %dma_start3A_648 = tpu.memref_slice %arg12[%dma_start3A_637] : memref<8x!tpu.dma_semaphore, #tpu.memory_space<semaphore_mem>> -> memref<1x!tpu.dma_semaphore, #tpu.memory_space<semaphore_mem>>
        %dma_start3A_649 = tpu.memref_squeeze %dma_start3A_648 : memref<1x!tpu.dma_semaphore, #tpu.memory_space<semaphore_mem>> -> memref<!tpu.dma_semaphore, #tpu.memory_space<semaphore_mem>>
        tpu.enqueue_indirect_dma source(%dma_start3A_647 : memref<10000x16xf32, #tpu.memory_space<hbm>>) target(%dma_start3A_641 : memref<128x16xf32, #tpu.memory_space<vmem>>) offsets(%dma_start3A_644 : memref<128xi32, #tpu.memory_space<vmem>>) semaphore(%dma_start3A_649 : memref<!tpu.dma_semaphore, #tpu.memory_space<semaphore_mem>>)
        %dma_wait3A_650 = arith.constant 0 : i32
        %dma_wait3A_651 = arith.constant 0 : i32
        %dma_wait3A_652 = tpu.memref_slice %arg9[%cond3A_400, %dma_wait3A_650, %dma_wait3A_651] : memref<8x128x16xf32, #tpu.memory_space<vmem>> -> memref<1x128x16xf32, #tpu.memory_space<vmem>>
        %dma_wait3A_653 = tpu.memref_squeeze %dma_wait3A_652 : memref<1x128x16xf32, #tpu.memory_space<vmem>> -> memref<128x16xf32, #tpu.memory_space<vmem>>
        %dma_wait3A_654 = arith.constant 0 : i32
        %dma_wait3A_655 = tpu.memref_slice %arg8[%add3A_355, %dma_wait3A_654] : memref<80x128xi32, #tpu.memory_space<vmem>> -> memref<1x128xi32, #tpu.memory_space<vmem>>
        %dma_wait3A_656 = tpu.memref_squeeze %dma_wait3A_655 : memref<1x128xi32, #tpu.memory_space<vmem>> -> memref<128xi32, #tpu.memory_space<vmem>>
        %dma_wait3A_657 = arith.constant 0 : i32
        %dma_wait3A_658 = arith.constant 0 : i32
        %dma_wait3A_659 = tpu.memref_slice %arg11[%dma_wait3A_657, %dma_wait3A_658] : memref<10112x16xf32, #tpu.memory_space<vmem_shared>> -> memref<10112x16xf32, #tpu.memory_space<vmem_shared>>
        %dma_wait3A_660 = tpu.memref_slice %arg13[%cond3A_401] : memref<8x!tpu.dma_semaphore, #tpu.memory_space<semaphore_mem>> -> memref<1x!tpu.dma_semaphore, #tpu.memory_space<semaphore_mem>>
        %dma_wait3A_661 = tpu.memref_squeeze %dma_wait3A_660 : memref<1x!tpu.dma_semaphore, #tpu.memory_space<semaphore_mem>> -> memref<!tpu.dma_semaphore, #tpu.memory_space<semaphore_mem>>
        tpu.wait_indirect_dma semaphore(%dma_wait3A_661 : memref<!tpu.dma_semaphore, #tpu.memory_space<semaphore_mem>>) src(%dma_wait3A_653 : memref<128x16xf32, #tpu.memory_space<vmem>>) dst(%dma_wait3A_659 : memref<10112x16xf32, #tpu.memory_space<vmem_shared>>)
        %add3A_662 = arith.constant 1 : i32
        %add3A_663 = arith.addi %scan3A_128, %add3A_662 : i32
        %mul3A_664 = arith.constant 8 : i32
        %mul3A_665 = arith.muli %add3A_663, %mul3A_664 : i32
        %add3A_666 = arith.constant 7 : i32
        %add3A_667 = arith.addi %mul3A_665, %add3A_666 : i32
        %dma_start3A_668 = arith.constant 7 : i32
        %dma_start3A_669 = arith.constant 7 : i32
        %dma_start3A_670 = arith.constant 0 : i32
        %dma_start3A_671 = arith.constant 0 : i32
        %dma_start3A_672 = tpu.memref_slice %arg9[%dma_start3A_668, %dma_start3A_670, %dma_start3A_671] : memref<8x128x16xf32, #tpu.memory_space<vmem>> -> memref<1x128x16xf32, #tpu.memory_space<vmem>>
        %dma_start3A_673 = tpu.memref_squeeze %dma_start3A_672 : memref<1x128x16xf32, #tpu.memory_space<vmem>> -> memref<128x16xf32, #tpu.memory_space<vmem>>
        %dma_start3A_674 = arith.constant 0 : i32
        %dma_start3A_675 = tpu.memref_slice %arg7[%add3A_667, %dma_start3A_674] : memref<80x128xi32, #tpu.memory_space<vmem>> -> memref<1x128xi32, #tpu.memory_space<vmem>>
        %dma_start3A_676 = tpu.memref_squeeze %dma_start3A_675 : memref<1x128xi32, #tpu.memory_space<vmem>> -> memref<128xi32, #tpu.memory_space<vmem>>
        %dma_start3A_677 = arith.constant 0 : i32
        %dma_start3A_678 = arith.constant 0 : i32
        %dma_start3A_679 = tpu.memref_slice %arg2[%dma_start3A_677, %dma_start3A_678] : memref<10000x16xf32, #tpu.memory_space<hbm>> -> memref<10000x16xf32, #tpu.memory_space<hbm>>
        %dma_start3A_680 = tpu.memref_slice %arg12[%dma_start3A_669] : memref<8x!tpu.dma_semaphore, #tpu.memory_space<semaphore_mem>> -> memref<1x!tpu.dma_semaphore, #tpu.memory_space<semaphore_mem>>
        %dma_start3A_681 = tpu.memref_squeeze %dma_start3A_680 : memref<1x!tpu.dma_semaphore, #tpu.memory_space<semaphore_mem>> -> memref<!tpu.dma_semaphore, #tpu.memory_space<semaphore_mem>>
        tpu.enqueue_indirect_dma source(%dma_start3A_679 : memref<10000x16xf32, #tpu.memory_space<hbm>>) target(%dma_start3A_673 : memref<128x16xf32, #tpu.memory_space<vmem>>) offsets(%dma_start3A_676 : memref<128xi32, #tpu.memory_space<vmem>>) semaphore(%dma_start3A_681 : memref<!tpu.dma_semaphore, #tpu.memory_space<semaphore_mem>>)
      } else {
      }
      %add3A_404 = arith.constant 1 : i32
      %add3A_405 = arith.addi %scan3A_128, %add3A_404 : i32
      %ge3A = arith.constant 10 : i32
      %ge3A_406 = arith.cmpi sge, %add3A_405, %ge3A : i32
      %convert_element_type3A_407 = arith.extui %ge3A_406 : i1 to i32
      %cond3A_408 = arith.constant 0 : i32
      %cond3A_409 = arith.constant 0 : i32
      %cond3A_410 = arith.constant 1 : i32
      %cond3A_411 = arith.constant 1 : i32
      %cond3A_412 = arith.constant 2 : i32
      %cond3A_413 = arith.constant 2 : i32
      %cond3A_414 = arith.constant 3 : i32
      %cond3A_415 = arith.constant 3 : i32
      %cond3A_416 = arith.constant 4 : i32
      %cond3A_417 = arith.constant 4 : i32
      %cond3A_418 = arith.constant 5 : i32
      %cond3A_419 = arith.constant 5 : i32
      %cond3A_420 = arith.constant 6 : i32
      %cond3A_421 = arith.constant 6 : i32
      %cond3A_422 = arith.constant 7 : i32
      %cond3A_423 = arith.constant 7 : i32
      %cond3A_424 = arith.constant 0 : i32
      %cond3A_425 = arith.cmpi ne, %convert_element_type3A_407, %cond3A_424 : i32
      scf.if %cond3A_425 {
        %dma_wait3A_426 = arith.constant 0 : i32
        %dma_wait3A_427 = arith.constant 0 : i32
        %dma_wait3A_428 = tpu.memref_slice %arg9[%cond3A_408, %dma_wait3A_426, %dma_wait3A_427] : memref<8x128x16xf32, #tpu.memory_space<vmem>> -> memref<1x128x16xf32, #tpu.memory_space<vmem>>
        %dma_wait3A_429 = tpu.memref_squeeze %dma_wait3A_428 : memref<1x128x16xf32, #tpu.memory_space<vmem>> -> memref<128x16xf32, #tpu.memory_space<vmem>>
        %dma_wait3A_430 = arith.constant 0 : i32
        %dma_wait3A_431 = tpu.memref_slice %arg8[%add3A_132, %dma_wait3A_430] : memref<80x128xi32, #tpu.memory_space<vmem>> -> memref<1x128xi32, #tpu.memory_space<vmem>>
        %dma_wait3A_432 = tpu.memref_squeeze %dma_wait3A_431 : memref<1x128xi32, #tpu.memory_space<vmem>> -> memref<128xi32, #tpu.memory_space<vmem>>
        %dma_wait3A_433 = arith.constant 0 : i32
        %dma_wait3A_434 = arith.constant 0 : i32
        %dma_wait3A_435 = tpu.memref_slice %arg11[%dma_wait3A_433, %dma_wait3A_434] : memref<10112x16xf32, #tpu.memory_space<vmem_shared>> -> memref<10112x16xf32, #tpu.memory_space<vmem_shared>>
        %dma_wait3A_436 = tpu.memref_slice %arg13[%cond3A_409] : memref<8x!tpu.dma_semaphore, #tpu.memory_space<semaphore_mem>> -> memref<1x!tpu.dma_semaphore, #tpu.memory_space<semaphore_mem>>
        %dma_wait3A_437 = tpu.memref_squeeze %dma_wait3A_436 : memref<1x!tpu.dma_semaphore, #tpu.memory_space<semaphore_mem>> -> memref<!tpu.dma_semaphore, #tpu.memory_space<semaphore_mem>>
        tpu.wait_indirect_dma semaphore(%dma_wait3A_437 : memref<!tpu.dma_semaphore, #tpu.memory_space<semaphore_mem>>) src(%dma_wait3A_429 : memref<128x16xf32, #tpu.memory_space<vmem>>) dst(%dma_wait3A_435 : memref<10112x16xf32, #tpu.memory_space<vmem_shared>>)
        %dma_wait3A_438 = arith.constant 0 : i32
        %dma_wait3A_439 = arith.constant 0 : i32
        %dma_wait3A_440 = tpu.memref_slice %arg9[%cond3A_410, %dma_wait3A_438, %dma_wait3A_439] : memref<8x128x16xf32, #tpu.memory_space<vmem>> -> memref<1x128x16xf32, #tpu.memory_space<vmem>>
        %dma_wait3A_441 = tpu.memref_squeeze %dma_wait3A_440 : memref<1x128x16xf32, #tpu.memory_space<vmem>> -> memref<128x16xf32, #tpu.memory_space<vmem>>
        %dma_wait3A_442 = arith.constant 0 : i32
        %dma_wait3A_443 = tpu.memref_slice %arg8[%add3A_163, %dma_wait3A_442] : memref<80x128xi32, #tpu.memory_space<vmem>> -> memref<1x128xi32, #tpu.memory_space<vmem>>
        %dma_wait3A_444 = tpu.memref_squeeze %dma_wait3A_443 : memref<1x128xi32, #tpu.memory_space<vmem>> -> memref<128xi32, #tpu.memory_space<vmem>>
        %dma_wait3A_445 = arith.constant 0 : i32
        %dma_wait3A_446 = arith.constant 0 : i32
        %dma_wait3A_447 = tpu.memref_slice %arg11[%dma_wait3A_445, %dma_wait3A_446] : memref<10112x16xf32, #tpu.memory_space<vmem_shared>> -> memref<10112x16xf32, #tpu.memory_space<vmem_shared>>
        %dma_wait3A_448 = tpu.memref_slice %arg13[%cond3A_411] : memref<8x!tpu.dma_semaphore, #tpu.memory_space<semaphore_mem>> -> memref<1x!tpu.dma_semaphore, #tpu.memory_space<semaphore_mem>>
        %dma_wait3A_449 = tpu.memref_squeeze %dma_wait3A_448 : memref<1x!tpu.dma_semaphore, #tpu.memory_space<semaphore_mem>> -> memref<!tpu.dma_semaphore, #tpu.memory_space<semaphore_mem>>
        tpu.wait_indirect_dma semaphore(%dma_wait3A_449 : memref<!tpu.dma_semaphore, #tpu.memory_space<semaphore_mem>>) src(%dma_wait3A_441 : memref<128x16xf32, #tpu.memory_space<vmem>>) dst(%dma_wait3A_447 : memref<10112x16xf32, #tpu.memory_space<vmem_shared>>)
        %dma_wait3A_450 = arith.constant 0 : i32
        %dma_wait3A_451 = arith.constant 0 : i32
        %dma_wait3A_452 = tpu.memref_slice %arg9[%cond3A_412, %dma_wait3A_450, %dma_wait3A_451] : memref<8x128x16xf32, #tpu.memory_space<vmem>> -> memref<1x128x16xf32, #tpu.memory_space<vmem>>
        %dma_wait3A_453 = tpu.memref_squeeze %dma_wait3A_452 : memref<1x128x16xf32, #tpu.memory_space<vmem>> -> memref<128x16xf32, #tpu.memory_space<vmem>>
        %dma_wait3A_454 = arith.constant 0 : i32
        %dma_wait3A_455 = tpu.memref_slice %arg8[%add3A_195, %dma_wait3A_454] : memref<80x128xi32, #tpu.memory_space<vmem>> -> memref<1x128xi32, #tpu.memory_space<vmem>>
        %dma_wait3A_456 = tpu.memref_squeeze %dma_wait3A_455 : memref<1x128xi32, #tpu.memory_space<vmem>> -> memref<128xi32, #tpu.memory_space<vmem>>
        %dma_wait3A_457 = arith.constant 0 : i32
        %dma_wait3A_458 = arith.constant 0 : i32
        %dma_wait3A_459 = tpu.memref_slice %arg11[%dma_wait3A_457, %dma_wait3A_458] : memref<10112x16xf32, #tpu.memory_space<vmem_shared>> -> memref<10112x16xf32, #tpu.memory_space<vmem_shared>>
        %dma_wait3A_460 = tpu.memref_slice %arg13[%cond3A_413] : memref<8x!tpu.dma_semaphore, #tpu.memory_space<semaphore_mem>> -> memref<1x!tpu.dma_semaphore, #tpu.memory_space<semaphore_mem>>
        %dma_wait3A_461 = tpu.memref_squeeze %dma_wait3A_460 : memref<1x!tpu.dma_semaphore, #tpu.memory_space<semaphore_mem>> -> memref<!tpu.dma_semaphore, #tpu.memory_space<semaphore_mem>>
        tpu.wait_indirect_dma semaphore(%dma_wait3A_461 : memref<!tpu.dma_semaphore, #tpu.memory_space<semaphore_mem>>) src(%dma_wait3A_453 : memref<128x16xf32, #tpu.memory_space<vmem>>) dst(%dma_wait3A_459 : memref<10112x16xf32, #tpu.memory_space<vmem_shared>>)
        %dma_wait3A_462 = arith.constant 0 : i32
        %dma_wait3A_463 = arith.constant 0 : i32
        %dma_wait3A_464 = tpu.memref_slice %arg9[%cond3A_414, %dma_wait3A_462, %dma_wait3A_463] : memref<8x128x16xf32, #tpu.memory_space<vmem>> -> memref<1x128x16xf32, #tpu.memory_space<vmem>>
        %dma_wait3A_465 = tpu.memref_squeeze %dma_wait3A_464 : memref<1x128x16xf32, #tpu.memory_space<vmem>> -> memref<128x16xf32, #tpu.memory_space<vmem>>
        %dma_wait3A_466 = arith.constant 0 : i32
        %dma_wait3A_467 = tpu.memref_slice %arg8[%add3A_227, %dma_wait3A_466] : memref<80x128xi32, #tpu.memory_space<vmem>> -> memref<1x128xi32, #tpu.memory_space<vmem>>
        %dma_wait3A_468 = tpu.memref_squeeze %dma_wait3A_467 : memref<1x128xi32, #tpu.memory_space<vmem>> -> memref<128xi32, #tpu.memory_space<vmem>>
        %dma_wait3A_469 = arith.constant 0 : i32
        %dma_wait3A_470 = arith.constant 0 : i32
        %dma_wait3A_471 = tpu.memref_slice %arg11[%dma_wait3A_469, %dma_wait3A_470] : memref<10112x16xf32, #tpu.memory_space<vmem_shared>> -> memref<10112x16xf32, #tpu.memory_space<vmem_shared>>
        %dma_wait3A_472 = tpu.memref_slice %arg13[%cond3A_415] : memref<8x!tpu.dma_semaphore, #tpu.memory_space<semaphore_mem>> -> memref<1x!tpu.dma_semaphore, #tpu.memory_space<semaphore_mem>>
        %dma_wait3A_473 = tpu.memref_squeeze %dma_wait3A_472 : memref<1x!tpu.dma_semaphore, #tpu.memory_space<semaphore_mem>> -> memref<!tpu.dma_semaphore, #tpu.memory_space<semaphore_mem>>
        tpu.wait_indirect_dma semaphore(%dma_wait3A_473 : memref<!tpu.dma_semaphore, #tpu.memory_space<semaphore_mem>>) src(%dma_wait3A_465 : memref<128x16xf32, #tpu.memory_space<vmem>>) dst(%dma_wait3A_471 : memref<10112x16xf32, #tpu.memory_space<vmem_shared>>)
        %dma_wait3A_474 = arith.constant 0 : i32
        %dma_wait3A_475 = arith.constant 0 : i32
        %dma_wait3A_476 = tpu.memref_slice %arg9[%cond3A_416, %dma_wait3A_474, %dma_wait3A_475] : memref<8x128x16xf32, #tpu.memory_space<vmem>> -> memref<1x128x16xf32, #tpu.memory_space<vmem>>
        %dma_wait3A_477 = tpu.memref_squeeze %dma_wait3A_476 : memref<1x128x16xf32, #tpu.memory_space<vmem>> -> memref<128x16xf32, #tpu.memory_space<vmem>>
        %dma_wait3A_478 = arith.constant 0 : i32
        %dma_wait3A_479 = tpu.memref_slice %arg8[%add3A_259, %dma_wait3A_478] : memref<80x128xi32, #tpu.memory_space<vmem>> -> memref<1x128xi32, #tpu.memory_space<vmem>>
        %dma_wait3A_480 = tpu.memref_squeeze %dma_wait3A_479 : memref<1x128xi32, #tpu.memory_space<vmem>> -> memref<128xi32, #tpu.memory_space<vmem>>
        %dma_wait3A_481 = arith.constant 0 : i32
        %dma_wait3A_482 = arith.constant 0 : i32
        %dma_wait3A_483 = tpu.memref_slice %arg11[%dma_wait3A_481, %dma_wait3A_482] : memref<10112x16xf32, #tpu.memory_space<vmem_shared>> -> memref<10112x16xf32, #tpu.memory_space<vmem_shared>>
        %dma_wait3A_484 = tpu.memref_slice %arg13[%cond3A_417] : memref<8x!tpu.dma_semaphore, #tpu.memory_space<semaphore_mem>> -> memref<1x!tpu.dma_semaphore, #tpu.memory_space<semaphore_mem>>
        %dma_wait3A_485 = tpu.memref_squeeze %dma_wait3A_484 : memref<1x!tpu.dma_semaphore, #tpu.memory_space<semaphore_mem>> -> memref<!tpu.dma_semaphore, #tpu.memory_space<semaphore_mem>>
        tpu.wait_indirect_dma semaphore(%dma_wait3A_485 : memref<!tpu.dma_semaphore, #tpu.memory_space<semaphore_mem>>) src(%dma_wait3A_477 : memref<128x16xf32, #tpu.memory_space<vmem>>) dst(%dma_wait3A_483 : memref<10112x16xf32, #tpu.memory_space<vmem_shared>>)
        %dma_wait3A_486 = arith.constant 0 : i32
        %dma_wait3A_487 = arith.constant 0 : i32
        %dma_wait3A_488 = tpu.memref_slice %arg9[%cond3A_418, %dma_wait3A_486, %dma_wait3A_487] : memref<8x128x16xf32, #tpu.memory_space<vmem>> -> memref<1x128x16xf32, #tpu.memory_space<vmem>>
        %dma_wait3A_489 = tpu.memref_squeeze %dma_wait3A_488 : memref<1x128x16xf32, #tpu.memory_space<vmem>> -> memref<128x16xf32, #tpu.memory_space<vmem>>
        %dma_wait3A_490 = arith.constant 0 : i32
        %dma_wait3A_491 = tpu.memref_slice %arg8[%add3A_291, %dma_wait3A_490] : memref<80x128xi32, #tpu.memory_space<vmem>> -> memref<1x128xi32, #tpu.memory_space<vmem>>
        %dma_wait3A_492 = tpu.memref_squeeze %dma_wait3A_491 : memref<1x128xi32, #tpu.memory_space<vmem>> -> memref<128xi32, #tpu.memory_space<vmem>>
        %dma_wait3A_493 = arith.constant 0 : i32
        %dma_wait3A_494 = arith.constant 0 : i32
        %dma_wait3A_495 = tpu.memref_slice %arg11[%dma_wait3A_493, %dma_wait3A_494] : memref<10112x16xf32, #tpu.memory_space<vmem_shared>> -> memref<10112x16xf32, #tpu.memory_space<vmem_shared>>
        %dma_wait3A_496 = tpu.memref_slice %arg13[%cond3A_419] : memref<8x!tpu.dma_semaphore, #tpu.memory_space<semaphore_mem>> -> memref<1x!tpu.dma_semaphore, #tpu.memory_space<semaphore_mem>>
        %dma_wait3A_497 = tpu.memref_squeeze %dma_wait3A_496 : memref<1x!tpu.dma_semaphore, #tpu.memory_space<semaphore_mem>> -> memref<!tpu.dma_semaphore, #tpu.memory_space<semaphore_mem>>
        tpu.wait_indirect_dma semaphore(%dma_wait3A_497 : memref<!tpu.dma_semaphore, #tpu.memory_space<semaphore_mem>>) src(%dma_wait3A_489 : memref<128x16xf32, #tpu.memory_space<vmem>>) dst(%dma_wait3A_495 : memref<10112x16xf32, #tpu.memory_space<vmem_shared>>)
        %dma_wait3A_498 = arith.constant 0 : i32
        %dma_wait3A_499 = arith.constant 0 : i32
        %dma_wait3A_500 = tpu.memref_slice %arg9[%cond3A_420, %dma_wait3A_498, %dma_wait3A_499] : memref<8x128x16xf32, #tpu.memory_space<vmem>> -> memref<1x128x16xf32, #tpu.memory_space<vmem>>
        %dma_wait3A_501 = tpu.memref_squeeze %dma_wait3A_500 : memref<1x128x16xf32, #tpu.memory_space<vmem>> -> memref<128x16xf32, #tpu.memory_space<vmem>>
        %dma_wait3A_502 = arith.constant 0 : i32
        %dma_wait3A_503 = tpu.memref_slice %arg8[%add3A_323, %dma_wait3A_502] : memref<80x128xi32, #tpu.memory_space<vmem>> -> memref<1x128xi32, #tpu.memory_space<vmem>>
        %dma_wait3A_504 = tpu.memref_squeeze %dma_wait3A_503 : memref<1x128xi32, #tpu.memory_space<vmem>> -> memref<128xi32, #tpu.memory_space<vmem>>
        %dma_wait3A_505 = arith.constant 0 : i32
        %dma_wait3A_506 = arith.constant 0 : i32
        %dma_wait3A_507 = tpu.memref_slice %arg11[%dma_wait3A_505, %dma_wait3A_506] : memref<10112x16xf32, #tpu.memory_space<vmem_shared>> -> memref<10112x16xf32, #tpu.memory_space<vmem_shared>>
        %dma_wait3A_508 = tpu.memref_slice %arg13[%cond3A_421] : memref<8x!tpu.dma_semaphore, #tpu.memory_space<semaphore_mem>> -> memref<1x!tpu.dma_semaphore, #tpu.memory_space<semaphore_mem>>
        %dma_wait3A_509 = tpu.memref_squeeze %dma_wait3A_508 : memref<1x!tpu.dma_semaphore, #tpu.memory_space<semaphore_mem>> -> memref<!tpu.dma_semaphore, #tpu.memory_space<semaphore_mem>>
        tpu.wait_indirect_dma semaphore(%dma_wait3A_509 : memref<!tpu.dma_semaphore, #tpu.memory_space<semaphore_mem>>) src(%dma_wait3A_501 : memref<128x16xf32, #tpu.memory_space<vmem>>) dst(%dma_wait3A_507 : memref<10112x16xf32, #tpu.memory_space<vmem_shared>>)
        %dma_wait3A_510 = arith.constant 0 : i32
        %dma_wait3A_511 = arith.constant 0 : i32
        %dma_wait3A_512 = tpu.memref_slice %arg9[%cond3A_422, %dma_wait3A_510, %dma_wait3A_511] : memref<8x128x16xf32, #tpu.memory_space<vmem>> -> memref<1x128x16xf32, #tpu.memory_space<vmem>>
        %dma_wait3A_513 = tpu.memref_squeeze %dma_wait3A_512 : memref<1x128x16xf32, #tpu.memory_space<vmem>> -> memref<128x16xf32, #tpu.memory_space<vmem>>
        %dma_wait3A_514 = arith.constant 0 : i32
        %dma_wait3A_515 = tpu.memref_slice %arg8[%add3A_355, %dma_wait3A_514] : memref<80x128xi32, #tpu.memory_space<vmem>> -> memref<1x128xi32, #tpu.memory_space<vmem>>
        %dma_wait3A_516 = tpu.memref_squeeze %dma_wait3A_515 : memref<1x128xi32, #tpu.memory_space<vmem>> -> memref<128xi32, #tpu.memory_space<vmem>>
        %dma_wait3A_517 = arith.constant 0 : i32
        %dma_wait3A_518 = arith.constant 0 : i32
        %dma_wait3A_519 = tpu.memref_slice %arg11[%dma_wait3A_517, %dma_wait3A_518] : memref<10112x16xf32, #tpu.memory_space<vmem_shared>> -> memref<10112x16xf32, #tpu.memory_space<vmem_shared>>
        %dma_wait3A_520 = tpu.memref_slice %arg13[%cond3A_423] : memref<8x!tpu.dma_semaphore, #tpu.memory_space<semaphore_mem>> -> memref<1x!tpu.dma_semaphore, #tpu.memory_space<semaphore_mem>>
        %dma_wait3A_521 = tpu.memref_squeeze %dma_wait3A_520 : memref<1x!tpu.dma_semaphore, #tpu.memory_space<semaphore_mem>> -> memref<!tpu.dma_semaphore, #tpu.memory_space<semaphore_mem>>
        tpu.wait_indirect_dma semaphore(%dma_wait3A_521 : memref<!tpu.dma_semaphore, #tpu.memory_space<semaphore_mem>>) src(%dma_wait3A_513 : memref<128x16xf32, #tpu.memory_space<vmem>>) dst(%dma_wait3A_519 : memref<10112x16xf32, #tpu.memory_space<vmem_shared>>)
      } else {
      }
    }
    %scan3A_126 = arith.constant 10 : i32
    %barrier3A_127 = arith.constant 0 : index
    tpu.barrier barrier_id(%barrier3A_127)
    "tpu.region"() ({
      %run_scoped3A = tpu.sem_alloc : memref<!tpu.dma_semaphore, #tpu.memory_space<semaphore_mem>>
      %dma_start3A_128 = arith.constant 0 : i32
      %dma_start3A_129 = tpu.memref_slice %arg11[%mul3A_2, %dma_start3A_128] : memref<10112x16xf32, #tpu.memory_space<vmem_shared>> -> memref<632x16xf32, #tpu.memory_space<vmem_shared>>
      %dma_start3A_130 = arith.constant 0 : i32
      %dma_start3A_131 = tpu.memref_slice %arg11[%mul3A_2, %dma_start3A_130] : memref<10112x16xf32, #tpu.memory_space<vmem_shared>> -> memref<632x16xf32, #tpu.memory_space<vmem_shared>>
      tpu.enqueue_dma source(%dma_start3A_131 : memref<632x16xf32, #tpu.memory_space<vmem_shared>>) target(%arg10 : memref<632x16xf32, #tpu.memory_space<vmem>>) target_semaphore(%run_scoped3A : memref<!tpu.dma_semaphore, #tpu.memory_space<semaphore_mem>>)
      %dma_wait3A = arith.constant 0 : i32
      %dma_wait3A_132 = tpu.memref_slice %arg11[%mul3A_2, %dma_wait3A] : memref<10112x16xf32, #tpu.memory_space<vmem_shared>> -> memref<632x16xf32, #tpu.memory_space<vmem_shared>>
      %dma_wait3A_133 = arith.constant 0 : i32
      %dma_wait3A_134 = tpu.memref_slice %arg11[%mul3A_2, %dma_wait3A_133] : memref<10112x16xf32, #tpu.memory_space<vmem_shared>> -> memref<632x16xf32, #tpu.memory_space<vmem_shared>>
      tpu.wait_dma2 semaphore(%run_scoped3A : memref<!tpu.dma_semaphore, #tpu.memory_space<semaphore_mem>>) src(%dma_wait3A_134 : memref<632x16xf32, #tpu.memory_space<vmem_shared>>) dst(%arg10 : memref<632x16xf32, #tpu.memory_space<vmem>>)
      tpu.yield
    }) : () -> ()
    "tpu.region"() ({
      %run_scoped3A = tpu.sem_alloc : memref<!tpu.dma_semaphore, #tpu.memory_space<semaphore_mem>>
      %dma_start3A_128 = arith.constant 0 : i32
      %dma_start3A_129 = arith.constant 0 : i32
      %dma_start3A_130 = tpu.memref_slice %arg6[%arg0, %dma_start3A_128, %dma_start3A_129] : memref<2x10112x16xf32, #tpu.memory_space<hbm>> -> memref<1x10112x16xf32, #tpu.memory_space<hbm>>
      %dma_start3A_131 = tpu.memref_squeeze %dma_start3A_130 : memref<1x10112x16xf32, #tpu.memory_space<hbm>> -> memref<10112x16xf32, #tpu.memory_space<hbm>>
      %dma_start3A_132 = arith.constant 0 : i32
      %dma_start3A_133 = tpu.memref_slice %dma_start3A_131[%mul3A_2, %dma_start3A_132] : memref<10112x16xf32, #tpu.memory_space<hbm>> -> memref<632x16xf32, #tpu.memory_space<hbm>>
      %dma_start3A_134 = arith.constant 0 : i32
      %dma_start3A_135 = arith.constant 0 : i32
      %dma_start3A_136 = tpu.memref_slice %arg6[%arg0, %dma_start3A_134, %dma_start3A_135] : memref<2x10112x16xf32, #tpu.memory_space<hbm>> -> memref<1x10112x16xf32, #tpu.memory_space<hbm>>
      %dma_start3A_137 = tpu.memref_squeeze %dma_start3A_136 : memref<1x10112x16xf32, #tpu.memory_space<hbm>> -> memref<10112x16xf32, #tpu.memory_space<hbm>>
      %dma_start3A_138 = arith.constant 0 : i32
      %dma_start3A_139 = tpu.memref_slice %dma_start3A_137[%mul3A_2, %dma_start3A_138] : memref<10112x16xf32, #tpu.memory_space<hbm>> -> memref<632x16xf32, #tpu.memory_space<hbm>>
      tpu.enqueue_dma source(%arg10 : memref<632x16xf32, #tpu.memory_space<vmem>>) target(%dma_start3A_139 : memref<632x16xf32, #tpu.memory_space<hbm>>) target_semaphore(%run_scoped3A : memref<!tpu.dma_semaphore, #tpu.memory_space<semaphore_mem>>)
      %dma_wait3A = arith.constant 0 : i32
      %dma_wait3A_140 = arith.constant 0 : i32
      %dma_wait3A_141 = tpu.memref_slice %arg6[%arg0, %dma_wait3A, %dma_wait3A_140] : memref<2x10112x16xf32, #tpu.memory_space<hbm>> -> memref<1x10112x16xf32, #tpu.memory_space<hbm>>
      %dma_wait3A_142 = tpu.memref_squeeze %dma_wait3A_141 : memref<1x10112x16xf32, #tpu.memory_space<hbm>> -> memref<10112x16xf32, #tpu.memory_space<hbm>>
      %dma_wait3A_143 = arith.constant 0 : i32
      %dma_wait3A_144 = tpu.memref_slice %dma_wait3A_142[%mul3A_2, %dma_wait3A_143] : memref<10112x16xf32, #tpu.memory_space<hbm>> -> memref<632x16xf32, #tpu.memory_space<hbm>>
      %dma_wait3A_145 = arith.constant 0 : i32
      %dma_wait3A_146 = arith.constant 0 : i32
      %dma_wait3A_147 = tpu.memref_slice %arg6[%arg0, %dma_wait3A_145, %dma_wait3A_146] : memref<2x10112x16xf32, #tpu.memory_space<hbm>> -> memref<1x10112x16xf32, #tpu.memory_space<hbm>>
      %dma_wait3A_148 = tpu.memref_squeeze %dma_wait3A_147 : memref<1x10112x16xf32, #tpu.memory_space<hbm>> -> memref<10112x16xf32, #tpu.memory_space<hbm>>
      %dma_wait3A_149 = arith.constant 0 : i32
      %dma_wait3A_150 = tpu.memref_slice %dma_wait3A_148[%mul3A_2, %dma_wait3A_149] : memref<10112x16xf32, #tpu.memory_space<hbm>> -> memref<632x16xf32, #tpu.memory_space<hbm>>
      tpu.wait_dma2 semaphore(%run_scoped3A : memref<!tpu.dma_semaphore, #tpu.memory_space<semaphore_mem>>) src(%arg10 : memref<632x16xf32, #tpu.memory_space<vmem>>) dst(%dma_wait3A_150 : memref<632x16xf32, #tpu.memory_space<hbm>>)
      tpu.yield
    }) : () -> ()
    return
  }
}

#map = affine_map<(d0, d1) -> (0, 0)>
#map1 = affine_map<(d0, d1) -> (0, 0, 0)>
module attributes {stable_mosaic.version = 14 : i64} {
  func.func @agg(%arg0: i32, %arg1: i32, %arg2: memref<10000x2xf32, #tpu.memory_space<hbm>>, %arg3: memref<32x80x128xi32, #tpu.memory_space<hbm>>, %arg4: memref<32x80x128xi32, #tpu.memory_space<hbm>>, %arg5: memref<10112x2xf32, #tpu.memory_space<hbm>>, %arg6: memref<2x10112x2xf32, #tpu.memory_space<hbm>>, %arg7: memref<80x128xi32, #tpu.memory_space<vmem>>, %arg8: memref<80x128xi32, #tpu.memory_space<vmem>>, %arg9: memref<8x128x2xf32, #tpu.memory_space<vmem>>, %arg10: memref<632x2xf32, #tpu.memory_space<vmem>>, %arg11: memref<10112x2xf32, #tpu.memory_space<vmem_shared>>, %arg12: memref<8x!tpu.dma_semaphore, #tpu.memory_space<semaphore_mem>>, %arg13: memref<8x!tpu.dma_semaphore, #tpu.memory_space<semaphore_mem>>) attributes {dimension_semantics = [#tpu.dimension_semantics<core_parallel>, #tpu.dimension_semantics<subcore_parallel>], iteration_bounds = array<i64: 2, 16>, scalar_prefetch = 0 : i64, scratch_operands = 7 : i64, tpu.core_type = #tpu.core_type<sc_vector_subcore>, window_params = [{transform_indices = #map}, {transform_indices = #map1}, {transform_indices = #map1}, {transform_indices = #map}, {transform_indices = #map1}]} {
    %mul3A = arith.constant 2 : i32
    %mul3A_0 = arith.muli %arg1, %mul3A : i32
    %add3A = arith.addi %mul3A_0, %arg0 : i32
    %mul3A_1 = arith.constant 632 : i32
    %mul3A_2 = arith.muli %arg1, %mul3A_1 : i32
    "tpu.region"() ({
      %run_scoped3A = tpu.sem_alloc : memref<!tpu.dma_semaphore, #tpu.memory_space<semaphore_mem>>
      %dma_start3A_128 = arith.constant 0 : i32
      %dma_start3A_129 = tpu.memref_slice %arg5[%mul3A_2, %dma_start3A_128] : memref<10112x2xf32, #tpu.memory_space<hbm>> -> memref<632x2xf32, #tpu.memory_space<hbm>>
      %dma_start3A_130 = arith.constant 0 : i32
      %dma_start3A_131 = tpu.memref_slice %arg5[%mul3A_2, %dma_start3A_130] : memref<10112x2xf32, #tpu.memory_space<hbm>> -> memref<632x2xf32, #tpu.memory_space<hbm>>
      tpu.enqueue_dma source(%dma_start3A_131 : memref<632x2xf32, #tpu.memory_space<hbm>>) target(%arg10 : memref<632x2xf32, #tpu.memory_space<vmem>>) target_semaphore(%run_scoped3A : memref<!tpu.dma_semaphore, #tpu.memory_space<semaphore_mem>>)
      %dma_wait3A = arith.constant 0 : i32
      %dma_wait3A_132 = tpu.memref_slice %arg5[%mul3A_2, %dma_wait3A] : memref<10112x2xf32, #tpu.memory_space<hbm>> -> memref<632x2xf32, #tpu.memory_space<hbm>>
      %dma_wait3A_133 = arith.constant 0 : i32
      %dma_wait3A_134 = tpu.memref_slice %arg5[%mul3A_2, %dma_wait3A_133] : memref<10112x2xf32, #tpu.memory_space<hbm>> -> memref<632x2xf32, #tpu.memory_space<hbm>>
      tpu.wait_dma2 semaphore(%run_scoped3A : memref<!tpu.dma_semaphore, #tpu.memory_space<semaphore_mem>>) src(%dma_wait3A_134 : memref<632x2xf32, #tpu.memory_space<hbm>>) dst(%arg10 : memref<632x2xf32, #tpu.memory_space<vmem>>)
      tpu.yield
    }) : () -> ()
    "tpu.region"() ({
      %run_scoped3A = tpu.sem_alloc : memref<!tpu.dma_semaphore, #tpu.memory_space<semaphore_mem>>
      %dma_start3A_128 = arith.constant 0 : i32
      %dma_start3A_129 = tpu.memref_slice %arg11[%mul3A_2, %dma_start3A_128] : memref<10112x2xf32, #tpu.memory_space<vmem_shared>> -> memref<632x2xf32, #tpu.memory_space<vmem_shared>>
      %dma_start3A_130 = arith.constant 0 : i32
      %dma_start3A_131 = tpu.memref_slice %arg11[%mul3A_2, %dma_start3A_130] : memref<10112x2xf32, #tpu.memory_space<vmem_shared>> -> memref<632x2xf32, #tpu.memory_space<vmem_shared>>
      tpu.enqueue_dma source(%arg10 : memref<632x2xf32, #tpu.memory_space<vmem>>) target(%dma_start3A_131 : memref<632x2xf32, #tpu.memory_space<vmem_shared>>) target_semaphore(%run_scoped3A : memref<!tpu.dma_semaphore, #tpu.memory_space<semaphore_mem>>)
      %dma_wait3A = arith.constant 0 : i32
      %dma_wait3A_132 = tpu.memref_slice %arg11[%mul3A_2, %dma_wait3A] : memref<10112x2xf32, #tpu.memory_space<vmem_shared>> -> memref<632x2xf32, #tpu.memory_space<vmem_shared>>
      %dma_wait3A_133 = arith.constant 0 : i32
      %dma_wait3A_134 = tpu.memref_slice %arg11[%mul3A_2, %dma_wait3A_133] : memref<10112x2xf32, #tpu.memory_space<vmem_shared>> -> memref<632x2xf32, #tpu.memory_space<vmem_shared>>
      tpu.wait_dma2 semaphore(%run_scoped3A : memref<!tpu.dma_semaphore, #tpu.memory_space<semaphore_mem>>) src(%arg10 : memref<632x2xf32, #tpu.memory_space<vmem>>) dst(%dma_wait3A_134 : memref<632x2xf32, #tpu.memory_space<vmem_shared>>)
      tpu.yield
    }) : () -> ()
    "tpu.region"() ({
      %run_scoped3A = tpu.sem_alloc : memref<!tpu.dma_semaphore, #tpu.memory_space<semaphore_mem>>
      %dma_start3A_128 = arith.constant 0 : i32
      %dma_start3A_129 = arith.constant 0 : i32
      %dma_start3A_130 = tpu.memref_slice %arg3[%add3A, %dma_start3A_128, %dma_start3A_129] : memref<32x80x128xi32, #tpu.memory_space<hbm>> -> memref<1x80x128xi32, #tpu.memory_space<hbm>>
      %dma_start3A_131 = tpu.memref_squeeze %dma_start3A_130 : memref<1x80x128xi32, #tpu.memory_space<hbm>> -> memref<80x128xi32, #tpu.memory_space<hbm>>
      %dma_start3A_132 = arith.constant 0 : i32
      %dma_start3A_133 = arith.constant 0 : i32
      %dma_start3A_134 = tpu.memref_slice %arg3[%add3A, %dma_start3A_132, %dma_start3A_133] : memref<32x80x128xi32, #tpu.memory_space<hbm>> -> memref<1x80x128xi32, #tpu.memory_space<hbm>>
      %dma_start3A_135 = tpu.memref_squeeze %dma_start3A_134 : memref<1x80x128xi32, #tpu.memory_space<hbm>> -> memref<80x128xi32, #tpu.memory_space<hbm>>
      tpu.enqueue_dma source(%dma_start3A_135 : memref<80x128xi32, #tpu.memory_space<hbm>>) target(%arg7 : memref<80x128xi32, #tpu.memory_space<vmem>>) target_semaphore(%run_scoped3A : memref<!tpu.dma_semaphore, #tpu.memory_space<semaphore_mem>>)
      %dma_wait3A = arith.constant 0 : i32
      %dma_wait3A_136 = arith.constant 0 : i32
      %dma_wait3A_137 = tpu.memref_slice %arg3[%add3A, %dma_wait3A, %dma_wait3A_136] : memref<32x80x128xi32, #tpu.memory_space<hbm>> -> memref<1x80x128xi32, #tpu.memory_space<hbm>>
      %dma_wait3A_138 = tpu.memref_squeeze %dma_wait3A_137 : memref<1x80x128xi32, #tpu.memory_space<hbm>> -> memref<80x128xi32, #tpu.memory_space<hbm>>
      %dma_wait3A_139 = arith.constant 0 : i32
      %dma_wait3A_140 = arith.constant 0 : i32
      %dma_wait3A_141 = tpu.memref_slice %arg3[%add3A, %dma_wait3A_139, %dma_wait3A_140] : memref<32x80x128xi32, #tpu.memory_space<hbm>> -> memref<1x80x128xi32, #tpu.memory_space<hbm>>
      %dma_wait3A_142 = tpu.memref_squeeze %dma_wait3A_141 : memref<1x80x128xi32, #tpu.memory_space<hbm>> -> memref<80x128xi32, #tpu.memory_space<hbm>>
      tpu.wait_dma2 semaphore(%run_scoped3A : memref<!tpu.dma_semaphore, #tpu.memory_space<semaphore_mem>>) src(%dma_wait3A_142 : memref<80x128xi32, #tpu.memory_space<hbm>>) dst(%arg7 : memref<80x128xi32, #tpu.memory_space<vmem>>)
      tpu.yield
    }) : () -> ()
    "tpu.region"() ({
      %run_scoped3A = tpu.sem_alloc : memref<!tpu.dma_semaphore, #tpu.memory_space<semaphore_mem>>
      %dma_start3A_128 = arith.constant 0 : i32
      %dma_start3A_129 = arith.constant 0 : i32
      %dma_start3A_130 = tpu.memref_slice %arg4[%add3A, %dma_start3A_128, %dma_start3A_129] : memref<32x80x128xi32, #tpu.memory_space<hbm>> -> memref<1x80x128xi32, #tpu.memory_space<hbm>>
      %dma_start3A_131 = tpu.memref_squeeze %dma_start3A_130 : memref<1x80x128xi32, #tpu.memory_space<hbm>> -> memref<80x128xi32, #tpu.memory_space<hbm>>
      %dma_start3A_132 = arith.constant 0 : i32
      %dma_start3A_133 = arith.constant 0 : i32
      %dma_start3A_134 = tpu.memref_slice %arg4[%add3A, %dma_start3A_132, %dma_start3A_133] : memref<32x80x128xi32, #tpu.memory_space<hbm>> -> memref<1x80x128xi32, #tpu.memory_space<hbm>>
      %dma_start3A_135 = tpu.memref_squeeze %dma_start3A_134 : memref<1x80x128xi32, #tpu.memory_space<hbm>> -> memref<80x128xi32, #tpu.memory_space<hbm>>
      tpu.enqueue_dma source(%dma_start3A_135 : memref<80x128xi32, #tpu.memory_space<hbm>>) target(%arg8 : memref<80x128xi32, #tpu.memory_space<vmem>>) target_semaphore(%run_scoped3A : memref<!tpu.dma_semaphore, #tpu.memory_space<semaphore_mem>>)
      %dma_wait3A = arith.constant 0 : i32
      %dma_wait3A_136 = arith.constant 0 : i32
      %dma_wait3A_137 = tpu.memref_slice %arg4[%add3A, %dma_wait3A, %dma_wait3A_136] : memref<32x80x128xi32, #tpu.memory_space<hbm>> -> memref<1x80x128xi32, #tpu.memory_space<hbm>>
      %dma_wait3A_138 = tpu.memref_squeeze %dma_wait3A_137 : memref<1x80x128xi32, #tpu.memory_space<hbm>> -> memref<80x128xi32, #tpu.memory_space<hbm>>
      %dma_wait3A_139 = arith.constant 0 : i32
      %dma_wait3A_140 = arith.constant 0 : i32
      %dma_wait3A_141 = tpu.memref_slice %arg4[%add3A, %dma_wait3A_139, %dma_wait3A_140] : memref<32x80x128xi32, #tpu.memory_space<hbm>> -> memref<1x80x128xi32, #tpu.memory_space<hbm>>
      %dma_wait3A_142 = tpu.memref_squeeze %dma_wait3A_141 : memref<1x80x128xi32, #tpu.memory_space<hbm>> -> memref<80x128xi32, #tpu.memory_space<hbm>>
      tpu.wait_dma2 semaphore(%run_scoped3A : memref<!tpu.dma_semaphore, #tpu.memory_space<semaphore_mem>>) src(%dma_wait3A_142 : memref<80x128xi32, #tpu.memory_space<hbm>>) dst(%arg8 : memref<80x128xi32, #tpu.memory_space<vmem>>)
      tpu.yield
    }) : () -> ()
    %dma_start3A = arith.constant 0 : i32
    %dma_start3A_3 = arith.constant 0 : i32
    %dma_start3A_4 = arith.constant 0 : i32
    %dma_start3A_5 = arith.constant 0 : i32
    %dma_start3A_6 = arith.constant 0 : i32
    %dma_start3A_7 = tpu.memref_slice %arg9[%dma_start3A_3, %dma_start3A_5, %dma_start3A_6] : memref<8x128x2xf32, #tpu.memory_space<vmem>> -> memref<1x128x2xf32, #tpu.memory_space<vmem>>
    %dma_start3A_8 = tpu.memref_squeeze %dma_start3A_7 : memref<1x128x2xf32, #tpu.memory_space<vmem>> -> memref<128x2xf32, #tpu.memory_space<vmem>>
    %dma_start3A_9 = arith.constant 0 : i32
    %dma_start3A_10 = tpu.memref_slice %arg7[%dma_start3A, %dma_start3A_9] : memref<80x128xi32, #tpu.memory_space<vmem>> -> memref<1x128xi32, #tpu.memory_space<vmem>>
    %dma_start3A_11 = tpu.memref_squeeze %dma_start3A_10 : memref<1x128xi32, #tpu.memory_space<vmem>> -> memref<128xi32, #tpu.memory_space<vmem>>
    %dma_start3A_12 = arith.constant 0 : i32
    %dma_start3A_13 = arith.constant 0 : i32
    %dma_start3A_14 = tpu.memref_slice %arg2[%dma_start3A_12, %dma_start3A_13] : memref<10000x2xf32, #tpu.memory_space<hbm>> -> memref<10000x2xf32, #tpu.memory_space<hbm>>
    %dma_start3A_15 = tpu.memref_slice %arg12[%dma_start3A_4] : memref<8x!tpu.dma_semaphore, #tpu.memory_space<semaphore_mem>> -> memref<1x!tpu.dma_semaphore, #tpu.memory_space<semaphore_mem>>
    %dma_start3A_16 = tpu.memref_squeeze %dma_start3A_15 : memref<1x!tpu.dma_semaphore, #tpu.memory_space<semaphore_mem>> -> memref<!tpu.dma_semaphore, #tpu.memory_space<semaphore_mem>>
    tpu.enqueue_indirect_dma source(%dma_start3A_14 : memref<10000x2xf32, #tpu.memory_space<hbm>>) target(%dma_start3A_8 : memref<128x2xf32, #tpu.memory_space<vmem>>) offsets(%dma_start3A_11 : memref<128xi32, #tpu.memory_space<vmem>>) semaphore(%dma_start3A_16 : memref<!tpu.dma_semaphore, #tpu.memory_space<semaphore_mem>>)
    %dma_start3A_17 = arith.constant 1 : i32
    %dma_start3A_18 = arith.constant 1 : i32
    %dma_start3A_19 = arith.constant 1 : i32
    %dma_start3A_20 = arith.constant 0 : i32
    %dma_start3A_21 = arith.constant 0 : i32
    %dma_start3A_22 = tpu.memref_slice %arg9[%dma_start3A_18, %dma_start3A_20, %dma_start3A_21] : memref<8x128x2xf32, #tpu.memory_space<vmem>> -> memref<1x128x2xf32, #tpu.memory_space<vmem>>
    %dma_start3A_23 = tpu.memref_squeeze %dma_start3A_22 : memref<1x128x2xf32, #tpu.memory_space<vmem>> -> memref<128x2xf32, #tpu.memory_space<vmem>>
    %dma_start3A_24 = arith.constant 0 : i32
    %dma_start3A_25 = tpu.memref_slice %arg7[%dma_start3A_17, %dma_start3A_24] : memref<80x128xi32, #tpu.memory_space<vmem>> -> memref<1x128xi32, #tpu.memory_space<vmem>>
    %dma_start3A_26 = tpu.memref_squeeze %dma_start3A_25 : memref<1x128xi32, #tpu.memory_space<vmem>> -> memref<128xi32, #tpu.memory_space<vmem>>
    %dma_start3A_27 = arith.constant 0 : i32
    %dma_start3A_28 = arith.constant 0 : i32
    %dma_start3A_29 = tpu.memref_slice %arg2[%dma_start3A_27, %dma_start3A_28] : memref<10000x2xf32, #tpu.memory_space<hbm>> -> memref<10000x2xf32, #tpu.memory_space<hbm>>
    %dma_start3A_30 = tpu.memref_slice %arg12[%dma_start3A_19] : memref<8x!tpu.dma_semaphore, #tpu.memory_space<semaphore_mem>> -> memref<1x!tpu.dma_semaphore, #tpu.memory_space<semaphore_mem>>
    %dma_start3A_31 = tpu.memref_squeeze %dma_start3A_30 : memref<1x!tpu.dma_semaphore, #tpu.memory_space<semaphore_mem>> -> memref<!tpu.dma_semaphore, #tpu.memory_space<semaphore_mem>>
    tpu.enqueue_indirect_dma source(%dma_start3A_29 : memref<10000x2xf32, #tpu.memory_space<hbm>>) target(%dma_start3A_23 : memref<128x2xf32, #tpu.memory_space<vmem>>) offsets(%dma_start3A_26 : memref<128xi32, #tpu.memory_space<vmem>>) semaphore(%dma_start3A_31 : memref<!tpu.dma_semaphore, #tpu.memory_space<semaphore_mem>>)
    %dma_start3A_32 = arith.constant 2 : i32
    %dma_start3A_33 = arith.constant 2 : i32
    %dma_start3A_34 = arith.constant 2 : i32
    %dma_start3A_35 = arith.constant 0 : i32
    %dma_start3A_36 = arith.constant 0 : i32
    %dma_start3A_37 = tpu.memref_slice %arg9[%dma_start3A_33, %dma_start3A_35, %dma_start3A_36] : memref<8x128x2xf32, #tpu.memory_space<vmem>> -> memref<1x128x2xf32, #tpu.memory_space<vmem>>
    %dma_start3A_38 = tpu.memref_squeeze %dma_start3A_37 : memref<1x128x2xf32, #tpu.memory_space<vmem>> -> memref<128x2xf32, #tpu.memory_space<vmem>>
    %dma_start3A_39 = arith.constant 0 : i32
    %dma_start3A_40 = tpu.memref_slice %arg7[%dma_start3A_32, %dma_start3A_39] : memref<80x128xi32, #tpu.memory_space<vmem>> -> memref<1x128xi32, #tpu.memory_space<vmem>>
    %dma_start3A_41 = tpu.memref_squeeze %dma_start3A_40 : memref<1x128xi32, #tpu.memory_space<vmem>> -> memref<128xi32, #tpu.memory_space<vmem>>
    %dma_start3A_42 = arith.constant 0 : i32
    %dma_start3A_43 = arith.constant 0 : i32
    %dma_start3A_44 = tpu.memref_slice %arg2[%dma_start3A_42, %dma_start3A_43] : memref<10000x2xf32, #tpu.memory_space<hbm>> -> memref<10000x2xf32, #tpu.memory_space<hbm>>
    %dma_start3A_45 = tpu.memref_slice %arg12[%dma_start3A_34] : memref<8x!tpu.dma_semaphore, #tpu.memory_space<semaphore_mem>> -> memref<1x!tpu.dma_semaphore, #tpu.memory_space<semaphore_mem>>
    %dma_start3A_46 = tpu.memref_squeeze %dma_start3A_45 : memref<1x!tpu.dma_semaphore, #tpu.memory_space<semaphore_mem>> -> memref<!tpu.dma_semaphore, #tpu.memory_space<semaphore_mem>>
    tpu.enqueue_indirect_dma source(%dma_start3A_44 : memref<10000x2xf32, #tpu.memory_space<hbm>>) target(%dma_start3A_38 : memref<128x2xf32, #tpu.memory_space<vmem>>) offsets(%dma_start3A_41 : memref<128xi32, #tpu.memory_space<vmem>>) semaphore(%dma_start3A_46 : memref<!tpu.dma_semaphore, #tpu.memory_space<semaphore_mem>>)
    %dma_start3A_47 = arith.constant 3 : i32
    %dma_start3A_48 = arith.constant 3 : i32
    %dma_start3A_49 = arith.constant 3 : i32
    %dma_start3A_50 = arith.constant 0 : i32
    %dma_start3A_51 = arith.constant 0 : i32
    %dma_start3A_52 = tpu.memref_slice %arg9[%dma_start3A_48, %dma_start3A_50, %dma_start3A_51] : memref<8x128x2xf32, #tpu.memory_space<vmem>> -> memref<1x128x2xf32, #tpu.memory_space<vmem>>
    %dma_start3A_53 = tpu.memref_squeeze %dma_start3A_52 : memref<1x128x2xf32, #tpu.memory_space<vmem>> -> memref<128x2xf32, #tpu.memory_space<vmem>>
    %dma_start3A_54 = arith.constant 0 : i32
    %dma_start3A_55 = tpu.memref_slice %arg7[%dma_start3A_47, %dma_start3A_54] : memref<80x128xi32, #tpu.memory_space<vmem>> -> memref<1x128xi32, #tpu.memory_space<vmem>>
    %dma_start3A_56 = tpu.memref_squeeze %dma_start3A_55 : memref<1x128xi32, #tpu.memory_space<vmem>> -> memref<128xi32, #tpu.memory_space<vmem>>
    %dma_start3A_57 = arith.constant 0 : i32
    %dma_start3A_58 = arith.constant 0 : i32
    %dma_start3A_59 = tpu.memref_slice %arg2[%dma_start3A_57, %dma_start3A_58] : memref<10000x2xf32, #tpu.memory_space<hbm>> -> memref<10000x2xf32, #tpu.memory_space<hbm>>
    %dma_start3A_60 = tpu.memref_slice %arg12[%dma_start3A_49] : memref<8x!tpu.dma_semaphore, #tpu.memory_space<semaphore_mem>> -> memref<1x!tpu.dma_semaphore, #tpu.memory_space<semaphore_mem>>
    %dma_start3A_61 = tpu.memref_squeeze %dma_start3A_60 : memref<1x!tpu.dma_semaphore, #tpu.memory_space<semaphore_mem>> -> memref<!tpu.dma_semaphore, #tpu.memory_space<semaphore_mem>>
    tpu.enqueue_indirect_dma source(%dma_start3A_59 : memref<10000x2xf32, #tpu.memory_space<hbm>>) target(%dma_start3A_53 : memref<128x2xf32, #tpu.memory_space<vmem>>) offsets(%dma_start3A_56 : memref<128xi32, #tpu.memory_space<vmem>>) semaphore(%dma_start3A_61 : memref<!tpu.dma_semaphore, #tpu.memory_space<semaphore_mem>>)
    %dma_start3A_62 = arith.constant 4 : i32
    %dma_start3A_63 = arith.constant 4 : i32
    %dma_start3A_64 = arith.constant 4 : i32
    %dma_start3A_65 = arith.constant 0 : i32
    %dma_start3A_66 = arith.constant 0 : i32
    %dma_start3A_67 = tpu.memref_slice %arg9[%dma_start3A_63, %dma_start3A_65, %dma_start3A_66] : memref<8x128x2xf32, #tpu.memory_space<vmem>> -> memref<1x128x2xf32, #tpu.memory_space<vmem>>
    %dma_start3A_68 = tpu.memref_squeeze %dma_start3A_67 : memref<1x128x2xf32, #tpu.memory_space<vmem>> -> memref<128x2xf32, #tpu.memory_space<vmem>>
    %dma_start3A_69 = arith.constant 0 : i32
    %dma_start3A_70 = tpu.memref_slice %arg7[%dma_start3A_62, %dma_start3A_69] : memref<80x128xi32, #tpu.memory_space<vmem>> -> memref<1x128xi32, #tpu.memory_space<vmem>>
    %dma_start3A_71 = tpu.memref_squeeze %dma_start3A_70 : memref<1x128xi32, #tpu.memory_space<vmem>> -> memref<128xi32, #tpu.memory_space<vmem>>
    %dma_start3A_72 = arith.constant 0 : i32
    %dma_start3A_73 = arith.constant 0 : i32
    %dma_start3A_74 = tpu.memref_slice %arg2[%dma_start3A_72, %dma_start3A_73] : memref<10000x2xf32, #tpu.memory_space<hbm>> -> memref<10000x2xf32, #tpu.memory_space<hbm>>
    %dma_start3A_75 = tpu.memref_slice %arg12[%dma_start3A_64] : memref<8x!tpu.dma_semaphore, #tpu.memory_space<semaphore_mem>> -> memref<1x!tpu.dma_semaphore, #tpu.memory_space<semaphore_mem>>
    %dma_start3A_76 = tpu.memref_squeeze %dma_start3A_75 : memref<1x!tpu.dma_semaphore, #tpu.memory_space<semaphore_mem>> -> memref<!tpu.dma_semaphore, #tpu.memory_space<semaphore_mem>>
    tpu.enqueue_indirect_dma source(%dma_start3A_74 : memref<10000x2xf32, #tpu.memory_space<hbm>>) target(%dma_start3A_68 : memref<128x2xf32, #tpu.memory_space<vmem>>) offsets(%dma_start3A_71 : memref<128xi32, #tpu.memory_space<vmem>>) semaphore(%dma_start3A_76 : memref<!tpu.dma_semaphore, #tpu.memory_space<semaphore_mem>>)
    %dma_start3A_77 = arith.constant 5 : i32
    %dma_start3A_78 = arith.constant 5 : i32
    %dma_start3A_79 = arith.constant 5 : i32
    %dma_start3A_80 = arith.constant 0 : i32
    %dma_start3A_81 = arith.constant 0 : i32
    %dma_start3A_82 = tpu.memref_slice %arg9[%dma_start3A_78, %dma_start3A_80, %dma_start3A_81] : memref<8x128x2xf32, #tpu.memory_space<vmem>> -> memref<1x128x2xf32, #tpu.memory_space<vmem>>
    %dma_start3A_83 = tpu.memref_squeeze %dma_start3A_82 : memref<1x128x2xf32, #tpu.memory_space<vmem>> -> memref<128x2xf32, #tpu.memory_space<vmem>>
    %dma_start3A_84 = arith.constant 0 : i32
    %dma_start3A_85 = tpu.memref_slice %arg7[%dma_start3A_77, %dma_start3A_84] : memref<80x128xi32, #tpu.memory_space<vmem>> -> memref<1x128xi32, #tpu.memory_space<vmem>>
    %dma_start3A_86 = tpu.memref_squeeze %dma_start3A_85 : memref<1x128xi32, #tpu.memory_space<vmem>> -> memref<128xi32, #tpu.memory_space<vmem>>
    %dma_start3A_87 = arith.constant 0 : i32
    %dma_start3A_88 = arith.constant 0 : i32
    %dma_start3A_89 = tpu.memref_slice %arg2[%dma_start3A_87, %dma_start3A_88] : memref<10000x2xf32, #tpu.memory_space<hbm>> -> memref<10000x2xf32, #tpu.memory_space<hbm>>
    %dma_start3A_90 = tpu.memref_slice %arg12[%dma_start3A_79] : memref<8x!tpu.dma_semaphore, #tpu.memory_space<semaphore_mem>> -> memref<1x!tpu.dma_semaphore, #tpu.memory_space<semaphore_mem>>
    %dma_start3A_91 = tpu.memref_squeeze %dma_start3A_90 : memref<1x!tpu.dma_semaphore, #tpu.memory_space<semaphore_mem>> -> memref<!tpu.dma_semaphore, #tpu.memory_space<semaphore_mem>>
    tpu.enqueue_indirect_dma source(%dma_start3A_89 : memref<10000x2xf32, #tpu.memory_space<hbm>>) target(%dma_start3A_83 : memref<128x2xf32, #tpu.memory_space<vmem>>) offsets(%dma_start3A_86 : memref<128xi32, #tpu.memory_space<vmem>>) semaphore(%dma_start3A_91 : memref<!tpu.dma_semaphore, #tpu.memory_space<semaphore_mem>>)
    %dma_start3A_92 = arith.constant 6 : i32
    %dma_start3A_93 = arith.constant 6 : i32
    %dma_start3A_94 = arith.constant 6 : i32
    %dma_start3A_95 = arith.constant 0 : i32
    %dma_start3A_96 = arith.constant 0 : i32
    %dma_start3A_97 = tpu.memref_slice %arg9[%dma_start3A_93, %dma_start3A_95, %dma_start3A_96] : memref<8x128x2xf32, #tpu.memory_space<vmem>> -> memref<1x128x2xf32, #tpu.memory_space<vmem>>
    %dma_start3A_98 = tpu.memref_squeeze %dma_start3A_97 : memref<1x128x2xf32, #tpu.memory_space<vmem>> -> memref<128x2xf32, #tpu.memory_space<vmem>>
    %dma_start3A_99 = arith.constant 0 : i32
    %dma_start3A_100 = tpu.memref_slice %arg7[%dma_start3A_92, %dma_start3A_99] : memref<80x128xi32, #tpu.memory_space<vmem>> -> memref<1x128xi32, #tpu.memory_space<vmem>>
    %dma_start3A_101 = tpu.memref_squeeze %dma_start3A_100 : memref<1x128xi32, #tpu.memory_space<vmem>> -> memref<128xi32, #tpu.memory_space<vmem>>
    %dma_start3A_102 = arith.constant 0 : i32
    %dma_start3A_103 = arith.constant 0 : i32
    %dma_start3A_104 = tpu.memref_slice %arg2[%dma_start3A_102, %dma_start3A_103] : memref<10000x2xf32, #tpu.memory_space<hbm>> -> memref<10000x2xf32, #tpu.memory_space<hbm>>
    %dma_start3A_105 = tpu.memref_slice %arg12[%dma_start3A_94] : memref<8x!tpu.dma_semaphore, #tpu.memory_space<semaphore_mem>> -> memref<1x!tpu.dma_semaphore, #tpu.memory_space<semaphore_mem>>
    %dma_start3A_106 = tpu.memref_squeeze %dma_start3A_105 : memref<1x!tpu.dma_semaphore, #tpu.memory_space<semaphore_mem>> -> memref<!tpu.dma_semaphore, #tpu.memory_space<semaphore_mem>>
    tpu.enqueue_indirect_dma source(%dma_start3A_104 : memref<10000x2xf32, #tpu.memory_space<hbm>>) target(%dma_start3A_98 : memref<128x2xf32, #tpu.memory_space<vmem>>) offsets(%dma_start3A_101 : memref<128xi32, #tpu.memory_space<vmem>>) semaphore(%dma_start3A_106 : memref<!tpu.dma_semaphore, #tpu.memory_space<semaphore_mem>>)
    %dma_start3A_107 = arith.constant 7 : i32
    %dma_start3A_108 = arith.constant 7 : i32
    %dma_start3A_109 = arith.constant 7 : i32
    %dma_start3A_110 = arith.constant 0 : i32
    %dma_start3A_111 = arith.constant 0 : i32
    %dma_start3A_112 = tpu.memref_slice %arg9[%dma_start3A_108, %dma_start3A_110, %dma_start3A_111] : memref<8x128x2xf32, #tpu.memory_space<vmem>> -> memref<1x128x2xf32, #tpu.memory_space<vmem>>
    %dma_start3A_113 = tpu.memref_squeeze %dma_start3A_112 : memref<1x128x2xf32, #tpu.memory_space<vmem>> -> memref<128x2xf32, #tpu.memory_space<vmem>>
    %dma_start3A_114 = arith.constant 0 : i32
    %dma_start3A_115 = tpu.memref_slice %arg7[%dma_start3A_107, %dma_start3A_114] : memref<80x128xi32, #tpu.memory_space<vmem>> -> memref<1x128xi32, #tpu.memory_space<vmem>>
    %dma_start3A_116 = tpu.memref_squeeze %dma_start3A_115 : memref<1x128xi32, #tpu.memory_space<vmem>> -> memref<128xi32, #tpu.memory_space<vmem>>
    %dma_start3A_117 = arith.constant 0 : i32
    %dma_start3A_118 = arith.constant 0 : i32
    %dma_start3A_119 = tpu.memref_slice %arg2[%dma_start3A_117, %dma_start3A_118] : memref<10000x2xf32, #tpu.memory_space<hbm>> -> memref<10000x2xf32, #tpu.memory_space<hbm>>
    %dma_start3A_120 = tpu.memref_slice %arg12[%dma_start3A_109] : memref<8x!tpu.dma_semaphore, #tpu.memory_space<semaphore_mem>> -> memref<1x!tpu.dma_semaphore, #tpu.memory_space<semaphore_mem>>
    %dma_start3A_121 = tpu.memref_squeeze %dma_start3A_120 : memref<1x!tpu.dma_semaphore, #tpu.memory_space<semaphore_mem>> -> memref<!tpu.dma_semaphore, #tpu.memory_space<semaphore_mem>>
    tpu.enqueue_indirect_dma source(%dma_start3A_119 : memref<10000x2xf32, #tpu.memory_space<hbm>>) target(%dma_start3A_113 : memref<128x2xf32, #tpu.memory_space<vmem>>) offsets(%dma_start3A_116 : memref<128xi32, #tpu.memory_space<vmem>>) semaphore(%dma_start3A_121 : memref<!tpu.dma_semaphore, #tpu.memory_space<semaphore_mem>>)
    %barrier3A = arith.constant 0 : index
    tpu.barrier barrier_id(%barrier3A)
    %scan3A = arith.constant 0 : i32
    %scan3A_122 = arith.constant 0 : i32
    %scan3A_123 = arith.constant 10 : i32
    %scan3A_124 = arith.addi %scan3A_122, %scan3A_123 : i32
    %scan3A_125 = arith.constant 1 : i32
    scf.for %scan3A_128 = %scan3A_122 to %scan3A_124 step %scan3A_125  : i32 {
      %mul3A_129 = arith.constant 8 : i32
      %mul3A_130 = arith.muli %scan3A_128, %mul3A_129 : i32
      %add3A_131 = arith.constant 0 : i32
      %add3A_132 = arith.addi %mul3A_130, %add3A_131 : i32
      %dma_wait3A = arith.constant 0 : i32
      %dma_wait3A_133 = arith.constant 0 : i32
      %dma_wait3A_134 = arith.constant 0 : i32
      %dma_wait3A_135 = arith.constant 0 : i32
      %dma_wait3A_136 = tpu.memref_slice %arg9[%dma_wait3A, %dma_wait3A_134, %dma_wait3A_135] : memref<8x128x2xf32, #tpu.memory_space<vmem>> -> memref<1x128x2xf32, #tpu.memory_space<vmem>>
      %dma_wait3A_137 = tpu.memref_squeeze %dma_wait3A_136 : memref<1x128x2xf32, #tpu.memory_space<vmem>> -> memref<128x2xf32, #tpu.memory_space<vmem>>
      %dma_wait3A_138 = arith.constant 0 : i32
      %dma_wait3A_139 = tpu.memref_slice %arg7[%add3A_132, %dma_wait3A_138] : memref<80x128xi32, #tpu.memory_space<vmem>> -> memref<1x128xi32, #tpu.memory_space<vmem>>
      %dma_wait3A_140 = tpu.memref_squeeze %dma_wait3A_139 : memref<1x128xi32, #tpu.memory_space<vmem>> -> memref<128xi32, #tpu.memory_space<vmem>>
      %dma_wait3A_141 = arith.constant 0 : i32
      %dma_wait3A_142 = arith.constant 0 : i32
      %dma_wait3A_143 = tpu.memref_slice %arg2[%dma_wait3A_141, %dma_wait3A_142] : memref<10000x2xf32, #tpu.memory_space<hbm>> -> memref<10000x2xf32, #tpu.memory_space<hbm>>
      %dma_wait3A_144 = tpu.memref_slice %arg12[%dma_wait3A_133] : memref<8x!tpu.dma_semaphore, #tpu.memory_space<semaphore_mem>> -> memref<1x!tpu.dma_semaphore, #tpu.memory_space<semaphore_mem>>
      %dma_wait3A_145 = tpu.memref_squeeze %dma_wait3A_144 : memref<1x!tpu.dma_semaphore, #tpu.memory_space<semaphore_mem>> -> memref<!tpu.dma_semaphore, #tpu.memory_space<semaphore_mem>>
      tpu.wait_indirect_dma semaphore(%dma_wait3A_145 : memref<!tpu.dma_semaphore, #tpu.memory_space<semaphore_mem>>) src(%dma_wait3A_143 : memref<10000x2xf32, #tpu.memory_space<hbm>>) dst(%dma_wait3A_137 : memref<128x2xf32, #tpu.memory_space<vmem>>)
      %dma_start3A_146 = arith.constant 0 : i32
      %dma_start3A_147 = arith.constant 0 : i32
      %dma_start3A_148 = arith.constant 0 : i32
      %dma_start3A_149 = arith.constant 0 : i32
      %dma_start3A_150 = tpu.memref_slice %arg9[%dma_start3A_146, %dma_start3A_148, %dma_start3A_149] : memref<8x128x2xf32, #tpu.memory_space<vmem>> -> memref<1x128x2xf32, #tpu.memory_space<vmem>>
      %dma_start3A_151 = tpu.memref_squeeze %dma_start3A_150 : memref<1x128x2xf32, #tpu.memory_space<vmem>> -> memref<128x2xf32, #tpu.memory_space<vmem>>
      %dma_start3A_152 = arith.constant 0 : i32
      %dma_start3A_153 = tpu.memref_slice %arg8[%add3A_132, %dma_start3A_152] : memref<80x128xi32, #tpu.memory_space<vmem>> -> memref<1x128xi32, #tpu.memory_space<vmem>>
      %dma_start3A_154 = tpu.memref_squeeze %dma_start3A_153 : memref<1x128xi32, #tpu.memory_space<vmem>> -> memref<128xi32, #tpu.memory_space<vmem>>
      %dma_start3A_155 = arith.constant 0 : i32
      %dma_start3A_156 = arith.constant 0 : i32
      %dma_start3A_157 = tpu.memref_slice %arg11[%dma_start3A_155, %dma_start3A_156] : memref<10112x2xf32, #tpu.memory_space<vmem_shared>> -> memref<10112x2xf32, #tpu.memory_space<vmem_shared>>
      %dma_start3A_158 = tpu.memref_slice %arg13[%dma_start3A_147] : memref<8x!tpu.dma_semaphore, #tpu.memory_space<semaphore_mem>> -> memref<1x!tpu.dma_semaphore, #tpu.memory_space<semaphore_mem>>
      %dma_start3A_159 = tpu.memref_squeeze %dma_start3A_158 : memref<1x!tpu.dma_semaphore, #tpu.memory_space<semaphore_mem>> -> memref<!tpu.dma_semaphore, #tpu.memory_space<semaphore_mem>>
      tpu.enqueue_indirect_dma source(%dma_start3A_151 : memref<128x2xf32, #tpu.memory_space<vmem>>) target(%dma_start3A_157 : memref<10112x2xf32, #tpu.memory_space<vmem_shared>>) offsets(%dma_start3A_154 : memref<128xi32, #tpu.memory_space<vmem>>) semaphore(%dma_start3A_159 : memref<!tpu.dma_semaphore, #tpu.memory_space<semaphore_mem>>) {add = true}
      %mul3A_160 = arith.constant 8 : i32
      %mul3A_161 = arith.muli %scan3A_128, %mul3A_160 : i32
      %add3A_162 = arith.constant 1 : i32
      %add3A_163 = arith.addi %mul3A_161, %add3A_162 : i32
      %dma_wait3A_164 = arith.constant 1 : i32
      %dma_wait3A_165 = arith.constant 1 : i32
      %dma_wait3A_166 = arith.constant 0 : i32
      %dma_wait3A_167 = arith.constant 0 : i32
      %dma_wait3A_168 = tpu.memref_slice %arg9[%dma_wait3A_164, %dma_wait3A_166, %dma_wait3A_167] : memref<8x128x2xf32, #tpu.memory_space<vmem>> -> memref<1x128x2xf32, #tpu.memory_space<vmem>>
      %dma_wait3A_169 = tpu.memref_squeeze %dma_wait3A_168 : memref<1x128x2xf32, #tpu.memory_space<vmem>> -> memref<128x2xf32, #tpu.memory_space<vmem>>
      %dma_wait3A_170 = arith.constant 0 : i32
      %dma_wait3A_171 = tpu.memref_slice %arg7[%add3A_163, %dma_wait3A_170] : memref<80x128xi32, #tpu.memory_space<vmem>> -> memref<1x128xi32, #tpu.memory_space<vmem>>
      %dma_wait3A_172 = tpu.memref_squeeze %dma_wait3A_171 : memref<1x128xi32, #tpu.memory_space<vmem>> -> memref<128xi32, #tpu.memory_space<vmem>>
      %dma_wait3A_173 = arith.constant 0 : i32
      %dma_wait3A_174 = arith.constant 0 : i32
      %dma_wait3A_175 = tpu.memref_slice %arg2[%dma_wait3A_173, %dma_wait3A_174] : memref<10000x2xf32, #tpu.memory_space<hbm>> -> memref<10000x2xf32, #tpu.memory_space<hbm>>
      %dma_wait3A_176 = tpu.memref_slice %arg12[%dma_wait3A_165] : memref<8x!tpu.dma_semaphore, #tpu.memory_space<semaphore_mem>> -> memref<1x!tpu.dma_semaphore, #tpu.memory_space<semaphore_mem>>
      %dma_wait3A_177 = tpu.memref_squeeze %dma_wait3A_176 : memref<1x!tpu.dma_semaphore, #tpu.memory_space<semaphore_mem>> -> memref<!tpu.dma_semaphore, #tpu.memory_space<semaphore_mem>>
      tpu.wait_indirect_dma semaphore(%dma_wait3A_177 : memref<!tpu.dma_semaphore, #tpu.memory_space<semaphore_mem>>) src(%dma_wait3A_175 : memref<10000x2xf32, #tpu.memory_space<hbm>>) dst(%dma_wait3A_169 : memref<128x2xf32, #tpu.memory_space<vmem>>)
      %dma_start3A_178 = arith.constant 1 : i32
      %dma_start3A_179 = arith.constant 1 : i32
      %dma_start3A_180 = arith.constant 0 : i32
      %dma_start3A_181 = arith.constant 0 : i32
      %dma_start3A_182 = tpu.memref_slice %arg9[%dma_start3A_178, %dma_start3A_180, %dma_start3A_181] : memref<8x128x2xf32, #tpu.memory_space<vmem>> -> memref<1x128x2xf32, #tpu.memory_space<vmem>>
      %dma_start3A_183 = tpu.memref_squeeze %dma_start3A_182 : memref<1x128x2xf32, #tpu.memory_space<vmem>> -> memref<128x2xf32, #tpu.memory_space<vmem>>
      %dma_start3A_184 = arith.constant 0 : i32
      %dma_start3A_185 = tpu.memref_slice %arg8[%add3A_163, %dma_start3A_184] : memref<80x128xi32, #tpu.memory_space<vmem>> -> memref<1x128xi32, #tpu.memory_space<vmem>>
      %dma_start3A_186 = tpu.memref_squeeze %dma_start3A_185 : memref<1x128xi32, #tpu.memory_space<vmem>> -> memref<128xi32, #tpu.memory_space<vmem>>
      %dma_start3A_187 = arith.constant 0 : i32
      %dma_start3A_188 = arith.constant 0 : i32
      %dma_start3A_189 = tpu.memref_slice %arg11[%dma_start3A_187, %dma_start3A_188] : memref<10112x2xf32, #tpu.memory_space<vmem_shared>> -> memref<10112x2xf32, #tpu.memory_space<vmem_shared>>
      %dma_start3A_190 = tpu.memref_slice %arg13[%dma_start3A_179] : memref<8x!tpu.dma_semaphore, #tpu.memory_space<semaphore_mem>> -> memref<1x!tpu.dma_semaphore, #tpu.memory_space<semaphore_mem>>
      %dma_start3A_191 = tpu.memref_squeeze %dma_start3A_190 : memref<1x!tpu.dma_semaphore, #tpu.memory_space<semaphore_mem>> -> memref<!tpu.dma_semaphore, #tpu.memory_space<semaphore_mem>>
      tpu.enqueue_indirect_dma source(%dma_start3A_183 : memref<128x2xf32, #tpu.memory_space<vmem>>) target(%dma_start3A_189 : memref<10112x2xf32, #tpu.memory_space<vmem_shared>>) offsets(%dma_start3A_186 : memref<128xi32, #tpu.memory_space<vmem>>) semaphore(%dma_start3A_191 : memref<!tpu.dma_semaphore, #tpu.memory_space<semaphore_mem>>) {add = true}
      %mul3A_192 = arith.constant 8 : i32
      %mul3A_193 = arith.muli %scan3A_128, %mul3A_192 : i32
      %add3A_194 = arith.constant 2 : i32
      %add3A_195 = arith.addi %mul3A_193, %add3A_194 : i32
      %dma_wait3A_196 = arith.constant 2 : i32
      %dma_wait3A_197 = arith.constant 2 : i32
      %dma_wait3A_198 = arith.constant 0 : i32
      %dma_wait3A_199 = arith.constant 0 : i32
      %dma_wait3A_200 = tpu.memref_slice %arg9[%dma_wait3A_196, %dma_wait3A_198, %dma_wait3A_199] : memref<8x128x2xf32, #tpu.memory_space<vmem>> -> memref<1x128x2xf32, #tpu.memory_space<vmem>>
      %dma_wait3A_201 = tpu.memref_squeeze %dma_wait3A_200 : memref<1x128x2xf32, #tpu.memory_space<vmem>> -> memref<128x2xf32, #tpu.memory_space<vmem>>
      %dma_wait3A_202 = arith.constant 0 : i32
      %dma_wait3A_203 = tpu.memref_slice %arg7[%add3A_195, %dma_wait3A_202] : memref<80x128xi32, #tpu.memory_space<vmem>> -> memref<1x128xi32, #tpu.memory_space<vmem>>
      %dma_wait3A_204 = tpu.memref_squeeze %dma_wait3A_203 : memref<1x128xi32, #tpu.memory_space<vmem>> -> memref<128xi32, #tpu.memory_space<vmem>>
      %dma_wait3A_205 = arith.constant 0 : i32
      %dma_wait3A_206 = arith.constant 0 : i32
      %dma_wait3A_207 = tpu.memref_slice %arg2[%dma_wait3A_205, %dma_wait3A_206] : memref<10000x2xf32, #tpu.memory_space<hbm>> -> memref<10000x2xf32, #tpu.memory_space<hbm>>
      %dma_wait3A_208 = tpu.memref_slice %arg12[%dma_wait3A_197] : memref<8x!tpu.dma_semaphore, #tpu.memory_space<semaphore_mem>> -> memref<1x!tpu.dma_semaphore, #tpu.memory_space<semaphore_mem>>
      %dma_wait3A_209 = tpu.memref_squeeze %dma_wait3A_208 : memref<1x!tpu.dma_semaphore, #tpu.memory_space<semaphore_mem>> -> memref<!tpu.dma_semaphore, #tpu.memory_space<semaphore_mem>>
      tpu.wait_indirect_dma semaphore(%dma_wait3A_209 : memref<!tpu.dma_semaphore, #tpu.memory_space<semaphore_mem>>) src(%dma_wait3A_207 : memref<10000x2xf32, #tpu.memory_space<hbm>>) dst(%dma_wait3A_201 : memref<128x2xf32, #tpu.memory_space<vmem>>)
      %dma_start3A_210 = arith.constant 2 : i32
      %dma_start3A_211 = arith.constant 2 : i32
      %dma_start3A_212 = arith.constant 0 : i32
      %dma_start3A_213 = arith.constant 0 : i32
      %dma_start3A_214 = tpu.memref_slice %arg9[%dma_start3A_210, %dma_start3A_212, %dma_start3A_213] : memref<8x128x2xf32, #tpu.memory_space<vmem>> -> memref<1x128x2xf32, #tpu.memory_space<vmem>>
      %dma_start3A_215 = tpu.memref_squeeze %dma_start3A_214 : memref<1x128x2xf32, #tpu.memory_space<vmem>> -> memref<128x2xf32, #tpu.memory_space<vmem>>
      %dma_start3A_216 = arith.constant 0 : i32
      %dma_start3A_217 = tpu.memref_slice %arg8[%add3A_195, %dma_start3A_216] : memref<80x128xi32, #tpu.memory_space<vmem>> -> memref<1x128xi32, #tpu.memory_space<vmem>>
      %dma_start3A_218 = tpu.memref_squeeze %dma_start3A_217 : memref<1x128xi32, #tpu.memory_space<vmem>> -> memref<128xi32, #tpu.memory_space<vmem>>
      %dma_start3A_219 = arith.constant 0 : i32
      %dma_start3A_220 = arith.constant 0 : i32
      %dma_start3A_221 = tpu.memref_slice %arg11[%dma_start3A_219, %dma_start3A_220] : memref<10112x2xf32, #tpu.memory_space<vmem_shared>> -> memref<10112x2xf32, #tpu.memory_space<vmem_shared>>
      %dma_start3A_222 = tpu.memref_slice %arg13[%dma_start3A_211] : memref<8x!tpu.dma_semaphore, #tpu.memory_space<semaphore_mem>> -> memref<1x!tpu.dma_semaphore, #tpu.memory_space<semaphore_mem>>
      %dma_start3A_223 = tpu.memref_squeeze %dma_start3A_222 : memref<1x!tpu.dma_semaphore, #tpu.memory_space<semaphore_mem>> -> memref<!tpu.dma_semaphore, #tpu.memory_space<semaphore_mem>>
      tpu.enqueue_indirect_dma source(%dma_start3A_215 : memref<128x2xf32, #tpu.memory_space<vmem>>) target(%dma_start3A_221 : memref<10112x2xf32, #tpu.memory_space<vmem_shared>>) offsets(%dma_start3A_218 : memref<128xi32, #tpu.memory_space<vmem>>) semaphore(%dma_start3A_223 : memref<!tpu.dma_semaphore, #tpu.memory_space<semaphore_mem>>) {add = true}
      %mul3A_224 = arith.constant 8 : i32
      %mul3A_225 = arith.muli %scan3A_128, %mul3A_224 : i32
      %add3A_226 = arith.constant 3 : i32
      %add3A_227 = arith.addi %mul3A_225, %add3A_226 : i32
      %dma_wait3A_228 = arith.constant 3 : i32
      %dma_wait3A_229 = arith.constant 3 : i32
      %dma_wait3A_230 = arith.constant 0 : i32
      %dma_wait3A_231 = arith.constant 0 : i32
      %dma_wait3A_232 = tpu.memref_slice %arg9[%dma_wait3A_228, %dma_wait3A_230, %dma_wait3A_231] : memref<8x128x2xf32, #tpu.memory_space<vmem>> -> memref<1x128x2xf32, #tpu.memory_space<vmem>>
      %dma_wait3A_233 = tpu.memref_squeeze %dma_wait3A_232 : memref<1x128x2xf32, #tpu.memory_space<vmem>> -> memref<128x2xf32, #tpu.memory_space<vmem>>
      %dma_wait3A_234 = arith.constant 0 : i32
      %dma_wait3A_235 = tpu.memref_slice %arg7[%add3A_227, %dma_wait3A_234] : memref<80x128xi32, #tpu.memory_space<vmem>> -> memref<1x128xi32, #tpu.memory_space<vmem>>
      %dma_wait3A_236 = tpu.memref_squeeze %dma_wait3A_235 : memref<1x128xi32, #tpu.memory_space<vmem>> -> memref<128xi32, #tpu.memory_space<vmem>>
      %dma_wait3A_237 = arith.constant 0 : i32
      %dma_wait3A_238 = arith.constant 0 : i32
      %dma_wait3A_239 = tpu.memref_slice %arg2[%dma_wait3A_237, %dma_wait3A_238] : memref<10000x2xf32, #tpu.memory_space<hbm>> -> memref<10000x2xf32, #tpu.memory_space<hbm>>
      %dma_wait3A_240 = tpu.memref_slice %arg12[%dma_wait3A_229] : memref<8x!tpu.dma_semaphore, #tpu.memory_space<semaphore_mem>> -> memref<1x!tpu.dma_semaphore, #tpu.memory_space<semaphore_mem>>
      %dma_wait3A_241 = tpu.memref_squeeze %dma_wait3A_240 : memref<1x!tpu.dma_semaphore, #tpu.memory_space<semaphore_mem>> -> memref<!tpu.dma_semaphore, #tpu.memory_space<semaphore_mem>>
      tpu.wait_indirect_dma semaphore(%dma_wait3A_241 : memref<!tpu.dma_semaphore, #tpu.memory_space<semaphore_mem>>) src(%dma_wait3A_239 : memref<10000x2xf32, #tpu.memory_space<hbm>>) dst(%dma_wait3A_233 : memref<128x2xf32, #tpu.memory_space<vmem>>)
      %dma_start3A_242 = arith.constant 3 : i32
      %dma_start3A_243 = arith.constant 3 : i32
      %dma_start3A_244 = arith.constant 0 : i32
      %dma_start3A_245 = arith.constant 0 : i32
      %dma_start3A_246 = tpu.memref_slice %arg9[%dma_start3A_242, %dma_start3A_244, %dma_start3A_245] : memref<8x128x2xf32, #tpu.memory_space<vmem>> -> memref<1x128x2xf32, #tpu.memory_space<vmem>>
      %dma_start3A_247 = tpu.memref_squeeze %dma_start3A_246 : memref<1x128x2xf32, #tpu.memory_space<vmem>> -> memref<128x2xf32, #tpu.memory_space<vmem>>
      %dma_start3A_248 = arith.constant 0 : i32
      %dma_start3A_249 = tpu.memref_slice %arg8[%add3A_227, %dma_start3A_248] : memref<80x128xi32, #tpu.memory_space<vmem>> -> memref<1x128xi32, #tpu.memory_space<vmem>>
      %dma_start3A_250 = tpu.memref_squeeze %dma_start3A_249 : memref<1x128xi32, #tpu.memory_space<vmem>> -> memref<128xi32, #tpu.memory_space<vmem>>
      %dma_start3A_251 = arith.constant 0 : i32
      %dma_start3A_252 = arith.constant 0 : i32
      %dma_start3A_253 = tpu.memref_slice %arg11[%dma_start3A_251, %dma_start3A_252] : memref<10112x2xf32, #tpu.memory_space<vmem_shared>> -> memref<10112x2xf32, #tpu.memory_space<vmem_shared>>
      %dma_start3A_254 = tpu.memref_slice %arg13[%dma_start3A_243] : memref<8x!tpu.dma_semaphore, #tpu.memory_space<semaphore_mem>> -> memref<1x!tpu.dma_semaphore, #tpu.memory_space<semaphore_mem>>
      %dma_start3A_255 = tpu.memref_squeeze %dma_start3A_254 : memref<1x!tpu.dma_semaphore, #tpu.memory_space<semaphore_mem>> -> memref<!tpu.dma_semaphore, #tpu.memory_space<semaphore_mem>>
      tpu.enqueue_indirect_dma source(%dma_start3A_247 : memref<128x2xf32, #tpu.memory_space<vmem>>) target(%dma_start3A_253 : memref<10112x2xf32, #tpu.memory_space<vmem_shared>>) offsets(%dma_start3A_250 : memref<128xi32, #tpu.memory_space<vmem>>) semaphore(%dma_start3A_255 : memref<!tpu.dma_semaphore, #tpu.memory_space<semaphore_mem>>) {add = true}
      %mul3A_256 = arith.constant 8 : i32
      %mul3A_257 = arith.muli %scan3A_128, %mul3A_256 : i32
      %add3A_258 = arith.constant 4 : i32
      %add3A_259 = arith.addi %mul3A_257, %add3A_258 : i32
      %dma_wait3A_260 = arith.constant 4 : i32
      %dma_wait3A_261 = arith.constant 4 : i32
      %dma_wait3A_262 = arith.constant 0 : i32
      %dma_wait3A_263 = arith.constant 0 : i32
      %dma_wait3A_264 = tpu.memref_slice %arg9[%dma_wait3A_260, %dma_wait3A_262, %dma_wait3A_263] : memref<8x128x2xf32, #tpu.memory_space<vmem>> -> memref<1x128x2xf32, #tpu.memory_space<vmem>>
      %dma_wait3A_265 = tpu.memref_squeeze %dma_wait3A_264 : memref<1x128x2xf32, #tpu.memory_space<vmem>> -> memref<128x2xf32, #tpu.memory_space<vmem>>
      %dma_wait3A_266 = arith.constant 0 : i32
      %dma_wait3A_267 = tpu.memref_slice %arg7[%add3A_259, %dma_wait3A_266] : memref<80x128xi32, #tpu.memory_space<vmem>> -> memref<1x128xi32, #tpu.memory_space<vmem>>
      %dma_wait3A_268 = tpu.memref_squeeze %dma_wait3A_267 : memref<1x128xi32, #tpu.memory_space<vmem>> -> memref<128xi32, #tpu.memory_space<vmem>>
      %dma_wait3A_269 = arith.constant 0 : i32
      %dma_wait3A_270 = arith.constant 0 : i32
      %dma_wait3A_271 = tpu.memref_slice %arg2[%dma_wait3A_269, %dma_wait3A_270] : memref<10000x2xf32, #tpu.memory_space<hbm>> -> memref<10000x2xf32, #tpu.memory_space<hbm>>
      %dma_wait3A_272 = tpu.memref_slice %arg12[%dma_wait3A_261] : memref<8x!tpu.dma_semaphore, #tpu.memory_space<semaphore_mem>> -> memref<1x!tpu.dma_semaphore, #tpu.memory_space<semaphore_mem>>
      %dma_wait3A_273 = tpu.memref_squeeze %dma_wait3A_272 : memref<1x!tpu.dma_semaphore, #tpu.memory_space<semaphore_mem>> -> memref<!tpu.dma_semaphore, #tpu.memory_space<semaphore_mem>>
      tpu.wait_indirect_dma semaphore(%dma_wait3A_273 : memref<!tpu.dma_semaphore, #tpu.memory_space<semaphore_mem>>) src(%dma_wait3A_271 : memref<10000x2xf32, #tpu.memory_space<hbm>>) dst(%dma_wait3A_265 : memref<128x2xf32, #tpu.memory_space<vmem>>)
      %dma_start3A_274 = arith.constant 4 : i32
      %dma_start3A_275 = arith.constant 4 : i32
      %dma_start3A_276 = arith.constant 0 : i32
      %dma_start3A_277 = arith.constant 0 : i32
      %dma_start3A_278 = tpu.memref_slice %arg9[%dma_start3A_274, %dma_start3A_276, %dma_start3A_277] : memref<8x128x2xf32, #tpu.memory_space<vmem>> -> memref<1x128x2xf32, #tpu.memory_space<vmem>>
      %dma_start3A_279 = tpu.memref_squeeze %dma_start3A_278 : memref<1x128x2xf32, #tpu.memory_space<vmem>> -> memref<128x2xf32, #tpu.memory_space<vmem>>
      %dma_start3A_280 = arith.constant 0 : i32
      %dma_start3A_281 = tpu.memref_slice %arg8[%add3A_259, %dma_start3A_280] : memref<80x128xi32, #tpu.memory_space<vmem>> -> memref<1x128xi32, #tpu.memory_space<vmem>>
      %dma_start3A_282 = tpu.memref_squeeze %dma_start3A_281 : memref<1x128xi32, #tpu.memory_space<vmem>> -> memref<128xi32, #tpu.memory_space<vmem>>
      %dma_start3A_283 = arith.constant 0 : i32
      %dma_start3A_284 = arith.constant 0 : i32
      %dma_start3A_285 = tpu.memref_slice %arg11[%dma_start3A_283, %dma_start3A_284] : memref<10112x2xf32, #tpu.memory_space<vmem_shared>> -> memref<10112x2xf32, #tpu.memory_space<vmem_shared>>
      %dma_start3A_286 = tpu.memref_slice %arg13[%dma_start3A_275] : memref<8x!tpu.dma_semaphore, #tpu.memory_space<semaphore_mem>> -> memref<1x!tpu.dma_semaphore, #tpu.memory_space<semaphore_mem>>
      %dma_start3A_287 = tpu.memref_squeeze %dma_start3A_286 : memref<1x!tpu.dma_semaphore, #tpu.memory_space<semaphore_mem>> -> memref<!tpu.dma_semaphore, #tpu.memory_space<semaphore_mem>>
      tpu.enqueue_indirect_dma source(%dma_start3A_279 : memref<128x2xf32, #tpu.memory_space<vmem>>) target(%dma_start3A_285 : memref<10112x2xf32, #tpu.memory_space<vmem_shared>>) offsets(%dma_start3A_282 : memref<128xi32, #tpu.memory_space<vmem>>) semaphore(%dma_start3A_287 : memref<!tpu.dma_semaphore, #tpu.memory_space<semaphore_mem>>) {add = true}
      %mul3A_288 = arith.constant 8 : i32
      %mul3A_289 = arith.muli %scan3A_128, %mul3A_288 : i32
      %add3A_290 = arith.constant 5 : i32
      %add3A_291 = arith.addi %mul3A_289, %add3A_290 : i32
      %dma_wait3A_292 = arith.constant 5 : i32
      %dma_wait3A_293 = arith.constant 5 : i32
      %dma_wait3A_294 = arith.constant 0 : i32
      %dma_wait3A_295 = arith.constant 0 : i32
      %dma_wait3A_296 = tpu.memref_slice %arg9[%dma_wait3A_292, %dma_wait3A_294, %dma_wait3A_295] : memref<8x128x2xf32, #tpu.memory_space<vmem>> -> memref<1x128x2xf32, #tpu.memory_space<vmem>>
      %dma_wait3A_297 = tpu.memref_squeeze %dma_wait3A_296 : memref<1x128x2xf32, #tpu.memory_space<vmem>> -> memref<128x2xf32, #tpu.memory_space<vmem>>
      %dma_wait3A_298 = arith.constant 0 : i32
      %dma_wait3A_299 = tpu.memref_slice %arg7[%add3A_291, %dma_wait3A_298] : memref<80x128xi32, #tpu.memory_space<vmem>> -> memref<1x128xi32, #tpu.memory_space<vmem>>
      %dma_wait3A_300 = tpu.memref_squeeze %dma_wait3A_299 : memref<1x128xi32, #tpu.memory_space<vmem>> -> memref<128xi32, #tpu.memory_space<vmem>>
      %dma_wait3A_301 = arith.constant 0 : i32
      %dma_wait3A_302 = arith.constant 0 : i32
      %dma_wait3A_303 = tpu.memref_slice %arg2[%dma_wait3A_301, %dma_wait3A_302] : memref<10000x2xf32, #tpu.memory_space<hbm>> -> memref<10000x2xf32, #tpu.memory_space<hbm>>
      %dma_wait3A_304 = tpu.memref_slice %arg12[%dma_wait3A_293] : memref<8x!tpu.dma_semaphore, #tpu.memory_space<semaphore_mem>> -> memref<1x!tpu.dma_semaphore, #tpu.memory_space<semaphore_mem>>
      %dma_wait3A_305 = tpu.memref_squeeze %dma_wait3A_304 : memref<1x!tpu.dma_semaphore, #tpu.memory_space<semaphore_mem>> -> memref<!tpu.dma_semaphore, #tpu.memory_space<semaphore_mem>>
      tpu.wait_indirect_dma semaphore(%dma_wait3A_305 : memref<!tpu.dma_semaphore, #tpu.memory_space<semaphore_mem>>) src(%dma_wait3A_303 : memref<10000x2xf32, #tpu.memory_space<hbm>>) dst(%dma_wait3A_297 : memref<128x2xf32, #tpu.memory_space<vmem>>)
      %dma_start3A_306 = arith.constant 5 : i32
      %dma_start3A_307 = arith.constant 5 : i32
      %dma_start3A_308 = arith.constant 0 : i32
      %dma_start3A_309 = arith.constant 0 : i32
      %dma_start3A_310 = tpu.memref_slice %arg9[%dma_start3A_306, %dma_start3A_308, %dma_start3A_309] : memref<8x128x2xf32, #tpu.memory_space<vmem>> -> memref<1x128x2xf32, #tpu.memory_space<vmem>>
      %dma_start3A_311 = tpu.memref_squeeze %dma_start3A_310 : memref<1x128x2xf32, #tpu.memory_space<vmem>> -> memref<128x2xf32, #tpu.memory_space<vmem>>
      %dma_start3A_312 = arith.constant 0 : i32
      %dma_start3A_313 = tpu.memref_slice %arg8[%add3A_291, %dma_start3A_312] : memref<80x128xi32, #tpu.memory_space<vmem>> -> memref<1x128xi32, #tpu.memory_space<vmem>>
      %dma_start3A_314 = tpu.memref_squeeze %dma_start3A_313 : memref<1x128xi32, #tpu.memory_space<vmem>> -> memref<128xi32, #tpu.memory_space<vmem>>
      %dma_start3A_315 = arith.constant 0 : i32
      %dma_start3A_316 = arith.constant 0 : i32
      %dma_start3A_317 = tpu.memref_slice %arg11[%dma_start3A_315, %dma_start3A_316] : memref<10112x2xf32, #tpu.memory_space<vmem_shared>> -> memref<10112x2xf32, #tpu.memory_space<vmem_shared>>
      %dma_start3A_318 = tpu.memref_slice %arg13[%dma_start3A_307] : memref<8x!tpu.dma_semaphore, #tpu.memory_space<semaphore_mem>> -> memref<1x!tpu.dma_semaphore, #tpu.memory_space<semaphore_mem>>
      %dma_start3A_319 = tpu.memref_squeeze %dma_start3A_318 : memref<1x!tpu.dma_semaphore, #tpu.memory_space<semaphore_mem>> -> memref<!tpu.dma_semaphore, #tpu.memory_space<semaphore_mem>>
      tpu.enqueue_indirect_dma source(%dma_start3A_311 : memref<128x2xf32, #tpu.memory_space<vmem>>) target(%dma_start3A_317 : memref<10112x2xf32, #tpu.memory_space<vmem_shared>>) offsets(%dma_start3A_314 : memref<128xi32, #tpu.memory_space<vmem>>) semaphore(%dma_start3A_319 : memref<!tpu.dma_semaphore, #tpu.memory_space<semaphore_mem>>) {add = true}
      %mul3A_320 = arith.constant 8 : i32
      %mul3A_321 = arith.muli %scan3A_128, %mul3A_320 : i32
      %add3A_322 = arith.constant 6 : i32
      %add3A_323 = arith.addi %mul3A_321, %add3A_322 : i32
      %dma_wait3A_324 = arith.constant 6 : i32
      %dma_wait3A_325 = arith.constant 6 : i32
      %dma_wait3A_326 = arith.constant 0 : i32
      %dma_wait3A_327 = arith.constant 0 : i32
      %dma_wait3A_328 = tpu.memref_slice %arg9[%dma_wait3A_324, %dma_wait3A_326, %dma_wait3A_327] : memref<8x128x2xf32, #tpu.memory_space<vmem>> -> memref<1x128x2xf32, #tpu.memory_space<vmem>>
      %dma_wait3A_329 = tpu.memref_squeeze %dma_wait3A_328 : memref<1x128x2xf32, #tpu.memory_space<vmem>> -> memref<128x2xf32, #tpu.memory_space<vmem>>
      %dma_wait3A_330 = arith.constant 0 : i32
      %dma_wait3A_331 = tpu.memref_slice %arg7[%add3A_323, %dma_wait3A_330] : memref<80x128xi32, #tpu.memory_space<vmem>> -> memref<1x128xi32, #tpu.memory_space<vmem>>
      %dma_wait3A_332 = tpu.memref_squeeze %dma_wait3A_331 : memref<1x128xi32, #tpu.memory_space<vmem>> -> memref<128xi32, #tpu.memory_space<vmem>>
      %dma_wait3A_333 = arith.constant 0 : i32
      %dma_wait3A_334 = arith.constant 0 : i32
      %dma_wait3A_335 = tpu.memref_slice %arg2[%dma_wait3A_333, %dma_wait3A_334] : memref<10000x2xf32, #tpu.memory_space<hbm>> -> memref<10000x2xf32, #tpu.memory_space<hbm>>
      %dma_wait3A_336 = tpu.memref_slice %arg12[%dma_wait3A_325] : memref<8x!tpu.dma_semaphore, #tpu.memory_space<semaphore_mem>> -> memref<1x!tpu.dma_semaphore, #tpu.memory_space<semaphore_mem>>
      %dma_wait3A_337 = tpu.memref_squeeze %dma_wait3A_336 : memref<1x!tpu.dma_semaphore, #tpu.memory_space<semaphore_mem>> -> memref<!tpu.dma_semaphore, #tpu.memory_space<semaphore_mem>>
      tpu.wait_indirect_dma semaphore(%dma_wait3A_337 : memref<!tpu.dma_semaphore, #tpu.memory_space<semaphore_mem>>) src(%dma_wait3A_335 : memref<10000x2xf32, #tpu.memory_space<hbm>>) dst(%dma_wait3A_329 : memref<128x2xf32, #tpu.memory_space<vmem>>)
      %dma_start3A_338 = arith.constant 6 : i32
      %dma_start3A_339 = arith.constant 6 : i32
      %dma_start3A_340 = arith.constant 0 : i32
      %dma_start3A_341 = arith.constant 0 : i32
      %dma_start3A_342 = tpu.memref_slice %arg9[%dma_start3A_338, %dma_start3A_340, %dma_start3A_341] : memref<8x128x2xf32, #tpu.memory_space<vmem>> -> memref<1x128x2xf32, #tpu.memory_space<vmem>>
      %dma_start3A_343 = tpu.memref_squeeze %dma_start3A_342 : memref<1x128x2xf32, #tpu.memory_space<vmem>> -> memref<128x2xf32, #tpu.memory_space<vmem>>
      %dma_start3A_344 = arith.constant 0 : i32
      %dma_start3A_345 = tpu.memref_slice %arg8[%add3A_323, %dma_start3A_344] : memref<80x128xi32, #tpu.memory_space<vmem>> -> memref<1x128xi32, #tpu.memory_space<vmem>>
      %dma_start3A_346 = tpu.memref_squeeze %dma_start3A_345 : memref<1x128xi32, #tpu.memory_space<vmem>> -> memref<128xi32, #tpu.memory_space<vmem>>
      %dma_start3A_347 = arith.constant 0 : i32
      %dma_start3A_348 = arith.constant 0 : i32
      %dma_start3A_349 = tpu.memref_slice %arg11[%dma_start3A_347, %dma_start3A_348] : memref<10112x2xf32, #tpu.memory_space<vmem_shared>> -> memref<10112x2xf32, #tpu.memory_space<vmem_shared>>
      %dma_start3A_350 = tpu.memref_slice %arg13[%dma_start3A_339] : memref<8x!tpu.dma_semaphore, #tpu.memory_space<semaphore_mem>> -> memref<1x!tpu.dma_semaphore, #tpu.memory_space<semaphore_mem>>
      %dma_start3A_351 = tpu.memref_squeeze %dma_start3A_350 : memref<1x!tpu.dma_semaphore, #tpu.memory_space<semaphore_mem>> -> memref<!tpu.dma_semaphore, #tpu.memory_space<semaphore_mem>>
      tpu.enqueue_indirect_dma source(%dma_start3A_343 : memref<128x2xf32, #tpu.memory_space<vmem>>) target(%dma_start3A_349 : memref<10112x2xf32, #tpu.memory_space<vmem_shared>>) offsets(%dma_start3A_346 : memref<128xi32, #tpu.memory_space<vmem>>) semaphore(%dma_start3A_351 : memref<!tpu.dma_semaphore, #tpu.memory_space<semaphore_mem>>) {add = true}
      %mul3A_352 = arith.constant 8 : i32
      %mul3A_353 = arith.muli %scan3A_128, %mul3A_352 : i32
      %add3A_354 = arith.constant 7 : i32
      %add3A_355 = arith.addi %mul3A_353, %add3A_354 : i32
      %dma_wait3A_356 = arith.constant 7 : i32
      %dma_wait3A_357 = arith.constant 7 : i32
      %dma_wait3A_358 = arith.constant 0 : i32
      %dma_wait3A_359 = arith.constant 0 : i32
      %dma_wait3A_360 = tpu.memref_slice %arg9[%dma_wait3A_356, %dma_wait3A_358, %dma_wait3A_359] : memref<8x128x2xf32, #tpu.memory_space<vmem>> -> memref<1x128x2xf32, #tpu.memory_space<vmem>>
      %dma_wait3A_361 = tpu.memref_squeeze %dma_wait3A_360 : memref<1x128x2xf32, #tpu.memory_space<vmem>> -> memref<128x2xf32, #tpu.memory_space<vmem>>
      %dma_wait3A_362 = arith.constant 0 : i32
      %dma_wait3A_363 = tpu.memref_slice %arg7[%add3A_355, %dma_wait3A_362] : memref<80x128xi32, #tpu.memory_space<vmem>> -> memref<1x128xi32, #tpu.memory_space<vmem>>
      %dma_wait3A_364 = tpu.memref_squeeze %dma_wait3A_363 : memref<1x128xi32, #tpu.memory_space<vmem>> -> memref<128xi32, #tpu.memory_space<vmem>>
      %dma_wait3A_365 = arith.constant 0 : i32
      %dma_wait3A_366 = arith.constant 0 : i32
      %dma_wait3A_367 = tpu.memref_slice %arg2[%dma_wait3A_365, %dma_wait3A_366] : memref<10000x2xf32, #tpu.memory_space<hbm>> -> memref<10000x2xf32, #tpu.memory_space<hbm>>
      %dma_wait3A_368 = tpu.memref_slice %arg12[%dma_wait3A_357] : memref<8x!tpu.dma_semaphore, #tpu.memory_space<semaphore_mem>> -> memref<1x!tpu.dma_semaphore, #tpu.memory_space<semaphore_mem>>
      %dma_wait3A_369 = tpu.memref_squeeze %dma_wait3A_368 : memref<1x!tpu.dma_semaphore, #tpu.memory_space<semaphore_mem>> -> memref<!tpu.dma_semaphore, #tpu.memory_space<semaphore_mem>>
      tpu.wait_indirect_dma semaphore(%dma_wait3A_369 : memref<!tpu.dma_semaphore, #tpu.memory_space<semaphore_mem>>) src(%dma_wait3A_367 : memref<10000x2xf32, #tpu.memory_space<hbm>>) dst(%dma_wait3A_361 : memref<128x2xf32, #tpu.memory_space<vmem>>)
      %dma_start3A_370 = arith.constant 7 : i32
      %dma_start3A_371 = arith.constant 7 : i32
      %dma_start3A_372 = arith.constant 0 : i32
      %dma_start3A_373 = arith.constant 0 : i32
      %dma_start3A_374 = tpu.memref_slice %arg9[%dma_start3A_370, %dma_start3A_372, %dma_start3A_373] : memref<8x128x2xf32, #tpu.memory_space<vmem>> -> memref<1x128x2xf32, #tpu.memory_space<vmem>>
      %dma_start3A_375 = tpu.memref_squeeze %dma_start3A_374 : memref<1x128x2xf32, #tpu.memory_space<vmem>> -> memref<128x2xf32, #tpu.memory_space<vmem>>
      %dma_start3A_376 = arith.constant 0 : i32
      %dma_start3A_377 = tpu.memref_slice %arg8[%add3A_355, %dma_start3A_376] : memref<80x128xi32, #tpu.memory_space<vmem>> -> memref<1x128xi32, #tpu.memory_space<vmem>>
      %dma_start3A_378 = tpu.memref_squeeze %dma_start3A_377 : memref<1x128xi32, #tpu.memory_space<vmem>> -> memref<128xi32, #tpu.memory_space<vmem>>
      %dma_start3A_379 = arith.constant 0 : i32
      %dma_start3A_380 = arith.constant 0 : i32
      %dma_start3A_381 = tpu.memref_slice %arg11[%dma_start3A_379, %dma_start3A_380] : memref<10112x2xf32, #tpu.memory_space<vmem_shared>> -> memref<10112x2xf32, #tpu.memory_space<vmem_shared>>
      %dma_start3A_382 = tpu.memref_slice %arg13[%dma_start3A_371] : memref<8x!tpu.dma_semaphore, #tpu.memory_space<semaphore_mem>> -> memref<1x!tpu.dma_semaphore, #tpu.memory_space<semaphore_mem>>
      %dma_start3A_383 = tpu.memref_squeeze %dma_start3A_382 : memref<1x!tpu.dma_semaphore, #tpu.memory_space<semaphore_mem>> -> memref<!tpu.dma_semaphore, #tpu.memory_space<semaphore_mem>>
      tpu.enqueue_indirect_dma source(%dma_start3A_375 : memref<128x2xf32, #tpu.memory_space<vmem>>) target(%dma_start3A_381 : memref<10112x2xf32, #tpu.memory_space<vmem_shared>>) offsets(%dma_start3A_378 : memref<128xi32, #tpu.memory_space<vmem>>) semaphore(%dma_start3A_383 : memref<!tpu.dma_semaphore, #tpu.memory_space<semaphore_mem>>) {add = true}
      %add3A_384 = arith.constant 1 : i32
      %add3A_385 = arith.addi %scan3A_128, %add3A_384 : i32
      %lt3A = arith.constant 10 : i32
      %lt3A_386 = arith.cmpi slt, %add3A_385, %lt3A : i32
      %convert_element_type3A = arith.extui %lt3A_386 : i1 to i32
      %cond3A = arith.constant 0 : i32
      %cond3A_387 = arith.constant 0 : i32
      %cond3A_388 = arith.constant 1 : i32
      %cond3A_389 = arith.constant 1 : i32
      %cond3A_390 = arith.constant 2 : i32
      %cond3A_391 = arith.constant 2 : i32
      %cond3A_392 = arith.constant 3 : i32
      %cond3A_393 = arith.constant 3 : i32
      %cond3A_394 = arith.constant 4 : i32
      %cond3A_395 = arith.constant 4 : i32
      %cond3A_396 = arith.constant 5 : i32
      %cond3A_397 = arith.constant 5 : i32
      %cond3A_398 = arith.constant 6 : i32
      %cond3A_399 = arith.constant 6 : i32
      %cond3A_400 = arith.constant 7 : i32
      %cond3A_401 = arith.constant 7 : i32
      %cond3A_402 = arith.constant 0 : i32
      %cond3A_403 = arith.cmpi ne, %convert_element_type3A, %cond3A_402 : i32
      scf.if %cond3A_403 {
        %dma_wait3A_426 = arith.constant 0 : i32
        %dma_wait3A_427 = arith.constant 0 : i32
        %dma_wait3A_428 = tpu.memref_slice %arg9[%cond3A, %dma_wait3A_426, %dma_wait3A_427] : memref<8x128x2xf32, #tpu.memory_space<vmem>> -> memref<1x128x2xf32, #tpu.memory_space<vmem>>
        %dma_wait3A_429 = tpu.memref_squeeze %dma_wait3A_428 : memref<1x128x2xf32, #tpu.memory_space<vmem>> -> memref<128x2xf32, #tpu.memory_space<vmem>>
        %dma_wait3A_430 = arith.constant 0 : i32
        %dma_wait3A_431 = tpu.memref_slice %arg8[%add3A_132, %dma_wait3A_430] : memref<80x128xi32, #tpu.memory_space<vmem>> -> memref<1x128xi32, #tpu.memory_space<vmem>>
        %dma_wait3A_432 = tpu.memref_squeeze %dma_wait3A_431 : memref<1x128xi32, #tpu.memory_space<vmem>> -> memref<128xi32, #tpu.memory_space<vmem>>
        %dma_wait3A_433 = arith.constant 0 : i32
        %dma_wait3A_434 = arith.constant 0 : i32
        %dma_wait3A_435 = tpu.memref_slice %arg11[%dma_wait3A_433, %dma_wait3A_434] : memref<10112x2xf32, #tpu.memory_space<vmem_shared>> -> memref<10112x2xf32, #tpu.memory_space<vmem_shared>>
        %dma_wait3A_436 = tpu.memref_slice %arg13[%cond3A_387] : memref<8x!tpu.dma_semaphore, #tpu.memory_space<semaphore_mem>> -> memref<1x!tpu.dma_semaphore, #tpu.memory_space<semaphore_mem>>
        %dma_wait3A_437 = tpu.memref_squeeze %dma_wait3A_436 : memref<1x!tpu.dma_semaphore, #tpu.memory_space<semaphore_mem>> -> memref<!tpu.dma_semaphore, #tpu.memory_space<semaphore_mem>>
        tpu.wait_indirect_dma semaphore(%dma_wait3A_437 : memref<!tpu.dma_semaphore, #tpu.memory_space<semaphore_mem>>) src(%dma_wait3A_429 : memref<128x2xf32, #tpu.memory_space<vmem>>) dst(%dma_wait3A_435 : memref<10112x2xf32, #tpu.memory_space<vmem_shared>>)
        %add3A_438 = arith.constant 1 : i32
        %add3A_439 = arith.addi %scan3A_128, %add3A_438 : i32
        %mul3A_440 = arith.constant 8 : i32
        %mul3A_441 = arith.muli %add3A_439, %mul3A_440 : i32
        %add3A_442 = arith.constant 0 : i32
        %add3A_443 = arith.addi %mul3A_441, %add3A_442 : i32
        %dma_start3A_444 = arith.constant 0 : i32
        %dma_start3A_445 = arith.constant 0 : i32
        %dma_start3A_446 = arith.constant 0 : i32
        %dma_start3A_447 = arith.constant 0 : i32
        %dma_start3A_448 = tpu.memref_slice %arg9[%dma_start3A_444, %dma_start3A_446, %dma_start3A_447] : memref<8x128x2xf32, #tpu.memory_space<vmem>> -> memref<1x128x2xf32, #tpu.memory_space<vmem>>
        %dma_start3A_449 = tpu.memref_squeeze %dma_start3A_448 : memref<1x128x2xf32, #tpu.memory_space<vmem>> -> memref<128x2xf32, #tpu.memory_space<vmem>>
        %dma_start3A_450 = arith.constant 0 : i32
        %dma_start3A_451 = tpu.memref_slice %arg7[%add3A_443, %dma_start3A_450] : memref<80x128xi32, #tpu.memory_space<vmem>> -> memref<1x128xi32, #tpu.memory_space<vmem>>
        %dma_start3A_452 = tpu.memref_squeeze %dma_start3A_451 : memref<1x128xi32, #tpu.memory_space<vmem>> -> memref<128xi32, #tpu.memory_space<vmem>>
        %dma_start3A_453 = arith.constant 0 : i32
        %dma_start3A_454 = arith.constant 0 : i32
        %dma_start3A_455 = tpu.memref_slice %arg2[%dma_start3A_453, %dma_start3A_454] : memref<10000x2xf32, #tpu.memory_space<hbm>> -> memref<10000x2xf32, #tpu.memory_space<hbm>>
        %dma_start3A_456 = tpu.memref_slice %arg12[%dma_start3A_445] : memref<8x!tpu.dma_semaphore, #tpu.memory_space<semaphore_mem>> -> memref<1x!tpu.dma_semaphore, #tpu.memory_space<semaphore_mem>>
        %dma_start3A_457 = tpu.memref_squeeze %dma_start3A_456 : memref<1x!tpu.dma_semaphore, #tpu.memory_space<semaphore_mem>> -> memref<!tpu.dma_semaphore, #tpu.memory_space<semaphore_mem>>
        tpu.enqueue_indirect_dma source(%dma_start3A_455 : memref<10000x2xf32, #tpu.memory_space<hbm>>) target(%dma_start3A_449 : memref<128x2xf32, #tpu.memory_space<vmem>>) offsets(%dma_start3A_452 : memref<128xi32, #tpu.memory_space<vmem>>) semaphore(%dma_start3A_457 : memref<!tpu.dma_semaphore, #tpu.memory_space<semaphore_mem>>)
        %dma_wait3A_458 = arith.constant 0 : i32
        %dma_wait3A_459 = arith.constant 0 : i32
        %dma_wait3A_460 = tpu.memref_slice %arg9[%cond3A_388, %dma_wait3A_458, %dma_wait3A_459] : memref<8x128x2xf32, #tpu.memory_space<vmem>> -> memref<1x128x2xf32, #tpu.memory_space<vmem>>
        %dma_wait3A_461 = tpu.memref_squeeze %dma_wait3A_460 : memref<1x128x2xf32, #tpu.memory_space<vmem>> -> memref<128x2xf32, #tpu.memory_space<vmem>>
        %dma_wait3A_462 = arith.constant 0 : i32
        %dma_wait3A_463 = tpu.memref_slice %arg8[%add3A_163, %dma_wait3A_462] : memref<80x128xi32, #tpu.memory_space<vmem>> -> memref<1x128xi32, #tpu.memory_space<vmem>>
        %dma_wait3A_464 = tpu.memref_squeeze %dma_wait3A_463 : memref<1x128xi32, #tpu.memory_space<vmem>> -> memref<128xi32, #tpu.memory_space<vmem>>
        %dma_wait3A_465 = arith.constant 0 : i32
        %dma_wait3A_466 = arith.constant 0 : i32
        %dma_wait3A_467 = tpu.memref_slice %arg11[%dma_wait3A_465, %dma_wait3A_466] : memref<10112x2xf32, #tpu.memory_space<vmem_shared>> -> memref<10112x2xf32, #tpu.memory_space<vmem_shared>>
        %dma_wait3A_468 = tpu.memref_slice %arg13[%cond3A_389] : memref<8x!tpu.dma_semaphore, #tpu.memory_space<semaphore_mem>> -> memref<1x!tpu.dma_semaphore, #tpu.memory_space<semaphore_mem>>
        %dma_wait3A_469 = tpu.memref_squeeze %dma_wait3A_468 : memref<1x!tpu.dma_semaphore, #tpu.memory_space<semaphore_mem>> -> memref<!tpu.dma_semaphore, #tpu.memory_space<semaphore_mem>>
        tpu.wait_indirect_dma semaphore(%dma_wait3A_469 : memref<!tpu.dma_semaphore, #tpu.memory_space<semaphore_mem>>) src(%dma_wait3A_461 : memref<128x2xf32, #tpu.memory_space<vmem>>) dst(%dma_wait3A_467 : memref<10112x2xf32, #tpu.memory_space<vmem_shared>>)
        %add3A_470 = arith.constant 1 : i32
        %add3A_471 = arith.addi %scan3A_128, %add3A_470 : i32
        %mul3A_472 = arith.constant 8 : i32
        %mul3A_473 = arith.muli %add3A_471, %mul3A_472 : i32
        %add3A_474 = arith.constant 1 : i32
        %add3A_475 = arith.addi %mul3A_473, %add3A_474 : i32
        %dma_start3A_476 = arith.constant 1 : i32
        %dma_start3A_477 = arith.constant 1 : i32
        %dma_start3A_478 = arith.constant 0 : i32
        %dma_start3A_479 = arith.constant 0 : i32
        %dma_start3A_480 = tpu.memref_slice %arg9[%dma_start3A_476, %dma_start3A_478, %dma_start3A_479] : memref<8x128x2xf32, #tpu.memory_space<vmem>> -> memref<1x128x2xf32, #tpu.memory_space<vmem>>
        %dma_start3A_481 = tpu.memref_squeeze %dma_start3A_480 : memref<1x128x2xf32, #tpu.memory_space<vmem>> -> memref<128x2xf32, #tpu.memory_space<vmem>>
        %dma_start3A_482 = arith.constant 0 : i32
        %dma_start3A_483 = tpu.memref_slice %arg7[%add3A_475, %dma_start3A_482] : memref<80x128xi32, #tpu.memory_space<vmem>> -> memref<1x128xi32, #tpu.memory_space<vmem>>
        %dma_start3A_484 = tpu.memref_squeeze %dma_start3A_483 : memref<1x128xi32, #tpu.memory_space<vmem>> -> memref<128xi32, #tpu.memory_space<vmem>>
        %dma_start3A_485 = arith.constant 0 : i32
        %dma_start3A_486 = arith.constant 0 : i32
        %dma_start3A_487 = tpu.memref_slice %arg2[%dma_start3A_485, %dma_start3A_486] : memref<10000x2xf32, #tpu.memory_space<hbm>> -> memref<10000x2xf32, #tpu.memory_space<hbm>>
        %dma_start3A_488 = tpu.memref_slice %arg12[%dma_start3A_477] : memref<8x!tpu.dma_semaphore, #tpu.memory_space<semaphore_mem>> -> memref<1x!tpu.dma_semaphore, #tpu.memory_space<semaphore_mem>>
        %dma_start3A_489 = tpu.memref_squeeze %dma_start3A_488 : memref<1x!tpu.dma_semaphore, #tpu.memory_space<semaphore_mem>> -> memref<!tpu.dma_semaphore, #tpu.memory_space<semaphore_mem>>
        tpu.enqueue_indirect_dma source(%dma_start3A_487 : memref<10000x2xf32, #tpu.memory_space<hbm>>) target(%dma_start3A_481 : memref<128x2xf32, #tpu.memory_space<vmem>>) offsets(%dma_start3A_484 : memref<128xi32, #tpu.memory_space<vmem>>) semaphore(%dma_start3A_489 : memref<!tpu.dma_semaphore, #tpu.memory_space<semaphore_mem>>)
        %dma_wait3A_490 = arith.constant 0 : i32
        %dma_wait3A_491 = arith.constant 0 : i32
        %dma_wait3A_492 = tpu.memref_slice %arg9[%cond3A_390, %dma_wait3A_490, %dma_wait3A_491] : memref<8x128x2xf32, #tpu.memory_space<vmem>> -> memref<1x128x2xf32, #tpu.memory_space<vmem>>
        %dma_wait3A_493 = tpu.memref_squeeze %dma_wait3A_492 : memref<1x128x2xf32, #tpu.memory_space<vmem>> -> memref<128x2xf32, #tpu.memory_space<vmem>>
        %dma_wait3A_494 = arith.constant 0 : i32
        %dma_wait3A_495 = tpu.memref_slice %arg8[%add3A_195, %dma_wait3A_494] : memref<80x128xi32, #tpu.memory_space<vmem>> -> memref<1x128xi32, #tpu.memory_space<vmem>>
        %dma_wait3A_496 = tpu.memref_squeeze %dma_wait3A_495 : memref<1x128xi32, #tpu.memory_space<vmem>> -> memref<128xi32, #tpu.memory_space<vmem>>
        %dma_wait3A_497 = arith.constant 0 : i32
        %dma_wait3A_498 = arith.constant 0 : i32
        %dma_wait3A_499 = tpu.memref_slice %arg11[%dma_wait3A_497, %dma_wait3A_498] : memref<10112x2xf32, #tpu.memory_space<vmem_shared>> -> memref<10112x2xf32, #tpu.memory_space<vmem_shared>>
        %dma_wait3A_500 = tpu.memref_slice %arg13[%cond3A_391] : memref<8x!tpu.dma_semaphore, #tpu.memory_space<semaphore_mem>> -> memref<1x!tpu.dma_semaphore, #tpu.memory_space<semaphore_mem>>
        %dma_wait3A_501 = tpu.memref_squeeze %dma_wait3A_500 : memref<1x!tpu.dma_semaphore, #tpu.memory_space<semaphore_mem>> -> memref<!tpu.dma_semaphore, #tpu.memory_space<semaphore_mem>>
        tpu.wait_indirect_dma semaphore(%dma_wait3A_501 : memref<!tpu.dma_semaphore, #tpu.memory_space<semaphore_mem>>) src(%dma_wait3A_493 : memref<128x2xf32, #tpu.memory_space<vmem>>) dst(%dma_wait3A_499 : memref<10112x2xf32, #tpu.memory_space<vmem_shared>>)
        %add3A_502 = arith.constant 1 : i32
        %add3A_503 = arith.addi %scan3A_128, %add3A_502 : i32
        %mul3A_504 = arith.constant 8 : i32
        %mul3A_505 = arith.muli %add3A_503, %mul3A_504 : i32
        %add3A_506 = arith.constant 2 : i32
        %add3A_507 = arith.addi %mul3A_505, %add3A_506 : i32
        %dma_start3A_508 = arith.constant 2 : i32
        %dma_start3A_509 = arith.constant 2 : i32
        %dma_start3A_510 = arith.constant 0 : i32
        %dma_start3A_511 = arith.constant 0 : i32
        %dma_start3A_512 = tpu.memref_slice %arg9[%dma_start3A_508, %dma_start3A_510, %dma_start3A_511] : memref<8x128x2xf32, #tpu.memory_space<vmem>> -> memref<1x128x2xf32, #tpu.memory_space<vmem>>
        %dma_start3A_513 = tpu.memref_squeeze %dma_start3A_512 : memref<1x128x2xf32, #tpu.memory_space<vmem>> -> memref<128x2xf32, #tpu.memory_space<vmem>>
        %dma_start3A_514 = arith.constant 0 : i32
        %dma_start3A_515 = tpu.memref_slice %arg7[%add3A_507, %dma_start3A_514] : memref<80x128xi32, #tpu.memory_space<vmem>> -> memref<1x128xi32, #tpu.memory_space<vmem>>
        %dma_start3A_516 = tpu.memref_squeeze %dma_start3A_515 : memref<1x128xi32, #tpu.memory_space<vmem>> -> memref<128xi32, #tpu.memory_space<vmem>>
        %dma_start3A_517 = arith.constant 0 : i32
        %dma_start3A_518 = arith.constant 0 : i32
        %dma_start3A_519 = tpu.memref_slice %arg2[%dma_start3A_517, %dma_start3A_518] : memref<10000x2xf32, #tpu.memory_space<hbm>> -> memref<10000x2xf32, #tpu.memory_space<hbm>>
        %dma_start3A_520 = tpu.memref_slice %arg12[%dma_start3A_509] : memref<8x!tpu.dma_semaphore, #tpu.memory_space<semaphore_mem>> -> memref<1x!tpu.dma_semaphore, #tpu.memory_space<semaphore_mem>>
        %dma_start3A_521 = tpu.memref_squeeze %dma_start3A_520 : memref<1x!tpu.dma_semaphore, #tpu.memory_space<semaphore_mem>> -> memref<!tpu.dma_semaphore, #tpu.memory_space<semaphore_mem>>
        tpu.enqueue_indirect_dma source(%dma_start3A_519 : memref<10000x2xf32, #tpu.memory_space<hbm>>) target(%dma_start3A_513 : memref<128x2xf32, #tpu.memory_space<vmem>>) offsets(%dma_start3A_516 : memref<128xi32, #tpu.memory_space<vmem>>) semaphore(%dma_start3A_521 : memref<!tpu.dma_semaphore, #tpu.memory_space<semaphore_mem>>)
        %dma_wait3A_522 = arith.constant 0 : i32
        %dma_wait3A_523 = arith.constant 0 : i32
        %dma_wait3A_524 = tpu.memref_slice %arg9[%cond3A_392, %dma_wait3A_522, %dma_wait3A_523] : memref<8x128x2xf32, #tpu.memory_space<vmem>> -> memref<1x128x2xf32, #tpu.memory_space<vmem>>
        %dma_wait3A_525 = tpu.memref_squeeze %dma_wait3A_524 : memref<1x128x2xf32, #tpu.memory_space<vmem>> -> memref<128x2xf32, #tpu.memory_space<vmem>>
        %dma_wait3A_526 = arith.constant 0 : i32
        %dma_wait3A_527 = tpu.memref_slice %arg8[%add3A_227, %dma_wait3A_526] : memref<80x128xi32, #tpu.memory_space<vmem>> -> memref<1x128xi32, #tpu.memory_space<vmem>>
        %dma_wait3A_528 = tpu.memref_squeeze %dma_wait3A_527 : memref<1x128xi32, #tpu.memory_space<vmem>> -> memref<128xi32, #tpu.memory_space<vmem>>
        %dma_wait3A_529 = arith.constant 0 : i32
        %dma_wait3A_530 = arith.constant 0 : i32
        %dma_wait3A_531 = tpu.memref_slice %arg11[%dma_wait3A_529, %dma_wait3A_530] : memref<10112x2xf32, #tpu.memory_space<vmem_shared>> -> memref<10112x2xf32, #tpu.memory_space<vmem_shared>>
        %dma_wait3A_532 = tpu.memref_slice %arg13[%cond3A_393] : memref<8x!tpu.dma_semaphore, #tpu.memory_space<semaphore_mem>> -> memref<1x!tpu.dma_semaphore, #tpu.memory_space<semaphore_mem>>
        %dma_wait3A_533 = tpu.memref_squeeze %dma_wait3A_532 : memref<1x!tpu.dma_semaphore, #tpu.memory_space<semaphore_mem>> -> memref<!tpu.dma_semaphore, #tpu.memory_space<semaphore_mem>>
        tpu.wait_indirect_dma semaphore(%dma_wait3A_533 : memref<!tpu.dma_semaphore, #tpu.memory_space<semaphore_mem>>) src(%dma_wait3A_525 : memref<128x2xf32, #tpu.memory_space<vmem>>) dst(%dma_wait3A_531 : memref<10112x2xf32, #tpu.memory_space<vmem_shared>>)
        %add3A_534 = arith.constant 1 : i32
        %add3A_535 = arith.addi %scan3A_128, %add3A_534 : i32
        %mul3A_536 = arith.constant 8 : i32
        %mul3A_537 = arith.muli %add3A_535, %mul3A_536 : i32
        %add3A_538 = arith.constant 3 : i32
        %add3A_539 = arith.addi %mul3A_537, %add3A_538 : i32
        %dma_start3A_540 = arith.constant 3 : i32
        %dma_start3A_541 = arith.constant 3 : i32
        %dma_start3A_542 = arith.constant 0 : i32
        %dma_start3A_543 = arith.constant 0 : i32
        %dma_start3A_544 = tpu.memref_slice %arg9[%dma_start3A_540, %dma_start3A_542, %dma_start3A_543] : memref<8x128x2xf32, #tpu.memory_space<vmem>> -> memref<1x128x2xf32, #tpu.memory_space<vmem>>
        %dma_start3A_545 = tpu.memref_squeeze %dma_start3A_544 : memref<1x128x2xf32, #tpu.memory_space<vmem>> -> memref<128x2xf32, #tpu.memory_space<vmem>>
        %dma_start3A_546 = arith.constant 0 : i32
        %dma_start3A_547 = tpu.memref_slice %arg7[%add3A_539, %dma_start3A_546] : memref<80x128xi32, #tpu.memory_space<vmem>> -> memref<1x128xi32, #tpu.memory_space<vmem>>
        %dma_start3A_548 = tpu.memref_squeeze %dma_start3A_547 : memref<1x128xi32, #tpu.memory_space<vmem>> -> memref<128xi32, #tpu.memory_space<vmem>>
        %dma_start3A_549 = arith.constant 0 : i32
        %dma_start3A_550 = arith.constant 0 : i32
        %dma_start3A_551 = tpu.memref_slice %arg2[%dma_start3A_549, %dma_start3A_550] : memref<10000x2xf32, #tpu.memory_space<hbm>> -> memref<10000x2xf32, #tpu.memory_space<hbm>>
        %dma_start3A_552 = tpu.memref_slice %arg12[%dma_start3A_541] : memref<8x!tpu.dma_semaphore, #tpu.memory_space<semaphore_mem>> -> memref<1x!tpu.dma_semaphore, #tpu.memory_space<semaphore_mem>>
        %dma_start3A_553 = tpu.memref_squeeze %dma_start3A_552 : memref<1x!tpu.dma_semaphore, #tpu.memory_space<semaphore_mem>> -> memref<!tpu.dma_semaphore, #tpu.memory_space<semaphore_mem>>
        tpu.enqueue_indirect_dma source(%dma_start3A_551 : memref<10000x2xf32, #tpu.memory_space<hbm>>) target(%dma_start3A_545 : memref<128x2xf32, #tpu.memory_space<vmem>>) offsets(%dma_start3A_548 : memref<128xi32, #tpu.memory_space<vmem>>) semaphore(%dma_start3A_553 : memref<!tpu.dma_semaphore, #tpu.memory_space<semaphore_mem>>)
        %dma_wait3A_554 = arith.constant 0 : i32
        %dma_wait3A_555 = arith.constant 0 : i32
        %dma_wait3A_556 = tpu.memref_slice %arg9[%cond3A_394, %dma_wait3A_554, %dma_wait3A_555] : memref<8x128x2xf32, #tpu.memory_space<vmem>> -> memref<1x128x2xf32, #tpu.memory_space<vmem>>
        %dma_wait3A_557 = tpu.memref_squeeze %dma_wait3A_556 : memref<1x128x2xf32, #tpu.memory_space<vmem>> -> memref<128x2xf32, #tpu.memory_space<vmem>>
        %dma_wait3A_558 = arith.constant 0 : i32
        %dma_wait3A_559 = tpu.memref_slice %arg8[%add3A_259, %dma_wait3A_558] : memref<80x128xi32, #tpu.memory_space<vmem>> -> memref<1x128xi32, #tpu.memory_space<vmem>>
        %dma_wait3A_560 = tpu.memref_squeeze %dma_wait3A_559 : memref<1x128xi32, #tpu.memory_space<vmem>> -> memref<128xi32, #tpu.memory_space<vmem>>
        %dma_wait3A_561 = arith.constant 0 : i32
        %dma_wait3A_562 = arith.constant 0 : i32
        %dma_wait3A_563 = tpu.memref_slice %arg11[%dma_wait3A_561, %dma_wait3A_562] : memref<10112x2xf32, #tpu.memory_space<vmem_shared>> -> memref<10112x2xf32, #tpu.memory_space<vmem_shared>>
        %dma_wait3A_564 = tpu.memref_slice %arg13[%cond3A_395] : memref<8x!tpu.dma_semaphore, #tpu.memory_space<semaphore_mem>> -> memref<1x!tpu.dma_semaphore, #tpu.memory_space<semaphore_mem>>
        %dma_wait3A_565 = tpu.memref_squeeze %dma_wait3A_564 : memref<1x!tpu.dma_semaphore, #tpu.memory_space<semaphore_mem>> -> memref<!tpu.dma_semaphore, #tpu.memory_space<semaphore_mem>>
        tpu.wait_indirect_dma semaphore(%dma_wait3A_565 : memref<!tpu.dma_semaphore, #tpu.memory_space<semaphore_mem>>) src(%dma_wait3A_557 : memref<128x2xf32, #tpu.memory_space<vmem>>) dst(%dma_wait3A_563 : memref<10112x2xf32, #tpu.memory_space<vmem_shared>>)
        %add3A_566 = arith.constant 1 : i32
        %add3A_567 = arith.addi %scan3A_128, %add3A_566 : i32
        %mul3A_568 = arith.constant 8 : i32
        %mul3A_569 = arith.muli %add3A_567, %mul3A_568 : i32
        %add3A_570 = arith.constant 4 : i32
        %add3A_571 = arith.addi %mul3A_569, %add3A_570 : i32
        %dma_start3A_572 = arith.constant 4 : i32
        %dma_start3A_573 = arith.constant 4 : i32
        %dma_start3A_574 = arith.constant 0 : i32
        %dma_start3A_575 = arith.constant 0 : i32
        %dma_start3A_576 = tpu.memref_slice %arg9[%dma_start3A_572, %dma_start3A_574, %dma_start3A_575] : memref<8x128x2xf32, #tpu.memory_space<vmem>> -> memref<1x128x2xf32, #tpu.memory_space<vmem>>
        %dma_start3A_577 = tpu.memref_squeeze %dma_start3A_576 : memref<1x128x2xf32, #tpu.memory_space<vmem>> -> memref<128x2xf32, #tpu.memory_space<vmem>>
        %dma_start3A_578 = arith.constant 0 : i32
        %dma_start3A_579 = tpu.memref_slice %arg7[%add3A_571, %dma_start3A_578] : memref<80x128xi32, #tpu.memory_space<vmem>> -> memref<1x128xi32, #tpu.memory_space<vmem>>
        %dma_start3A_580 = tpu.memref_squeeze %dma_start3A_579 : memref<1x128xi32, #tpu.memory_space<vmem>> -> memref<128xi32, #tpu.memory_space<vmem>>
        %dma_start3A_581 = arith.constant 0 : i32
        %dma_start3A_582 = arith.constant 0 : i32
        %dma_start3A_583 = tpu.memref_slice %arg2[%dma_start3A_581, %dma_start3A_582] : memref<10000x2xf32, #tpu.memory_space<hbm>> -> memref<10000x2xf32, #tpu.memory_space<hbm>>
        %dma_start3A_584 = tpu.memref_slice %arg12[%dma_start3A_573] : memref<8x!tpu.dma_semaphore, #tpu.memory_space<semaphore_mem>> -> memref<1x!tpu.dma_semaphore, #tpu.memory_space<semaphore_mem>>
        %dma_start3A_585 = tpu.memref_squeeze %dma_start3A_584 : memref<1x!tpu.dma_semaphore, #tpu.memory_space<semaphore_mem>> -> memref<!tpu.dma_semaphore, #tpu.memory_space<semaphore_mem>>
        tpu.enqueue_indirect_dma source(%dma_start3A_583 : memref<10000x2xf32, #tpu.memory_space<hbm>>) target(%dma_start3A_577 : memref<128x2xf32, #tpu.memory_space<vmem>>) offsets(%dma_start3A_580 : memref<128xi32, #tpu.memory_space<vmem>>) semaphore(%dma_start3A_585 : memref<!tpu.dma_semaphore, #tpu.memory_space<semaphore_mem>>)
        %dma_wait3A_586 = arith.constant 0 : i32
        %dma_wait3A_587 = arith.constant 0 : i32
        %dma_wait3A_588 = tpu.memref_slice %arg9[%cond3A_396, %dma_wait3A_586, %dma_wait3A_587] : memref<8x128x2xf32, #tpu.memory_space<vmem>> -> memref<1x128x2xf32, #tpu.memory_space<vmem>>
        %dma_wait3A_589 = tpu.memref_squeeze %dma_wait3A_588 : memref<1x128x2xf32, #tpu.memory_space<vmem>> -> memref<128x2xf32, #tpu.memory_space<vmem>>
        %dma_wait3A_590 = arith.constant 0 : i32
        %dma_wait3A_591 = tpu.memref_slice %arg8[%add3A_291, %dma_wait3A_590] : memref<80x128xi32, #tpu.memory_space<vmem>> -> memref<1x128xi32, #tpu.memory_space<vmem>>
        %dma_wait3A_592 = tpu.memref_squeeze %dma_wait3A_591 : memref<1x128xi32, #tpu.memory_space<vmem>> -> memref<128xi32, #tpu.memory_space<vmem>>
        %dma_wait3A_593 = arith.constant 0 : i32
        %dma_wait3A_594 = arith.constant 0 : i32
        %dma_wait3A_595 = tpu.memref_slice %arg11[%dma_wait3A_593, %dma_wait3A_594] : memref<10112x2xf32, #tpu.memory_space<vmem_shared>> -> memref<10112x2xf32, #tpu.memory_space<vmem_shared>>
        %dma_wait3A_596 = tpu.memref_slice %arg13[%cond3A_397] : memref<8x!tpu.dma_semaphore, #tpu.memory_space<semaphore_mem>> -> memref<1x!tpu.dma_semaphore, #tpu.memory_space<semaphore_mem>>
        %dma_wait3A_597 = tpu.memref_squeeze %dma_wait3A_596 : memref<1x!tpu.dma_semaphore, #tpu.memory_space<semaphore_mem>> -> memref<!tpu.dma_semaphore, #tpu.memory_space<semaphore_mem>>
        tpu.wait_indirect_dma semaphore(%dma_wait3A_597 : memref<!tpu.dma_semaphore, #tpu.memory_space<semaphore_mem>>) src(%dma_wait3A_589 : memref<128x2xf32, #tpu.memory_space<vmem>>) dst(%dma_wait3A_595 : memref<10112x2xf32, #tpu.memory_space<vmem_shared>>)
        %add3A_598 = arith.constant 1 : i32
        %add3A_599 = arith.addi %scan3A_128, %add3A_598 : i32
        %mul3A_600 = arith.constant 8 : i32
        %mul3A_601 = arith.muli %add3A_599, %mul3A_600 : i32
        %add3A_602 = arith.constant 5 : i32
        %add3A_603 = arith.addi %mul3A_601, %add3A_602 : i32
        %dma_start3A_604 = arith.constant 5 : i32
        %dma_start3A_605 = arith.constant 5 : i32
        %dma_start3A_606 = arith.constant 0 : i32
        %dma_start3A_607 = arith.constant 0 : i32
        %dma_start3A_608 = tpu.memref_slice %arg9[%dma_start3A_604, %dma_start3A_606, %dma_start3A_607] : memref<8x128x2xf32, #tpu.memory_space<vmem>> -> memref<1x128x2xf32, #tpu.memory_space<vmem>>
        %dma_start3A_609 = tpu.memref_squeeze %dma_start3A_608 : memref<1x128x2xf32, #tpu.memory_space<vmem>> -> memref<128x2xf32, #tpu.memory_space<vmem>>
        %dma_start3A_610 = arith.constant 0 : i32
        %dma_start3A_611 = tpu.memref_slice %arg7[%add3A_603, %dma_start3A_610] : memref<80x128xi32, #tpu.memory_space<vmem>> -> memref<1x128xi32, #tpu.memory_space<vmem>>
        %dma_start3A_612 = tpu.memref_squeeze %dma_start3A_611 : memref<1x128xi32, #tpu.memory_space<vmem>> -> memref<128xi32, #tpu.memory_space<vmem>>
        %dma_start3A_613 = arith.constant 0 : i32
        %dma_start3A_614 = arith.constant 0 : i32
        %dma_start3A_615 = tpu.memref_slice %arg2[%dma_start3A_613, %dma_start3A_614] : memref<10000x2xf32, #tpu.memory_space<hbm>> -> memref<10000x2xf32, #tpu.memory_space<hbm>>
        %dma_start3A_616 = tpu.memref_slice %arg12[%dma_start3A_605] : memref<8x!tpu.dma_semaphore, #tpu.memory_space<semaphore_mem>> -> memref<1x!tpu.dma_semaphore, #tpu.memory_space<semaphore_mem>>
        %dma_start3A_617 = tpu.memref_squeeze %dma_start3A_616 : memref<1x!tpu.dma_semaphore, #tpu.memory_space<semaphore_mem>> -> memref<!tpu.dma_semaphore, #tpu.memory_space<semaphore_mem>>
        tpu.enqueue_indirect_dma source(%dma_start3A_615 : memref<10000x2xf32, #tpu.memory_space<hbm>>) target(%dma_start3A_609 : memref<128x2xf32, #tpu.memory_space<vmem>>) offsets(%dma_start3A_612 : memref<128xi32, #tpu.memory_space<vmem>>) semaphore(%dma_start3A_617 : memref<!tpu.dma_semaphore, #tpu.memory_space<semaphore_mem>>)
        %dma_wait3A_618 = arith.constant 0 : i32
        %dma_wait3A_619 = arith.constant 0 : i32
        %dma_wait3A_620 = tpu.memref_slice %arg9[%cond3A_398, %dma_wait3A_618, %dma_wait3A_619] : memref<8x128x2xf32, #tpu.memory_space<vmem>> -> memref<1x128x2xf32, #tpu.memory_space<vmem>>
        %dma_wait3A_621 = tpu.memref_squeeze %dma_wait3A_620 : memref<1x128x2xf32, #tpu.memory_space<vmem>> -> memref<128x2xf32, #tpu.memory_space<vmem>>
        %dma_wait3A_622 = arith.constant 0 : i32
        %dma_wait3A_623 = tpu.memref_slice %arg8[%add3A_323, %dma_wait3A_622] : memref<80x128xi32, #tpu.memory_space<vmem>> -> memref<1x128xi32, #tpu.memory_space<vmem>>
        %dma_wait3A_624 = tpu.memref_squeeze %dma_wait3A_623 : memref<1x128xi32, #tpu.memory_space<vmem>> -> memref<128xi32, #tpu.memory_space<vmem>>
        %dma_wait3A_625 = arith.constant 0 : i32
        %dma_wait3A_626 = arith.constant 0 : i32
        %dma_wait3A_627 = tpu.memref_slice %arg11[%dma_wait3A_625, %dma_wait3A_626] : memref<10112x2xf32, #tpu.memory_space<vmem_shared>> -> memref<10112x2xf32, #tpu.memory_space<vmem_shared>>
        %dma_wait3A_628 = tpu.memref_slice %arg13[%cond3A_399] : memref<8x!tpu.dma_semaphore, #tpu.memory_space<semaphore_mem>> -> memref<1x!tpu.dma_semaphore, #tpu.memory_space<semaphore_mem>>
        %dma_wait3A_629 = tpu.memref_squeeze %dma_wait3A_628 : memref<1x!tpu.dma_semaphore, #tpu.memory_space<semaphore_mem>> -> memref<!tpu.dma_semaphore, #tpu.memory_space<semaphore_mem>>
        tpu.wait_indirect_dma semaphore(%dma_wait3A_629 : memref<!tpu.dma_semaphore, #tpu.memory_space<semaphore_mem>>) src(%dma_wait3A_621 : memref<128x2xf32, #tpu.memory_space<vmem>>) dst(%dma_wait3A_627 : memref<10112x2xf32, #tpu.memory_space<vmem_shared>>)
        %add3A_630 = arith.constant 1 : i32
        %add3A_631 = arith.addi %scan3A_128, %add3A_630 : i32
        %mul3A_632 = arith.constant 8 : i32
        %mul3A_633 = arith.muli %add3A_631, %mul3A_632 : i32
        %add3A_634 = arith.constant 6 : i32
        %add3A_635 = arith.addi %mul3A_633, %add3A_634 : i32
        %dma_start3A_636 = arith.constant 6 : i32
        %dma_start3A_637 = arith.constant 6 : i32
        %dma_start3A_638 = arith.constant 0 : i32
        %dma_start3A_639 = arith.constant 0 : i32
        %dma_start3A_640 = tpu.memref_slice %arg9[%dma_start3A_636, %dma_start3A_638, %dma_start3A_639] : memref<8x128x2xf32, #tpu.memory_space<vmem>> -> memref<1x128x2xf32, #tpu.memory_space<vmem>>
        %dma_start3A_641 = tpu.memref_squeeze %dma_start3A_640 : memref<1x128x2xf32, #tpu.memory_space<vmem>> -> memref<128x2xf32, #tpu.memory_space<vmem>>
        %dma_start3A_642 = arith.constant 0 : i32
        %dma_start3A_643 = tpu.memref_slice %arg7[%add3A_635, %dma_start3A_642] : memref<80x128xi32, #tpu.memory_space<vmem>> -> memref<1x128xi32, #tpu.memory_space<vmem>>
        %dma_start3A_644 = tpu.memref_squeeze %dma_start3A_643 : memref<1x128xi32, #tpu.memory_space<vmem>> -> memref<128xi32, #tpu.memory_space<vmem>>
        %dma_start3A_645 = arith.constant 0 : i32
        %dma_start3A_646 = arith.constant 0 : i32
        %dma_start3A_647 = tpu.memref_slice %arg2[%dma_start3A_645, %dma_start3A_646] : memref<10000x2xf32, #tpu.memory_space<hbm>> -> memref<10000x2xf32, #tpu.memory_space<hbm>>
        %dma_start3A_648 = tpu.memref_slice %arg12[%dma_start3A_637] : memref<8x!tpu.dma_semaphore, #tpu.memory_space<semaphore_mem>> -> memref<1x!tpu.dma_semaphore, #tpu.memory_space<semaphore_mem>>
        %dma_start3A_649 = tpu.memref_squeeze %dma_start3A_648 : memref<1x!tpu.dma_semaphore, #tpu.memory_space<semaphore_mem>> -> memref<!tpu.dma_semaphore, #tpu.memory_space<semaphore_mem>>
        tpu.enqueue_indirect_dma source(%dma_start3A_647 : memref<10000x2xf32, #tpu.memory_space<hbm>>) target(%dma_start3A_641 : memref<128x2xf32, #tpu.memory_space<vmem>>) offsets(%dma_start3A_644 : memref<128xi32, #tpu.memory_space<vmem>>) semaphore(%dma_start3A_649 : memref<!tpu.dma_semaphore, #tpu.memory_space<semaphore_mem>>)
        %dma_wait3A_650 = arith.constant 0 : i32
        %dma_wait3A_651 = arith.constant 0 : i32
        %dma_wait3A_652 = tpu.memref_slice %arg9[%cond3A_400, %dma_wait3A_650, %dma_wait3A_651] : memref<8x128x2xf32, #tpu.memory_space<vmem>> -> memref<1x128x2xf32, #tpu.memory_space<vmem>>
        %dma_wait3A_653 = tpu.memref_squeeze %dma_wait3A_652 : memref<1x128x2xf32, #tpu.memory_space<vmem>> -> memref<128x2xf32, #tpu.memory_space<vmem>>
        %dma_wait3A_654 = arith.constant 0 : i32
        %dma_wait3A_655 = tpu.memref_slice %arg8[%add3A_355, %dma_wait3A_654] : memref<80x128xi32, #tpu.memory_space<vmem>> -> memref<1x128xi32, #tpu.memory_space<vmem>>
        %dma_wait3A_656 = tpu.memref_squeeze %dma_wait3A_655 : memref<1x128xi32, #tpu.memory_space<vmem>> -> memref<128xi32, #tpu.memory_space<vmem>>
        %dma_wait3A_657 = arith.constant 0 : i32
        %dma_wait3A_658 = arith.constant 0 : i32
        %dma_wait3A_659 = tpu.memref_slice %arg11[%dma_wait3A_657, %dma_wait3A_658] : memref<10112x2xf32, #tpu.memory_space<vmem_shared>> -> memref<10112x2xf32, #tpu.memory_space<vmem_shared>>
        %dma_wait3A_660 = tpu.memref_slice %arg13[%cond3A_401] : memref<8x!tpu.dma_semaphore, #tpu.memory_space<semaphore_mem>> -> memref<1x!tpu.dma_semaphore, #tpu.memory_space<semaphore_mem>>
        %dma_wait3A_661 = tpu.memref_squeeze %dma_wait3A_660 : memref<1x!tpu.dma_semaphore, #tpu.memory_space<semaphore_mem>> -> memref<!tpu.dma_semaphore, #tpu.memory_space<semaphore_mem>>
        tpu.wait_indirect_dma semaphore(%dma_wait3A_661 : memref<!tpu.dma_semaphore, #tpu.memory_space<semaphore_mem>>) src(%dma_wait3A_653 : memref<128x2xf32, #tpu.memory_space<vmem>>) dst(%dma_wait3A_659 : memref<10112x2xf32, #tpu.memory_space<vmem_shared>>)
        %add3A_662 = arith.constant 1 : i32
        %add3A_663 = arith.addi %scan3A_128, %add3A_662 : i32
        %mul3A_664 = arith.constant 8 : i32
        %mul3A_665 = arith.muli %add3A_663, %mul3A_664 : i32
        %add3A_666 = arith.constant 7 : i32
        %add3A_667 = arith.addi %mul3A_665, %add3A_666 : i32
        %dma_start3A_668 = arith.constant 7 : i32
        %dma_start3A_669 = arith.constant 7 : i32
        %dma_start3A_670 = arith.constant 0 : i32
        %dma_start3A_671 = arith.constant 0 : i32
        %dma_start3A_672 = tpu.memref_slice %arg9[%dma_start3A_668, %dma_start3A_670, %dma_start3A_671] : memref<8x128x2xf32, #tpu.memory_space<vmem>> -> memref<1x128x2xf32, #tpu.memory_space<vmem>>
        %dma_start3A_673 = tpu.memref_squeeze %dma_start3A_672 : memref<1x128x2xf32, #tpu.memory_space<vmem>> -> memref<128x2xf32, #tpu.memory_space<vmem>>
        %dma_start3A_674 = arith.constant 0 : i32
        %dma_start3A_675 = tpu.memref_slice %arg7[%add3A_667, %dma_start3A_674] : memref<80x128xi32, #tpu.memory_space<vmem>> -> memref<1x128xi32, #tpu.memory_space<vmem>>
        %dma_start3A_676 = tpu.memref_squeeze %dma_start3A_675 : memref<1x128xi32, #tpu.memory_space<vmem>> -> memref<128xi32, #tpu.memory_space<vmem>>
        %dma_start3A_677 = arith.constant 0 : i32
        %dma_start3A_678 = arith.constant 0 : i32
        %dma_start3A_679 = tpu.memref_slice %arg2[%dma_start3A_677, %dma_start3A_678] : memref<10000x2xf32, #tpu.memory_space<hbm>> -> memref<10000x2xf32, #tpu.memory_space<hbm>>
        %dma_start3A_680 = tpu.memref_slice %arg12[%dma_start3A_669] : memref<8x!tpu.dma_semaphore, #tpu.memory_space<semaphore_mem>> -> memref<1x!tpu.dma_semaphore, #tpu.memory_space<semaphore_mem>>
        %dma_start3A_681 = tpu.memref_squeeze %dma_start3A_680 : memref<1x!tpu.dma_semaphore, #tpu.memory_space<semaphore_mem>> -> memref<!tpu.dma_semaphore, #tpu.memory_space<semaphore_mem>>
        tpu.enqueue_indirect_dma source(%dma_start3A_679 : memref<10000x2xf32, #tpu.memory_space<hbm>>) target(%dma_start3A_673 : memref<128x2xf32, #tpu.memory_space<vmem>>) offsets(%dma_start3A_676 : memref<128xi32, #tpu.memory_space<vmem>>) semaphore(%dma_start3A_681 : memref<!tpu.dma_semaphore, #tpu.memory_space<semaphore_mem>>)
      } else {
      }
      %add3A_404 = arith.constant 1 : i32
      %add3A_405 = arith.addi %scan3A_128, %add3A_404 : i32
      %ge3A = arith.constant 10 : i32
      %ge3A_406 = arith.cmpi sge, %add3A_405, %ge3A : i32
      %convert_element_type3A_407 = arith.extui %ge3A_406 : i1 to i32
      %cond3A_408 = arith.constant 0 : i32
      %cond3A_409 = arith.constant 0 : i32
      %cond3A_410 = arith.constant 1 : i32
      %cond3A_411 = arith.constant 1 : i32
      %cond3A_412 = arith.constant 2 : i32
      %cond3A_413 = arith.constant 2 : i32
      %cond3A_414 = arith.constant 3 : i32
      %cond3A_415 = arith.constant 3 : i32
      %cond3A_416 = arith.constant 4 : i32
      %cond3A_417 = arith.constant 4 : i32
      %cond3A_418 = arith.constant 5 : i32
      %cond3A_419 = arith.constant 5 : i32
      %cond3A_420 = arith.constant 6 : i32
      %cond3A_421 = arith.constant 6 : i32
      %cond3A_422 = arith.constant 7 : i32
      %cond3A_423 = arith.constant 7 : i32
      %cond3A_424 = arith.constant 0 : i32
      %cond3A_425 = arith.cmpi ne, %convert_element_type3A_407, %cond3A_424 : i32
      scf.if %cond3A_425 {
        %dma_wait3A_426 = arith.constant 0 : i32
        %dma_wait3A_427 = arith.constant 0 : i32
        %dma_wait3A_428 = tpu.memref_slice %arg9[%cond3A_408, %dma_wait3A_426, %dma_wait3A_427] : memref<8x128x2xf32, #tpu.memory_space<vmem>> -> memref<1x128x2xf32, #tpu.memory_space<vmem>>
        %dma_wait3A_429 = tpu.memref_squeeze %dma_wait3A_428 : memref<1x128x2xf32, #tpu.memory_space<vmem>> -> memref<128x2xf32, #tpu.memory_space<vmem>>
        %dma_wait3A_430 = arith.constant 0 : i32
        %dma_wait3A_431 = tpu.memref_slice %arg8[%add3A_132, %dma_wait3A_430] : memref<80x128xi32, #tpu.memory_space<vmem>> -> memref<1x128xi32, #tpu.memory_space<vmem>>
        %dma_wait3A_432 = tpu.memref_squeeze %dma_wait3A_431 : memref<1x128xi32, #tpu.memory_space<vmem>> -> memref<128xi32, #tpu.memory_space<vmem>>
        %dma_wait3A_433 = arith.constant 0 : i32
        %dma_wait3A_434 = arith.constant 0 : i32
        %dma_wait3A_435 = tpu.memref_slice %arg11[%dma_wait3A_433, %dma_wait3A_434] : memref<10112x2xf32, #tpu.memory_space<vmem_shared>> -> memref<10112x2xf32, #tpu.memory_space<vmem_shared>>
        %dma_wait3A_436 = tpu.memref_slice %arg13[%cond3A_409] : memref<8x!tpu.dma_semaphore, #tpu.memory_space<semaphore_mem>> -> memref<1x!tpu.dma_semaphore, #tpu.memory_space<semaphore_mem>>
        %dma_wait3A_437 = tpu.memref_squeeze %dma_wait3A_436 : memref<1x!tpu.dma_semaphore, #tpu.memory_space<semaphore_mem>> -> memref<!tpu.dma_semaphore, #tpu.memory_space<semaphore_mem>>
        tpu.wait_indirect_dma semaphore(%dma_wait3A_437 : memref<!tpu.dma_semaphore, #tpu.memory_space<semaphore_mem>>) src(%dma_wait3A_429 : memref<128x2xf32, #tpu.memory_space<vmem>>) dst(%dma_wait3A_435 : memref<10112x2xf32, #tpu.memory_space<vmem_shared>>)
        %dma_wait3A_438 = arith.constant 0 : i32
        %dma_wait3A_439 = arith.constant 0 : i32
        %dma_wait3A_440 = tpu.memref_slice %arg9[%cond3A_410, %dma_wait3A_438, %dma_wait3A_439] : memref<8x128x2xf32, #tpu.memory_space<vmem>> -> memref<1x128x2xf32, #tpu.memory_space<vmem>>
        %dma_wait3A_441 = tpu.memref_squeeze %dma_wait3A_440 : memref<1x128x2xf32, #tpu.memory_space<vmem>> -> memref<128x2xf32, #tpu.memory_space<vmem>>
        %dma_wait3A_442 = arith.constant 0 : i32
        %dma_wait3A_443 = tpu.memref_slice %arg8[%add3A_163, %dma_wait3A_442] : memref<80x128xi32, #tpu.memory_space<vmem>> -> memref<1x128xi32, #tpu.memory_space<vmem>>
        %dma_wait3A_444 = tpu.memref_squeeze %dma_wait3A_443 : memref<1x128xi32, #tpu.memory_space<vmem>> -> memref<128xi32, #tpu.memory_space<vmem>>
        %dma_wait3A_445 = arith.constant 0 : i32
        %dma_wait3A_446 = arith.constant 0 : i32
        %dma_wait3A_447 = tpu.memref_slice %arg11[%dma_wait3A_445, %dma_wait3A_446] : memref<10112x2xf32, #tpu.memory_space<vmem_shared>> -> memref<10112x2xf32, #tpu.memory_space<vmem_shared>>
        %dma_wait3A_448 = tpu.memref_slice %arg13[%cond3A_411] : memref<8x!tpu.dma_semaphore, #tpu.memory_space<semaphore_mem>> -> memref<1x!tpu.dma_semaphore, #tpu.memory_space<semaphore_mem>>
        %dma_wait3A_449 = tpu.memref_squeeze %dma_wait3A_448 : memref<1x!tpu.dma_semaphore, #tpu.memory_space<semaphore_mem>> -> memref<!tpu.dma_semaphore, #tpu.memory_space<semaphore_mem>>
        tpu.wait_indirect_dma semaphore(%dma_wait3A_449 : memref<!tpu.dma_semaphore, #tpu.memory_space<semaphore_mem>>) src(%dma_wait3A_441 : memref<128x2xf32, #tpu.memory_space<vmem>>) dst(%dma_wait3A_447 : memref<10112x2xf32, #tpu.memory_space<vmem_shared>>)
        %dma_wait3A_450 = arith.constant 0 : i32
        %dma_wait3A_451 = arith.constant 0 : i32
        %dma_wait3A_452 = tpu.memref_slice %arg9[%cond3A_412, %dma_wait3A_450, %dma_wait3A_451] : memref<8x128x2xf32, #tpu.memory_space<vmem>> -> memref<1x128x2xf32, #tpu.memory_space<vmem>>
        %dma_wait3A_453 = tpu.memref_squeeze %dma_wait3A_452 : memref<1x128x2xf32, #tpu.memory_space<vmem>> -> memref<128x2xf32, #tpu.memory_space<vmem>>
        %dma_wait3A_454 = arith.constant 0 : i32
        %dma_wait3A_455 = tpu.memref_slice %arg8[%add3A_195, %dma_wait3A_454] : memref<80x128xi32, #tpu.memory_space<vmem>> -> memref<1x128xi32, #tpu.memory_space<vmem>>
        %dma_wait3A_456 = tpu.memref_squeeze %dma_wait3A_455 : memref<1x128xi32, #tpu.memory_space<vmem>> -> memref<128xi32, #tpu.memory_space<vmem>>
        %dma_wait3A_457 = arith.constant 0 : i32
        %dma_wait3A_458 = arith.constant 0 : i32
        %dma_wait3A_459 = tpu.memref_slice %arg11[%dma_wait3A_457, %dma_wait3A_458] : memref<10112x2xf32, #tpu.memory_space<vmem_shared>> -> memref<10112x2xf32, #tpu.memory_space<vmem_shared>>
        %dma_wait3A_460 = tpu.memref_slice %arg13[%cond3A_413] : memref<8x!tpu.dma_semaphore, #tpu.memory_space<semaphore_mem>> -> memref<1x!tpu.dma_semaphore, #tpu.memory_space<semaphore_mem>>
        %dma_wait3A_461 = tpu.memref_squeeze %dma_wait3A_460 : memref<1x!tpu.dma_semaphore, #tpu.memory_space<semaphore_mem>> -> memref<!tpu.dma_semaphore, #tpu.memory_space<semaphore_mem>>
        tpu.wait_indirect_dma semaphore(%dma_wait3A_461 : memref<!tpu.dma_semaphore, #tpu.memory_space<semaphore_mem>>) src(%dma_wait3A_453 : memref<128x2xf32, #tpu.memory_space<vmem>>) dst(%dma_wait3A_459 : memref<10112x2xf32, #tpu.memory_space<vmem_shared>>)
        %dma_wait3A_462 = arith.constant 0 : i32
        %dma_wait3A_463 = arith.constant 0 : i32
        %dma_wait3A_464 = tpu.memref_slice %arg9[%cond3A_414, %dma_wait3A_462, %dma_wait3A_463] : memref<8x128x2xf32, #tpu.memory_space<vmem>> -> memref<1x128x2xf32, #tpu.memory_space<vmem>>
        %dma_wait3A_465 = tpu.memref_squeeze %dma_wait3A_464 : memref<1x128x2xf32, #tpu.memory_space<vmem>> -> memref<128x2xf32, #tpu.memory_space<vmem>>
        %dma_wait3A_466 = arith.constant 0 : i32
        %dma_wait3A_467 = tpu.memref_slice %arg8[%add3A_227, %dma_wait3A_466] : memref<80x128xi32, #tpu.memory_space<vmem>> -> memref<1x128xi32, #tpu.memory_space<vmem>>
        %dma_wait3A_468 = tpu.memref_squeeze %dma_wait3A_467 : memref<1x128xi32, #tpu.memory_space<vmem>> -> memref<128xi32, #tpu.memory_space<vmem>>
        %dma_wait3A_469 = arith.constant 0 : i32
        %dma_wait3A_470 = arith.constant 0 : i32
        %dma_wait3A_471 = tpu.memref_slice %arg11[%dma_wait3A_469, %dma_wait3A_470] : memref<10112x2xf32, #tpu.memory_space<vmem_shared>> -> memref<10112x2xf32, #tpu.memory_space<vmem_shared>>
        %dma_wait3A_472 = tpu.memref_slice %arg13[%cond3A_415] : memref<8x!tpu.dma_semaphore, #tpu.memory_space<semaphore_mem>> -> memref<1x!tpu.dma_semaphore, #tpu.memory_space<semaphore_mem>>
        %dma_wait3A_473 = tpu.memref_squeeze %dma_wait3A_472 : memref<1x!tpu.dma_semaphore, #tpu.memory_space<semaphore_mem>> -> memref<!tpu.dma_semaphore, #tpu.memory_space<semaphore_mem>>
        tpu.wait_indirect_dma semaphore(%dma_wait3A_473 : memref<!tpu.dma_semaphore, #tpu.memory_space<semaphore_mem>>) src(%dma_wait3A_465 : memref<128x2xf32, #tpu.memory_space<vmem>>) dst(%dma_wait3A_471 : memref<10112x2xf32, #tpu.memory_space<vmem_shared>>)
        %dma_wait3A_474 = arith.constant 0 : i32
        %dma_wait3A_475 = arith.constant 0 : i32
        %dma_wait3A_476 = tpu.memref_slice %arg9[%cond3A_416, %dma_wait3A_474, %dma_wait3A_475] : memref<8x128x2xf32, #tpu.memory_space<vmem>> -> memref<1x128x2xf32, #tpu.memory_space<vmem>>
        %dma_wait3A_477 = tpu.memref_squeeze %dma_wait3A_476 : memref<1x128x2xf32, #tpu.memory_space<vmem>> -> memref<128x2xf32, #tpu.memory_space<vmem>>
        %dma_wait3A_478 = arith.constant 0 : i32
        %dma_wait3A_479 = tpu.memref_slice %arg8[%add3A_259, %dma_wait3A_478] : memref<80x128xi32, #tpu.memory_space<vmem>> -> memref<1x128xi32, #tpu.memory_space<vmem>>
        %dma_wait3A_480 = tpu.memref_squeeze %dma_wait3A_479 : memref<1x128xi32, #tpu.memory_space<vmem>> -> memref<128xi32, #tpu.memory_space<vmem>>
        %dma_wait3A_481 = arith.constant 0 : i32
        %dma_wait3A_482 = arith.constant 0 : i32
        %dma_wait3A_483 = tpu.memref_slice %arg11[%dma_wait3A_481, %dma_wait3A_482] : memref<10112x2xf32, #tpu.memory_space<vmem_shared>> -> memref<10112x2xf32, #tpu.memory_space<vmem_shared>>
        %dma_wait3A_484 = tpu.memref_slice %arg13[%cond3A_417] : memref<8x!tpu.dma_semaphore, #tpu.memory_space<semaphore_mem>> -> memref<1x!tpu.dma_semaphore, #tpu.memory_space<semaphore_mem>>
        %dma_wait3A_485 = tpu.memref_squeeze %dma_wait3A_484 : memref<1x!tpu.dma_semaphore, #tpu.memory_space<semaphore_mem>> -> memref<!tpu.dma_semaphore, #tpu.memory_space<semaphore_mem>>
        tpu.wait_indirect_dma semaphore(%dma_wait3A_485 : memref<!tpu.dma_semaphore, #tpu.memory_space<semaphore_mem>>) src(%dma_wait3A_477 : memref<128x2xf32, #tpu.memory_space<vmem>>) dst(%dma_wait3A_483 : memref<10112x2xf32, #tpu.memory_space<vmem_shared>>)
        %dma_wait3A_486 = arith.constant 0 : i32
        %dma_wait3A_487 = arith.constant 0 : i32
        %dma_wait3A_488 = tpu.memref_slice %arg9[%cond3A_418, %dma_wait3A_486, %dma_wait3A_487] : memref<8x128x2xf32, #tpu.memory_space<vmem>> -> memref<1x128x2xf32, #tpu.memory_space<vmem>>
        %dma_wait3A_489 = tpu.memref_squeeze %dma_wait3A_488 : memref<1x128x2xf32, #tpu.memory_space<vmem>> -> memref<128x2xf32, #tpu.memory_space<vmem>>
        %dma_wait3A_490 = arith.constant 0 : i32
        %dma_wait3A_491 = tpu.memref_slice %arg8[%add3A_291, %dma_wait3A_490] : memref<80x128xi32, #tpu.memory_space<vmem>> -> memref<1x128xi32, #tpu.memory_space<vmem>>
        %dma_wait3A_492 = tpu.memref_squeeze %dma_wait3A_491 : memref<1x128xi32, #tpu.memory_space<vmem>> -> memref<128xi32, #tpu.memory_space<vmem>>
        %dma_wait3A_493 = arith.constant 0 : i32
        %dma_wait3A_494 = arith.constant 0 : i32
        %dma_wait3A_495 = tpu.memref_slice %arg11[%dma_wait3A_493, %dma_wait3A_494] : memref<10112x2xf32, #tpu.memory_space<vmem_shared>> -> memref<10112x2xf32, #tpu.memory_space<vmem_shared>>
        %dma_wait3A_496 = tpu.memref_slice %arg13[%cond3A_419] : memref<8x!tpu.dma_semaphore, #tpu.memory_space<semaphore_mem>> -> memref<1x!tpu.dma_semaphore, #tpu.memory_space<semaphore_mem>>
        %dma_wait3A_497 = tpu.memref_squeeze %dma_wait3A_496 : memref<1x!tpu.dma_semaphore, #tpu.memory_space<semaphore_mem>> -> memref<!tpu.dma_semaphore, #tpu.memory_space<semaphore_mem>>
        tpu.wait_indirect_dma semaphore(%dma_wait3A_497 : memref<!tpu.dma_semaphore, #tpu.memory_space<semaphore_mem>>) src(%dma_wait3A_489 : memref<128x2xf32, #tpu.memory_space<vmem>>) dst(%dma_wait3A_495 : memref<10112x2xf32, #tpu.memory_space<vmem_shared>>)
        %dma_wait3A_498 = arith.constant 0 : i32
        %dma_wait3A_499 = arith.constant 0 : i32
        %dma_wait3A_500 = tpu.memref_slice %arg9[%cond3A_420, %dma_wait3A_498, %dma_wait3A_499] : memref<8x128x2xf32, #tpu.memory_space<vmem>> -> memref<1x128x2xf32, #tpu.memory_space<vmem>>
        %dma_wait3A_501 = tpu.memref_squeeze %dma_wait3A_500 : memref<1x128x2xf32, #tpu.memory_space<vmem>> -> memref<128x2xf32, #tpu.memory_space<vmem>>
        %dma_wait3A_502 = arith.constant 0 : i32
        %dma_wait3A_503 = tpu.memref_slice %arg8[%add3A_323, %dma_wait3A_502] : memref<80x128xi32, #tpu.memory_space<vmem>> -> memref<1x128xi32, #tpu.memory_space<vmem>>
        %dma_wait3A_504 = tpu.memref_squeeze %dma_wait3A_503 : memref<1x128xi32, #tpu.memory_space<vmem>> -> memref<128xi32, #tpu.memory_space<vmem>>
        %dma_wait3A_505 = arith.constant 0 : i32
        %dma_wait3A_506 = arith.constant 0 : i32
        %dma_wait3A_507 = tpu.memref_slice %arg11[%dma_wait3A_505, %dma_wait3A_506] : memref<10112x2xf32, #tpu.memory_space<vmem_shared>> -> memref<10112x2xf32, #tpu.memory_space<vmem_shared>>
        %dma_wait3A_508 = tpu.memref_slice %arg13[%cond3A_421] : memref<8x!tpu.dma_semaphore, #tpu.memory_space<semaphore_mem>> -> memref<1x!tpu.dma_semaphore, #tpu.memory_space<semaphore_mem>>
        %dma_wait3A_509 = tpu.memref_squeeze %dma_wait3A_508 : memref<1x!tpu.dma_semaphore, #tpu.memory_space<semaphore_mem>> -> memref<!tpu.dma_semaphore, #tpu.memory_space<semaphore_mem>>
        tpu.wait_indirect_dma semaphore(%dma_wait3A_509 : memref<!tpu.dma_semaphore, #tpu.memory_space<semaphore_mem>>) src(%dma_wait3A_501 : memref<128x2xf32, #tpu.memory_space<vmem>>) dst(%dma_wait3A_507 : memref<10112x2xf32, #tpu.memory_space<vmem_shared>>)
        %dma_wait3A_510 = arith.constant 0 : i32
        %dma_wait3A_511 = arith.constant 0 : i32
        %dma_wait3A_512 = tpu.memref_slice %arg9[%cond3A_422, %dma_wait3A_510, %dma_wait3A_511] : memref<8x128x2xf32, #tpu.memory_space<vmem>> -> memref<1x128x2xf32, #tpu.memory_space<vmem>>
        %dma_wait3A_513 = tpu.memref_squeeze %dma_wait3A_512 : memref<1x128x2xf32, #tpu.memory_space<vmem>> -> memref<128x2xf32, #tpu.memory_space<vmem>>
        %dma_wait3A_514 = arith.constant 0 : i32
        %dma_wait3A_515 = tpu.memref_slice %arg8[%add3A_355, %dma_wait3A_514] : memref<80x128xi32, #tpu.memory_space<vmem>> -> memref<1x128xi32, #tpu.memory_space<vmem>>
        %dma_wait3A_516 = tpu.memref_squeeze %dma_wait3A_515 : memref<1x128xi32, #tpu.memory_space<vmem>> -> memref<128xi32, #tpu.memory_space<vmem>>
        %dma_wait3A_517 = arith.constant 0 : i32
        %dma_wait3A_518 = arith.constant 0 : i32
        %dma_wait3A_519 = tpu.memref_slice %arg11[%dma_wait3A_517, %dma_wait3A_518] : memref<10112x2xf32, #tpu.memory_space<vmem_shared>> -> memref<10112x2xf32, #tpu.memory_space<vmem_shared>>
        %dma_wait3A_520 = tpu.memref_slice %arg13[%cond3A_423] : memref<8x!tpu.dma_semaphore, #tpu.memory_space<semaphore_mem>> -> memref<1x!tpu.dma_semaphore, #tpu.memory_space<semaphore_mem>>
        %dma_wait3A_521 = tpu.memref_squeeze %dma_wait3A_520 : memref<1x!tpu.dma_semaphore, #tpu.memory_space<semaphore_mem>> -> memref<!tpu.dma_semaphore, #tpu.memory_space<semaphore_mem>>
        tpu.wait_indirect_dma semaphore(%dma_wait3A_521 : memref<!tpu.dma_semaphore, #tpu.memory_space<semaphore_mem>>) src(%dma_wait3A_513 : memref<128x2xf32, #tpu.memory_space<vmem>>) dst(%dma_wait3A_519 : memref<10112x2xf32, #tpu.memory_space<vmem_shared>>)
      } else {
      }
    }
    %scan3A_126 = arith.constant 10 : i32
    %barrier3A_127 = arith.constant 0 : index
    tpu.barrier barrier_id(%barrier3A_127)
    "tpu.region"() ({
      %run_scoped3A = tpu.sem_alloc : memref<!tpu.dma_semaphore, #tpu.memory_space<semaphore_mem>>
      %dma_start3A_128 = arith.constant 0 : i32
      %dma_start3A_129 = tpu.memref_slice %arg11[%mul3A_2, %dma_start3A_128] : memref<10112x2xf32, #tpu.memory_space<vmem_shared>> -> memref<632x2xf32, #tpu.memory_space<vmem_shared>>
      %dma_start3A_130 = arith.constant 0 : i32
      %dma_start3A_131 = tpu.memref_slice %arg11[%mul3A_2, %dma_start3A_130] : memref<10112x2xf32, #tpu.memory_space<vmem_shared>> -> memref<632x2xf32, #tpu.memory_space<vmem_shared>>
      tpu.enqueue_dma source(%dma_start3A_131 : memref<632x2xf32, #tpu.memory_space<vmem_shared>>) target(%arg10 : memref<632x2xf32, #tpu.memory_space<vmem>>) target_semaphore(%run_scoped3A : memref<!tpu.dma_semaphore, #tpu.memory_space<semaphore_mem>>)
      %dma_wait3A = arith.constant 0 : i32
      %dma_wait3A_132 = tpu.memref_slice %arg11[%mul3A_2, %dma_wait3A] : memref<10112x2xf32, #tpu.memory_space<vmem_shared>> -> memref<632x2xf32, #tpu.memory_space<vmem_shared>>
      %dma_wait3A_133 = arith.constant 0 : i32
      %dma_wait3A_134 = tpu.memref_slice %arg11[%mul3A_2, %dma_wait3A_133] : memref<10112x2xf32, #tpu.memory_space<vmem_shared>> -> memref<632x2xf32, #tpu.memory_space<vmem_shared>>
      tpu.wait_dma2 semaphore(%run_scoped3A : memref<!tpu.dma_semaphore, #tpu.memory_space<semaphore_mem>>) src(%dma_wait3A_134 : memref<632x2xf32, #tpu.memory_space<vmem_shared>>) dst(%arg10 : memref<632x2xf32, #tpu.memory_space<vmem>>)
      tpu.yield
    }) : () -> ()
    "tpu.region"() ({
      %run_scoped3A = tpu.sem_alloc : memref<!tpu.dma_semaphore, #tpu.memory_space<semaphore_mem>>
      %dma_start3A_128 = arith.constant 0 : i32
      %dma_start3A_129 = arith.constant 0 : i32
      %dma_start3A_130 = tpu.memref_slice %arg6[%arg0, %dma_start3A_128, %dma_start3A_129] : memref<2x10112x2xf32, #tpu.memory_space<hbm>> -> memref<1x10112x2xf32, #tpu.memory_space<hbm>>
      %dma_start3A_131 = tpu.memref_squeeze %dma_start3A_130 : memref<1x10112x2xf32, #tpu.memory_space<hbm>> -> memref<10112x2xf32, #tpu.memory_space<hbm>>
      %dma_start3A_132 = arith.constant 0 : i32
      %dma_start3A_133 = tpu.memref_slice %dma_start3A_131[%mul3A_2, %dma_start3A_132] : memref<10112x2xf32, #tpu.memory_space<hbm>> -> memref<632x2xf32, #tpu.memory_space<hbm>>
      %dma_start3A_134 = arith.constant 0 : i32
      %dma_start3A_135 = arith.constant 0 : i32
      %dma_start3A_136 = tpu.memref_slice %arg6[%arg0, %dma_start3A_134, %dma_start3A_135] : memref<2x10112x2xf32, #tpu.memory_space<hbm>> -> memref<1x10112x2xf32, #tpu.memory_space<hbm>>
      %dma_start3A_137 = tpu.memref_squeeze %dma_start3A_136 : memref<1x10112x2xf32, #tpu.memory_space<hbm>> -> memref<10112x2xf32, #tpu.memory_space<hbm>>
      %dma_start3A_138 = arith.constant 0 : i32
      %dma_start3A_139 = tpu.memref_slice %dma_start3A_137[%mul3A_2, %dma_start3A_138] : memref<10112x2xf32, #tpu.memory_space<hbm>> -> memref<632x2xf32, #tpu.memory_space<hbm>>
      tpu.enqueue_dma source(%arg10 : memref<632x2xf32, #tpu.memory_space<vmem>>) target(%dma_start3A_139 : memref<632x2xf32, #tpu.memory_space<hbm>>) target_semaphore(%run_scoped3A : memref<!tpu.dma_semaphore, #tpu.memory_space<semaphore_mem>>)
      %dma_wait3A = arith.constant 0 : i32
      %dma_wait3A_140 = arith.constant 0 : i32
      %dma_wait3A_141 = tpu.memref_slice %arg6[%arg0, %dma_wait3A, %dma_wait3A_140] : memref<2x10112x2xf32, #tpu.memory_space<hbm>> -> memref<1x10112x2xf32, #tpu.memory_space<hbm>>
      %dma_wait3A_142 = tpu.memref_squeeze %dma_wait3A_141 : memref<1x10112x2xf32, #tpu.memory_space<hbm>> -> memref<10112x2xf32, #tpu.memory_space<hbm>>
      %dma_wait3A_143 = arith.constant 0 : i32
      %dma_wait3A_144 = tpu.memref_slice %dma_wait3A_142[%mul3A_2, %dma_wait3A_143] : memref<10112x2xf32, #tpu.memory_space<hbm>> -> memref<632x2xf32, #tpu.memory_space<hbm>>
      %dma_wait3A_145 = arith.constant 0 : i32
      %dma_wait3A_146 = arith.constant 0 : i32
      %dma_wait3A_147 = tpu.memref_slice %arg6[%arg0, %dma_wait3A_145, %dma_wait3A_146] : memref<2x10112x2xf32, #tpu.memory_space<hbm>> -> memref<1x10112x2xf32, #tpu.memory_space<hbm>>
      %dma_wait3A_148 = tpu.memref_squeeze %dma_wait3A_147 : memref<1x10112x2xf32, #tpu.memory_space<hbm>> -> memref<10112x2xf32, #tpu.memory_space<hbm>>
      %dma_wait3A_149 = arith.constant 0 : i32
      %dma_wait3A_150 = tpu.memref_slice %dma_wait3A_148[%mul3A_2, %dma_wait3A_149] : memref<10112x2xf32, #tpu.memory_space<hbm>> -> memref<632x2xf32, #tpu.memory_space<hbm>>
      tpu.wait_dma2 semaphore(%run_scoped3A : memref<!tpu.dma_semaphore, #tpu.memory_space<semaphore_mem>>) src(%arg10 : memref<632x2xf32, #tpu.memory_space<vmem>>) dst(%dma_wait3A_150 : memref<632x2xf32, #tpu.memory_space<hbm>>)
      tpu.yield
    }) : () -> ()
    return
  }
}

#map = affine_map<(d0, d1) -> (0, 0, 0)>
#map1 = affine_map<(d0, d1) -> (0)>
#map2 = affine_map<(d0, d1) -> (0, 0)>
module attributes {stable_mosaic.version = 14 : i64} {
  func.func @_deg_sc(%arg0: i32, %arg1: i32, %arg2: memref<32x80x128xi32, #tpu.memory_space<hbm>>, %arg3: memref<10112xf32, #tpu.memory_space<hbm>>, %arg4: memref<2x10112xf32, #tpu.memory_space<hbm>>, %arg5: memref<80x128xi32, #tpu.memory_space<vmem>>, %arg6: memref<128xf32, #tpu.memory_space<vmem>>, %arg7: memref<632xf32, #tpu.memory_space<vmem>>, %arg8: memref<10112xf32, #tpu.memory_space<vmem_shared>>) attributes {dimension_semantics = [#tpu.dimension_semantics<core_parallel>, #tpu.dimension_semantics<subcore_parallel>], iteration_bounds = array<i64: 2, 16>, scalar_prefetch = 0 : i64, scratch_operands = 4 : i64, tpu.core_type = #tpu.core_type<sc_vector_subcore>, window_params = [{transform_indices = #map}, {transform_indices = #map1}, {transform_indices = #map2}]} {
    %mul3A = arith.constant 2 : i32
    %mul3A_0 = arith.muli %arg1, %mul3A : i32
    %add3A = arith.addi %mul3A_0, %arg0 : i32
    %mul3A_1 = arith.constant 632 : i32
    %mul3A_2 = arith.muli %arg1, %mul3A_1 : i32
    "tpu.region"() ({
      %run_scoped3A = tpu.sem_alloc : memref<!tpu.dma_semaphore, #tpu.memory_space<semaphore_mem>>
      %dma_start3A = tpu.memref_slice %arg3[%mul3A_2] : memref<10112xf32, #tpu.memory_space<hbm>> -> memref<632xf32, #tpu.memory_space<hbm>>
      %dma_start3A_55 = tpu.memref_slice %arg3[%mul3A_2] : memref<10112xf32, #tpu.memory_space<hbm>> -> memref<632xf32, #tpu.memory_space<hbm>>
      tpu.enqueue_dma source(%dma_start3A_55 : memref<632xf32, #tpu.memory_space<hbm>>) target(%arg7 : memref<632xf32, #tpu.memory_space<vmem>>) target_semaphore(%run_scoped3A : memref<!tpu.dma_semaphore, #tpu.memory_space<semaphore_mem>>)
      %dma_wait3A = tpu.memref_slice %arg3[%mul3A_2] : memref<10112xf32, #tpu.memory_space<hbm>> -> memref<632xf32, #tpu.memory_space<hbm>>
      %dma_wait3A_56 = tpu.memref_slice %arg3[%mul3A_2] : memref<10112xf32, #tpu.memory_space<hbm>> -> memref<632xf32, #tpu.memory_space<hbm>>
      tpu.wait_dma2 semaphore(%run_scoped3A : memref<!tpu.dma_semaphore, #tpu.memory_space<semaphore_mem>>) src(%dma_wait3A_56 : memref<632xf32, #tpu.memory_space<hbm>>) dst(%arg7 : memref<632xf32, #tpu.memory_space<vmem>>)
      tpu.yield
    }) : () -> ()
    "tpu.region"() ({
      %run_scoped3A = tpu.sem_alloc : memref<!tpu.dma_semaphore, #tpu.memory_space<semaphore_mem>>
      %dma_start3A = tpu.memref_slice %arg8[%mul3A_2] : memref<10112xf32, #tpu.memory_space<vmem_shared>> -> memref<632xf32, #tpu.memory_space<vmem_shared>>
      %dma_start3A_55 = tpu.memref_slice %arg8[%mul3A_2] : memref<10112xf32, #tpu.memory_space<vmem_shared>> -> memref<632xf32, #tpu.memory_space<vmem_shared>>
      tpu.enqueue_dma source(%arg7 : memref<632xf32, #tpu.memory_space<vmem>>) target(%dma_start3A_55 : memref<632xf32, #tpu.memory_space<vmem_shared>>) target_semaphore(%run_scoped3A : memref<!tpu.dma_semaphore, #tpu.memory_space<semaphore_mem>>)
      %dma_wait3A = tpu.memref_slice %arg8[%mul3A_2] : memref<10112xf32, #tpu.memory_space<vmem_shared>> -> memref<632xf32, #tpu.memory_space<vmem_shared>>
      %dma_wait3A_56 = tpu.memref_slice %arg8[%mul3A_2] : memref<10112xf32, #tpu.memory_space<vmem_shared>> -> memref<632xf32, #tpu.memory_space<vmem_shared>>
      tpu.wait_dma2 semaphore(%run_scoped3A : memref<!tpu.dma_semaphore, #tpu.memory_space<semaphore_mem>>) src(%arg7 : memref<632xf32, #tpu.memory_space<vmem>>) dst(%dma_wait3A_56 : memref<632xf32, #tpu.memory_space<vmem_shared>>)
      tpu.yield
    }) : () -> ()
    "tpu.region"() ({
      %run_scoped3A = tpu.sem_alloc : memref<!tpu.dma_semaphore, #tpu.memory_space<semaphore_mem>>
      %dma_start3A = arith.constant 0 : i32
      %dma_start3A_55 = arith.constant 0 : i32
      %dma_start3A_56 = tpu.memref_slice %arg2[%add3A, %dma_start3A, %dma_start3A_55] : memref<32x80x128xi32, #tpu.memory_space<hbm>> -> memref<1x80x128xi32, #tpu.memory_space<hbm>>
      %dma_start3A_57 = tpu.memref_squeeze %dma_start3A_56 : memref<1x80x128xi32, #tpu.memory_space<hbm>> -> memref<80x128xi32, #tpu.memory_space<hbm>>
      %dma_start3A_58 = arith.constant 0 : i32
      %dma_start3A_59 = arith.constant 0 : i32
      %dma_start3A_60 = tpu.memref_slice %arg2[%add3A, %dma_start3A_58, %dma_start3A_59] : memref<32x80x128xi32, #tpu.memory_space<hbm>> -> memref<1x80x128xi32, #tpu.memory_space<hbm>>
      %dma_start3A_61 = tpu.memref_squeeze %dma_start3A_60 : memref<1x80x128xi32, #tpu.memory_space<hbm>> -> memref<80x128xi32, #tpu.memory_space<hbm>>
      tpu.enqueue_dma source(%dma_start3A_61 : memref<80x128xi32, #tpu.memory_space<hbm>>) target(%arg5 : memref<80x128xi32, #tpu.memory_space<vmem>>) target_semaphore(%run_scoped3A : memref<!tpu.dma_semaphore, #tpu.memory_space<semaphore_mem>>)
      %dma_wait3A = arith.constant 0 : i32
      %dma_wait3A_62 = arith.constant 0 : i32
      %dma_wait3A_63 = tpu.memref_slice %arg2[%add3A, %dma_wait3A, %dma_wait3A_62] : memref<32x80x128xi32, #tpu.memory_space<hbm>> -> memref<1x80x128xi32, #tpu.memory_space<hbm>>
      %dma_wait3A_64 = tpu.memref_squeeze %dma_wait3A_63 : memref<1x80x128xi32, #tpu.memory_space<hbm>> -> memref<80x128xi32, #tpu.memory_space<hbm>>
      %dma_wait3A_65 = arith.constant 0 : i32
      %dma_wait3A_66 = arith.constant 0 : i32
      %dma_wait3A_67 = tpu.memref_slice %arg2[%add3A, %dma_wait3A_65, %dma_wait3A_66] : memref<32x80x128xi32, #tpu.memory_space<hbm>> -> memref<1x80x128xi32, #tpu.memory_space<hbm>>
      %dma_wait3A_68 = tpu.memref_squeeze %dma_wait3A_67 : memref<1x80x128xi32, #tpu.memory_space<hbm>> -> memref<80x128xi32, #tpu.memory_space<hbm>>
      tpu.wait_dma2 semaphore(%run_scoped3A : memref<!tpu.dma_semaphore, #tpu.memory_space<semaphore_mem>>) src(%dma_wait3A_68 : memref<80x128xi32, #tpu.memory_space<hbm>>) dst(%arg5 : memref<80x128xi32, #tpu.memory_space<vmem>>)
      tpu.yield
    }) : () -> ()
    %broadcast_in_dim3A = arith.constant 1.000000e+00 : f32
    %broadcast_in_dim3A_3 = vector.broadcast %broadcast_in_dim3A : f32 to vector<16xf32>
    %swap3A = arith.constant 0 : index
    %swap3A_4 = tpu.vector_load %arg6[%swap3A] {strides = array<i32>} : memref<128xf32, #tpu.memory_space<vmem>>, vector<16xf32>,
    %swap3A_5 = vector.shape_cast %swap3A_4 : vector<16xf32> to vector<16xf32>
    %swap3A_6 = vector.shape_cast %broadcast_in_dim3A_3 : vector<16xf32> to vector<16xf32>
    tpu.vector_store %arg6[%swap3A], %swap3A_6 {strides = array<i32>} : memref<128xf32, #tpu.memory_space<vmem>>, vector<16xf32>,
    %broadcast_in_dim3A_7 = arith.constant 1.000000e+00 : f32
    %broadcast_in_dim3A_8 = vector.broadcast %broadcast_in_dim3A_7 : f32 to vector<16xf32>
    %swap3A_9 = arith.constant 16 : index
    %swap3A_10 = tpu.vector_load %arg6[%swap3A_9] {strides = array<i32>} : memref<128xf32, #tpu.memory_space<vmem>>, vector<16xf32>,
    %swap3A_11 = vector.shape_cast %swap3A_10 : vector<16xf32> to vector<16xf32>
    %swap3A_12 = vector.shape_cast %broadcast_in_dim3A_8 : vector<16xf32> to vector<16xf32>
    tpu.vector_store %arg6[%swap3A_9], %swap3A_12 {strides = array<i32>} : memref<128xf32, #tpu.memory_space<vmem>>, vector<16xf32>,
    %broadcast_in_dim3A_13 = arith.constant 1.000000e+00 : f32
    %broadcast_in_dim3A_14 = vector.broadcast %broadcast_in_dim3A_13 : f32 to vector<16xf32>
    %swap3A_15 = arith.constant 32 : index
    %swap3A_16 = tpu.vector_load %arg6[%swap3A_15] {strides = array<i32>} : memref<128xf32, #tpu.memory_space<vmem>>, vector<16xf32>,
    %swap3A_17 = vector.shape_cast %swap3A_16 : vector<16xf32> to vector<16xf32>
    %swap3A_18 = vector.shape_cast %broadcast_in_dim3A_14 : vector<16xf32> to vector<16xf32>
    tpu.vector_store %arg6[%swap3A_15], %swap3A_18 {strides = array<i32>} : memref<128xf32, #tpu.memory_space<vmem>>, vector<16xf32>,
    %broadcast_in_dim3A_19 = arith.constant 1.000000e+00 : f32
    %broadcast_in_dim3A_20 = vector.broadcast %broadcast_in_dim3A_19 : f32 to vector<16xf32>
    %swap3A_21 = arith.constant 48 : index
    %swap3A_22 = tpu.vector_load %arg6[%swap3A_21] {strides = array<i32>} : memref<128xf32, #tpu.memory_space<vmem>>, vector<16xf32>,
    %swap3A_23 = vector.shape_cast %swap3A_22 : vector<16xf32> to vector<16xf32>
    %swap3A_24 = vector.shape_cast %broadcast_in_dim3A_20 : vector<16xf32> to vector<16xf32>
    tpu.vector_store %arg6[%swap3A_21], %swap3A_24 {strides = array<i32>} : memref<128xf32, #tpu.memory_space<vmem>>, vector<16xf32>,
    %broadcast_in_dim3A_25 = arith.constant 1.000000e+00 : f32
    %broadcast_in_dim3A_26 = vector.broadcast %broadcast_in_dim3A_25 : f32 to vector<16xf32>
    %swap3A_27 = arith.constant 64 : index
    %swap3A_28 = tpu.vector_load %arg6[%swap3A_27] {strides = array<i32>} : memref<128xf32, #tpu.memory_space<vmem>>, vector<16xf32>,
    %swap3A_29 = vector.shape_cast %swap3A_28 : vector<16xf32> to vector<16xf32>
    %swap3A_30 = vector.shape_cast %broadcast_in_dim3A_26 : vector<16xf32> to vector<16xf32>
    tpu.vector_store %arg6[%swap3A_27], %swap3A_30 {strides = array<i32>} : memref<128xf32, #tpu.memory_space<vmem>>, vector<16xf32>,
    %broadcast_in_dim3A_31 = arith.constant 1.000000e+00 : f32
    %broadcast_in_dim3A_32 = vector.broadcast %broadcast_in_dim3A_31 : f32 to vector<16xf32>
    %swap3A_33 = arith.constant 80 : index
    %swap3A_34 = tpu.vector_load %arg6[%swap3A_33] {strides = array<i32>} : memref<128xf32, #tpu.memory_space<vmem>>, vector<16xf32>,
    %swap3A_35 = vector.shape_cast %swap3A_34 : vector<16xf32> to vector<16xf32>
    %swap3A_36 = vector.shape_cast %broadcast_in_dim3A_32 : vector<16xf32> to vector<16xf32>
    tpu.vector_store %arg6[%swap3A_33], %swap3A_36 {strides = array<i32>} : memref<128xf32, #tpu.memory_space<vmem>>, vector<16xf32>,
    %broadcast_in_dim3A_37 = arith.constant 1.000000e+00 : f32
    %broadcast_in_dim3A_38 = vector.broadcast %broadcast_in_dim3A_37 : f32 to vector<16xf32>
    %swap3A_39 = arith.constant 96 : index
    %swap3A_40 = tpu.vector_load %arg6[%swap3A_39] {strides = array<i32>} : memref<128xf32, #tpu.memory_space<vmem>>, vector<16xf32>,
    %swap3A_41 = vector.shape_cast %swap3A_40 : vector<16xf32> to vector<16xf32>
    %swap3A_42 = vector.shape_cast %broadcast_in_dim3A_38 : vector<16xf32> to vector<16xf32>
    tpu.vector_store %arg6[%swap3A_39], %swap3A_42 {strides = array<i32>} : memref<128xf32, #tpu.memory_space<vmem>>, vector<16xf32>,
    %broadcast_in_dim3A_43 = arith.constant 1.000000e+00 : f32
    %broadcast_in_dim3A_44 = vector.broadcast %broadcast_in_dim3A_43 : f32 to vector<16xf32>
    %swap3A_45 = arith.constant 112 : index
    %swap3A_46 = tpu.vector_load %arg6[%swap3A_45] {strides = array<i32>} : memref<128xf32, #tpu.memory_space<vmem>>, vector<16xf32>,
    %swap3A_47 = vector.shape_cast %swap3A_46 : vector<16xf32> to vector<16xf32>
    %swap3A_48 = vector.shape_cast %broadcast_in_dim3A_44 : vector<16xf32> to vector<16xf32>
    tpu.vector_store %arg6[%swap3A_45], %swap3A_48 {strides = array<i32>} : memref<128xf32, #tpu.memory_space<vmem>>, vector<16xf32>,
    %barrier3A = arith.constant 0 : index
    tpu.barrier barrier_id(%barrier3A)
    %scan3A = arith.constant 0 : i32
    %scan3A_49 = arith.constant 0 : i32
    %scan3A_50 = arith.constant 80 : i32
    %scan3A_51 = arith.addi %scan3A_49, %scan3A_50 : i32
    %scan3A_52 = arith.constant 1 : i32
    scf.for %scan3A_55 = %scan3A_49 to %scan3A_51 step %scan3A_52  : i32 {
      "tpu.region"() ({
        %run_scoped3A = tpu.sem_alloc : memref<!tpu.dma_semaphore, #tpu.memory_space<semaphore_mem>>
        %dma_start3A = arith.constant 0 : i32
        %dma_start3A_56 = tpu.memref_slice %arg5[%scan3A_55, %dma_start3A] : memref<80x128xi32, #tpu.memory_space<vmem>> -> memref<1x128xi32, #tpu.memory_space<vmem>>
        %dma_start3A_57 = tpu.memref_squeeze %dma_start3A_56 : memref<1x128xi32, #tpu.memory_space<vmem>> -> memref<128xi32, #tpu.memory_space<vmem>>
        %dma_start3A_58 = arith.constant 0 : i32
        %dma_start3A_59 = tpu.memref_slice %arg8[%dma_start3A_58] : memref<10112xf32, #tpu.memory_space<vmem_shared>> -> memref<10112xf32, #tpu.memory_space<vmem_shared>>
        tpu.enqueue_indirect_dma source(%arg6 : memref<128xf32, #tpu.memory_space<vmem>>) target(%dma_start3A_59 : memref<10112xf32, #tpu.memory_space<vmem_shared>>) offsets(%dma_start3A_57 : memref<128xi32, #tpu.memory_space<vmem>>) semaphore(%run_scoped3A : memref<!tpu.dma_semaphore, #tpu.memory_space<semaphore_mem>>) {add = true}
        %dma_wait3A = arith.constant 0 : i32
        %dma_wait3A_60 = tpu.memref_slice %arg5[%scan3A_55, %dma_wait3A] : memref<80x128xi32, #tpu.memory_space<vmem>> -> memref<1x128xi32, #tpu.memory_space<vmem>>
        %dma_wait3A_61 = tpu.memref_squeeze %dma_wait3A_60 : memref<1x128xi32, #tpu.memory_space<vmem>> -> memref<128xi32, #tpu.memory_space<vmem>>
        %dma_wait3A_62 = arith.constant 0 : i32
        %dma_wait3A_63 = tpu.memref_slice %arg8[%dma_wait3A_62] : memref<10112xf32, #tpu.memory_space<vmem_shared>> -> memref<10112xf32, #tpu.memory_space<vmem_shared>>
        tpu.wait_indirect_dma semaphore(%run_scoped3A : memref<!tpu.dma_semaphore, #tpu.memory_space<semaphore_mem>>) src(%arg6 : memref<128xf32, #tpu.memory_space<vmem>>) dst(%dma_wait3A_63 : memref<10112xf32, #tpu.memory_space<vmem_shared>>)
        tpu.yield
      }) : () -> ()
    }
    %scan3A_53 = arith.constant 80 : i32
    %barrier3A_54 = arith.constant 0 : index
    tpu.barrier barrier_id(%barrier3A_54)
    "tpu.region"() ({
      %run_scoped3A = tpu.sem_alloc : memref<!tpu.dma_semaphore, #tpu.memory_space<semaphore_mem>>
      %dma_start3A = tpu.memref_slice %arg8[%mul3A_2] : memref<10112xf32, #tpu.memory_space<vmem_shared>> -> memref<632xf32, #tpu.memory_space<vmem_shared>>
      %dma_start3A_55 = tpu.memref_slice %arg8[%mul3A_2] : memref<10112xf32, #tpu.memory_space<vmem_shared>> -> memref<632xf32, #tpu.memory_space<vmem_shared>>
      tpu.enqueue_dma source(%dma_start3A_55 : memref<632xf32, #tpu.memory_space<vmem_shared>>) target(%arg7 : memref<632xf32, #tpu.memory_space<vmem>>) target_semaphore(%run_scoped3A : memref<!tpu.dma_semaphore, #tpu.memory_space<semaphore_mem>>)
      %dma_wait3A = tpu.memref_slice %arg8[%mul3A_2] : memref<10112xf32, #tpu.memory_space<vmem_shared>> -> memref<632xf32, #tpu.memory_space<vmem_shared>>
      %dma_wait3A_56 = tpu.memref_slice %arg8[%mul3A_2] : memref<10112xf32, #tpu.memory_space<vmem_shared>> -> memref<632xf32, #tpu.memory_space<vmem_shared>>
      tpu.wait_dma2 semaphore(%run_scoped3A : memref<!tpu.dma_semaphore, #tpu.memory_space<semaphore_mem>>) src(%dma_wait3A_56 : memref<632xf32, #tpu.memory_space<vmem_shared>>) dst(%arg7 : memref<632xf32, #tpu.memory_space<vmem>>)
      tpu.yield
    }) : () -> ()
    "tpu.region"() ({
      %run_scoped3A = tpu.sem_alloc : memref<!tpu.dma_semaphore, #tpu.memory_space<semaphore_mem>>
      %dma_start3A = arith.constant 0 : i32
      %dma_start3A_55 = tpu.memref_slice %arg4[%arg0, %dma_start3A] : memref<2x10112xf32, #tpu.memory_space<hbm>> -> memref<1x10112xf32, #tpu.memory_space<hbm>>
      %dma_start3A_56 = tpu.memref_squeeze %dma_start3A_55 : memref<1x10112xf32, #tpu.memory_space<hbm>> -> memref<10112xf32, #tpu.memory_space<hbm>>
      %dma_start3A_57 = tpu.memref_slice %dma_start3A_56[%mul3A_2] : memref<10112xf32, #tpu.memory_space<hbm>> -> memref<632xf32, #tpu.memory_space<hbm>>
      %dma_start3A_58 = arith.constant 0 : i32
      %dma_start3A_59 = tpu.memref_slice %arg4[%arg0, %dma_start3A_58] : memref<2x10112xf32, #tpu.memory_space<hbm>> -> memref<1x10112xf32, #tpu.memory_space<hbm>>
      %dma_start3A_60 = tpu.memref_squeeze %dma_start3A_59 : memref<1x10112xf32, #tpu.memory_space<hbm>> -> memref<10112xf32, #tpu.memory_space<hbm>>
      %dma_start3A_61 = tpu.memref_slice %dma_start3A_60[%mul3A_2] : memref<10112xf32, #tpu.memory_space<hbm>> -> memref<632xf32, #tpu.memory_space<hbm>>
      tpu.enqueue_dma source(%arg7 : memref<632xf32, #tpu.memory_space<vmem>>) target(%dma_start3A_61 : memref<632xf32, #tpu.memory_space<hbm>>) target_semaphore(%run_scoped3A : memref<!tpu.dma_semaphore, #tpu.memory_space<semaphore_mem>>)
      %dma_wait3A = arith.constant 0 : i32
      %dma_wait3A_62 = tpu.memref_slice %arg4[%arg0, %dma_wait3A] : memref<2x10112xf32, #tpu.memory_space<hbm>> -> memref<1x10112xf32, #tpu.memory_space<hbm>>
      %dma_wait3A_63 = tpu.memref_squeeze %dma_wait3A_62 : memref<1x10112xf32, #tpu.memory_space<hbm>> -> memref<10112xf32, #tpu.memory_space<hbm>>
      %dma_wait3A_64 = tpu.memref_slice %dma_wait3A_63[%mul3A_2] : memref<10112xf32, #tpu.memory_space<hbm>> -> memref<632xf32, #tpu.memory_space<hbm>>
      %dma_wait3A_65 = arith.constant 0 : i32
      %dma_wait3A_66 = tpu.memref_slice %arg4[%arg0, %dma_wait3A_65] : memref<2x10112xf32, #tpu.memory_space<hbm>> -> memref<1x10112xf32, #tpu.memory_space<hbm>>
      %dma_wait3A_67 = tpu.memref_squeeze %dma_wait3A_66 : memref<1x10112xf32, #tpu.memory_space<hbm>> -> memref<10112xf32, #tpu.memory_space<hbm>>
      %dma_wait3A_68 = tpu.memref_slice %dma_wait3A_67[%mul3A_2] : memref<10112xf32, #tpu.memory_space<hbm>> -> memref<632xf32, #tpu.memory_space<hbm>>
      tpu.wait_dma2 semaphore(%run_scoped3A : memref<!tpu.dma_semaphore, #tpu.memory_space<semaphore_mem>>) src(%arg7 : memref<632xf32, #tpu.memory_space<vmem>>) dst(%dma_wait3A_68 : memref<632xf32, #tpu.memory_space<hbm>>)
      tpu.yield
    }) : () -> ()
    return
  }
}

module attributes {stable_mosaic.version = 14 : i64} {
  func.func @_tc1_body(%arg0: memref<10000x128xf32, #tpu.memory_space<vmem>>, %arg1: memref<128x16xf32, #tpu.memory_space<vmem>>, %arg2: memref<2x10112x1xf32, #tpu.memory_space<vmem>>, %arg3: memref<10000x16xf32, #tpu.memory_space<vmem>>, %arg4: memref<10000x1xf32, #tpu.memory_space<vmem>>) attributes {dimension_semantics = [], scalar_prefetch = 0 : i64, scratch_operands = 0 : i64, tpu.core_type = #tpu.core_type<tc>} {
    %get3A = arith.constant 0 : index
    %get3A_0 = arith.constant 0 : index
    %get3A_1 = arith.constant 0 : index
    %get3A_2 = vector.load %arg2[%get3A, %get3A_0, %get3A_1] : memref<2x10112x1xf32, #tpu.memory_space<vmem>>, vector<1x10112x1xf32>
    %get3A_3 = vector.shape_cast %get3A_2 : vector<1x10112x1xf32> to vector<10112x1xf32>
    %get3A_4 = arith.constant 1 : index
    %get3A_5 = arith.constant 0 : index
    %get3A_6 = arith.constant 0 : index
    %get3A_7 = vector.load %arg2[%get3A_4, %get3A_5, %get3A_6] : memref<2x10112x1xf32, #tpu.memory_space<vmem>>, vector<1x10112x1xf32>
    %get3A_8 = vector.shape_cast %get3A_7 : vector<1x10112x1xf32> to vector<10112x1xf32>
    %add3A = arith.addf %get3A_3, %get3A_8 : vector<10112x1xf32>
    %slice3A = vector.extract_strided_slice %add3A {offsets = [0, 0], sizes = [10000, 1], strides = [1, 1]} : vector<10112x1xf32> to vector<10000x1xf32>
    %add3A_9 = arith.constant 1.000000e+00 : f32
    %add3A_10 = vector.broadcast %add3A_9 : f32 to vector<10000x1xf32>
    %add3A_11 = arith.addf %slice3A, %add3A_10 : vector<10000x1xf32>
    %rsqrt3A = math.rsqrt %add3A_11 : vector<10000x1xf32>
    %get3A_12 = arith.constant 0 : index
    %get3A_13 = arith.constant 0 : index
    %get3A_14 = vector.load %arg0[%get3A_12, %get3A_13] : memref<10000x128xf32, #tpu.memory_space<vmem>>, vector<10000x128xf32>
    %get3A_15 = arith.constant 0 : index
    %get3A_16 = arith.constant 0 : index
    %get3A_17 = vector.load %arg1[%get3A_15, %get3A_16] : memref<128x16xf32, #tpu.memory_space<vmem>>, vector<128x16xf32>
    %dot_general3A = arith.constant dense<0.000000e+00> : vector<10000x16xf32>
    %dot_general3A_18 = tpu.matmul %get3A_14, %get3A_17, %dot_general3A {dimension_numbers = #tpu.dot_dimension_numbers<[1], [0], [0], [1], [0, 0, 1, 1], [], []>, transpose_lhs_hint = false} : vector<10000x128xf32>, vector<128x16xf32>, vector<10000x16xf32> -> vector<10000x16xf32>
    %mul3A = vector.broadcast %rsqrt3A : vector<10000x1xf32> to vector<10000x16xf32>
    %mul3A_19 = arith.mulf %dot_general3A_18, %mul3A : vector<10000x16xf32>
    %swap3A = arith.constant 0 : index
    %swap3A_20 = arith.constant 0 : index
    %swap3A_21 = vector.load %arg3[%swap3A, %swap3A_20] : memref<10000x16xf32, #tpu.memory_space<vmem>>, vector<10000x16xf32>
    tpu.vector_store %arg3[%swap3A, %swap3A_20], %mul3A_19 {strides = array<i32>} : memref<10000x16xf32, #tpu.memory_space<vmem>>, vector<10000x16xf32>,
    %swap3A_22 = arith.constant 0 : index
    %swap3A_23 = arith.constant 0 : index
    %swap3A_24 = vector.load %arg4[%swap3A_22, %swap3A_23] : memref<10000x1xf32, #tpu.memory_space<vmem>>, vector<10000x1xf32>
    tpu.vector_store %arg4[%swap3A_22, %swap3A_23], %rsqrt3A {strides = array<i32>} : memref<10000x1xf32, #tpu.memory_space<vmem>>, vector<10000x1xf32>,
    return
  }
}

module attributes {stable_mosaic.version = 14 : i64} {
  func.func @_tc2_body(%arg0: memref<2x10112x16xf32, #tpu.memory_space<vmem>>, %arg1: memref<10000x16xf32, #tpu.memory_space<vmem>>, %arg2: memref<10000x1xf32, #tpu.memory_space<vmem>>, %arg3: memref<1x16xf32, #tpu.memory_space<vmem>>, %arg4: memref<16x2xf32, #tpu.memory_space<vmem>>, %arg5: memref<10000x2xf32, #tpu.memory_space<vmem>>) attributes {dimension_semantics = [], scalar_prefetch = 0 : i64, scratch_operands = 0 : i64, tpu.core_type = #tpu.core_type<tc>} {
    %get3A = arith.constant 0 : index
    %get3A_0 = arith.constant 0 : index
    %get3A_1 = vector.load %arg2[%get3A, %get3A_0] : memref<10000x1xf32, #tpu.memory_space<vmem>>, vector<10000x1xf32>
    %get3A_2 = arith.constant 0 : index
    %get3A_3 = arith.constant 0 : index
    %get3A_4 = arith.constant 0 : index
    %get3A_5 = vector.load %arg0[%get3A_2, %get3A_3, %get3A_4] : memref<2x10112x16xf32, #tpu.memory_space<vmem>>, vector<1x10000x16xf32>
    %get3A_6 = vector.shape_cast %get3A_5 : vector<1x10000x16xf32> to vector<10000x16xf32>
    %get3A_7 = arith.constant 1 : index
    %get3A_8 = arith.constant 0 : index
    %get3A_9 = arith.constant 0 : index
    %get3A_10 = vector.load %arg0[%get3A_7, %get3A_8, %get3A_9] : memref<2x10112x16xf32, #tpu.memory_space<vmem>>, vector<1x10000x16xf32>
    %get3A_11 = vector.shape_cast %get3A_10 : vector<1x10000x16xf32> to vector<10000x16xf32>
    %add3A = arith.addf %get3A_6, %get3A_11 : vector<10000x16xf32>
    %get3A_12 = arith.constant 0 : index
    %get3A_13 = arith.constant 0 : index
    %get3A_14 = vector.load %arg1[%get3A_12, %get3A_13] : memref<10000x16xf32, #tpu.memory_space<vmem>>, vector<10000x16xf32>
    %add3A_15 = arith.addf %add3A, %get3A_14 : vector<10000x16xf32>
    %mul3A = vector.broadcast %get3A_1 : vector<10000x1xf32> to vector<10000x16xf32>
    %mul3A_16 = arith.mulf %add3A_15, %mul3A : vector<10000x16xf32>
    %get3A_17 = arith.constant 0 : index
    %get3A_18 = arith.constant 0 : index
    %get3A_19 = vector.load %arg3[%get3A_17, %get3A_18] : memref<1x16xf32, #tpu.memory_space<vmem>>, vector<1x16xf32>
    %add3A_20 = vector.broadcast %get3A_19 : vector<1x16xf32> to vector<10000x16xf32>
    %add3A_21 = arith.addf %mul3A_16, %add3A_20 : vector<10000x16xf32>
    %max3A = arith.constant 0.000000e+00 : f32
    %max3A_22 = vector.broadcast %max3A : f32 to vector<10000x16xf32>
    %max3A_23 = arith.maximumf %add3A_21, %max3A_22 : vector<10000x16xf32>
    %mul3A_24 = vector.broadcast %get3A_1 : vector<10000x1xf32> to vector<10000x16xf32>
    %mul3A_25 = arith.mulf %max3A_23, %mul3A_24 : vector<10000x16xf32>
    %get3A_26 = arith.constant 0 : index
    %get3A_27 = arith.constant 0 : index
    %get3A_28 = vector.load %arg4[%get3A_26, %get3A_27] : memref<16x2xf32, #tpu.memory_space<vmem>>, vector<16x2xf32>
    %dot_general3A = arith.constant dense<0.000000e+00> : vector<10000x2xf32>
    %dot_general3A_29 = tpu.matmul %mul3A_25, %get3A_28, %dot_general3A {dimension_numbers = #tpu.dot_dimension_numbers<[1], [0], [0], [1], [0, 0, 1, 1], [], []>, transpose_lhs_hint = false} : vector<10000x16xf32>, vector<16x2xf32>, vector<10000x2xf32> -> vector<10000x2xf32>
    %swap3A = arith.constant 0 : index
    %swap3A_30 = arith.constant 0 : index
    %swap3A_31 = vector.load %arg5[%swap3A, %swap3A_30] : memref<10000x2xf32, #tpu.memory_space<vmem>>, vector<10000x2xf32>
    tpu.vector_store %arg5[%swap3A, %swap3A_30], %dot_general3A_29 {strides = array<i32>} : memref<10000x2xf32, #tpu.memory_space<vmem>>, vector<10000x2xf32>,
    return
  }
}

module attributes {stable_mosaic.version = 14 : i64} {
  func.func @_tc3_body(%arg0: memref<2x10112x2xf32, #tpu.memory_space<vmem>>, %arg1: memref<10000x2xf32, #tpu.memory_space<vmem>>, %arg2: memref<10000x1xf32, #tpu.memory_space<vmem>>, %arg3: memref<1x2xf32, #tpu.memory_space<vmem>>, %arg4: memref<10000x2xf32, #tpu.memory_space<vmem>>) attributes {dimension_semantics = [], scalar_prefetch = 0 : i64, scratch_operands = 0 : i64, tpu.core_type = #tpu.core_type<tc>} {
    %get3A = arith.constant 0 : index
    %get3A_0 = arith.constant 0 : index
    %get3A_1 = arith.constant 0 : index
    %get3A_2 = vector.load %arg0[%get3A, %get3A_0, %get3A_1] : memref<2x10112x2xf32, #tpu.memory_space<vmem>>, vector<1x10000x2xf32>
    %get3A_3 = vector.shape_cast %get3A_2 : vector<1x10000x2xf32> to vector<10000x2xf32>
    %get3A_4 = arith.constant 1 : index
    %get3A_5 = arith.constant 0 : index
    %get3A_6 = arith.constant 0 : index
    %get3A_7 = vector.load %arg0[%get3A_4, %get3A_5, %get3A_6] : memref<2x10112x2xf32, #tpu.memory_space<vmem>>, vector<1x10000x2xf32>
    %get3A_8 = vector.shape_cast %get3A_7 : vector<1x10000x2xf32> to vector<10000x2xf32>
    %add3A = arith.addf %get3A_3, %get3A_8 : vector<10000x2xf32>
    %get3A_9 = arith.constant 0 : index
    %get3A_10 = arith.constant 0 : index
    %get3A_11 = vector.load %arg1[%get3A_9, %get3A_10] : memref<10000x2xf32, #tpu.memory_space<vmem>>, vector<10000x2xf32>
    %add3A_12 = arith.addf %add3A, %get3A_11 : vector<10000x2xf32>
    %get3A_13 = arith.constant 0 : index
    %get3A_14 = arith.constant 0 : index
    %get3A_15 = vector.load %arg2[%get3A_13, %get3A_14] : memref<10000x1xf32, #tpu.memory_space<vmem>>, vector<10000x1xf32>
    %mul3A = vector.broadcast %get3A_15 : vector<10000x1xf32> to vector<10000x2xf32>
    %mul3A_16 = arith.mulf %add3A_12, %mul3A : vector<10000x2xf32>
    %get3A_17 = arith.constant 0 : index
    %get3A_18 = arith.constant 0 : index
    %get3A_19 = vector.load %arg3[%get3A_17, %get3A_18] : memref<1x2xf32, #tpu.memory_space<vmem>>, vector<1x2xf32>
    %add3A_20 = vector.broadcast %get3A_19 : vector<1x2xf32> to vector<10000x2xf32>
    %add3A_21 = arith.addf %mul3A_16, %add3A_20 : vector<10000x2xf32>
    %reduce_max3A = arith.constant dense<0xFF800000> : vector<10000xf32>
    %reduce_max3A_22 = vector.multi_reduction <maximumf>, %add3A_21, %reduce_max3A [1] : vector<10000x2xf32> to vector<10000xf32>
    %broadcast_in_dim3A = vector.shape_cast %reduce_max3A_22 : vector<10000xf32> to vector<10000x1xf32>
    %sub3A = vector.broadcast %broadcast_in_dim3A : vector<10000x1xf32> to vector<10000x2xf32>
    %sub3A_23 = arith.subf %add3A_21, %sub3A : vector<10000x2xf32>
    %exp3A = math.exp %sub3A_23 : vector<10000x2xf32>
    %reduce_sum3A = arith.constant dense<0.000000e+00> : vector<10000xf32>
    %reduce_sum3A_24 = vector.multi_reduction <add>, %exp3A, %reduce_sum3A [1] : vector<10000x2xf32> to vector<10000xf32>
    %broadcast_in_dim3A_25 = vector.shape_cast %reduce_sum3A_24 : vector<10000xf32> to vector<10000x1xf32>
    %log3A = math.log %broadcast_in_dim3A_25 : vector<10000x1xf32>
    %add3A_26 = arith.addf %broadcast_in_dim3A, %log3A : vector<10000x1xf32>
    %sub3A_27 = vector.broadcast %add3A_26 : vector<10000x1xf32> to vector<10000x2xf32>
    %sub3A_28 = arith.subf %add3A_21, %sub3A_27 : vector<10000x2xf32>
    %swap3A = arith.constant 0 : index
    %swap3A_29 = arith.constant 0 : index
    %swap3A_30 = vector.load %arg4[%swap3A, %swap3A_29] : memref<10000x2xf32, #tpu.memory_space<vmem>>, vector<10000x2xf32>
    tpu.vector_store %arg4[%swap3A, %swap3A_29], %sub3A_28 {strides = array<i32>} : memref<10000x2xf32, #tpu.memory_space<vmem>>, vector<10000x2xf32>,
    return
  }
}

</mosaic_0001>

<sc_bundles>
// kernel: kernel.11.cloned.1.call-start
scs
__scs_entry_jumppad:
0x0: {  	(pc) =	sbr.rel $0x88, $3  }
0x1: {  	(tag) =	ssettag $0x0;
	lr =	simm.s32 $0x1  }
0x2: {  	[smem:$0x3F9B] =	sst lr;
	_ =	strace $0xD0000000  }
0x3: {  	_ = 	snop  }
0x4: {  	_ = 	snop  }
0x5: {  	_ = 	snop  }
0x6: {  	_ = 	snop  }
0x7: {  	_ = 	snop  }
__scs_overlays_trampoline_lowered:
0x8: {  	[smem:$0x3FAA] =	sst s0  }
0x9: {  	[smem:$0x3FAB] =	sst s1  }
0xa: {  	[smem:$0x3FAC] =	sst s2  }
0xb: {  	[smem:$0x3FAD] =	sst s3  }
0xc: {  	[smem:$0x3FAE] =	sst s4  }
0xd: {  	[smem:$0x3FAF] =	sst s5  }
0xe: {  	[smem:$0x3FB0] =	sst s6  }
0xf: {  	[smem:$0x3FB1] =	sst s7  }
0x10: {  	[smem:$0x3FB2] =	sst s8  }
0x11: {  	[smem:$0x3FB3] =	sst s9;
	s0 =	simm.s32 @!p0 $0x0  }
0x12: {  	s1 =	sld [smem:$0x3F99];
	s0 =	simm.s32 @p0 $0x1  }
0x13: {  	[smem:$0x3FB4] =	sst s0;
	s0 =	simm.s32 @!p1 $0x0  }
0x14: {  	s2 =	sld [smem:$0x3F98];
	s0 =	simm.s32 @p1 $0x1  }
0x15: {  	[smem:$0x3FB5] =	sst s0;
	s0 =	simm.s32 @!p2 $0x0  }
0x16: {  	s3 =	sld [smem:$0x3FDB];
	s0 =	simm.s32 @p2 $0x1  }
0x17: {  	s4 =	simm.s32 $0x1BF5;
	[smem:$0x3FB7] =	sst s0  }
0x18: {  	s0 =	sld [smem:$0x3F9A];
	_ =	swait.ge [sflag:s4], $0x0  }
0x19: {  	s7 =	sld [smem:$0x3F9B]  }
0x1a: {  	s8 =	sadd.s32 $0xFFFFE003, lr  }
0x1b: {  	s9 =	sadd.s32 $0xFFFFFEF7, lr;
	s5 =	simm.s32 $0xFFFFFFFF;
	p2 =	slt.u32 s8, $0xFFFFF086  }
0x1c: {  	p1 =	slt.u32 s9, $0xF7A;
	s5 =	simm.s32 @!p2 $0x0  }
0x1d: {  	s5 =	simm.s32 @p1 $0x1;
	p0 =	seq.s32 s7, s2  }
0x1e: {  	s7 =	smul.u32 @!p0 $0xF7A, s2;
	p2 =	seq.s32 @!p0 s5, $0x0  }
0x1f: {  	s9 =	smul.u32 $0xF7A, s1;
	s8 =	simm.s32 @!p0 $0x1BF5;
	p2 =	por !p2, p0  }
0x20: {  	[sflag:s8] =	ssyncset.s32 @!p0 $0xFFFFF086;
	s6 =	sadd.s32 @!p0 s3, s7;
	s7 =	simm.s32 @!p0 $0x108  }
0x21: {  	s3 =	sadd.s32 s3, s9;
	s6 =	sadd.s32 @!p0 $0x88, s6;
	s7 =	simm.s32 @p2 $0x1082  }
0x22: {  	[simem:s7], [sflag:s8] =	dma.local @!p0 [hbm:s6], $0xF7A  }
0x23: {  	s9 =	sor.u32 $0xD0000000, s2;
	s6 =	simm.s32 $0x108;
	_ =	swait.ge @!p0 [sflag:s8], $0x0  }
0x24: {  	s3 =	sadd.s32 $0x88, s3;
	s6 =	simm.s32 @!p1 $0x1082;
	[sflag:s4] =	ssyncset.s32 $0xFFFFF086  }
0x25: {  	[simem:s6], [sflag:s4] =	dma.local [hbm:s3], $0xF7A  }
0x26: {  	[smem:$0x3F9B] =	sst s1;
	(tag) =	ssettag s2;
	_ =	strace s9  }
0x27: {  	s1 =	sld [smem:$0x3FAB]  }
0x28: {  	s2 =	sld [smem:$0x3FAC]  }
0x29: {  	s4 =	sld [smem:$0x3FAE]  }
0x2a: {  	p0 =	seq.s32 s5, $0x0;
	s5 =	sld [smem:$0x3FAF]  }
0x2b: {  	s6 =	sld [smem:$0x3FB0]  }
0x2c: {  	s7 =	sld [smem:$0x3FB1]  }
0x2d: {  	s3 =	simm.s32 $0x108;
	s8 =	sld [smem:$0x3FB2]  }
0x2e: {  	s3 =	simm.s32 @!p0 $0x1082;
	s9 =	sld [smem:$0x3FB3]  }
0x2f: {  	lr =	sadd.s32 s0, s3;
	s0 =	sld [smem:$0x3FAA]  }
0x30: {  	s3 =	sld [smem:$0x3FAD]  }
0x31: {  	[smem:$0x3FB6] =	sst s10  }
0x32: {  	s10 =	sld [smem:$0x3FB4];
	_ =	sdelay $0x3  }
0x33: {  	p0 =	seq.s32 s10, $0x1;
	s10 =	sld [smem:$0x3FB6];
	_ =	sdelay $0x3  }
0x34: {  	[smem:$0x3FB6] =	sst s10  }
0x35: {  	s10 =	sld [smem:$0x3FB5];
	_ =	sdelay $0x3  }
0x36: {  	p1 =	seq.s32 s10, $0x1;
	s10 =	sld [smem:$0x3FB6];
	_ =	sdelay $0x3  }
0x37: {  	[smem:$0x3FB6] =	sst s10  }
0x38: {  	s10 =	sld [smem:$0x3FB7]  }
0x39: {  	_ = 	snop;
	(pc) =	sbr.ind lr, $3  }
0x3a: {  	_ = 	snop  }
0x3b: {  	_ = 	snop  }
0x3c: {  	p2 =	seq.s32 s10, $0x1;
	s10 =	sld [smem:$0x3FB6]  }
0x3d: {  	_ =	shalt  }
0x3e: {  	_ =	shalt  }
0x3f: {  	_ =	shalt  }
0x40: {  	_ =	shalt  }
0x41: {  	_ =	shalt  }
0x42: {  	_ =	shalt  }
0x43: {  	_ =	shalt  }
0x44: {  	_ =	shalt  }
0x45: {  	_ =	shalt  }
0x46: {  	_ =	shalt  }
0x47: {  	_ =	shalt  }
0x48: {  	_ =	shalt  }
0x49: {  	_ =	shalt  }
0x4a: {  	_ =	shalt  }
0x4b: {  	_ =	shalt  }
0x4c: {  	_ =	shalt  }
0x4d: {  	_ =	shalt  }
0x4e: {  	_ =	shalt  }
0x4f: {  	_ =	shalt  }
0x50: {  	_ =	shalt  }
0x51: {  	_ =	shalt  }
0x52: {  	_ =	shalt  }
0x53: {  	_ =	shalt  }
0x54: {  	_ =	shalt  }
0x55: {  	_ =	shalt  }
0x56: {  	_ =	shalt  }
0x57: {  	_ =	shalt  }
0x58: {  	_ =	shalt  }
0x59: {  	_ =	shalt  }
0x5a: {  	_ =	shalt  }
0x5b: {  	_ =	shalt  }
0x5c: {  	_ =	shalt  }
0x5d: {  	_ =	shalt  }
0x5e: {  	_ =	shalt  }
0x5f: {  	_ =	shalt  }
0x60: {  	_ =	shalt  }
0x61: {  	_ =	shalt  }
0x62: {  	_ =	shalt  }
0x63: {  	_ =	shalt  }
0x64: {  	_ =	shalt  }
0x65: {  	_ =	shalt  }
0x66: {  	_ =	shalt  }
0x67: {  	_ =	shalt  }
0x68: {  	_ =	shalt  }
0x69: {  	_ =	shalt  }
0x6a: {  	_ =	shalt  }
0x6b: {  	_ =	shalt  }
0x6c: {  	_ =	shalt  }
0x6d: {  	_ =	shalt  }
0x6e: {  	_ =	shalt  }
0x6f: {  	_ =	shalt  }
0x70: {  	_ =	shalt  }
0x71: {  	_ =	shalt  }
0x72: {  	_ =	shalt  }
0x73: {  	_ =	shalt  }
0x74: {  	_ =	shalt  }
0x75: {  	_ =	shalt  }
0x76: {  	_ =	shalt  }
0x77: {  	_ =	shalt  }
0x78: {  	_ =	shalt  }
0x79: {  	_ =	shalt  }
0x7a: {  	_ =	shalt  }
0x7b: {  	_ =	shalt  }
0x7c: {  	_ =	shalt  }
0x7d: {  	_ =	shalt  }
0x7e: {  	_ =	shalt  }
0x7f: {  	_ =	shalt  }
0x80: {  	_ =	shalt  }
0x81: {  	_ =	shalt  }
0x82: {  	_ =	shalt  }
0x83: {  	_ =	shalt  }
0x84: {  	_ =	shalt  }
0x85: {  	_ =	shalt  }
0x86: {  	_ =	shalt  }
0x87: {  	_ =	shalt  }
.Lfunc_end0:
.L_simem_size_0:
called_computation.1_lowered:
.L_overlay_start_0:
0x88: {  	s2 =	sld [smem:$0x3FD9]  }
0x89: {  	s3 =	sld [smem:$0x3FFE];
	_ =	sdelay $0x1  }
0x8a: {  	s1 =	srdreg.scid  }
0x8b: {  	s0 =	sand.u32 $0x1, s1  }
0x8c: {  	s16 =	sshll.u32 s0, $0xA;
	s2 =	sadd.s32 s3, s2  }
0x8d: {  	s2 =	sadd.s32 s2, s16  }
0x8e: {  	[smem:$0x3FC2] =	sst s2  }
0x8f: {  	_ = 	snop  }
0x90: {  	(tm) =	ssettm $0x1  }
0x91: {  	s17 =	sld [smem:$0x3FFB];
	_ =	sdelay $0x3  }
0x92: {  	_ =	strace s17  }
0x93: {  	s2 =	sld [smem:$0x3FFC];
	_ =	sdelay $0x3  }
0x94: {  	_ =	strace s2  }
0x95: {  	s2 =	sld [smem:$0x3FFD];
	_ =	sdelay $0x3  }
0x96: {  	_ =	strace s2  }
0x97: {  	_ =	strace $0x8FFFFFFF  }
0x98: {  	s18 =	sld [smem:$0x3FDB];
	_ =	sdelay $0x1  }
0x99: {  	s19 =	simm.s32 $_scs_section_size  }
0x9a: {  	s4 =	simm.s32 $_size__tile_overlayer_lowered;
	s5 =	simm.s32 $_tile_overlayer_lowered  }
0x9b: {  	s22 =	simm.s32 $0x1BFF;
	s21 =	sshll.u32 s5, $0x1;
	s2 =	sadd.s32 s19, s18  }
0x9c: {  	s6 =	simm.s32 $0x0;
	s20 =	sshll.u32 s4, $0x1;
	s4 =	sadd.s32 s21, s2  }
0x9d: {  	[timem:s6], [sflag:s22] =	dma.local [hbm:s4], s20  }
0x9e: {  	_ =	swait.ge [sflag:s22], s20  }
0x9f: {  	s3 =	ssub.s32 $0x0, s20;
	[sflag:s22] =	ssyncset.done $0x0  }
0xa0: {  	[sflag:s22] =	ssyncadd.s32 s3;
	_ =	sdelay $0x1  }
0xa1: {  	s23 =	simm.s32 $0x1B8B  }
0xa2: {  	_ =	swait.ge [sflag:s23], $0x1  }
0xa3: {  	[sflag:s23] =	ssyncset.done $0x0  }
0xa4: {  	s25 =	simm.s32 $0x1B8E;
	s24 =	sld [smem:$0x3FFE];
	[sflag:s23] =	ssyncadd.s32 $0xFFFFFFFF  }
0xa5: {  	s26 =	simm.s32 $execute0_lowered;
	[smem:$0x3FD2] =	sst s25  }
0xa6: {  	s4 =	sshll.u32 s26, $0x1;
	_ =	strace $0x80000049;
	[dreg:$0x1] =	wrdreg $0xFFFFFFFF  }
0xa7: {  	s28 =	simm.s32 $_size_execute0_lowered;
	s2 =	sadd.s32 s2, s4;
	[dreg:$0x0] =	wrdreg $0x0  }
0xa8: {  	s4 =	sshll.u32 s28, $0x1;
	[dreg:$0x2] =	wrdreg s2  }
0xa9: {  	[dreg:$0x3] =	wrdreg s4  }
0xaa: {  	[dreg:$0x4] =	wrdreg $0xC0  }
0xab: {  	_ =	task [dreg:s6], $0x5FFFF  }
0xac: {  	[dreg:$0x1] =	wrdreg $0xFFFFFFFF  }
0xad: {  	[dreg:$0x0] =	wrdreg $0x60  }
0xae: {  	[dreg:$0x2] =	wrdreg s24  }
0xaf: {  	[dreg:$0x3] =	wrdreg $0xB7800  }
0xb0: {  	[dreg:$0x4] =	wrdreg $0x9  }
0xb1: {  	_ =	task.clear_ibuf [dreg:s6], $0x5FFFF;
	_ =	strace $0x90000049  }
0xb2: {  	s29 =	simm.s32 $0x9;
	_ =	strace $0x8000004B  }
0xb3: {  	_ =	swait.ge [sflag:s29], $0x1  }
0xb4: {  	[sflag:s29] =	ssyncadd.s32 $0xFFFFFFFF  }
0xb5: {  	_ =	strace $0x9000004B  }
0xb6: {  	_ =	sfence  }
0xb7: {  	s30 =	sld [smem:$0x0];
	_ =	sdelay $0x2  }
0xb8: {  	s31 =	sshll.u32 s1, $0xD;
	s1 =	sshrl.u32 s1, $0x2  }
0xb9: {  	s3 =	sand.u32 $0x4000, s31;
	s1 =	sadd.s32 s1, s30  }
0xba: {  	s0 =	sor.u32 s3, s0;
	s1 =	sshll.u32 s1, $0x11  }
0xbb: {  	s0 =	sor.u32 s1, s0  }
0xbc: {  	s0 =	sadd.s32 $0x8F2B, s0  }
0xbd: {  	[sflag:s0] =	ssyncadd.remote.s32 $0x1  }
0xbe: {  	_ =	sfence.sel $0xFFFF  }
0xbf: {  	[dreg:$0x0] =	wrdreg $0xFFFFFFFF;
	(pc) =	sbr.abs _section_cstart, $3  }
0xc0: {  	[dreg:$0x1] =	wrdreg $0xFFFFFFFF  }
0xc1: {  	_ =	task.clear_ibuf [dreg:s6], $0x2FFFF;
	_ =	strace $0x9FFFFFFF  }
0xc2: {  	(tm) =	ssettm $0x7FFFFFFF  }
0xc3: {  	_ =	shalt  }
tec
execute0_lowered:
.L_overlay_start_1:
0x0: {  	(tag) =	ssettag $0x1  }
0x1: {  	s0 =	rddreg [dreg:$0x0];
	s1 =	srdreg.scid  }
0x2: {  	s4 =	stileid.u32;
	s2 =	rddreg [dreg:$0x1];
	s10 =	simm.s32 $0x0  }
0x3: {  	s11 =	simm.s32 $0x9000;
	s13 =	simm.s32 $0x80;
	s14 =	simm.s32 $0x5000  }
0x4: {  	s15 =	simm.s32 $0x5800;
	s17 =	simm.s32 $0x6000;
	s19 =	simm.s32 $0x6800  }
0x5: {  	s21 =	simm.s32 $0x7000;
	s23 =	simm.s32 $0x7800;
	s29 =	simm.s32 $0x8800  }
0x6: {  	s30 =	simm.s32 $0x1;
	s31 =	simm.s32 $0x2;
	s12 =	simm.s32 $0x5  }
0x7: {  	s16 =	simm.s32 $0x6;
	s18 =	simm.s32 $0x7;
	s20 =	simm.s32 $0x8  }
0x8: {  	s22 =	simm.s32 $0x9;
	s28 =	simm.s32 $0xB;
	s24 =	simm.s32 $0x10  }
0x9: {  	s1 =	sand.u32 $0x1, s1;
	s3 =	sshll.u32 s4, $0x1;
	[smem:$0x7FF] =	sst s10  }
0xa: {  	s5 =	smul.u32 $0x2780, s4;
	s4 =	sadd.s32 $0x16000, s0;
	s3 =	sor.u32 s1, s3  }
0xb: {  	_ =	strace $0x8000004A;
	s6 =	smul.u32 $0x4F00, s1;
	s1 =	ssub.s32 $0x2, s1  }
0xc: {  	s3 =	smul.u32 $0x500, s3;
	s7 =	sshrl.u32 s5, $0x3;
	s8 =	sshrl.u32 s1, $0x1  }
0xd: {  	s5 =	sadd.s32 s5, s2;
	s9 =	sadd.s32 s7, s0;
	s1 =	ssub.s32 s1, s8  }
0xe: {  	[dreg:$0x4] =	wrdreg s5;
	s5 =	simm.s32 $0xC;
	s8 =	simm.s32 $0xE  }
0xf: {  	s3 =	sadd.s32 s3, s0;
	s0 =	sadd.s32 s6, s0;
	s25 =	sadd.s32 $0x1B000, s9  }
0x10: {  	s1 =	smax.u32 s1, $0x1;
	s9 =	simm.s32 $0xF;
	s6 =	simm.s32 $0x0  }
.Ltmp0:
0x11: {  	[dreg:$0x3] =	wrdreg s25;
	s26 =	sadd.s32 $0xC000, s3;
	(pc) =	sbr.rel .LBB2_1-.Ltmp0, $4  }
0x12: {  	s3 =	sadd.s32 $0x1600, s3;
	s0 =	sadd.s32 $0x20000, s0;
	[dreg:$0x7] =	wrdreg s1  }
0x13: {  	s1 =	simm.s32 $0x3;
	s25 =	simm.s32 $0xA;
	[dreg:$0x5] =	wrdreg s26  }
0x14: {  	[dreg:$0x6] =	wrdreg s3;
	s0 =	sadd.s32 s7, s0;
	s26 =	simm.s32 $0x8000  }
0x15: {  	s7 =	simm.s32 $0xD;
	[dreg:$0x8] =	wrdreg s0;
	s0 =	simm.s32 $0x4  }
.LBB2_3:
0x16: {  	_ =	swait.ge [sflag:s25], $0x800  }
0x17: {  	[sflag:s25] =	ssyncset.done $0x0  }
0x18: {  	[sflag:s25] =	ssyncadd.s32 $0xFFFFF800  }
0x19: {  	_ =	swait.ge [sflag:s28], $0x800  }
0x1a: {  	[sflag:s28] =	ssyncset.done $0x0  }
0x1b: {  	[sflag:s28] =	ssyncadd.s32 $0xFFFFF800  }
0x1c: {  	_ =	swait.ge [sflag:s5], $0x800  }
0x1d: {  	[sflag:s5] =	ssyncset.done $0x0  }
0x1e: {  	[sflag:s5] =	ssyncadd.s32 $0xFFFFF800  }
0x1f: {  	_ =	swait.ge [sflag:s7], $0x800  }
0x20: {  	[sflag:s7] =	ssyncset.done $0x0  }
0x21: {  	[sflag:s7] =	ssyncadd.s32 $0xFFFFF800  }
0x22: {  	_ =	swait.ge [sflag:s8], $0x800  }
0x23: {  	[sflag:s8] =	ssyncset.done $0x0  }
0x24: {  	[sflag:s8] =	ssyncadd.s32 $0xFFFFF800  }
0x25: {  	_ =	swait.ge [sflag:s9], $0x800  }
0x26: {  	[sflag:s9] =	ssyncset.done $0x0  }
0x27: {  	[sflag:s9] =	ssyncadd.s32 $0xFFFFF800  }
0x28: {  	_ =	swait.ge [sflag:s24], $0x800  }
0x29: {  	[sflag:s24] =	ssyncset.done $0x0  }
0x2a: {  	[sflag:s24] =	ssyncadd.s32 $0xFFFFF800  }
.LBB2_5:
0x2b: {  	[bflag:$0x0] =	sbarrier.arrive $0xFFFF  }
0x2c: {  	s11 =	simm.s32 $0x9000;
	s3 =	rddreg [dreg:$0x4]  }
0x2d: {  	[tilespmem:s11], [sflag:$0x11] =	stream.linear.gather [spmem:s3], $0x2780, $0x38;
	[tilespmem:$0xDF00] =	vst v63  }
0x2e: {  	s3 =	simm.s32 $0x11  }
0x2f: {  	_ =	swait.ge [sflag:s3], $0x2780  }
0x30: {  	[sflag:s3] =	ssyncset.done $0x0  }
0x31: {  	s10 =	simm.s32 $0x0;
	s6 =	rddreg [dreg:$0x8];
	[sflag:s3] =	ssyncadd.s32 $0xFFFFD880  }
0x32: {  	[hbm4b:s6+s10] =	stream.linear.scatter [tilespmem:s11], [sflag:$0x11], $0x2780, $0x38;
	[tilespmem:$0xDF00] =	vst v63  }
0x33: {  	_ =	swait.ge [sflag:s3], $0x2780  }
0x34: {  	s6 =	rddreg [dreg:$0x9]  }
0x35: {  	[sflag:s3] =	ssyncset.done $0x0;
	s3 =	rddreg [dreg:$0x7];
	s6 =	sadd.s32 $0x1, s6  }
0x36: {  	p0 =	sne.s32 s6, s3  }
.Ltmp1:
0x37: {  	_ = 	snop;
	(pc) =	sbr.rel @!p0 .LBB2_6-.Ltmp1, $3  }
0x38: {  	_ =	sdelay $0x1  }
0x39: {  	s3 =	simm.s32 $0x11  }
0x3a: {  	[sflag:s3] =	ssyncadd.s32 $0xFFFFD880  }
.LBB2_1:
0x3b: {  	[dreg:$0x9] =	wrdreg s6  }
0x3c: {  	s6 =	simm.s32 $0x11;
	s3 =	rddreg [dreg:$0x3]  }
0x3d: {  	[tilespmem:s11], [sflag:$0x11] =	stream.linear.gather [hbm4b:s3+s10], $0x2780, $0x38;
	[tilespmem:$0xDF00] =	vst v63  }
0x3e: {  	_ =	swait.ge [sflag:s6], $0x2780  }
0x3f: {  	[sflag:s6] =	ssyncset.done $0x0  }
0x40: {  	s3 =	rddreg [dreg:$0x4];
	[sflag:s6] =	ssyncadd.s32 $0xFFFFD880  }
0x41: {  	[spmem:s3] =	stream.linear.scatter [tilespmem:s11], [sflag:$0x11], $0x2780, $0x38;
	[tilespmem:$0xDF00] =	vst v63  }
0x42: {  	_ =	swait.ge [sflag:s6], $0x2780  }
0x43: {  	[sflag:s6] =	ssyncset.done $0x0  }
0x44: {  	s11 =	rddreg [dreg:$0x5];
	[sflag:s6] =	ssyncadd.s32 $0xFFFFD880  }
0x45: {  	[tilespmem:s10], [sflag:$0x11] =	stream.linear.gather [hbm4b:s11+s10], $0x2800, $0x38;
	[tilespmem:$0xDF00] =	vst v63  }
0x46: {  	_ =	swait.ge [sflag:s6], $0x2800  }
0x47: {  	[sflag:s6] =	ssyncset.done $0x0  }
0x48: {  	s11 =	simm.s32 $0x2800;
	s3 =	rddreg [dreg:$0x6];
	[sflag:s6] =	ssyncadd.s32 $0xFFFFD800  }
0x49: {  	[tilespmem:s11], [sflag:$0x11] =	stream.linear.gather [hbm4b:s3+s10], $0x2800, $0x38;
	[tilespmem:$0xDF00] =	vst v63  }
0x4a: {  	_ =	swait.ge [sflag:s6], $0x2800  }
0x4b: {  	[sflag:s6] =	ssyncset.done $0x0  }
0x4c: {  	[sflag:s6] =	ssyncadd.s32 $0xFFFFD800  }
0x4d: {  	[tilespmem:s14], [sflag:$0x1] =	stream.indirect.gather [hbm4b:s4+s13], $0x10, s10, s13, $0xb8;
	[tilespmem:$0xDF00] =	vst v63  }
0x4e: {  	_ = 	snop  }
0x4f: {  	[tilespmem:s15], [sflag:$0x2] =	stream.indirect.gather [hbm4b:s4+s13], $0x10, s13, s13, $0xb8;
	[tilespmem:$0xDF00] =	vst v63  }
0x50: {  	s6 =	simm.s32 $0x100  }
0x51: {  	[tilespmem:s17], [sflag:$0x3] =	stream.indirect.gather [hbm4b:s4+s13], $0x10, s6, s13, $0xb8;
	[tilespmem:$0xDF00] =	vst v63  }
0x52: {  	s10 =	simm.s32 $0x180  }
0x53: {  	[tilespmem:s19], [sflag:$0x4] =	stream.indirect.gather [hbm4b:s4+s13], $0x10, s10, s13, $0xb8;
	[tilespmem:$0xDF00] =	vst v63  }
0x54: {  	s11 =	simm.s32 $0x200  }
0x55: {  	[tilespmem:s21], [sflag:$0x5] =	stream.indirect.gather [hbm4b:s4+s13], $0x10, s11, s13, $0xb8;
	[tilespmem:$0xDF00] =	vst v63  }
0x56: {  	s6 =	simm.s32 $0x280  }
0x57: {  	[tilespmem:s23], [sflag:$0x6] =	stream.indirect.gather [hbm4b:s4+s13], $0x10, s6, s13, $0xb8;
	[tilespmem:$0xDF00] =	vst v63  }
0x58: {  	s10 =	simm.s32 $0x300  }
0x59: {  	[tilespmem:s26], [sflag:$0x7] =	stream.indirect.gather [hbm4b:s4+s13], $0x10, s10, s13, $0xb8;
	[tilespmem:$0xDF00] =	vst v63  }
0x5a: {  	s11 =	simm.s32 $0x380  }
0x5b: {  	[tilespmem:s29], [sflag:$0x8] =	stream.indirect.gather [hbm4b:s4+s13], $0x10, s11, s13, $0xb8;
	[tilespmem:$0xDF00] =	vst v63  }
0x5c: {  	s10 =	simm.s32 $0x0;
	[bflag:$0x0] =	sbarrier.arrive $0xFFFF  }
.LBB2_2:
0x5d: {  	_ =	swait.ge [sflag:s30], $0x800  }
0x5e: {  	s3 =	sshra.s32 s10, $0x2;
	[sflag:s30] =	ssyncset.done $0x0  }
0x5f: {  	s6 =	sadd.s32 $0x2800, s3;
	[sflag:s30] =	ssyncadd.s32 $0xFFFFF800  }
0x60: {  	[spmem:s2] =	stream.indirect.scatter.add.f32 [tilespmem:s14], [sflag:$0x9], $0x10, s6, s13, $0xb8;
	[tilespmem:$0xDF00] =	vst v63  }
0x61: {  	_ =	swait.ge [sflag:s31], $0x800  }
0x62: {  	[sflag:s31] =	ssyncset.done $0x0  }
0x63: {  	s11 =	sadd.s32 $0x2880, s3;
	[sflag:s31] =	ssyncadd.s32 $0xFFFFF800  }
0x64: {  	[spmem:s2] =	stream.indirect.scatter.add.f32 [tilespmem:s15], [sflag:$0xA], $0x10, s11, s13, $0xb8;
	[tilespmem:$0xDF00] =	vst v63  }
0x65: {  	_ =	swait.ge [sflag:s1], $0x800  }
0x66: {  	[sflag:s1] =	ssyncset.done $0x0  }
0x67: {  	s11 =	sadd.s32 $0x2900, s3;
	[sflag:s1] =	ssyncadd.s32 $0xFFFFF800  }
0x68: {  	[spmem:s2] =	stream.indirect.scatter.add.f32 [tilespmem:s17], [sflag:$0xB], $0x10, s11, s13, $0xb8;
	[tilespmem:$0xDF00] =	vst v63  }
0x69: {  	_ =	swait.ge [sflag:s0], $0x800  }
0x6a: {  	[sflag:s0] =	ssyncset.done $0x0  }
0x6b: {  	s11 =	sadd.s32 $0x2980, s3;
	[sflag:s0] =	ssyncadd.s32 $0xFFFFF800  }
0x6c: {  	[spmem:s2] =	stream.indirect.scatter.add.f32 [tilespmem:s19], [sflag:$0xC], $0x10, s11, s13, $0xb8;
	[tilespmem:$0xDF00] =	vst v63  }
0x6d: {  	_ =	swait.ge [sflag:s12], $0x800  }
0x6e: {  	[sflag:s12] =	ssyncset.done $0x0  }
0x6f: {  	s11 =	sadd.s32 $0x2A00, s3;
	[sflag:s12] =	ssyncadd.s32 $0xFFFFF800  }
0x70: {  	[spmem:s2] =	stream.indirect.scatter.add.f32 [tilespmem:s21], [sflag:$0xD], $0x10, s11, s13, $0xb8;
	[tilespmem:$0xDF00] =	vst v63  }
0x71: {  	_ =	swait.ge [sflag:s16], $0x800  }
0x72: {  	[sflag:s16] =	ssyncset.done $0x0  }
0x73: {  	s11 =	sadd.s32 $0x2A80, s3;
	[sflag:s16] =	ssyncadd.s32 $0xFFFFF800  }
0x74: {  	[spmem:s2] =	stream.indirect.scatter.add.f32 [tilespmem:s23], [sflag:$0xE], $0x10, s11, s13, $0xb8;
	[tilespmem:$0xDF00] =	vst v63  }
0x75: {  	_ =	swait.ge [sflag:s18], $0x800  }
0x76: {  	[sflag:s18] =	ssyncset.done $0x0  }
0x77: {  	s11 =	sadd.s32 $0x2B00, s3;
	[sflag:s18] =	ssyncadd.s32 $0xFFFFF800  }
0x78: {  	[spmem:s2] =	stream.indirect.scatter.add.f32 [tilespmem:s26], [sflag:$0xF], $0x10, s11, s13, $0xb8;
	[tilespmem:$0xDF00] =	vst v63  }
0x79: {  	_ =	swait.ge [sflag:s20], $0x800  }
0x7a: {  	p0 =	sne.s32 s10, $0x9000;
	[sflag:s20] =	ssyncset.done $0x0  }
.Ltmp2:
0x7b: {  	s11 =	sadd.s32 $0x2B80, s3;
	[sflag:s20] =	ssyncadd.s32 $0xFFFFF800;
	(pc) =	sbr.rel @!p0 .LBB2_3-.Ltmp2, $4  }
0x7c: {  	[spmem:s2] =	stream.indirect.scatter.add.f32 [tilespmem:s29], [sflag:$0x10], $0x10, s11, s13, $0xb8;
	[tilespmem:$0xDF00] =	vst v63  }
0x7d: {  	_ =	swait.ge [sflag:s22], $0x800  }
0x7e: {  	[sflag:s22] =	ssyncset.done $0x0  }
0x7f: {  	[sflag:s22] =	ssyncadd.s32 $0xFFFFF800  }
0x80: {  	s6 =	sadd.s32 $0x400, s3  }
0x81: {  	[tilespmem:s14], [sflag:$0x1] =	stream.indirect.gather [hbm4b:s4+s13], $0x10, s6, s13, $0xb8;
	[tilespmem:$0xDF00] =	vst v63  }
0x82: {  	_ =	swait.ge [sflag:s25], $0x800  }
0x83: {  	[sflag:s25] =	ssyncset.done $0x0  }
0x84: {  	s11 =	sadd.s32 $0x480, s3;
	[sflag:s25] =	ssyncadd.s32 $0xFFFFF800  }
0x85: {  	[tilespmem:s15], [sflag:$0x2] =	stream.indirect.gather [hbm4b:s4+s13], $0x10, s11, s13, $0xb8;
	[tilespmem:$0xDF00] =	vst v63  }
0x86: {  	_ =	swait.ge [sflag:s28], $0x800  }
0x87: {  	[sflag:s28] =	ssyncset.done $0x0  }
0x88: {  	s11 =	sadd.s32 $0x500, s3;
	[sflag:s28] =	ssyncadd.s32 $0xFFFFF800  }
0x89: {  	[tilespmem:s17], [sflag:$0x3] =	stream.indirect.gather [hbm4b:s4+s13], $0x10, s11, s13, $0xb8;
	[tilespmem:$0xDF00] =	vst v63  }
0x8a: {  	_ =	swait.ge [sflag:s5], $0x800  }
0x8b: {  	[sflag:s5] =	ssyncset.done $0x0  }
0x8c: {  	s11 =	sadd.s32 $0x580, s3;
	[sflag:s5] =	ssyncadd.s32 $0xFFFFF800  }
0x8d: {  	[tilespmem:s19], [sflag:$0x4] =	stream.indirect.gather [hbm4b:s4+s13], $0x10, s11, s13, $0xb8;
	[tilespmem:$0xDF00] =	vst v63  }
0x8e: {  	_ =	swait.ge [sflag:s7], $0x800  }
0x8f: {  	[sflag:s7] =	ssyncset.done $0x0  }
0x90: {  	s11 =	sadd.s32 $0x600, s3;
	[sflag:s7] =	ssyncadd.s32 $0xFFFFF800  }
0x91: {  	[tilespmem:s21], [sflag:$0x5] =	stream.indirect.gather [hbm4b:s4+s13], $0x10, s11, s13, $0xb8;
	[tilespmem:$0xDF00] =	vst v63  }
0x92: {  	_ =	swait.ge [sflag:s8], $0x800  }
0x93: {  	[sflag:s8] =	ssyncset.done $0x0  }
0x94: {  	s11 =	sadd.s32 $0x680, s3;
	[sflag:s8] =	ssyncadd.s32 $0xFFFFF800  }
0x95: {  	[tilespmem:s23], [sflag:$0x6] =	stream.indirect.gather [hbm4b:s4+s13], $0x10, s11, s13, $0xb8;
	[tilespmem:$0xDF00] =	vst v63  }
0x96: {  	_ =	swait.ge [sflag:s9], $0x800  }
0x97: {  	s10 =	sadd.s32 $0x1000, s10;
	[sflag:s9] =	ssyncset.done $0x0  }
0x98: {  	p0 =	sne.s32 s10, $0xA000;
	s11 =	sadd.s32 $0x700, s3;
	[sflag:s9] =	ssyncadd.s32 $0xFFFFF800  }
0x99: {  	[tilespmem:s26], [sflag:$0x7] =	stream.indirect.gather [hbm4b:s4+s13], $0x10, s11, s13, $0xb8;
	[tilespmem:$0xDF00] =	vst v63  }
.Ltmp3:
0x9a: {  	_ = 	snop;
	(pc) =	sbr.rel @p0 .LBB2_2-.Ltmp3, $4  }
.Ltmp4:
0x9b: {  	_ =	swait.ge [sflag:s24], $0x800;
	(pc) =	sbr.rel @!p0 .LBB2_5-.Ltmp4, $4  }
0x9c: {  	[sflag:s24] =	ssyncset.done $0x0  }
0x9d: {  	s11 =	sadd.s32 $0x780, s3;
	[sflag:s24] =	ssyncadd.s32 $0xFFFFF800  }
0x9e: {  	[tilespmem:s29], [sflag:$0x8] =	stream.indirect.gather [hbm4b:s4+s13], $0x10, s11, s13, $0xb8;
	[tilespmem:$0xDF00] =	vst v63  }
0x9f: {  	_ = 	snop  }
.LBB2_6:
0xa0: {  	_ =	sfence.sel $0x180000  }
0xa1: {  	[bflag:$0x0] =	sbarrier.arrive $0xFFFF  }
0xa2: {  	_ =	strace $0x9000004A  }
0xa3: {  	s0 =	stileid.u32;
	[bflag:$0x2] =	sbarrier.arrive $0xFFFF  }
0xa4: {  	p0 =	sne.s32 s0, $0x0;
	s0 =	rddreg [dreg:$0x2]  }
0xa5: {  	s0 =	sadd.s32 @!p0 $0x100000, s0  }
0xa6: {  	[sflag:s0] =	ssyncadd.tile.s32 @!p0 $0x1;
	_ =	shalt  }
.Lfunc_end2:
_tile_overlayer_lowered:
.L_overlay_start_2:
0xa7: {  	(tag) =	ssettag $0x2  }
0xa8: {  	s0 =	rddreg [dreg:$0x0];
	s2 =	stileid.u32  }
0xa9: {  	s1 =	rddreg [dreg:$0x1];
	p0 =	sne.s32 s2, $0x0  }
0xaa: {  	s3 =	rddreg [dreg:$0x2];
	[bflag:$0x3] =	sbarrier.arrive $0xFFFF;
	s2 =	simm.s32 @!p0 $0x1C11  }
0xab: {  	[timem:s3], [sflag:s2] =	dma.local @!p0 [hbm:s0], s1  }
0xac: {  	s0 =	simm.s32 @!p0 $0x11  }
0xad: {  	_ =	swait.ge @!p0 [sflag:s0], s1  }
0xae: {  	s1 =	ssub.s32 @!p0 $0x0, s1;
	[sflag:s0] =	ssyncset.done @!p0 $0x0  }
0xaf: {  	[sflag:s0] =	ssyncadd.s32 @!p0 s1  }
0xb0: {  	[bflag:$0x3] =	sbarrier.arrive $0xFFFF  }
0xb1: {  	_ =	shalt  }

// kernel: kernel.14.cloned.1.call-start
scs
__scs_entry_jumppad:
0x0: {  	(pc) =	sbr.rel $0x88, $3  }
0x1: {  	(tag) =	ssettag $0x0;
	lr =	simm.s32 $0x1  }
0x2: {  	[smem:$0x3F9B] =	sst lr;
	_ =	strace $0xD0000000  }
0x3: {  	_ = 	snop  }
0x4: {  	_ = 	snop  }
0x5: {  	_ = 	snop  }
0x6: {  	_ = 	snop  }
0x7: {  	_ = 	snop  }
__scs_overlays_trampoline_lowered:
0x8: {  	[smem:$0x3FAA] =	sst s0  }
0x9: {  	[smem:$0x3FAB] =	sst s1  }
0xa: {  	[smem:$0x3FAC] =	sst s2  }
0xb: {  	[smem:$0x3FAD] =	sst s3  }
0xc: {  	[smem:$0x3FAE] =	sst s4  }
0xd: {  	[smem:$0x3FAF] =	sst s5  }
0xe: {  	[smem:$0x3FB0] =	sst s6  }
0xf: {  	[smem:$0x3FB1] =	sst s7  }
0x10: {  	[smem:$0x3FB2] =	sst s8  }
0x11: {  	[smem:$0x3FB3] =	sst s9;
	s0 =	simm.s32 @!p0 $0x0  }
0x12: {  	s1 =	sld [smem:$0x3F99];
	s0 =	simm.s32 @p0 $0x1  }
0x13: {  	[smem:$0x3FB4] =	sst s0;
	s0 =	simm.s32 @!p1 $0x0  }
0x14: {  	s2 =	sld [smem:$0x3F98];
	s0 =	simm.s32 @p1 $0x1  }
0x15: {  	[smem:$0x3FB5] =	sst s0;
	s0 =	simm.s32 @!p2 $0x0  }
0x16: {  	s3 =	sld [smem:$0x3FDB];
	s0 =	simm.s32 @p2 $0x1  }
0x17: {  	s4 =	simm.s32 $0x1BF5;
	[smem:$0x3FB7] =	sst s0  }
0x18: {  	s0 =	sld [smem:$0x3F9A];
	_ =	swait.ge [sflag:s4], $0x0  }
0x19: {  	s7 =	sld [smem:$0x3F9B]  }
0x1a: {  	s8 =	sadd.s32 $0xFFFFE003, lr  }
0x1b: {  	s9 =	sadd.s32 $0xFFFFFEF7, lr;
	s5 =	simm.s32 $0xFFFFFFFF;
	p2 =	slt.u32 s8, $0xFFFFF086  }
0x1c: {  	p1 =	slt.u32 s9, $0xF7A;
	s5 =	simm.s32 @!p2 $0x0  }
0x1d: {  	s5 =	simm.s32 @p1 $0x1;
	p0 =	seq.s32 s7, s2  }
0x1e: {  	s7 =	smul.u32 @!p0 $0xF7A, s2;
	p2 =	seq.s32 @!p0 s5, $0x0  }
0x1f: {  	s9 =	smul.u32 $0xF7A, s1;
	s8 =	simm.s32 @!p0 $0x1BF5;
	p2 =	por !p2, p0  }
0x20: {  	[sflag:s8] =	ssyncset.s32 @!p0 $0xFFFFF086;
	s6 =	sadd.s32 @!p0 s3, s7;
	s7 =	simm.s32 @!p0 $0x108  }
0x21: {  	s3 =	sadd.s32 s3, s9;
	s6 =	sadd.s32 @!p0 $0x88, s6;
	s7 =	simm.s32 @p2 $0x1082  }
0x22: {  	[simem:s7], [sflag:s8] =	dma.local @!p0 [hbm:s6], $0xF7A  }
0x23: {  	s9 =	sor.u32 $0xD0000000, s2;
	s6 =	simm.s32 $0x108;
	_ =	swait.ge @!p0 [sflag:s8], $0x0  }
0x24: {  	s3 =	sadd.s32 $0x88, s3;
	s6 =	simm.s32 @!p1 $0x1082;
	[sflag:s4] =	ssyncset.s32 $0xFFFFF086  }
0x25: {  	[simem:s6], [sflag:s4] =	dma.local [hbm:s3], $0xF7A  }
0x26: {  	[smem:$0x3F9B] =	sst s1;
	(tag) =	ssettag s2;
	_ =	strace s9  }
0x27: {  	s1 =	sld [smem:$0x3FAB]  }
0x28: {  	s2 =	sld [smem:$0x3FAC]  }
0x29: {  	s4 =	sld [smem:$0x3FAE]  }
0x2a: {  	p0 =	seq.s32 s5, $0x0;
	s5 =	sld [smem:$0x3FAF]  }
0x2b: {  	s6 =	sld [smem:$0x3FB0]  }
0x2c: {  	s7 =	sld [smem:$0x3FB1]  }
0x2d: {  	s3 =	simm.s32 $0x108;
	s8 =	sld [smem:$0x3FB2]  }
0x2e: {  	s3 =	simm.s32 @!p0 $0x1082;
	s9 =	sld [smem:$0x3FB3]  }
0x2f: {  	lr =	sadd.s32 s0, s3;
	s0 =	sld [smem:$0x3FAA]  }
0x30: {  	s3 =	sld [smem:$0x3FAD]  }
0x31: {  	[smem:$0x3FB6] =	sst s10  }
0x32: {  	s10 =	sld [smem:$0x3FB4];
	_ =	sdelay $0x3  }
0x33: {  	p0 =	seq.s32 s10, $0x1;
	s10 =	sld [smem:$0x3FB6];
	_ =	sdelay $0x3  }
0x34: {  	[smem:$0x3FB6] =	sst s10  }
0x35: {  	s10 =	sld [smem:$0x3FB5];
	_ =	sdelay $0x3  }
0x36: {  	p1 =	seq.s32 s10, $0x1;
	s10 =	sld [smem:$0x3FB6];
	_ =	sdelay $0x3  }
0x37: {  	[smem:$0x3FB6] =	sst s10  }
0x38: {  	s10 =	sld [smem:$0x3FB7]  }
0x39: {  	_ = 	snop;
	(pc) =	sbr.ind lr, $3  }
0x3a: {  	_ = 	snop  }
0x3b: {  	_ = 	snop  }
0x3c: {  	p2 =	seq.s32 s10, $0x1;
	s10 =	sld [smem:$0x3FB6]  }
0x3d: {  	_ =	shalt  }
0x3e: {  	_ =	shalt  }
0x3f: {  	_ =	shalt  }
0x40: {  	_ =	shalt  }
0x41: {  	_ =	shalt  }
0x42: {  	_ =	shalt  }
0x43: {  	_ =	shalt  }
0x44: {  	_ =	shalt  }
0x45: {  	_ =	shalt  }
0x46: {  	_ =	shalt  }
0x47: {  	_ =	shalt  }
0x48: {  	_ =	shalt  }
0x49: {  	_ =	shalt  }
0x4a: {  	_ =	shalt  }
0x4b: {  	_ =	shalt  }
0x4c: {  	_ =	shalt  }
0x4d: {  	_ =	shalt  }
0x4e: {  	_ =	shalt  }
0x4f: {  	_ =	shalt  }
0x50: {  	_ =	shalt  }
0x51: {  	_ =	shalt  }
0x52: {  	_ =	shalt  }
0x53: {  	_ =	shalt  }
0x54: {  	_ =	shalt  }
0x55: {  	_ =	shalt  }
0x56: {  	_ =	shalt  }
0x57: {  	_ =	shalt  }
0x58: {  	_ =	shalt  }
0x59: {  	_ =	shalt  }
0x5a: {  	_ =	shalt  }
0x5b: {  	_ =	shalt  }
0x5c: {  	_ =	shalt  }
0x5d: {  	_ =	shalt  }
0x5e: {  	_ =	shalt  }
0x5f: {  	_ =	shalt  }
0x60: {  	_ =	shalt  }
0x61: {  	_ =	shalt  }
0x62: {  	_ =	shalt  }
0x63: {  	_ =	shalt  }
0x64: {  	_ =	shalt  }
0x65: {  	_ =	shalt  }
0x66: {  	_ =	shalt  }
0x67: {  	_ =	shalt  }
0x68: {  	_ =	shalt  }
0x69: {  	_ =	shalt  }
0x6a: {  	_ =	shalt  }
0x6b: {  	_ =	shalt  }
0x6c: {  	_ =	shalt  }
0x6d: {  	_ =	shalt  }
0x6e: {  	_ =	shalt  }
0x6f: {  	_ =	shalt  }
0x70: {  	_ =	shalt  }
0x71: {  	_ =	shalt  }
0x72: {  	_ =	shalt  }
0x73: {  	_ =	shalt  }
0x74: {  	_ =	shalt  }
0x75: {  	_ =	shalt  }
0x76: {  	_ =	shalt  }
0x77: {  	_ =	shalt  }
0x78: {  	_ =	shalt  }
0x79: {  	_ =	shalt  }
0x7a: {  	_ =	shalt  }
0x7b: {  	_ =	shalt  }
0x7c: {  	_ =	shalt  }
0x7d: {  	_ =	shalt  }
0x7e: {  	_ =	shalt  }
0x7f: {  	_ =	shalt  }
0x80: {  	_ =	shalt  }
0x81: {  	_ =	shalt  }
0x82: {  	_ =	shalt  }
0x83: {  	_ =	shalt  }
0x84: {  	_ =	shalt  }
0x85: {  	_ =	shalt  }
0x86: {  	_ =	shalt  }
0x87: {  	_ =	shalt  }
.Lfunc_end0:
.L_simem_size_0:
called_computation.2_lowered:
.L_overlay_start_0:
0x88: {  	s2 =	sld [smem:$0x3FD9]  }
0x89: {  	s3 =	sld [smem:$0x3FFE];
	_ =	sdelay $0x1  }
0x8a: {  	s1 =	srdreg.scid  }
0x8b: {  	s0 =	sand.u32 $0x1, s1  }
0x8c: {  	s16 =	sshll.u32 s0, $0xA;
	s2 =	sadd.s32 s3, s2  }
0x8d: {  	s2 =	sadd.s32 s2, s16  }
0x8e: {  	[smem:$0x3FC2] =	sst s2  }
0x8f: {  	_ = 	snop  }
0x90: {  	(tm) =	ssettm $0x1  }
0x91: {  	s17 =	sld [smem:$0x3FFB];
	_ =	sdelay $0x3  }
0x92: {  	_ =	strace s17  }
0x93: {  	s2 =	sld [smem:$0x3FFC];
	_ =	sdelay $0x3  }
0x94: {  	_ =	strace s2  }
0x95: {  	s2 =	sld [smem:$0x3FFD];
	_ =	sdelay $0x3  }
0x96: {  	_ =	strace s2  }
0x97: {  	_ =	strace $0x8FFFFFFF  }
0x98: {  	s18 =	sld [smem:$0x3FDB];
	_ =	sdelay $0x1  }
0x99: {  	s19 =	simm.s32 $_scs_section_size  }
0x9a: {  	s4 =	simm.s32 $_size__tile_overlayer_lowered;
	s5 =	simm.s32 $_tile_overlayer_lowered  }
0x9b: {  	s22 =	simm.s32 $0x1BFF;
	s21 =	sshll.u32 s5, $0x1;
	s2 =	sadd.s32 s19, s18  }
0x9c: {  	s6 =	simm.s32 $0x0;
	s20 =	sshll.u32 s4, $0x1;
	s4 =	sadd.s32 s21, s2  }
0x9d: {  	[timem:s6], [sflag:s22] =	dma.local [hbm:s4], s20  }
0x9e: {  	_ =	swait.ge [sflag:s22], s20  }
0x9f: {  	s3 =	ssub.s32 $0x0, s20;
	[sflag:s22] =	ssyncset.done $0x0  }
0xa0: {  	[sflag:s22] =	ssyncadd.s32 s3;
	_ =	sdelay $0x1  }
0xa1: {  	s23 =	simm.s32 $0x1B8B  }
0xa2: {  	_ =	swait.ge [sflag:s23], $0x1  }
0xa3: {  	[sflag:s23] =	ssyncset.done $0x0  }
0xa4: {  	s25 =	simm.s32 $0x1B8E;
	s24 =	sld [smem:$0x3FFE];
	[sflag:s23] =	ssyncadd.s32 $0xFFFFFFFF  }
0xa5: {  	s26 =	simm.s32 $execute0_lowered;
	[smem:$0x3FD2] =	sst s25  }
0xa6: {  	s4 =	sshll.u32 s26, $0x1;
	_ =	strace $0x8000004C;
	[dreg:$0x1] =	wrdreg $0xFFFFFFFF  }
0xa7: {  	s28 =	simm.s32 $_size_execute0_lowered;
	s2 =	sadd.s32 s2, s4;
	[dreg:$0x0] =	wrdreg $0x0  }
0xa8: {  	s4 =	sshll.u32 s28, $0x1;
	[dreg:$0x2] =	wrdreg s2  }
0xa9: {  	[dreg:$0x3] =	wrdreg s4  }
0xaa: {  	[dreg:$0x4] =	wrdreg $0xC0  }
0xab: {  	_ =	task [dreg:s6], $0x5FFFF  }
0xac: {  	[dreg:$0x1] =	wrdreg $0xFFFFFFFF  }
0xad: {  	[dreg:$0x0] =	wrdreg $0x60  }
0xae: {  	[dreg:$0x2] =	wrdreg s24  }
0xaf: {  	[dreg:$0x3] =	wrdreg $0x83C00  }
0xb0: {  	[dreg:$0x4] =	wrdreg $0x9  }
0xb1: {  	_ =	task.clear_ibuf [dreg:s6], $0x5FFFF;
	_ =	strace $0x9000004C  }
0xb2: {  	s29 =	simm.s32 $0x9;
	_ =	strace $0x8000004E  }
0xb3: {  	_ =	swait.ge [sflag:s29], $0x1  }
0xb4: {  	[sflag:s29] =	ssyncadd.s32 $0xFFFFFFFF  }
0xb5: {  	_ =	strace $0x9000004E  }
0xb6: {  	_ =	sfence  }
0xb7: {  	s30 =	sld [smem:$0x0];
	_ =	sdelay $0x2  }
0xb8: {  	s31 =	sshll.u32 s1, $0xD;
	s1 =	sshrl.u32 s1, $0x2  }
0xb9: {  	s3 =	sand.u32 $0x4000, s31;
	s1 =	sadd.s32 s1, s30  }
0xba: {  	s0 =	sor.u32 s3, s0;
	s1 =	sshll.u32 s1, $0x11  }
0xbb: {  	s0 =	sor.u32 s1, s0  }
0xbc: {  	s0 =	sadd.s32 $0x8F2B, s0  }
0xbd: {  	[sflag:s0] =	ssyncadd.remote.s32 $0x1  }
0xbe: {  	_ =	sfence.sel $0xFFFF  }
0xbf: {  	[dreg:$0x0] =	wrdreg $0xFFFFFFFF;
	(pc) =	sbr.abs _section_cstart, $3  }
0xc0: {  	[dreg:$0x1] =	wrdreg $0xFFFFFFFF  }
0xc1: {  	_ =	task.clear_ibuf [dreg:s6], $0x2FFFF;
	_ =	strace $0x9FFFFFFF  }
0xc2: {  	(tm) =	ssettm $0x7FFFFFFF  }
0xc3: {  	_ =	shalt  }
tec
execute0_lowered:
.L_overlay_start_1:
0x0: {  	(tag) =	ssettag $0x1  }
0x1: {  	s0 =	rddreg [dreg:$0x0];
	s1 =	srdreg.scid  }
0x2: {  	s4 =	stileid.u32;
	s2 =	rddreg [dreg:$0x1];
	s10 =	simm.s32 $0x0  }
0x3: {  	s11 =	simm.s32 $0x7000;
	s13 =	simm.s32 $0x80;
	s14 =	simm.s32 $0x5000  }
0x4: {  	s15 =	simm.s32 $0x5400;
	s17 =	simm.s32 $0x5800;
	s19 =	simm.s32 $0x5C00  }
0x5: {  	s21 =	simm.s32 $0x6000;
	s23 =	simm.s32 $0x6400;
	s29 =	simm.s32 $0x6C00  }
0x6: {  	s30 =	simm.s32 $0x1;
	s31 =	simm.s32 $0x2;
	s12 =	simm.s32 $0x5  }
0x7: {  	s16 =	simm.s32 $0x6;
	s18 =	simm.s32 $0x7;
	s20 =	simm.s32 $0x8  }
0x8: {  	s22 =	simm.s32 $0x9;
	s28 =	simm.s32 $0xB;
	s24 =	simm.s32 $0x10  }
0x9: {  	s1 =	sand.u32 $0x1, s1;
	s3 =	sshll.u32 s4, $0x1;
	[smem:$0x7FF] =	sst s10  }
0xa: {  	s5 =	smul.u32 $0x13C0, s4;
	s4 =	sadd.s32 $0x16000, s0;
	s3 =	sor.u32 s1, s3  }
0xb: {  	_ =	strace $0x8000004D;
	s6 =	smul.u32 $0x2780, s1;
	s1 =	ssub.s32 $0x2, s1  }
0xc: {  	s3 =	smul.u32 $0x500, s3;
	s7 =	sshrl.u32 s5, $0x3;
	s8 =	sshrl.u32 s1, $0x1  }
0xd: {  	s5 =	sadd.s32 s5, s2;
	s9 =	sadd.s32 s7, s0;
	s1 =	ssub.s32 s1, s8  }
0xe: {  	[dreg:$0x4] =	wrdreg s5;
	s5 =	simm.s32 $0xC;
	s8 =	simm.s32 $0xE  }
0xf: {  	s3 =	sadd.s32 s3, s0;
	s0 =	sadd.s32 s6, s0;
	s25 =	sadd.s32 $0x29E00, s9  }
0x10: {  	s1 =	smax.u32 s1, $0x1;
	s9 =	simm.s32 $0xF;
	s6 =	simm.s32 $0x0  }
.Ltmp0:
0x11: {  	[dreg:$0x3] =	wrdreg s25;
	s26 =	sadd.s32 $0xC000, s3;
	(pc) =	sbr.rel .LBB2_1-.Ltmp0, $4  }
0x12: {  	s3 =	sadd.s32 $0x1600, s3;
	s0 =	sadd.s32 $0x18800, s0;
	[dreg:$0x7] =	wrdreg s1  }
0x13: {  	s1 =	simm.s32 $0x3;
	s25 =	simm.s32 $0xA;
	[dreg:$0x5] =	wrdreg s26  }
0x14: {  	[dreg:$0x6] =	wrdreg s3;
	s0 =	sadd.s32 s7, s0;
	s26 =	simm.s32 $0x6800  }
0x15: {  	s7 =	simm.s32 $0xD;
	[dreg:$0x8] =	wrdreg s0;
	s0 =	simm.s32 $0x4  }
.LBB2_3:
0x16: {  	_ =	swait.ge [sflag:s25], $0x100  }
0x17: {  	[sflag:s25] =	ssyncset.done $0x0  }
0x18: {  	[sflag:s25] =	ssyncadd.s32 $0xFFFFFF00  }
0x19: {  	_ =	swait.ge [sflag:s28], $0x100  }
0x1a: {  	[sflag:s28] =	ssyncset.done $0x0  }
0x1b: {  	[sflag:s28] =	ssyncadd.s32 $0xFFFFFF00  }
0x1c: {  	_ =	swait.ge [sflag:s5], $0x100  }
0x1d: {  	[sflag:s5] =	ssyncset.done $0x0  }
0x1e: {  	[sflag:s5] =	ssyncadd.s32 $0xFFFFFF00  }
0x1f: {  	_ =	swait.ge [sflag:s7], $0x100  }
0x20: {  	[sflag:s7] =	ssyncset.done $0x0  }
0x21: {  	[sflag:s7] =	ssyncadd.s32 $0xFFFFFF00  }
0x22: {  	_ =	swait.ge [sflag:s8], $0x100  }
0x23: {  	[sflag:s8] =	ssyncset.done $0x0  }
0x24: {  	[sflag:s8] =	ssyncadd.s32 $0xFFFFFF00  }
0x25: {  	_ =	swait.ge [sflag:s9], $0x100  }
0x26: {  	[sflag:s9] =	ssyncset.done $0x0  }
0x27: {  	[sflag:s9] =	ssyncadd.s32 $0xFFFFFF00  }
0x28: {  	_ =	swait.ge [sflag:s24], $0x100  }
0x29: {  	[sflag:s24] =	ssyncset.done $0x0  }
0x2a: {  	[sflag:s24] =	ssyncadd.s32 $0xFFFFFF00  }
.LBB2_5:
0x2b: {  	[bflag:$0x0] =	sbarrier.arrive $0xFFFF  }
0x2c: {  	s11 =	simm.s32 $0x7000;
	s3 =	rddreg [dreg:$0x4]  }
0x2d: {  	[tilespmem:s11], [sflag:$0x11] =	stream.linear.gather [spmem:s3], $0x13C0, $0x38;
	[tilespmem:$0x88B0] =	vst v63  }
0x2e: {  	s3 =	simm.s32 $0x11  }
0x2f: {  	_ =	swait.ge [sflag:s3], $0x13C0  }
0x30: {  	[sflag:s3] =	ssyncset.done $0x0  }
0x31: {  	s10 =	simm.s32 $0x0;
	s6 =	rddreg [dreg:$0x8];
	[sflag:s3] =	ssyncadd.s32 $0xFFFFEC40  }
0x32: {  	[hbm4b:s6+s10] =	stream.linear.scatter [tilespmem:s11], [sflag:$0x11], $0x13C0, $0x38;
	[tilespmem:$0x88B0] =	vst v63  }
0x33: {  	_ =	swait.ge [sflag:s3], $0x13C0  }
0x34: {  	s6 =	rddreg [dreg:$0x9]  }
0x35: {  	[sflag:s3] =	ssyncset.done $0x0;
	s3 =	rddreg [dreg:$0x7];
	s6 =	sadd.s32 $0x1, s6  }
0x36: {  	p0 =	sne.s32 s6, s3  }
.Ltmp1:
0x37: {  	_ = 	snop;
	(pc) =	sbr.rel @!p0 .LBB2_6-.Ltmp1, $3  }
0x38: {  	_ =	sdelay $0x1  }
0x39: {  	s3 =	simm.s32 $0x11  }
0x3a: {  	[sflag:s3] =	ssyncadd.s32 $0xFFFFEC40  }
.LBB2_1:
0x3b: {  	[dreg:$0x9] =	wrdreg s6  }
0x3c: {  	s6 =	simm.s32 $0x11;
	s3 =	rddreg [dreg:$0x3]  }
0x3d: {  	[tilespmem:s11], [sflag:$0x11] =	stream.linear.gather [hbm4b:s3+s10], $0x13C0, $0x38;
	[tilespmem:$0x88B0] =	vst v63  }
0x3e: {  	_ =	swait.ge [sflag:s6], $0x13C0  }
0x3f: {  	[sflag:s6] =	ssyncset.done $0x0  }
0x40: {  	s3 =	rddreg [dreg:$0x4];
	[sflag:s6] =	ssyncadd.s32 $0xFFFFEC40  }
0x41: {  	[spmem:s3] =	stream.linear.scatter [tilespmem:s11], [sflag:$0x11], $0x13C0, $0x38;
	[tilespmem:$0x88B0] =	vst v63  }
0x42: {  	_ =	swait.ge [sflag:s6], $0x13C0  }
0x43: {  	[sflag:s6] =	ssyncset.done $0x0  }
0x44: {  	s11 =	rddreg [dreg:$0x5];
	[sflag:s6] =	ssyncadd.s32 $0xFFFFEC40  }
0x45: {  	[tilespmem:s10], [sflag:$0x11] =	stream.linear.gather [hbm4b:s11+s10], $0x2800, $0x38;
	[tilespmem:$0x88B0] =	vst v63  }
0x46: {  	_ =	swait.ge [sflag:s6], $0x2800  }
0x47: {  	[sflag:s6] =	ssyncset.done $0x0  }
0x48: {  	s11 =	simm.s32 $0x2800;
	s3 =	rddreg [dreg:$0x6];
	[sflag:s6] =	ssyncadd.s32 $0xFFFFD800  }
0x49: {  	[tilespmem:s11], [sflag:$0x11] =	stream.linear.gather [hbm4b:s3+s10], $0x2800, $0x38;
	[tilespmem:$0x88B0] =	vst v63  }
0x4a: {  	_ =	swait.ge [sflag:s6], $0x2800  }
0x4b: {  	[sflag:s6] =	ssyncset.done $0x0  }
0x4c: {  	[sflag:s6] =	ssyncadd.s32 $0xFFFFD800  }
0x4d: {  	[tilespmem:s14], [sflag:$0x1] =	stream.indirect.gather [hbm4b:s4+s13], $0x2, s10, s13, $0xb8;
	[tilespmem:$0x88B0] =	vst v63  }
0x4e: {  	_ = 	snop  }
0x4f: {  	[tilespmem:s15], [sflag:$0x2] =	stream.indirect.gather [hbm4b:s4+s13], $0x2, s13, s13, $0xb8;
	[tilespmem:$0x88B0] =	vst v63  }
0x50: {  	s6 =	simm.s32 $0x100  }
0x51: {  	[tilespmem:s17], [sflag:$0x3] =	stream.indirect.gather [hbm4b:s4+s13], $0x2, s6, s13, $0xb8;
	[tilespmem:$0x88B0] =	vst v63  }
0x52: {  	s10 =	simm.s32 $0x180  }
0x53: {  	[tilespmem:s19], [sflag:$0x4] =	stream.indirect.gather [hbm4b:s4+s13], $0x2, s10, s13, $0xb8;
	[tilespmem:$0x88B0] =	vst v63  }
0x54: {  	s11 =	simm.s32 $0x200  }
0x55: {  	[tilespmem:s21], [sflag:$0x5] =	stream.indirect.gather [hbm4b:s4+s13], $0x2, s11, s13, $0xb8;
	[tilespmem:$0x88B0] =	vst v63  }
0x56: {  	s6 =	simm.s32 $0x280  }
0x57: {  	[tilespmem:s23], [sflag:$0x6] =	stream.indirect.gather [hbm4b:s4+s13], $0x2, s6, s13, $0xb8;
	[tilespmem:$0x88B0] =	vst v63  }
0x58: {  	s10 =	simm.s32 $0x300  }
0x59: {  	[tilespmem:s26], [sflag:$0x7] =	stream.indirect.gather [hbm4b:s4+s13], $0x2, s10, s13, $0xb8;
	[tilespmem:$0x88B0] =	vst v63  }
0x5a: {  	s11 =	simm.s32 $0x380  }
0x5b: {  	[tilespmem:s29], [sflag:$0x8] =	stream.indirect.gather [hbm4b:s4+s13], $0x2, s11, s13, $0xb8;
	[tilespmem:$0x88B0] =	vst v63  }
0x5c: {  	s10 =	simm.s32 $0x0;
	[bflag:$0x0] =	sbarrier.arrive $0xFFFF  }
.LBB2_2:
0x5d: {  	_ =	swait.ge [sflag:s30], $0x100  }
0x5e: {  	s3 =	sshra.s32 s10, $0x2;
	[sflag:s30] =	ssyncset.done $0x0  }
0x5f: {  	s6 =	sadd.s32 $0x2800, s3;
	[sflag:s30] =	ssyncadd.s32 $0xFFFFFF00  }
0x60: {  	[spmem:s2] =	stream.indirect.scatter.add.f32 [tilespmem:s14], [sflag:$0x9], $0x2, s6, s13, $0xb8;
	[tilespmem:$0x88B0] =	vst v63  }
0x61: {  	_ =	swait.ge [sflag:s31], $0x100  }
0x62: {  	[sflag:s31] =	ssyncset.done $0x0  }
0x63: {  	s11 =	sadd.s32 $0x2880, s3;
	[sflag:s31] =	ssyncadd.s32 $0xFFFFFF00  }
0x64: {  	[spmem:s2] =	stream.indirect.scatter.add.f32 [tilespmem:s15], [sflag:$0xA], $0x2, s11, s13, $0xb8;
	[tilespmem:$0x88B0] =	vst v63  }
0x65: {  	_ =	swait.ge [sflag:s1], $0x100  }
0x66: {  	[sflag:s1] =	ssyncset.done $0x0  }
0x67: {  	s11 =	sadd.s32 $0x2900, s3;
	[sflag:s1] =	ssyncadd.s32 $0xFFFFFF00  }
0x68: {  	[spmem:s2] =	stream.indirect.scatter.add.f32 [tilespmem:s17], [sflag:$0xB], $0x2, s11, s13, $0xb8;
	[tilespmem:$0x88B0] =	vst v63  }
0x69: {  	_ =	swait.ge [sflag:s0], $0x100  }
0x6a: {  	[sflag:s0] =	ssyncset.done $0x0  }
0x6b: {  	s11 =	sadd.s32 $0x2980, s3;
	[sflag:s0] =	ssyncadd.s32 $0xFFFFFF00  }
0x6c: {  	[spmem:s2] =	stream.indirect.scatter.add.f32 [tilespmem:s19], [sflag:$0xC], $0x2, s11, s13, $0xb8;
	[tilespmem:$0x88B0] =	vst v63  }
0x6d: {  	_ =	swait.ge [sflag:s12], $0x100  }
0x6e: {  	[sflag:s12] =	ssyncset.done $0x0  }
0x6f: {  	s11 =	sadd.s32 $0x2A00, s3;
	[sflag:s12] =	ssyncadd.s32 $0xFFFFFF00  }
0x70: {  	[spmem:s2] =	stream.indirect.scatter.add.f32 [tilespmem:s21], [sflag:$0xD], $0x2, s11, s13, $0xb8;
	[tilespmem:$0x88B0] =	vst v63  }
0x71: {  	_ =	swait.ge [sflag:s16], $0x100  }
0x72: {  	[sflag:s16] =	ssyncset.done $0x0  }
0x73: {  	s11 =	sadd.s32 $0x2A80, s3;
	[sflag:s16] =	ssyncadd.s32 $0xFFFFFF00  }
0x74: {  	[spmem:s2] =	stream.indirect.scatter.add.f32 [tilespmem:s23], [sflag:$0xE], $0x2, s11, s13, $0xb8;
	[tilespmem:$0x88B0] =	vst v63  }
0x75: {  	_ =	swait.ge [sflag:s18], $0x100  }
0x76: {  	[sflag:s18] =	ssyncset.done $0x0  }
0x77: {  	s11 =	sadd.s32 $0x2B00, s3;
	[sflag:s18] =	ssyncadd.s32 $0xFFFFFF00  }
0x78: {  	[spmem:s2] =	stream.indirect.scatter.add.f32 [tilespmem:s26], [sflag:$0xF], $0x2, s11, s13, $0xb8;
	[tilespmem:$0x88B0] =	vst v63  }
0x79: {  	_ =	swait.ge [sflag:s20], $0x100  }
0x7a: {  	p0 =	sne.s32 s10, $0x9000;
	[sflag:s20] =	ssyncset.done $0x0  }
.Ltmp2:
0x7b: {  	s11 =	sadd.s32 $0x2B80, s3;
	[sflag:s20] =	ssyncadd.s32 $0xFFFFFF00;
	(pc) =	sbr.rel @!p0 .LBB2_3-.Ltmp2, $4  }
0x7c: {  	[spmem:s2] =	stream.indirect.scatter.add.f32 [tilespmem:s29], [sflag:$0x10], $0x2, s11, s13, $0xb8;
	[tilespmem:$0x88B0] =	vst v63  }
0x7d: {  	_ =	swait.ge [sflag:s22], $0x100  }
0x7e: {  	[sflag:s22] =	ssyncset.done $0x0  }
0x7f: {  	[sflag:s22] =	ssyncadd.s32 $0xFFFFFF00  }
0x80: {  	s6 =	sadd.s32 $0x400, s3  }
0x81: {  	[tilespmem:s14], [sflag:$0x1] =	stream.indirect.gather [hbm4b:s4+s13], $0x2, s6, s13, $0xb8;
	[tilespmem:$0x88B0] =	vst v63  }
0x82: {  	_ =	swait.ge [sflag:s25], $0x100  }
0x83: {  	[sflag:s25] =	ssyncset.done $0x0  }
0x84: {  	s11 =	sadd.s32 $0x480, s3;
	[sflag:s25] =	ssyncadd.s32 $0xFFFFFF00  }
0x85: {  	[tilespmem:s15], [sflag:$0x2] =	stream.indirect.gather [hbm4b:s4+s13], $0x2, s11, s13, $0xb8;
	[tilespmem:$0x88B0] =	vst v63  }
0x86: {  	_ =	swait.ge [sflag:s28], $0x100  }
0x87: {  	[sflag:s28] =	ssyncset.done $0x0  }
0x88: {  	s11 =	sadd.s32 $0x500, s3;
	[sflag:s28] =	ssyncadd.s32 $0xFFFFFF00  }
0x89: {  	[tilespmem:s17], [sflag:$0x3] =	stream.indirect.gather [hbm4b:s4+s13], $0x2, s11, s13, $0xb8;
	[tilespmem:$0x88B0] =	vst v63  }
0x8a: {  	_ =	swait.ge [sflag:s5], $0x100  }
0x8b: {  	[sflag:s5] =	ssyncset.done $0x0  }
0x8c: {  	s11 =	sadd.s32 $0x580, s3;
	[sflag:s5] =	ssyncadd.s32 $0xFFFFFF00  }
0x8d: {  	[tilespmem:s19], [sflag:$0x4] =	stream.indirect.gather [hbm4b:s4+s13], $0x2, s11, s13, $0xb8;
	[tilespmem:$0x88B0] =	vst v63  }
0x8e: {  	_ =	swait.ge [sflag:s7], $0x100  }
0x8f: {  	[sflag:s7] =	ssyncset.done $0x0  }
0x90: {  	s11 =	sadd.s32 $0x600, s3;
	[sflag:s7] =	ssyncadd.s32 $0xFFFFFF00  }
0x91: {  	[tilespmem:s21], [sflag:$0x5] =	stream.indirect.gather [hbm4b:s4+s13], $0x2, s11, s13, $0xb8;
	[tilespmem:$0x88B0] =	vst v63  }
0x92: {  	_ =	swait.ge [sflag:s8], $0x100  }
0x93: {  	[sflag:s8] =	ssyncset.done $0x0  }
0x94: {  	s11 =	sadd.s32 $0x680, s3;
	[sflag:s8] =	ssyncadd.s32 $0xFFFFFF00  }
0x95: {  	[tilespmem:s23], [sflag:$0x6] =	stream.indirect.gather [hbm4b:s4+s13], $0x2, s11, s13, $0xb8;
	[tilespmem:$0x88B0] =	vst v63  }
0x96: {  	_ =	swait.ge [sflag:s9], $0x100  }
0x97: {  	s10 =	sadd.s32 $0x1000, s10;
	[sflag:s9] =	ssyncset.done $0x0  }
0x98: {  	p0 =	sne.s32 s10, $0xA000;
	s11 =	sadd.s32 $0x700, s3;
	[sflag:s9] =	ssyncadd.s32 $0xFFFFFF00  }
0x99: {  	[tilespmem:s26], [sflag:$0x7] =	stream.indirect.gather [hbm4b:s4+s13], $0x2, s11, s13, $0xb8;
	[tilespmem:$0x88B0] =	vst v63  }
.Ltmp3:
0x9a: {  	_ = 	snop;
	(pc) =	sbr.rel @p0 .LBB2_2-.Ltmp3, $4  }
.Ltmp4:
0x9b: {  	_ =	swait.ge [sflag:s24], $0x100;
	(pc) =	sbr.rel @!p0 .LBB2_5-.Ltmp4, $4  }
0x9c: {  	[sflag:s24] =	ssyncset.done $0x0  }
0x9d: {  	s11 =	sadd.s32 $0x780, s3;
	[sflag:s24] =	ssyncadd.s32 $0xFFFFFF00  }
0x9e: {  	[tilespmem:s29], [sflag:$0x8] =	stream.indirect.gather [hbm4b:s4+s13], $0x2, s11, s13, $0xb8;
	[tilespmem:$0x88B0] =	vst v63  }
0x9f: {  	_ = 	snop  }
.LBB2_6:
0xa0: {  	_ =	sfence.sel $0x180000  }
0xa1: {  	[bflag:$0x0] =	sbarrier.arrive $0xFFFF  }
0xa2: {  	_ =	strace $0x9000004D  }
0xa3: {  	s0 =	stileid.u32;
	[bflag:$0x2] =	sbarrier.arrive $0xFFFF  }
0xa4: {  	p0 =	sne.s32 s0, $0x0;
	s0 =	rddreg [dreg:$0x2]  }
0xa5: {  	s0 =	sadd.s32 @!p0 $0x100000, s0  }
0xa6: {  	[sflag:s0] =	ssyncadd.tile.s32 @!p0 $0x1;
	_ =	shalt  }
.Lfunc_end2:
_tile_overlayer_lowered:
.L_overlay_start_2:
0xa7: {  	(tag) =	ssettag $0x2  }
0xa8: {  	s0 =	rddreg [dreg:$0x0];
	s2 =	stileid.u32  }
0xa9: {  	s1 =	rddreg [dreg:$0x1];
	p0 =	sne.s32 s2, $0x0  }
0xaa: {  	s3 =	rddreg [dreg:$0x2];
	[bflag:$0x3] =	sbarrier.arrive $0xFFFF;
	s2 =	simm.s32 @!p0 $0x1C11  }
0xab: {  	[timem:s3], [sflag:s2] =	dma.local @!p0 [hbm:s0], s1  }
0xac: {  	s0 =	simm.s32 @!p0 $0x11  }
0xad: {  	_ =	swait.ge @!p0 [sflag:s0], s1  }
0xae: {  	s1 =	ssub.s32 @!p0 $0x0, s1;
	[sflag:s0] =	ssyncset.done @!p0 $0x0  }
0xaf: {  	[sflag:s0] =	ssyncadd.s32 @!p0 s1  }
0xb0: {  	[bflag:$0x3] =	sbarrier.arrive $0xFFFF  }
0xb1: {  	_ =	shalt  }

// kernel: kernel.8.cloned.1.call-start
scs
__scs_entry_jumppad:
0x0: {  	(pc) =	sbr.rel $0x88, $3  }
0x1: {  	(tag) =	ssettag $0x0;
	lr =	simm.s32 $0x1  }
0x2: {  	[smem:$0x3F9B] =	sst lr;
	_ =	strace $0xD0000000  }
0x3: {  	_ = 	snop  }
0x4: {  	_ = 	snop  }
0x5: {  	_ = 	snop  }
0x6: {  	_ = 	snop  }
0x7: {  	_ = 	snop  }
__scs_overlays_trampoline_lowered:
0x8: {  	[smem:$0x3FAA] =	sst s0  }
0x9: {  	[smem:$0x3FAB] =	sst s1  }
0xa: {  	[smem:$0x3FAC] =	sst s2  }
0xb: {  	[smem:$0x3FAD] =	sst s3  }
0xc: {  	[smem:$0x3FAE] =	sst s4  }
0xd: {  	[smem:$0x3FAF] =	sst s5  }
0xe: {  	[smem:$0x3FB0] =	sst s6  }
0xf: {  	[smem:$0x3FB1] =	sst s7  }
0x10: {  	[smem:$0x3FB2] =	sst s8  }
0x11: {  	[smem:$0x3FB3] =	sst s9;
	s0 =	simm.s32 @!p0 $0x0  }
0x12: {  	s1 =	sld [smem:$0x3F99];
	s0 =	simm.s32 @p0 $0x1  }
0x13: {  	[smem:$0x3FB4] =	sst s0;
	s0 =	simm.s32 @!p1 $0x0  }
0x14: {  	s2 =	sld [smem:$0x3F98];
	s0 =	simm.s32 @p1 $0x1  }
0x15: {  	[smem:$0x3FB5] =	sst s0;
	s0 =	simm.s32 @!p2 $0x0  }
0x16: {  	s3 =	sld [smem:$0x3FDB];
	s0 =	simm.s32 @p2 $0x1  }
0x17: {  	s4 =	simm.s32 $0x1BF5;
	[smem:$0x3FB7] =	sst s0  }
0x18: {  	s0 =	sld [smem:$0x3F9A];
	_ =	swait.ge [sflag:s4], $0x0  }
0x19: {  	s7 =	sld [smem:$0x3F9B]  }
0x1a: {  	s8 =	sadd.s32 $0xFFFFE003, lr  }
0x1b: {  	s9 =	sadd.s32 $0xFFFFFEF7, lr;
	s5 =	simm.s32 $0xFFFFFFFF;
	p2 =	slt.u32 s8, $0xFFFFF086  }
0x1c: {  	p1 =	slt.u32 s9, $0xF7A;
	s5 =	simm.s32 @!p2 $0x0  }
0x1d: {  	s5 =	simm.s32 @p1 $0x1;
	p0 =	seq.s32 s7, s2  }
0x1e: {  	s7 =	smul.u32 @!p0 $0xF7A, s2;
	p2 =	seq.s32 @!p0 s5, $0x0  }
0x1f: {  	s9 =	smul.u32 $0xF7A, s1;
	s8 =	simm.s32 @!p0 $0x1BF5;
	p2 =	por !p2, p0  }
0x20: {  	[sflag:s8] =	ssyncset.s32 @!p0 $0xFFFFF086;
	s6 =	sadd.s32 @!p0 s3, s7;
	s7 =	simm.s32 @!p0 $0x108  }
0x21: {  	s3 =	sadd.s32 s3, s9;
	s6 =	sadd.s32 @!p0 $0x88, s6;
	s7 =	simm.s32 @p2 $0x1082  }
0x22: {  	[simem:s7], [sflag:s8] =	dma.local @!p0 [hbm:s6], $0xF7A  }
0x23: {  	s9 =	sor.u32 $0xD0000000, s2;
	s6 =	simm.s32 $0x108;
	_ =	swait.ge @!p0 [sflag:s8], $0x0  }
0x24: {  	s3 =	sadd.s32 $0x88, s3;
	s6 =	simm.s32 @!p1 $0x1082;
	[sflag:s4] =	ssyncset.s32 $0xFFFFF086  }
0x25: {  	[simem:s6], [sflag:s4] =	dma.local [hbm:s3], $0xF7A  }
0x26: {  	[smem:$0x3F9B] =	sst s1;
	(tag) =	ssettag s2;
	_ =	strace s9  }
0x27: {  	s1 =	sld [smem:$0x3FAB]  }
0x28: {  	s2 =	sld [smem:$0x3FAC]  }
0x29: {  	s4 =	sld [smem:$0x3FAE]  }
0x2a: {  	p0 =	seq.s32 s5, $0x0;
	s5 =	sld [smem:$0x3FAF]  }
0x2b: {  	s6 =	sld [smem:$0x3FB0]  }
0x2c: {  	s7 =	sld [smem:$0x3FB1]  }
0x2d: {  	s3 =	simm.s32 $0x108;
	s8 =	sld [smem:$0x3FB2]  }
0x2e: {  	s3 =	simm.s32 @!p0 $0x1082;
	s9 =	sld [smem:$0x3FB3]  }
0x2f: {  	lr =	sadd.s32 s0, s3;
	s0 =	sld [smem:$0x3FAA]  }
0x30: {  	s3 =	sld [smem:$0x3FAD]  }
0x31: {  	[smem:$0x3FB6] =	sst s10  }
0x32: {  	s10 =	sld [smem:$0x3FB4];
	_ =	sdelay $0x3  }
0x33: {  	p0 =	seq.s32 s10, $0x1;
	s10 =	sld [smem:$0x3FB6];
	_ =	sdelay $0x3  }
0x34: {  	[smem:$0x3FB6] =	sst s10  }
0x35: {  	s10 =	sld [smem:$0x3FB5];
	_ =	sdelay $0x3  }
0x36: {  	p1 =	seq.s32 s10, $0x1;
	s10 =	sld [smem:$0x3FB6];
	_ =	sdelay $0x3  }
0x37: {  	[smem:$0x3FB6] =	sst s10  }
0x38: {  	s10 =	sld [smem:$0x3FB7]  }
0x39: {  	_ = 	snop;
	(pc) =	sbr.ind lr, $3  }
0x3a: {  	_ = 	snop  }
0x3b: {  	_ = 	snop  }
0x3c: {  	p2 =	seq.s32 s10, $0x1;
	s10 =	sld [smem:$0x3FB6]  }
0x3d: {  	_ =	shalt  }
0x3e: {  	_ =	shalt  }
0x3f: {  	_ =	shalt  }
0x40: {  	_ =	shalt  }
0x41: {  	_ =	shalt  }
0x42: {  	_ =	shalt  }
0x43: {  	_ =	shalt  }
0x44: {  	_ =	shalt  }
0x45: {  	_ =	shalt  }
0x46: {  	_ =	shalt  }
0x47: {  	_ =	shalt  }
0x48: {  	_ =	shalt  }
0x49: {  	_ =	shalt  }
0x4a: {  	_ =	shalt  }
0x4b: {  	_ =	shalt  }
0x4c: {  	_ =	shalt  }
0x4d: {  	_ =	shalt  }
0x4e: {  	_ =	shalt  }
0x4f: {  	_ =	shalt  }
0x50: {  	_ =	shalt  }
0x51: {  	_ =	shalt  }
0x52: {  	_ =	shalt  }
0x53: {  	_ =	shalt  }
0x54: {  	_ =	shalt  }
0x55: {  	_ =	shalt  }
0x56: {  	_ =	shalt  }
0x57: {  	_ =	shalt  }
0x58: {  	_ =	shalt  }
0x59: {  	_ =	shalt  }
0x5a: {  	_ =	shalt  }
0x5b: {  	_ =	shalt  }
0x5c: {  	_ =	shalt  }
0x5d: {  	_ =	shalt  }
0x5e: {  	_ =	shalt  }
0x5f: {  	_ =	shalt  }
0x60: {  	_ =	shalt  }
0x61: {  	_ =	shalt  }
0x62: {  	_ =	shalt  }
0x63: {  	_ =	shalt  }
0x64: {  	_ =	shalt  }
0x65: {  	_ =	shalt  }
0x66: {  	_ =	shalt  }
0x67: {  	_ =	shalt  }
0x68: {  	_ =	shalt  }
0x69: {  	_ =	shalt  }
0x6a: {  	_ =	shalt  }
0x6b: {  	_ =	shalt  }
0x6c: {  	_ =	shalt  }
0x6d: {  	_ =	shalt  }
0x6e: {  	_ =	shalt  }
0x6f: {  	_ =	shalt  }
0x70: {  	_ =	shalt  }
0x71: {  	_ =	shalt  }
0x72: {  	_ =	shalt  }
0x73: {  	_ =	shalt  }
0x74: {  	_ =	shalt  }
0x75: {  	_ =	shalt  }
0x76: {  	_ =	shalt  }
0x77: {  	_ =	shalt  }
0x78: {  	_ =	shalt  }
0x79: {  	_ =	shalt  }
0x7a: {  	_ =	shalt  }
0x7b: {  	_ =	shalt  }
0x7c: {  	_ =	shalt  }
0x7d: {  	_ =	shalt  }
0x7e: {  	_ =	shalt  }
0x7f: {  	_ =	shalt  }
0x80: {  	_ =	shalt  }
0x81: {  	_ =	shalt  }
0x82: {  	_ =	shalt  }
0x83: {  	_ =	shalt  }
0x84: {  	_ =	shalt  }
0x85: {  	_ =	shalt  }
0x86: {  	_ =	shalt  }
0x87: {  	_ =	shalt  }
.Lfunc_end0:
.L_simem_size_0:
called_computation_lowered:
.L_overlay_start_0:
0x88: {  	s2 =	sld [smem:$0x3FD9]  }
0x89: {  	s3 =	sld [smem:$0x3FFE];
	_ =	sdelay $0x1  }
0x8a: {  	s1 =	srdreg.scid  }
0x8b: {  	s0 =	sand.u32 $0x1, s1  }
0x8c: {  	s17 =	sshll.u32 s0, $0xA;
	s2 =	sadd.s32 s3, s2  }
0x8d: {  	s2 =	sadd.s32 s2, s17  }
0x8e: {  	[smem:$0x3FC2] =	sst s2  }
0x8f: {  	_ = 	snop  }
0x90: {  	s2 =	sld [smem:$0x3FD0];
	(tm) =	ssettm $0x1  }
0x91: {  	s18 =	sld [smem:$0x3FFB];
	_ =	sdelay $0x3  }
0x92: {  	_ =	strace s18  }
0x93: {  	s3 =	sld [smem:$0x3FFC];
	_ =	sdelay $0x3  }
0x94: {  	_ =	strace s3  }
0x95: {  	s3 =	sld [smem:$0x3FFD];
	_ =	sdelay $0x3  }
0x96: {  	_ =	strace s3  }
0x97: {  	_ =	strace $0x8FFFFFFF  }
0x98: {  	s19 =	sld [smem:$0x3FDB];
	_ =	sdelay $0x1  }
0x99: {  	s4 =	simm.s32 $_scs_section_size  }
0x9a: {  	s5 =	simm.s32 $_size__tile_overlayer_lowered;
	s6 =	simm.s32 $_tile_overlayer_lowered  }
0x9b: {  	s22 =	simm.s32 $0x1BFF;
	s21 =	sshll.u32 s6, $0x1;
	s3 =	sadd.s32 s4, s19  }
0x9c: {  	s7 =	simm.s32 $0x0;
	s20 =	sshll.u32 s5, $0x1;
	s5 =	sadd.s32 s21, s3  }
0x9d: {  	[timem:s7], [sflag:s22] =	dma.local [hbm:s5], s20  }
0x9e: {  	_ =	swait.ge [sflag:s22], s20  }
0x9f: {  	s4 =	ssub.s32 $0x0, s20;
	[sflag:s22] =	ssyncset.done $0x0  }
0xa0: {  	[sflag:s22] =	ssyncadd.s32 s4;
	_ =	sdelay $0x1  }
0xa1: {  	s23 =	simm.s32 $0x1B8B  }
0xa2: {  	_ =	swait.ge [sflag:s23], $0x1  }
0xa3: {  	[sflag:s23] =	ssyncset.done $0x0  }
0xa4: {  	s25 =	simm.s32 $0x1B8E;
	s24 =	sld [smem:$0x3FFE];
	[sflag:s23] =	ssyncadd.s32 $0xFFFFFFFF  }
0xa5: {  	s26 =	simm.s32 $execute0_lowered;
	[smem:$0x3FD2] =	sst s25  }
0xa6: {  	s5 =	sshll.u32 s26, $0x1;
	_ =	strace $0x80000046;
	[dreg:$0x1] =	wrdreg $0xFFFFFFFF  }
0xa7: {  	s28 =	simm.s32 $_size_execute0_lowered;
	s3 =	sadd.s32 s3, s5;
	[dreg:$0x0] =	wrdreg $0x0  }
0xa8: {  	s5 =	sshll.u32 s28, $0x1;
	[dreg:$0x2] =	wrdreg s3  }
0xa9: {  	[dreg:$0x3] =	wrdreg s5  }
0xaa: {  	[dreg:$0x4] =	wrdreg $0xC0  }
0xab: {  	_ =	task [dreg:s7], $0x5FFFF  }
0xac: {  	[dreg:$0x1] =	wrdreg $0xFFFFFFFF  }
0xad: {  	[dreg:$0x0] =	wrdreg $0x60  }
0xae: {  	[dreg:$0x2] =	wrdreg s24  }
0xaf: {  	[dreg:$0x3] =	wrdreg s2  }
0xb0: {  	[dreg:$0x4] =	wrdreg $0x2AF80  }
0xb1: {  	[dreg:$0x5] =	wrdreg $0x9  }
0xb2: {  	_ =	task.clear_ibuf [dreg:s7], $0x6FFFF;
	_ =	strace $0x90000046  }
0xb3: {  	s29 =	simm.s32 $0x9;
	_ =	strace $0x80000048  }
0xb4: {  	_ =	swait.ge [sflag:s29], $0x1  }
0xb5: {  	[sflag:s29] =	ssyncadd.s32 $0xFFFFFFFF  }
0xb6: {  	_ =	strace $0x90000048  }
0xb7: {  	_ =	sfence  }
0xb8: {  	s30 =	sld [smem:$0x0];
	_ =	sdelay $0x2  }
0xb9: {  	s31 =	sshll.u32 s1, $0xD;
	s1 =	sshrl.u32 s1, $0x2  }
0xba: {  	s3 =	sand.u32 $0x4000, s31;
	s1 =	sadd.s32 s1, s30  }
0xbb: {  	s0 =	sor.u32 s3, s0;
	s1 =	sshll.u32 s1, $0x11  }
0xbc: {  	s0 =	sor.u32 s1, s0  }
0xbd: {  	s0 =	sadd.s32 $0x8F2B, s0  }
0xbe: {  	[sflag:s0] =	ssyncadd.remote.s32 $0x1  }
0xbf: {  	_ =	sfence.sel $0xFFFF  }
0xc0: {  	[dreg:$0x0] =	wrdreg $0xFFFFFFFF;
	(pc) =	sbr.abs _section_cstart, $3  }
0xc1: {  	[dreg:$0x1] =	wrdreg $0xFFFFFFFF  }
0xc2: {  	_ =	task.clear_ibuf [dreg:s7], $0x2FFFF;
	_ =	strace $0x9FFFFFFF  }
0xc3: {  	(tm) =	ssettm $0x7FFFFFFF  }
tec
execute0_lowered:
.L_overlay_start_1:
0x0: {  	(tag) =	ssettag $0x1  }
0x1: {  	s4 =	rddreg [dreg:$0x0]  }
0x2: {  	s1 =	srdreg.scid;
	s6 =	rddreg [dreg:$0x1]  }
0x3: {  	s0 =	stileid.u32;
	s2 =	rddreg [dreg:$0x2]  }
0x4: {  	s3 =	simm.s32 $0x0;
	s11 =	simm.s32 $0x2800;
	s5 =	sand.u32 $0x1, s1  }
0x5: {  	s30 =	sshll.u32 s0, $0x1;
	[smem:$0x7FF] =	sst s3;
	s9 =	smul.u32 $0x278, s0  }
0x6: {  	s1 =	sor.u32 s5, s30;
	s8 =	smul.u32 $0x4F0, s5;
	s5 =	ssub.s32 $0x2, s5  }
0x7: {  	s7 =	smul.u32 $0x500, s1;
	s1 =	rddreg [dreg:$0x3];
	_ =	strace $0x80000047  }
0x8: {  	s31 =	sshrl.u32 s5, $0x1;
	s12 =	sshrl.u32 s9, $0x3;
	s8 =	sadd.s32 s8, s4  }
0x9: {  	s10 =	ssub.s32 s5, s31;
	s5 =	sadd.s32 s9, s2;
	s9 =	simm.s32 $0x1  }
0xa: {  	s7 =	sadd.s32 s7, s4;
	s4 =	sadd.s32 s6, s12;
	s13 =	sadd.s32 $0xB600, s8  }
0xb: {  	s8 =	simm.s32 $0x2880;
	s6 =	sadd.s32 $0x1600, s7;
	s7 =	smax.u32 s10, $0x1  }
0xc: {  	v0 =	vimm.f32 $1.000000000e+00;
	s10 =	simm.s32 $0x80;
	s12 =	sadd.s32 s12, s13;
	s13 =	simm.s32 $0x0  }
.LBB2_1:
0xd: {  	[tilespmem:s8], [sflag:$0x1] =	stream.linear.gather [hbm4b:s4+s3], $0x278, $0x38;
	[tilespmem:$0x2D70] =	vst v63  }
0xe: {  	_ =	swait.ge [sflag:s9], $0x278  }
0xf: {  	[sflag:s9] =	ssyncset.done $0x0  }
0x10: {  	[sflag:s9] =	ssyncadd.s32 $0xFFFFFD88  }
0x11: {  	[spmem:s5] =	stream.linear.scatter [tilespmem:s8], [sflag:$0x1], $0x278, $0x38;
	[tilespmem:$0x2D70] =	vst v63  }
0x12: {  	_ =	swait.ge [sflag:s9], $0x278  }
0x13: {  	[sflag:s9] =	ssyncset.done $0x0  }
0x14: {  	[sflag:s9] =	ssyncadd.s32 $0xFFFFFD88  }
0x15: {  	[tilespmem:s3], [sflag:$0x1] =	stream.linear.gather [hbm4b:s6+s3], $0x2800, $0x38;
	[tilespmem:$0x2D70] =	vst v63  }
0x16: {  	_ =	swait.ge [sflag:s9], $0x2800  }
0x17: {  	[sflag:s9] =	ssyncset.done $0x0  }
0x18: {  	[sflag:s9] =	ssyncadd.s32 $0xFFFFD800  }
0x19: {  	[tilespmem:$0x2800] =	vst v0  }
0x1a: {  	[tilespmem:$0x2810] =	vst v0  }
0x1b: {  	[tilespmem:$0x2820] =	vst v0  }
0x1c: {  	[tilespmem:$0x2830] =	vst v0  }
0x1d: {  	[tilespmem:$0x2840] =	vst v0  }
0x1e: {  	[tilespmem:$0x2850] =	vst v0  }
0x1f: {  	[tilespmem:$0x2860] =	vst v0  }
0x20: {  	[tilespmem:$0x2870] =	vst v0  }
0x21: {  	s14 =	simm.s32 $0x0;
	[bflag:$0x0] =	sbarrier.arrive $0xFFFF  }
0x22: {  	[spmem:s2] =	stream.indirect.scatter.add.f32 [tilespmem:s11], [sflag:$0x1], $0x1, s14, s10, $0xb8;
	[tilespmem:$0x2D70] =	vst v63  }
0x23: {  	_ =	swait.ge [sflag:s9], $0x80  }
0x24: {  	s14 =	simm.s32 $0x200;
	[sflag:s9] =	ssyncset.done $0x0  }
.LBB2_2:
0x25: {  	s15 =	sshra.s32 s14, $0x2;
	[sflag:s9] =	ssyncadd.s32 $0xFFFFFF80;
	p0 =	sne.s32 s14, $0x9E00  }
0x26: {  	[spmem:s2] =	stream.indirect.scatter.add.f32 [tilespmem:s11], [sflag:$0x1], $0x1, s15, s10, $0xb8;
	[tilespmem:$0x2D70] =	vst v63  }
.Ltmp0:
0x27: {  	_ = 	snop;
	(pc) =	sbr.rel @p0 .LBB2_2-.Ltmp0, $4  }
0x28: {  	_ = 	snop  }
0x29: {  	s14 =	sadd.s32 $0x200, s14  }
0x2a: {  	_ =	swait.ge [sflag:s9], $0x80  }
0x2b: {  	[sflag:s9] =	ssyncset.done $0x0  }
0x2c: {  	[sflag:s9] =	ssyncadd.s32 $0xFFFFFF80  }
0x2d: {  	[bflag:$0x0] =	sbarrier.arrive $0xFFFF  }
0x2e: {  	[tilespmem:s8], [sflag:$0x1] =	stream.linear.gather [spmem:s5], $0x278, $0x38;
	[tilespmem:$0x2D70] =	vst v63  }
0x2f: {  	s13 =	sadd.s32 $0x1, s13;
	_ =	swait.ge [sflag:s9], $0x278  }
0x30: {  	p0 =	sne.s32 s13, s7;
	[sflag:s9] =	ssyncset.done $0x0  }
.Ltmp1:
0x31: {  	[sflag:s9] =	ssyncadd.s32 $0xFFFFFD88;
	(pc) =	sbr.rel @p0 .LBB2_1-.Ltmp1, $4  }
0x32: {  	[hbm4b:s12+s3] =	stream.linear.scatter [tilespmem:s8], [sflag:$0x1], $0x278, $0x38;
	[tilespmem:$0x2D70] =	vst v63  }
0x33: {  	_ =	swait.ge [sflag:s9], $0x278  }
0x34: {  	[sflag:s9] =	ssyncset.done $0x0  }
0x35: {  	[sflag:s9] =	ssyncadd.s32 $0xFFFFFD88  }
0x36: {  	_ =	sfence.sel $0x180000  }
0x37: {  	[bflag:$0x0] =	sbarrier.arrive $0xFFFF  }
0x38: {  	p0 =	sne.s32 s0, $0x0;
	_ =	strace $0x90000047  }
0x39: {  	s0 =	sadd.s32 @!p0 $0x100000, s1;
	[bflag:$0x2] =	sbarrier.arrive $0xFFFF  }
0x3a: {  	[sflag:s0] =	ssyncadd.tile.s32 @!p0 $0x1;
	_ =	shalt  }
.Lfunc_end2:
_tile_overlayer_lowered:
.L_overlay_start_2:
0x3b: {  	(tag) =	ssettag $0x2  }
0x3c: {  	s0 =	rddreg [dreg:$0x0];
	s2 =	stileid.u32  }
0x3d: {  	s1 =	rddreg [dreg:$0x1];
	p0 =	sne.s32 s2, $0x0  }
0x3e: {  	s3 =	rddreg [dreg:$0x2];
	[bflag:$0x3] =	sbarrier.arrive $0xFFFF;
	s2 =	simm.s32 @!p0 $0x1C01  }
0x3f: {  	[timem:s3], [sflag:s2] =	dma.local @!p0 [hbm:s0], s1  }
0x40: {  	s0 =	simm.s32 @!p0 $0x1  }
0x41: {  	_ =	swait.ge @!p0 [sflag:s0], s1  }
0x42: {  	s1 =	ssub.s32 @!p0 $0x0, s1;
	[sflag:s0] =	ssyncset.done @!p0 $0x0  }
0x43: {  	[sflag:s0] =	ssyncadd.s32 @!p0 s1  }
0x44: {  	[bflag:$0x3] =	sbarrier.arrive $0xFFFF  }
0x45: {  	_ =	shalt  }

</sc_bundles>
